<compile_context>
chip_gen: v7x
topology: tpu7x:2x2x1
jax: 0.10.2.dev20260603
libtpu: 0.0.44.dev20260713+nightly
codegen_flags: <defaults>
</compile_context>

<pallas_src>
import functools

import jax
import jax.numpy as jnp
from jax import lax
from jax.experimental import pallas as pl
from jax.experimental.pallas import tpu as pltpu
from jax.experimental.pallas import tpu_sc as plsc

N_ = 10000
E_ = 160000
D = 256
H = 128
DE_ = 16
L_ = 4

BE = 640
EB = E_ // BE
BN_ = 400
NB = N_ // BN_

NPAD = 10240
NPT = NPAD // 16
EPT = E_ // 16
CH = 80
NCH = EPT // CH



def _edge_body(ea_ref, w1_ref, b1_ref, w2_ref, b2_ref, out_ref):
    hid = jnp.maximum(
        jnp.dot(ea_ref[...], w1_ref[...], preferred_element_type=jnp.float32)
        + b1_ref[...], 0.0)
    out_ref[...] = (
        jnp.dot(hid, w2_ref[...], preferred_element_type=jnp.float32)
        + b2_ref[...])


def _edge_mlp(ea, w1, b1, w2, b2):
    return pl.pallas_call(
        _edge_body,
        grid=(EB,),
        in_specs=[
            pl.BlockSpec((BE, DE_), lambda i: (i, 0)),
            pl.BlockSpec((DE_, D), lambda i: (0, 0)),
            pl.BlockSpec((1, D), lambda i: (0, 0)),
            pl.BlockSpec((D, D), lambda i: (0, 0)),
            pl.BlockSpec((1, D), lambda i: (0, 0)),
        ],
        out_specs=pl.BlockSpec((BE, D), lambda i: (i, 0)),
        out_shape=jax.ShapeDtypeStruct((E_, D), jnp.float32),
    )(ea, w1, b1.reshape(1, D), w2, b2.reshape(1, D))


def _node_body(ha_ref, hb_ref, aa_ref, ab_ref, w1_ref, b1_ref, w2_ref, b2_ref,
               ep_ref, v_ref, s1_ref, s2_ref):
    i = pl.program_id(0)
    hblk = jnp.concatenate([ha_ref[...], hb_ref[...]], axis=1)
    ablk = jnp.concatenate([aa_ref[0], ab_ref[0]], axis=1)
    u = ep_ref[...] * hblk + ablk
    t = jnp.maximum(
        jnp.dot(u, w1_ref[...], preferred_element_type=jnp.float32)
        + b1_ref[...], 0.0)
    v = (jnp.dot(t, w2_ref[...], preferred_element_type=jnp.float32)
         + b2_ref[...])
    v_ref[...] = v
    p1 = jnp.sum(v, axis=0, keepdims=True)
    p2 = jnp.sum(v * v, axis=0, keepdims=True)

    @pl.when(i == 0)
    def _():
        s1_ref[...] = p1
        s2_ref[...] = p2

    @pl.when(i > 0)
    def _():
        s1_ref[...] += p1
        s2_ref[...] += p2


def _node_mlp(h2, aggr2, w1, b1, w2, b2, epsv):
    return pl.pallas_call(
        _node_body,
        grid=(NB,),
        in_specs=[
            pl.BlockSpec((BN_, H), lambda i: (i, 0)),
            pl.BlockSpec((BN_, H), lambda i: (NB + i, 0)),
            pl.BlockSpec((1, BN_, H), lambda i: (0, i, 0)),
            pl.BlockSpec((1, BN_, H), lambda i: (1, i, 0)),
            pl.BlockSpec((D, D), lambda i: (0, 0)),
            pl.BlockSpec((1, D), lambda i: (0, 0)),
            pl.BlockSpec((D, D), lambda i: (0, 0)),
            pl.BlockSpec((1, D), lambda i: (0, 0)),
            pl.BlockSpec((1, 1), lambda i: (0, 0)),
        ],
        out_specs=[
            pl.BlockSpec((BN_, D), lambda i: (i, 0)),
            pl.BlockSpec((1, D), lambda i: (0, 0)),
            pl.BlockSpec((1, D), lambda i: (0, 0)),
        ],
        out_shape=[
            jax.ShapeDtypeStruct((N_, D), jnp.float32),
            jax.ShapeDtypeStruct((1, D), jnp.float32),
            jax.ShapeDtypeStruct((1, D), jnp.float32),
        ],
    )(h2, h2, aggr2, aggr2, w1, b1.reshape(1, D), w2, b2.reshape(1, D),
      epsv.reshape(1, 1))


def _bnap_body(v_ref, g_ref, mu_ref, var_ref, b_ref, out_ref):
    out_ref[...] = jnp.maximum(
        g_ref[...] * (v_ref[...] - mu_ref[...])
        / jnp.sqrt(var_ref[...] + 1e-5) + b_ref[...], 0.0)


def _bn_apply(v, g, mu, var, b):
    return pl.pallas_call(
        _bnap_body,
        grid=(2, NB),
        in_specs=[
            pl.BlockSpec((BN_, H), lambda c, i: (i, c)),
            pl.BlockSpec((1, H), lambda c, i: (0, c)),
            pl.BlockSpec((1, H), lambda c, i: (0, c)),
            pl.BlockSpec((1, H), lambda c, i: (0, c)),
            pl.BlockSpec((1, H), lambda c, i: (0, c)),
        ],
        out_specs=pl.BlockSpec((BN_, H), lambda c, i: (c * NB + i, 0)),
        out_shape=jax.ShapeDtypeStruct((2 * N_, H), jnp.float32),
    )(v, g.reshape(1, D), mu.reshape(1, D), var.reshape(1, D),
      b.reshape(1, D))


def _heada_body(ha_ref, hb_ref, w_ref, b_ref, z_ref, s1_ref, s2_ref):
    i = pl.program_id(0)
    hblk = jnp.concatenate([ha_ref[...], hb_ref[...]], axis=1)
    z = (jnp.dot(hblk, w_ref[...], preferred_element_type=jnp.float32)
         + b_ref[...])
    z_ref[...] = z
    p1 = jnp.sum(z, axis=0, keepdims=True)
    p2 = jnp.sum(z * z, axis=0, keepdims=True)

    @pl.when(i == 0)
    def _():
        s1_ref[...] = p1
        s2_ref[...] = p2

    @pl.when(i > 0)
    def _():
        s1_ref[...] += p1
        s2_ref[...] += p2


def _head_a(h2, w, b):
    return pl.pallas_call(
        _heada_body,
        grid=(NB,),
        in_specs=[
            pl.BlockSpec((BN_, H), lambda i: (i, 0)),
            pl.BlockSpec((BN_, H), lambda i: (NB + i, 0)),
            pl.BlockSpec((D, D), lambda i: (0, 0)),
            pl.BlockSpec((1, D), lambda i: (0, 0)),
        ],
        out_specs=[
            pl.BlockSpec((BN_, D), lambda i: (i, 0)),
            pl.BlockSpec((1, D), lambda i: (0, 0)),
            pl.BlockSpec((1, D), lambda i: (0, 0)),
        ],
        out_shape=[
            jax.ShapeDtypeStruct((N_, D), jnp.float32),
            jax.ShapeDtypeStruct((1, D), jnp.float32),
            jax.ShapeDtypeStruct((1, D), jnp.float32),
        ],
    )(h2, h2, w, b.reshape(1, D))


def _headb_body(z_ref, w_ref, b_ref, out_ref):
    out_ref[...] = (
        jnp.dot(z_ref[...], w_ref[...], preferred_element_type=jnp.float32)
        + b_ref[...])


def _head_b(zz, w, b, nc):
    return pl.pallas_call(
        _headb_body,
        grid=(NB,),
        in_specs=[
            pl.BlockSpec((BN_, D), lambda i: (i, 0)),
            pl.BlockSpec((D, nc), lambda i: (0, 0)),
            pl.BlockSpec((1, nc), lambda i: (0, 0)),
        ],
        out_specs=pl.BlockSpec((BN_, nc), lambda i: (i, 0)),
        out_shape=jax.ShapeDtypeStruct((N_, nc), jnp.float32),
    )(zz, w, b.reshape(1, nc))



_sc_mesh = plsc.VectorSubcoreMesh(core_axis_name="c", subcore_axis_name="s")


@functools.partial(
    pl.kernel,
    mesh=_sc_mesh,
    out_type=jax.ShapeDtypeStruct((2, NPAD, H), jnp.float32),
    scratch_types=[
        pltpu.VMEM((CH,), jnp.int32),
        pltpu.VMEM((CH,), jnp.int32),
        pltpu.VMEM((CH,), jnp.int32),
        pltpu.VMEM((CH, H), jnp.float32),
        pltpu.VMEM((CH, H), jnp.float32),
        pltpu.VMEM_SHARED((NPAD, H), jnp.float32),
        pltpu.SemaphoreType.DMA,
        pltpu.SemaphoreType.DMA,
    ],
)
def _sc_message(h2, e2, gsrc, eix, dst, out,
                gix_v, eix_v, dix_v, rows_v, e_v, aggr_sh,
                sem1, sem2):
    c = lax.axis_index("c")
    s = lax.axis_index("s")

    def _z(i, carry):
        for j in range(H // 16):
            rows_v[i, pl.ds(j * 16, 16)] = jnp.zeros((16,), jnp.float32)
        return carry
    lax.fori_loop(0, CH, _z, 0)

    def _zc(t, carry):
        pltpu.sync_copy(rows_v, aggr_sh.at[pl.ds(s * NPT + t * CH, CH)])
        return carry
    lax.fori_loop(0, NPT // CH, _zc, 0)
    plsc.subcore_barrier()

    def _chunk(k, carry):
        base = s * EPT + k * CH
        pltpu.sync_copy(gsrc.at[pl.ds(c * E_ + base, CH)], gix_v)
        pltpu.sync_copy(dst.at[pl.ds(base, CH)], dix_v)
        pltpu.sync_copy(eix.at[pl.ds(c * E_ + base, CH)], eix_v)
        cp1 = pltpu.async_copy(h2.at[gix_v], rows_v, sem1)
        cp2 = pltpu.async_copy(e2.at[eix_v], e_v, sem2)
        cp1.wait()
        cp2.wait()

        def _row(i, c2):
            for j in range(H // 16):
                sl = pl.ds(j * 16, 16)
                rows_v[i, sl] = jnp.maximum(rows_v[i, sl] + e_v[i, sl], 0.0)
            return c2
        lax.fori_loop(0, CH, _row, 0)
        pltpu.sync_copy(rows_v, aggr_sh.at[dix_v], add=True)
        return carry
    lax.fori_loop(0, NCH, _chunk, 0)
    plsc.subcore_barrier()

    def _wb(t, carry):
        r0 = s * NPT + t * CH
        pltpu.sync_copy(aggr_sh.at[pl.ds(r0, CH)], e_v)
        pltpu.sync_copy(e_v, out.at[c, pl.ds(r0, CH)])
        return carry
    lax.fori_loop(0, NPT // CH, _wb, 0)



def kernel(x, edge_index, edge_attr, be1_W, be1_b, be2_W, be2_b, m1_W, m1_b,
           m2_W, m2_b, eps, bn_g, bn_b, fc1_W, fc1_b, bnl_g, bnl_b,
           fc2_W, fc2_b):
    nc = fc2_W.shape[1]
    src = edge_index[0].astype(jnp.int32)
    dst = edge_index[1].astype(jnp.int32)
    perm = jnp.argsort(dst, stable=True).astype(jnp.int32)
    sdst = dst[perm]
    psrc = src[perm]
    gsrc = jnp.concatenate([psrc, psrc + N_])
    eix = jnp.concatenate([2 * perm, 2 * perm + 1])
    h2 = jnp.concatenate([x[:, :H], x[:, H:]], axis=0)

    es = [_edge_mlp(edge_attr, be1_W[i], be1_b[i], be2_W[i], be2_b[i])
          for i in range(L_)]

    for i in range(L_):
        e2 = es[i].reshape(2 * E_, H)
        aggr2 = _sc_message(h2, e2, gsrc, eix, sdst)
        v, s1, s2 = _node_mlp(h2, aggr2, m1_W[i], m1_b[i], m2_W[i], m2_b[i],
                              1.0 + eps[i])
        mu = jnp.mean(v, axis=0)
        var = jnp.var(v, axis=0)
        h2 = _bn_apply(v, bn_g[i], mu, var, bn_b[i])

    z, s1, s2 = _head_a(h2, fc1_W, fc1_b)
    mu = jnp.mean(z, axis=0)
    var = jnp.var(z, axis=0)
    zz = jax.nn.relu(bnl_g * (z - mu) / jnp.sqrt(var + 1e-5) + bnl_b)
    return _head_b(zz, fc2_W, fc2_b, nc)

# --- scband reference (transcript-rebuilt; emitter-appended) ---
"""Pipeline reference for scband-gine-embd-28432683499911 (READ-ONLY COPY).

The authoritative reference and input builder live on the scoring server;
editing this copy changes nothing except your own understanding.
"""

import jax, jax.numpy as jnp
import numpy as np

N = 10000
E = 160000
DIN = 256
DE = 16
DIM = 256
L = 4
NC = 1


def setup_inputs(seed: int = 0) -> dict:
    key = jax.random.key(seed)
    ks = jax.random.split(key, 32)
    s = 0.05
    inp = {}
    inp['x'] = jax.random.normal(ks[0], (N, DIN), dtype=jnp.float32)
    inp['edge_index'] = jax.random.randint(ks[1], (2, E), 0, N, dtype=jnp.int32)
    inp['edge_attr'] = jax.random.normal(ks[2], (E, DE), dtype=jnp.float32)
    # per-layer GINEConv params (stacked over L layers; dim1 == dim2 == 256 for all layers)
    inp['be1_W'] = jax.random.normal(ks[3], (L, DE, DIM), dtype=jnp.float32) * s
    inp['be1_b'] = jnp.zeros((L, DIM), dtype=jnp.float32)
    inp['be2_W'] = jax.random.normal(ks[4], (L, DIM, DIM), dtype=jnp.float32) * s
    inp['be2_b'] = jnp.zeros((L, DIM), dtype=jnp.float32)
    inp['m1_W'] = jax.random.normal(ks[5], (L, DIM, DIM), dtype=jnp.float32) * s
    inp['m1_b'] = jnp.zeros((L, DIM), dtype=jnp.float32)
    inp['m2_W'] = jax.random.normal(ks[6], (L, DIM, DIM), dtype=jnp.float32) * s
    inp['m2_b'] = jnp.zeros((L, DIM), dtype=jnp.float32)
    inp['eps'] = jnp.zeros((L,), dtype=jnp.float32)
    inp['bn_g'] = jnp.ones((L, DIM), dtype=jnp.float32)
    inp['bn_b'] = jnp.zeros((L, DIM), dtype=jnp.float32)
    inp['fc1_W'] = jax.random.normal(ks[7], (DIM, DIM), dtype=jnp.float32) * s
    inp['fc1_b'] = jnp.zeros((DIM,), dtype=jnp.float32)
    inp['bnl_g'] = jnp.ones((DIM,), dtype=jnp.float32)
    inp['bnl_b'] = jnp.zeros((DIM,), dtype=jnp.float32)
    inp['fc2_W'] = jax.random.normal(ks[8], (DIM, NC), dtype=jnp.float32) * s
    inp['fc2_b'] = jnp.zeros((NC,), dtype=jnp.float32)
    return inp


def _bn(h, g, b):
    mu = jnp.mean(h, axis=0)
    var = jnp.var(h, axis=0)
    return g * (h - mu) / jnp.sqrt(var + 1e-5) + b


def reference(x, edge_index, edge_attr, be1_W, be1_b, be2_W, be2_b, m1_W, m1_b,
              m2_W, m2_b, eps, bn_g, bn_b, fc1_W, fc1_b, bnl_g, bnl_b, fc2_W, fc2_b):
    src = edge_index[0]
    dst = edge_index[1]
    n = x.shape[0]
    h = x
    for i in range(L):
        # bond encoder: Linear -> ReLU -> Linear on edge_attr
        e = jnp.maximum(edge_attr @ be1_W[i] + be1_b[i], 0.0) @ be2_W[i] + be2_b[i]
        # message: relu(x_j + edge_emb), aggregate='add' at dst
        msg = jax.nn.relu(h[src] + e)
        aggr = jax.ops.segment_sum(msg, dst, num_segments=n)
        out = (1.0 + eps[i]) * h + aggr
        # node MLP: Linear -> ReLU -> Linear
        out = jnp.maximum(out @ m1_W[i] + m1_b[i], 0.0) @ m2_W[i] + m2_b[i]
        # BatchNorm1d (training-mode batch stats, biased variance) + ReLU
        h = jax.nn.relu(_bn(out, bn_g[i], bn_b[i]))
    h = jax.nn.relu(_bn(h @ fc1_W + fc1_b, bnl_g, bnl_b))
    out = h @ fc2_W + fc2_b
    return out

if __name__ == "__main__":
    import jax
    _d = setup_inputs()
    print(jax.jit(kernel)(*tuple(_d.values())))

</pallas_src>

<mosaic_0001>
#map = affine_map<(d0, d1) -> (0, 0)>
#map1 = affine_map<(d0, d1) -> (0)>
#map2 = affine_map<(d0, d1) -> (0, 0, 0)>
module attributes {stable_mosaic.version = 14 : i64} {
  func.func @_sc_message(%arg0: i32, %arg1: i32, %arg2: memref<20000x128xf32, #tpu.memory_space<hbm>>, %arg3: memref<320000x128xf32, #tpu.memory_space<hbm>>, %arg4: memref<320000xi32, #tpu.memory_space<hbm>>, %arg5: memref<320000xi32, #tpu.memory_space<hbm>>, %arg6: memref<160000xi32, #tpu.memory_space<hbm>>, %arg7: memref<2x10240x128xf32, #tpu.memory_space<hbm>>, %arg8: memref<80xi32, #tpu.memory_space<vmem>>, %arg9: memref<80xi32, #tpu.memory_space<vmem>>, %arg10: memref<80xi32, #tpu.memory_space<vmem>>, %arg11: memref<80x128xf32, #tpu.memory_space<vmem>>, %arg12: memref<80x128xf32, #tpu.memory_space<vmem>>, %arg13: memref<10240x128xf32, #tpu.memory_space<vmem_shared>>, %arg14: memref<!tpu.dma_semaphore, #tpu.memory_space<semaphore_mem>>, %arg15: memref<!tpu.dma_semaphore, #tpu.memory_space<semaphore_mem>>) attributes {dimension_semantics = [#tpu.dimension_semantics<core_parallel>, #tpu.dimension_semantics<subcore_parallel>], iteration_bounds = array<i64: 2, 16>, scalar_prefetch = 0 : i64, scratch_operands = 8 : i64, tpu.core_type = #tpu.core_type<sc_vector_subcore>, window_params = [{transform_indices = #map}, {transform_indices = #map}, {transform_indices = #map1}, {transform_indices = #map1}, {transform_indices = #map1}, {transform_indices = #map2}]} {
    %scan3A = arith.constant 0 : i32
    %scan3A_0 = arith.constant 0 : i32
    %scan3A_1 = arith.constant 80 : i32
    %scan3A_2 = arith.addi %scan3A_0, %scan3A_1 : i32
    %scan3A_3 = arith.constant 1 : i32
    scf.for %scan3A_24 = %scan3A_0 to %scan3A_2 step %scan3A_3  : i32 {
      %broadcast_in_dim3A = arith.constant 0.000000e+00 : f32
      %broadcast_in_dim3A_25 = vector.broadcast %broadcast_in_dim3A : f32 to vector<16xf32>
      %swap3A = arith.index_cast %scan3A_24 : i32 to index
      %swap3A_26 = arith.constant 0 : index
      %swap3A_27 = tpu.vector_load %arg11[%swap3A, %swap3A_26] {strides = array<i32>} : memref<80x128xf32, #tpu.memory_space<vmem>>, vector<1x16xf32>,
      %swap3A_28 = vector.shape_cast %swap3A_27 : vector<1x16xf32> to vector<16xf32>
      %swap3A_29 = vector.shape_cast %broadcast_in_dim3A_25 : vector<16xf32> to vector<1x16xf32>
      tpu.vector_store %arg11[%swap3A, %swap3A_26], %swap3A_29 {strides = array<i32>} : memref<80x128xf32, #tpu.memory_space<vmem>>, vector<1x16xf32>,
      %broadcast_in_dim3A_30 = arith.constant 0.000000e+00 : f32
      %broadcast_in_dim3A_31 = vector.broadcast %broadcast_in_dim3A_30 : f32 to vector<16xf32>
      %swap3A_32 = arith.index_cast %scan3A_24 : i32 to index
      %swap3A_33 = arith.constant 16 : index
      %swap3A_34 = tpu.vector_load %arg11[%swap3A_32, %swap3A_33] {strides = array<i32>} : memref<80x128xf32, #tpu.memory_space<vmem>>, vector<1x16xf32>,
      %swap3A_35 = vector.shape_cast %swap3A_34 : vector<1x16xf32> to vector<16xf32>
      %swap3A_36 = vector.shape_cast %broadcast_in_dim3A_31 : vector<16xf32> to vector<1x16xf32>
      tpu.vector_store %arg11[%swap3A_32, %swap3A_33], %swap3A_36 {strides = array<i32>} : memref<80x128xf32, #tpu.memory_space<vmem>>, vector<1x16xf32>,
      %broadcast_in_dim3A_37 = arith.constant 0.000000e+00 : f32
      %broadcast_in_dim3A_38 = vector.broadcast %broadcast_in_dim3A_37 : f32 to vector<16xf32>
      %swap3A_39 = arith.index_cast %scan3A_24 : i32 to index
      %swap3A_40 = arith.constant 32 : index
      %swap3A_41 = tpu.vector_load %arg11[%swap3A_39, %swap3A_40] {strides = array<i32>} : memref<80x128xf32, #tpu.memory_space<vmem>>, vector<1x16xf32>,
      %swap3A_42 = vector.shape_cast %swap3A_41 : vector<1x16xf32> to vector<16xf32>
      %swap3A_43 = vector.shape_cast %broadcast_in_dim3A_38 : vector<16xf32> to vector<1x16xf32>
      tpu.vector_store %arg11[%swap3A_39, %swap3A_40], %swap3A_43 {strides = array<i32>} : memref<80x128xf32, #tpu.memory_space<vmem>>, vector<1x16xf32>,
      %broadcast_in_dim3A_44 = arith.constant 0.000000e+00 : f32
      %broadcast_in_dim3A_45 = vector.broadcast %broadcast_in_dim3A_44 : f32 to vector<16xf32>
      %swap3A_46 = arith.index_cast %scan3A_24 : i32 to index
      %swap3A_47 = arith.constant 48 : index
      %swap3A_48 = tpu.vector_load %arg11[%swap3A_46, %swap3A_47] {strides = array<i32>} : memref<80x128xf32, #tpu.memory_space<vmem>>, vector<1x16xf32>,
      %swap3A_49 = vector.shape_cast %swap3A_48 : vector<1x16xf32> to vector<16xf32>
      %swap3A_50 = vector.shape_cast %broadcast_in_dim3A_45 : vector<16xf32> to vector<1x16xf32>
      tpu.vector_store %arg11[%swap3A_46, %swap3A_47], %swap3A_50 {strides = array<i32>} : memref<80x128xf32, #tpu.memory_space<vmem>>, vector<1x16xf32>,
      %broadcast_in_dim3A_51 = arith.constant 0.000000e+00 : f32
      %broadcast_in_dim3A_52 = vector.broadcast %broadcast_in_dim3A_51 : f32 to vector<16xf32>
      %swap3A_53 = arith.index_cast %scan3A_24 : i32 to index
      %swap3A_54 = arith.constant 64 : index
      %swap3A_55 = tpu.vector_load %arg11[%swap3A_53, %swap3A_54] {strides = array<i32>} : memref<80x128xf32, #tpu.memory_space<vmem>>, vector<1x16xf32>,
      %swap3A_56 = vector.shape_cast %swap3A_55 : vector<1x16xf32> to vector<16xf32>
      %swap3A_57 = vector.shape_cast %broadcast_in_dim3A_52 : vector<16xf32> to vector<1x16xf32>
      tpu.vector_store %arg11[%swap3A_53, %swap3A_54], %swap3A_57 {strides = array<i32>} : memref<80x128xf32, #tpu.memory_space<vmem>>, vector<1x16xf32>,
      %broadcast_in_dim3A_58 = arith.constant 0.000000e+00 : f32
      %broadcast_in_dim3A_59 = vector.broadcast %broadcast_in_dim3A_58 : f32 to vector<16xf32>
      %swap3A_60 = arith.index_cast %scan3A_24 : i32 to index
      %swap3A_61 = arith.constant 80 : index
      %swap3A_62 = tpu.vector_load %arg11[%swap3A_60, %swap3A_61] {strides = array<i32>} : memref<80x128xf32, #tpu.memory_space<vmem>>, vector<1x16xf32>,
      %swap3A_63 = vector.shape_cast %swap3A_62 : vector<1x16xf32> to vector<16xf32>
      %swap3A_64 = vector.shape_cast %broadcast_in_dim3A_59 : vector<16xf32> to vector<1x16xf32>
      tpu.vector_store %arg11[%swap3A_60, %swap3A_61], %swap3A_64 {strides = array<i32>} : memref<80x128xf32, #tpu.memory_space<vmem>>, vector<1x16xf32>,
      %broadcast_in_dim3A_65 = arith.constant 0.000000e+00 : f32
      %broadcast_in_dim3A_66 = vector.broadcast %broadcast_in_dim3A_65 : f32 to vector<16xf32>
      %swap3A_67 = arith.index_cast %scan3A_24 : i32 to index
      %swap3A_68 = arith.constant 96 : index
      %swap3A_69 = tpu.vector_load %arg11[%swap3A_67, %swap3A_68] {strides = array<i32>} : memref<80x128xf32, #tpu.memory_space<vmem>>, vector<1x16xf32>,
      %swap3A_70 = vector.shape_cast %swap3A_69 : vector<1x16xf32> to vector<16xf32>
      %swap3A_71 = vector.shape_cast %broadcast_in_dim3A_66 : vector<16xf32> to vector<1x16xf32>
      tpu.vector_store %arg11[%swap3A_67, %swap3A_68], %swap3A_71 {strides = array<i32>} : memref<80x128xf32, #tpu.memory_space<vmem>>, vector<1x16xf32>,
      %broadcast_in_dim3A_72 = arith.constant 0.000000e+00 : f32
      %broadcast_in_dim3A_73 = vector.broadcast %broadcast_in_dim3A_72 : f32 to vector<16xf32>
      %swap3A_74 = arith.index_cast %scan3A_24 : i32 to index
      %swap3A_75 = arith.constant 112 : index
      %swap3A_76 = tpu.vector_load %arg11[%swap3A_74, %swap3A_75] {strides = array<i32>} : memref<80x128xf32, #tpu.memory_space<vmem>>, vector<1x16xf32>,
      %swap3A_77 = vector.shape_cast %swap3A_76 : vector<1x16xf32> to vector<16xf32>
      %swap3A_78 = vector.shape_cast %broadcast_in_dim3A_73 : vector<16xf32> to vector<1x16xf32>
      tpu.vector_store %arg11[%swap3A_74, %swap3A_75], %swap3A_78 {strides = array<i32>} : memref<80x128xf32, #tpu.memory_space<vmem>>, vector<1x16xf32>,
    }
    %scan3A_4 = arith.constant 80 : i32
    %scan3A_5 = arith.constant 0 : i32
    %scan3A_6 = arith.constant 0 : i32
    %scan3A_7 = arith.constant 8 : i32
    %scan3A_8 = arith.addi %scan3A_6, %scan3A_7 : i32
    %scan3A_9 = arith.constant 1 : i32
    scf.for %scan3A_24 = %scan3A_6 to %scan3A_8 step %scan3A_9  : i32 {
      %mul3A = arith.constant 640 : i32
      %mul3A_25 = arith.muli %arg1, %mul3A : i32
      %mul3A_26 = arith.constant 80 : i32
      %mul3A_27 = arith.muli %scan3A_24, %mul3A_26 : i32
      %add3A = arith.addi %mul3A_25, %mul3A_27 : i32
      "tpu.region"() ({
        %run_scoped3A = tpu.sem_alloc : memref<!tpu.dma_semaphore, #tpu.memory_space<semaphore_mem>>
        %dma_start3A = arith.constant 0 : i32
        %dma_start3A_28 = tpu.memref_slice %arg13[%add3A, %dma_start3A] : memref<10240x128xf32, #tpu.memory_space<vmem_shared>> -> memref<80x128xf32, #tpu.memory_space<vmem_shared>>
        %dma_start3A_29 = arith.constant 0 : i32
        %dma_start3A_30 = tpu.memref_slice %arg13[%add3A, %dma_start3A_29] : memref<10240x128xf32, #tpu.memory_space<vmem_shared>> -> memref<80x128xf32, #tpu.memory_space<vmem_shared>>
        tpu.enqueue_dma source(%arg11 : memref<80x128xf32, #tpu.memory_space<vmem>>) target(%dma_start3A_30 : memref<80x128xf32, #tpu.memory_space<vmem_shared>>) target_semaphore(%run_scoped3A : memref<!tpu.dma_semaphore, #tpu.memory_space<semaphore_mem>>)
        %dma_wait3A = arith.constant 0 : i32
        %dma_wait3A_31 = tpu.memref_slice %arg13[%add3A, %dma_wait3A] : memref<10240x128xf32, #tpu.memory_space<vmem_shared>> -> memref<80x128xf32, #tpu.memory_space<vmem_shared>>
        %dma_wait3A_32 = arith.constant 0 : i32
        %dma_wait3A_33 = tpu.memref_slice %arg13[%add3A, %dma_wait3A_32] : memref<10240x128xf32, #tpu.memory_space<vmem_shared>> -> memref<80x128xf32, #tpu.memory_space<vmem_shared>>
        tpu.wait_dma2 semaphore(%run_scoped3A : memref<!tpu.dma_semaphore, #tpu.memory_space<semaphore_mem>>) src(%arg11 : memref<80x128xf32, #tpu.memory_space<vmem>>) dst(%dma_wait3A_33 : memref<80x128xf32, #tpu.memory_space<vmem_shared>>)
        tpu.yield
      }) : () -> ()
    }
    %scan3A_10 = arith.constant 8 : i32
    %barrier3A = arith.constant 0 : index
    tpu.barrier barrier_id(%barrier3A)
    %scan3A_11 = arith.constant 0 : i32
    %scan3A_12 = arith.constant 0 : i32
    %scan3A_13 = arith.constant 125 : i32
    %scan3A_14 = arith.addi %scan3A_12, %scan3A_13 : i32
    %scan3A_15 = arith.constant 1 : i32
    scf.for %scan3A_24 = %scan3A_12 to %scan3A_14 step %scan3A_15  : i32 {
      %mul3A = arith.constant 10000 : i32
      %mul3A_25 = arith.muli %arg1, %mul3A : i32
      %mul3A_26 = arith.constant 80 : i32
      %mul3A_27 = arith.muli %scan3A_24, %mul3A_26 : i32
      %add3A = arith.addi %mul3A_25, %mul3A_27 : i32
      %mul3A_28 = arith.constant 160000 : i32
      %mul3A_29 = arith.muli %arg0, %mul3A_28 : i32
      %add3A_30 = arith.addi %mul3A_29, %add3A : i32
      "tpu.region"() ({
        %run_scoped3A = tpu.sem_alloc : memref<!tpu.dma_semaphore, #tpu.memory_space<semaphore_mem>>
        %dma_start3A_50 = tpu.memref_slice %arg4[%add3A_30] : memref<320000xi32, #tpu.memory_space<hbm>> -> memref<80xi32, #tpu.memory_space<hbm>>
        %dma_start3A_51 = tpu.memref_slice %arg4[%add3A_30] : memref<320000xi32, #tpu.memory_space<hbm>> -> memref<80xi32, #tpu.memory_space<hbm>>
        tpu.enqueue_dma source(%dma_start3A_51 : memref<80xi32, #tpu.memory_space<hbm>>) target(%arg8 : memref<80xi32, #tpu.memory_space<vmem>>) target_semaphore(%run_scoped3A : memref<!tpu.dma_semaphore, #tpu.memory_space<semaphore_mem>>)
        %dma_wait3A_52 = tpu.memref_slice %arg4[%add3A_30] : memref<320000xi32, #tpu.memory_space<hbm>> -> memref<80xi32, #tpu.memory_space<hbm>>
        %dma_wait3A_53 = tpu.memref_slice %arg4[%add3A_30] : memref<320000xi32, #tpu.memory_space<hbm>> -> memref<80xi32, #tpu.memory_space<hbm>>
        tpu.wait_dma2 semaphore(%run_scoped3A : memref<!tpu.dma_semaphore, #tpu.memory_space<semaphore_mem>>) src(%dma_wait3A_53 : memref<80xi32, #tpu.memory_space<hbm>>) dst(%arg8 : memref<80xi32, #tpu.memory_space<vmem>>)
        tpu.yield
      }) : () -> ()
      "tpu.region"() ({
        %run_scoped3A = tpu.sem_alloc : memref<!tpu.dma_semaphore, #tpu.memory_space<semaphore_mem>>
        %dma_start3A_50 = tpu.memref_slice %arg6[%add3A] : memref<160000xi32, #tpu.memory_space<hbm>> -> memref<80xi32, #tpu.memory_space<hbm>>
        %dma_start3A_51 = tpu.memref_slice %arg6[%add3A] : memref<160000xi32, #tpu.memory_space<hbm>> -> memref<80xi32, #tpu.memory_space<hbm>>
        tpu.enqueue_dma source(%dma_start3A_51 : memref<80xi32, #tpu.memory_space<hbm>>) target(%arg10 : memref<80xi32, #tpu.memory_space<vmem>>) target_semaphore(%run_scoped3A : memref<!tpu.dma_semaphore, #tpu.memory_space<semaphore_mem>>)
        %dma_wait3A_52 = tpu.memref_slice %arg6[%add3A] : memref<160000xi32, #tpu.memory_space<hbm>> -> memref<80xi32, #tpu.memory_space<hbm>>
        %dma_wait3A_53 = tpu.memref_slice %arg6[%add3A] : memref<160000xi32, #tpu.memory_space<hbm>> -> memref<80xi32, #tpu.memory_space<hbm>>
        tpu.wait_dma2 semaphore(%run_scoped3A : memref<!tpu.dma_semaphore, #tpu.memory_space<semaphore_mem>>) src(%dma_wait3A_53 : memref<80xi32, #tpu.memory_space<hbm>>) dst(%arg10 : memref<80xi32, #tpu.memory_space<vmem>>)
        tpu.yield
      }) : () -> ()
      %mul3A_31 = arith.constant 160000 : i32
      %mul3A_32 = arith.muli %arg0, %mul3A_31 : i32
      %add3A_33 = arith.addi %mul3A_32, %add3A : i32
      "tpu.region"() ({
        %run_scoped3A = tpu.sem_alloc : memref<!tpu.dma_semaphore, #tpu.memory_space<semaphore_mem>>
        %dma_start3A_50 = tpu.memref_slice %arg5[%add3A_33] : memref<320000xi32, #tpu.memory_space<hbm>> -> memref<80xi32, #tpu.memory_space<hbm>>
        %dma_start3A_51 = tpu.memref_slice %arg5[%add3A_33] : memref<320000xi32, #tpu.memory_space<hbm>> -> memref<80xi32, #tpu.memory_space<hbm>>
        tpu.enqueue_dma source(%dma_start3A_51 : memref<80xi32, #tpu.memory_space<hbm>>) target(%arg9 : memref<80xi32, #tpu.memory_space<vmem>>) target_semaphore(%run_scoped3A : memref<!tpu.dma_semaphore, #tpu.memory_space<semaphore_mem>>)
        %dma_wait3A_52 = tpu.memref_slice %arg5[%add3A_33] : memref<320000xi32, #tpu.memory_space<hbm>> -> memref<80xi32, #tpu.memory_space<hbm>>
        %dma_wait3A_53 = tpu.memref_slice %arg5[%add3A_33] : memref<320000xi32, #tpu.memory_space<hbm>> -> memref<80xi32, #tpu.memory_space<hbm>>
        tpu.wait_dma2 semaphore(%run_scoped3A : memref<!tpu.dma_semaphore, #tpu.memory_space<semaphore_mem>>) src(%dma_wait3A_53 : memref<80xi32, #tpu.memory_space<hbm>>) dst(%arg9 : memref<80xi32, #tpu.memory_space<vmem>>)
        tpu.yield
      }) : () -> ()
      %dma_start3A = arith.constant 0 : i32
      %dma_start3A_34 = arith.constant 0 : i32
      %dma_start3A_35 = tpu.memref_slice %arg2[%dma_start3A, %dma_start3A_34] : memref<20000x128xf32, #tpu.memory_space<hbm>> -> memref<20000x128xf32, #tpu.memory_space<hbm>>
      tpu.enqueue_indirect_dma source(%dma_start3A_35 : memref<20000x128xf32, #tpu.memory_space<hbm>>) target(%arg11 : memref<80x128xf32, #tpu.memory_space<vmem>>) offsets(%arg8 : memref<80xi32, #tpu.memory_space<vmem>>) semaphore(%arg14 : memref<!tpu.dma_semaphore, #tpu.memory_space<semaphore_mem>>)
      %dma_start3A_36 = arith.constant 0 : i32
      %dma_start3A_37 = arith.constant 0 : i32
      %dma_start3A_38 = tpu.memref_slice %arg3[%dma_start3A_36, %dma_start3A_37] : memref<320000x128xf32, #tpu.memory_space<hbm>> -> memref<320000x128xf32, #tpu.memory_space<hbm>>
      tpu.enqueue_indirect_dma source(%dma_start3A_38 : memref<320000x128xf32, #tpu.memory_space<hbm>>) target(%arg12 : memref<80x128xf32, #tpu.memory_space<vmem>>) offsets(%arg9 : memref<80xi32, #tpu.memory_space<vmem>>) semaphore(%arg15 : memref<!tpu.dma_semaphore, #tpu.memory_space<semaphore_mem>>)
      %dma_wait3A = arith.constant 0 : i32
      %dma_wait3A_39 = arith.constant 0 : i32
      %dma_wait3A_40 = tpu.memref_slice %arg2[%dma_wait3A, %dma_wait3A_39] : memref<20000x128xf32, #tpu.memory_space<hbm>> -> memref<20000x128xf32, #tpu.memory_space<hbm>>
      tpu.wait_indirect_dma semaphore(%arg14 : memref<!tpu.dma_semaphore, #tpu.memory_space<semaphore_mem>>) src(%dma_wait3A_40 : memref<20000x128xf32, #tpu.memory_space<hbm>>) dst(%arg11 : memref<80x128xf32, #tpu.memory_space<vmem>>)
      %dma_wait3A_41 = arith.constant 0 : i32
      %dma_wait3A_42 = arith.constant 0 : i32
      %dma_wait3A_43 = tpu.memref_slice %arg3[%dma_wait3A_41, %dma_wait3A_42] : memref<320000x128xf32, #tpu.memory_space<hbm>> -> memref<320000x128xf32, #tpu.memory_space<hbm>>
      tpu.wait_indirect_dma semaphore(%arg15 : memref<!tpu.dma_semaphore, #tpu.memory_space<semaphore_mem>>) src(%dma_wait3A_43 : memref<320000x128xf32, #tpu.memory_space<hbm>>) dst(%arg12 : memref<80x128xf32, #tpu.memory_space<vmem>>)
      %scan3A_44 = arith.constant 0 : i32
      %scan3A_45 = arith.constant 0 : i32
      %scan3A_46 = arith.constant 80 : i32
      %scan3A_47 = arith.addi %scan3A_45, %scan3A_46 : i32
      %scan3A_48 = arith.constant 1 : i32
      scf.for %scan3A_50 = %scan3A_45 to %scan3A_47 step %scan3A_48  : i32 {
        %get3A = arith.index_cast %scan3A_50 : i32 to index
        %get3A_51 = arith.constant 0 : index
        %get3A_52 = tpu.vector_load %arg11[%get3A, %get3A_51] {strides = array<i32>} : memref<80x128xf32, #tpu.memory_space<vmem>>, vector<1x16xf32>,
        %get3A_53 = vector.shape_cast %get3A_52 : vector<1x16xf32> to vector<16xf32>
        %get3A_54 = arith.index_cast %scan3A_50 : i32 to index
        %get3A_55 = arith.constant 0 : index
        %get3A_56 = tpu.vector_load %arg12[%get3A_54, %get3A_55] {strides = array<i32>} : memref<80x128xf32, #tpu.memory_space<vmem>>, vector<1x16xf32>,
        %get3A_57 = vector.shape_cast %get3A_56 : vector<1x16xf32> to vector<16xf32>
        %add3A_58 = arith.addf %get3A_53, %get3A_57 : vector<16xf32>
        %max3A = arith.constant 0.000000e+00 : f32
        %max3A_59 = vector.broadcast %max3A : f32 to vector<16xf32>
        %max3A_60 = arith.maximumf %add3A_58, %max3A_59 : vector<16xf32>
        %swap3A = arith.index_cast %scan3A_50 : i32 to index
        %swap3A_61 = arith.constant 0 : index
        %swap3A_62 = tpu.vector_load %arg11[%swap3A, %swap3A_61] {strides = array<i32>} : memref<80x128xf32, #tpu.memory_space<vmem>>, vector<1x16xf32>,
        %swap3A_63 = vector.shape_cast %swap3A_62 : vector<1x16xf32> to vector<16xf32>
        %swap3A_64 = vector.shape_cast %max3A_60 : vector<16xf32> to vector<1x16xf32>
        tpu.vector_store %arg11[%swap3A, %swap3A_61], %swap3A_64 {strides = array<i32>} : memref<80x128xf32, #tpu.memory_space<vmem>>, vector<1x16xf32>,
        %get3A_65 = arith.index_cast %scan3A_50 : i32 to index
        %get3A_66 = arith.constant 16 : index
        %get3A_67 = tpu.vector_load %arg11[%get3A_65, %get3A_66] {strides = array<i32>} : memref<80x128xf32, #tpu.memory_space<vmem>>, vector<1x16xf32>,
        %get3A_68 = vector.shape_cast %get3A_67 : vector<1x16xf32> to vector<16xf32>
        %get3A_69 = arith.index_cast %scan3A_50 : i32 to index
        %get3A_70 = arith.constant 16 : index
        %get3A_71 = tpu.vector_load %arg12[%get3A_69, %get3A_70] {strides = array<i32>} : memref<80x128xf32, #tpu.memory_space<vmem>>, vector<1x16xf32>,
        %get3A_72 = vector.shape_cast %get3A_71 : vector<1x16xf32> to vector<16xf32>
        %add3A_73 = arith.addf %get3A_68, %get3A_72 : vector<16xf32>
        %max3A_74 = arith.constant 0.000000e+00 : f32
        %max3A_75 = vector.broadcast %max3A_74 : f32 to vector<16xf32>
        %max3A_76 = arith.maximumf %add3A_73, %max3A_75 : vector<16xf32>
        %swap3A_77 = arith.index_cast %scan3A_50 : i32 to index
        %swap3A_78 = arith.constant 16 : index
        %swap3A_79 = tpu.vector_load %arg11[%swap3A_77, %swap3A_78] {strides = array<i32>} : memref<80x128xf32, #tpu.memory_space<vmem>>, vector<1x16xf32>,
        %swap3A_80 = vector.shape_cast %swap3A_79 : vector<1x16xf32> to vector<16xf32>
        %swap3A_81 = vector.shape_cast %max3A_76 : vector<16xf32> to vector<1x16xf32>
        tpu.vector_store %arg11[%swap3A_77, %swap3A_78], %swap3A_81 {strides = array<i32>} : memref<80x128xf32, #tpu.memory_space<vmem>>, vector<1x16xf32>,
        %get3A_82 = arith.index_cast %scan3A_50 : i32 to index
        %get3A_83 = arith.constant 32 : index
        %get3A_84 = tpu.vector_load %arg11[%get3A_82, %get3A_83] {strides = array<i32>} : memref<80x128xf32, #tpu.memory_space<vmem>>, vector<1x16xf32>,
        %get3A_85 = vector.shape_cast %get3A_84 : vector<1x16xf32> to vector<16xf32>
        %get3A_86 = arith.index_cast %scan3A_50 : i32 to index
        %get3A_87 = arith.constant 32 : index
        %get3A_88 = tpu.vector_load %arg12[%get3A_86, %get3A_87] {strides = array<i32>} : memref<80x128xf32, #tpu.memory_space<vmem>>, vector<1x16xf32>,
        %get3A_89 = vector.shape_cast %get3A_88 : vector<1x16xf32> to vector<16xf32>
        %add3A_90 = arith.addf %get3A_85, %get3A_89 : vector<16xf32>
        %max3A_91 = arith.constant 0.000000e+00 : f32
        %max3A_92 = vector.broadcast %max3A_91 : f32 to vector<16xf32>
        %max3A_93 = arith.maximumf %add3A_90, %max3A_92 : vector<16xf32>
        %swap3A_94 = arith.index_cast %scan3A_50 : i32 to index
        %swap3A_95 = arith.constant 32 : index
        %swap3A_96 = tpu.vector_load %arg11[%swap3A_94, %swap3A_95] {strides = array<i32>} : memref<80x128xf32, #tpu.memory_space<vmem>>, vector<1x16xf32>,
        %swap3A_97 = vector.shape_cast %swap3A_96 : vector<1x16xf32> to vector<16xf32>
        %swap3A_98 = vector.shape_cast %max3A_93 : vector<16xf32> to vector<1x16xf32>
        tpu.vector_store %arg11[%swap3A_94, %swap3A_95], %swap3A_98 {strides = array<i32>} : memref<80x128xf32, #tpu.memory_space<vmem>>, vector<1x16xf32>,
        %get3A_99 = arith.index_cast %scan3A_50 : i32 to index
        %get3A_100 = arith.constant 48 : index
        %get3A_101 = tpu.vector_load %arg11[%get3A_99, %get3A_100] {strides = array<i32>} : memref<80x128xf32, #tpu.memory_space<vmem>>, vector<1x16xf32>,
        %get3A_102 = vector.shape_cast %get3A_101 : vector<1x16xf32> to vector<16xf32>
        %get3A_103 = arith.index_cast %scan3A_50 : i32 to index
        %get3A_104 = arith.constant 48 : index
        %get3A_105 = tpu.vector_load %arg12[%get3A_103, %get3A_104] {strides = array<i32>} : memref<80x128xf32, #tpu.memory_space<vmem>>, vector<1x16xf32>,
        %get3A_106 = vector.shape_cast %get3A_105 : vector<1x16xf32> to vector<16xf32>
        %add3A_107 = arith.addf %get3A_102, %get3A_106 : vector<16xf32>
        %max3A_108 = arith.constant 0.000000e+00 : f32
        %max3A_109 = vector.broadcast %max3A_108 : f32 to vector<16xf32>
        %max3A_110 = arith.maximumf %add3A_107, %max3A_109 : vector<16xf32>
        %swap3A_111 = arith.index_cast %scan3A_50 : i32 to index
        %swap3A_112 = arith.constant 48 : index
        %swap3A_113 = tpu.vector_load %arg11[%swap3A_111, %swap3A_112] {strides = array<i32>} : memref<80x128xf32, #tpu.memory_space<vmem>>, vector<1x16xf32>,
        %swap3A_114 = vector.shape_cast %swap3A_113 : vector<1x16xf32> to vector<16xf32>
        %swap3A_115 = vector.shape_cast %max3A_110 : vector<16xf32> to vector<1x16xf32>
        tpu.vector_store %arg11[%swap3A_111, %swap3A_112], %swap3A_115 {strides = array<i32>} : memref<80x128xf32, #tpu.memory_space<vmem>>, vector<1x16xf32>,
        %get3A_116 = arith.index_cast %scan3A_50 : i32 to index
        %get3A_117 = arith.constant 64 : index
        %get3A_118 = tpu.vector_load %arg11[%get3A_116, %get3A_117] {strides = array<i32>} : memref<80x128xf32, #tpu.memory_space<vmem>>, vector<1x16xf32>,
        %get3A_119 = vector.shape_cast %get3A_118 : vector<1x16xf32> to vector<16xf32>
        %get3A_120 = arith.index_cast %scan3A_50 : i32 to index
        %get3A_121 = arith.constant 64 : index
        %get3A_122 = tpu.vector_load %arg12[%get3A_120, %get3A_121] {strides = array<i32>} : memref<80x128xf32, #tpu.memory_space<vmem>>, vector<1x16xf32>,
        %get3A_123 = vector.shape_cast %get3A_122 : vector<1x16xf32> to vector<16xf32>
        %add3A_124 = arith.addf %get3A_119, %get3A_123 : vector<16xf32>
        %max3A_125 = arith.constant 0.000000e+00 : f32
        %max3A_126 = vector.broadcast %max3A_125 : f32 to vector<16xf32>
        %max3A_127 = arith.maximumf %add3A_124, %max3A_126 : vector<16xf32>
        %swap3A_128 = arith.index_cast %scan3A_50 : i32 to index
        %swap3A_129 = arith.constant 64 : index
        %swap3A_130 = tpu.vector_load %arg11[%swap3A_128, %swap3A_129] {strides = array<i32>} : memref<80x128xf32, #tpu.memory_space<vmem>>, vector<1x16xf32>,
        %swap3A_131 = vector.shape_cast %swap3A_130 : vector<1x16xf32> to vector<16xf32>
        %swap3A_132 = vector.shape_cast %max3A_127 : vector<16xf32> to vector<1x16xf32>
        tpu.vector_store %arg11[%swap3A_128, %swap3A_129], %swap3A_132 {strides = array<i32>} : memref<80x128xf32, #tpu.memory_space<vmem>>, vector<1x16xf32>,
        %get3A_133 = arith.index_cast %scan3A_50 : i32 to index
        %get3A_134 = arith.constant 80 : index
        %get3A_135 = tpu.vector_load %arg11[%get3A_133, %get3A_134] {strides = array<i32>} : memref<80x128xf32, #tpu.memory_space<vmem>>, vector<1x16xf32>,
        %get3A_136 = vector.shape_cast %get3A_135 : vector<1x16xf32> to vector<16xf32>
        %get3A_137 = arith.index_cast %scan3A_50 : i32 to index
        %get3A_138 = arith.constant 80 : index
        %get3A_139 = tpu.vector_load %arg12[%get3A_137, %get3A_138] {strides = array<i32>} : memref<80x128xf32, #tpu.memory_space<vmem>>, vector<1x16xf32>,
        %get3A_140 = vector.shape_cast %get3A_139 : vector<1x16xf32> to vector<16xf32>
        %add3A_141 = arith.addf %get3A_136, %get3A_140 : vector<16xf32>
        %max3A_142 = arith.constant 0.000000e+00 : f32
        %max3A_143 = vector.broadcast %max3A_142 : f32 to vector<16xf32>
        %max3A_144 = arith.maximumf %add3A_141, %max3A_143 : vector<16xf32>
        %swap3A_145 = arith.index_cast %scan3A_50 : i32 to index
        %swap3A_146 = arith.constant 80 : index
        %swap3A_147 = tpu.vector_load %arg11[%swap3A_145, %swap3A_146] {strides = array<i32>} : memref<80x128xf32, #tpu.memory_space<vmem>>, vector<1x16xf32>,
        %swap3A_148 = vector.shape_cast %swap3A_147 : vector<1x16xf32> to vector<16xf32>
        %swap3A_149 = vector.shape_cast %max3A_144 : vector<16xf32> to vector<1x16xf32>
        tpu.vector_store %arg11[%swap3A_145, %swap3A_146], %swap3A_149 {strides = array<i32>} : memref<80x128xf32, #tpu.memory_space<vmem>>, vector<1x16xf32>,
        %get3A_150 = arith.index_cast %scan3A_50 : i32 to index
        %get3A_151 = arith.constant 96 : index
        %get3A_152 = tpu.vector_load %arg11[%get3A_150, %get3A_151] {strides = array<i32>} : memref<80x128xf32, #tpu.memory_space<vmem>>, vector<1x16xf32>,
        %get3A_153 = vector.shape_cast %get3A_152 : vector<1x16xf32> to vector<16xf32>
        %get3A_154 = arith.index_cast %scan3A_50 : i32 to index
        %get3A_155 = arith.constant 96 : index
        %get3A_156 = tpu.vector_load %arg12[%get3A_154, %get3A_155] {strides = array<i32>} : memref<80x128xf32, #tpu.memory_space<vmem>>, vector<1x16xf32>,
        %get3A_157 = vector.shape_cast %get3A_156 : vector<1x16xf32> to vector<16xf32>
        %add3A_158 = arith.addf %get3A_153, %get3A_157 : vector<16xf32>
        %max3A_159 = arith.constant 0.000000e+00 : f32
        %max3A_160 = vector.broadcast %max3A_159 : f32 to vector<16xf32>
        %max3A_161 = arith.maximumf %add3A_158, %max3A_160 : vector<16xf32>
        %swap3A_162 = arith.index_cast %scan3A_50 : i32 to index
        %swap3A_163 = arith.constant 96 : index
        %swap3A_164 = tpu.vector_load %arg11[%swap3A_162, %swap3A_163] {strides = array<i32>} : memref<80x128xf32, #tpu.memory_space<vmem>>, vector<1x16xf32>,
        %swap3A_165 = vector.shape_cast %swap3A_164 : vector<1x16xf32> to vector<16xf32>
        %swap3A_166 = vector.shape_cast %max3A_161 : vector<16xf32> to vector<1x16xf32>
        tpu.vector_store %arg11[%swap3A_162, %swap3A_163], %swap3A_166 {strides = array<i32>} : memref<80x128xf32, #tpu.memory_space<vmem>>, vector<1x16xf32>,
        %get3A_167 = arith.index_cast %scan3A_50 : i32 to index
        %get3A_168 = arith.constant 112 : index
        %get3A_169 = tpu.vector_load %arg11[%get3A_167, %get3A_168] {strides = array<i32>} : memref<80x128xf32, #tpu.memory_space<vmem>>, vector<1x16xf32>,
        %get3A_170 = vector.shape_cast %get3A_169 : vector<1x16xf32> to vector<16xf32>
        %get3A_171 = arith.index_cast %scan3A_50 : i32 to index
        %get3A_172 = arith.constant 112 : index
        %get3A_173 = tpu.vector_load %arg12[%get3A_171, %get3A_172] {strides = array<i32>} : memref<80x128xf32, #tpu.memory_space<vmem>>, vector<1x16xf32>,
        %get3A_174 = vector.shape_cast %get3A_173 : vector<1x16xf32> to vector<16xf32>
        %add3A_175 = arith.addf %get3A_170, %get3A_174 : vector<16xf32>
        %max3A_176 = arith.constant 0.000000e+00 : f32
        %max3A_177 = vector.broadcast %max3A_176 : f32 to vector<16xf32>
        %max3A_178 = arith.maximumf %add3A_175, %max3A_177 : vector<16xf32>
        %swap3A_179 = arith.index_cast %scan3A_50 : i32 to index
        %swap3A_180 = arith.constant 112 : index
        %swap3A_181 = tpu.vector_load %arg11[%swap3A_179, %swap3A_180] {strides = array<i32>} : memref<80x128xf32, #tpu.memory_space<vmem>>, vector<1x16xf32>,
        %swap3A_182 = vector.shape_cast %swap3A_181 : vector<1x16xf32> to vector<16xf32>
        %swap3A_183 = vector.shape_cast %max3A_178 : vector<16xf32> to vector<1x16xf32>
        tpu.vector_store %arg11[%swap3A_179, %swap3A_180], %swap3A_183 {strides = array<i32>} : memref<80x128xf32, #tpu.memory_space<vmem>>, vector<1x16xf32>,
      }
      %scan3A_49 = arith.constant 80 : i32
      "tpu.region"() ({
        %run_scoped3A = tpu.sem_alloc : memref<!tpu.dma_semaphore, #tpu.memory_space<semaphore_mem>>
        %dma_start3A_50 = arith.constant 0 : i32
        %dma_start3A_51 = arith.constant 0 : i32
        %dma_start3A_52 = tpu.memref_slice %arg13[%dma_start3A_50, %dma_start3A_51] : memref<10240x128xf32, #tpu.memory_space<vmem_shared>> -> memref<10240x128xf32, #tpu.memory_space<vmem_shared>>
        tpu.enqueue_indirect_dma source(%arg11 : memref<80x128xf32, #tpu.memory_space<vmem>>) target(%dma_start3A_52 : memref<10240x128xf32, #tpu.memory_space<vmem_shared>>) offsets(%arg10 : memref<80xi32, #tpu.memory_space<vmem>>) semaphore(%run_scoped3A : memref<!tpu.dma_semaphore, #tpu.memory_space<semaphore_mem>>) {add = true}
        %dma_wait3A_53 = arith.constant 0 : i32
        %dma_wait3A_54 = arith.constant 0 : i32
        %dma_wait3A_55 = tpu.memref_slice %arg13[%dma_wait3A_53, %dma_wait3A_54] : memref<10240x128xf32, #tpu.memory_space<vmem_shared>> -> memref<10240x128xf32, #tpu.memory_space<vmem_shared>>
        tpu.wait_indirect_dma semaphore(%run_scoped3A : memref<!tpu.dma_semaphore, #tpu.memory_space<semaphore_mem>>) src(%arg11 : memref<80x128xf32, #tpu.memory_space<vmem>>) dst(%dma_wait3A_55 : memref<10240x128xf32, #tpu.memory_space<vmem_shared>>)
        tpu.yield
      }) : () -> ()
    }
    %scan3A_16 = arith.constant 125 : i32
    %barrier3A_17 = arith.constant 0 : index
    tpu.barrier barrier_id(%barrier3A_17)
    %scan3A_18 = arith.constant 0 : i32
    %scan3A_19 = arith.constant 0 : i32
    %scan3A_20 = arith.constant 8 : i32
    %scan3A_21 = arith.addi %scan3A_19, %scan3A_20 : i32
    %scan3A_22 = arith.constant 1 : i32
    scf.for %scan3A_24 = %scan3A_19 to %scan3A_21 step %scan3A_22  : i32 {
      %mul3A = arith.constant 640 : i32
      %mul3A_25 = arith.muli %arg1, %mul3A : i32
      %mul3A_26 = arith.constant 80 : i32
      %mul3A_27 = arith.muli %scan3A_24, %mul3A_26 : i32
      %add3A = arith.addi %mul3A_25, %mul3A_27 : i32
      "tpu.region"() ({
        %run_scoped3A = tpu.sem_alloc : memref<!tpu.dma_semaphore, #tpu.memory_space<semaphore_mem>>
        %dma_start3A = arith.constant 0 : i32
        %dma_start3A_28 = tpu.memref_slice %arg13[%add3A, %dma_start3A] : memref<10240x128xf32, #tpu.memory_space<vmem_shared>> -> memref<80x128xf32, #tpu.memory_space<vmem_shared>>
        %dma_start3A_29 = arith.constant 0 : i32
        %dma_start3A_30 = tpu.memref_slice %arg13[%add3A, %dma_start3A_29] : memref<10240x128xf32, #tpu.memory_space<vmem_shared>> -> memref<80x128xf32, #tpu.memory_space<vmem_shared>>
        tpu.enqueue_dma source(%dma_start3A_30 : memref<80x128xf32, #tpu.memory_space<vmem_shared>>) target(%arg12 : memref<80x128xf32, #tpu.memory_space<vmem>>) target_semaphore(%run_scoped3A : memref<!tpu.dma_semaphore, #tpu.memory_space<semaphore_mem>>)
        %dma_wait3A = arith.constant 0 : i32
        %dma_wait3A_31 = tpu.memref_slice %arg13[%add3A, %dma_wait3A] : memref<10240x128xf32, #tpu.memory_space<vmem_shared>> -> memref<80x128xf32, #tpu.memory_space<vmem_shared>>
        %dma_wait3A_32 = arith.constant 0 : i32
        %dma_wait3A_33 = tpu.memref_slice %arg13[%add3A, %dma_wait3A_32] : memref<10240x128xf32, #tpu.memory_space<vmem_shared>> -> memref<80x128xf32, #tpu.memory_space<vmem_shared>>
        tpu.wait_dma2 semaphore(%run_scoped3A : memref<!tpu.dma_semaphore, #tpu.memory_space<semaphore_mem>>) src(%dma_wait3A_33 : memref<80x128xf32, #tpu.memory_space<vmem_shared>>) dst(%arg12 : memref<80x128xf32, #tpu.memory_space<vmem>>)
        tpu.yield
      }) : () -> ()
      "tpu.region"() ({
        %run_scoped3A = tpu.sem_alloc : memref<!tpu.dma_semaphore, #tpu.memory_space<semaphore_mem>>
        %dma_start3A = arith.constant 0 : i32
        %dma_start3A_28 = tpu.memref_slice %arg7[%arg0, %add3A, %dma_start3A] : memref<2x10240x128xf32, #tpu.memory_space<hbm>> -> memref<1x80x128xf32, #tpu.memory_space<hbm>>
        %dma_start3A_29 = tpu.memref_squeeze %dma_start3A_28 : memref<1x80x128xf32, #tpu.memory_space<hbm>> -> memref<80x128xf32, #tpu.memory_space<hbm>>
        %dma_start3A_30 = arith.constant 0 : i32
        %dma_start3A_31 = tpu.memref_slice %arg7[%arg0, %add3A, %dma_start3A_30] : memref<2x10240x128xf32, #tpu.memory_space<hbm>> -> memref<1x80x128xf32, #tpu.memory_space<hbm>>
        %dma_start3A_32 = tpu.memref_squeeze %dma_start3A_31 : memref<1x80x128xf32, #tpu.memory_space<hbm>> -> memref<80x128xf32, #tpu.memory_space<hbm>>
        tpu.enqueue_dma source(%arg12 : memref<80x128xf32, #tpu.memory_space<vmem>>) target(%dma_start3A_32 : memref<80x128xf32, #tpu.memory_space<hbm>>) target_semaphore(%run_scoped3A : memref<!tpu.dma_semaphore, #tpu.memory_space<semaphore_mem>>)
        %dma_wait3A = arith.constant 0 : i32
        %dma_wait3A_33 = tpu.memref_slice %arg7[%arg0, %add3A, %dma_wait3A] : memref<2x10240x128xf32, #tpu.memory_space<hbm>> -> memref<1x80x128xf32, #tpu.memory_space<hbm>>
        %dma_wait3A_34 = tpu.memref_squeeze %dma_wait3A_33 : memref<1x80x128xf32, #tpu.memory_space<hbm>> -> memref<80x128xf32, #tpu.memory_space<hbm>>
        %dma_wait3A_35 = arith.constant 0 : i32
        %dma_wait3A_36 = tpu.memref_slice %arg7[%arg0, %add3A, %dma_wait3A_35] : memref<2x10240x128xf32, #tpu.memory_space<hbm>> -> memref<1x80x128xf32, #tpu.memory_space<hbm>>
        %dma_wait3A_37 = tpu.memref_squeeze %dma_wait3A_36 : memref<1x80x128xf32, #tpu.memory_space<hbm>> -> memref<80x128xf32, #tpu.memory_space<hbm>>
        tpu.wait_dma2 semaphore(%run_scoped3A : memref<!tpu.dma_semaphore, #tpu.memory_space<semaphore_mem>>) src(%arg12 : memref<80x128xf32, #tpu.memory_space<vmem>>) dst(%dma_wait3A_37 : memref<80x128xf32, #tpu.memory_space<hbm>>)
        tpu.yield
      }) : () -> ()
    }
    %scan3A_23 = arith.constant 8 : i32
    return
  }
}

#map = affine_map<(d0, d1) -> (0, 0)>
#map1 = affine_map<(d0, d1) -> (0)>
#map2 = affine_map<(d0, d1) -> (0, 0, 0)>
module attributes {stable_mosaic.version = 14 : i64} {
  func.func @_sc_message(%arg0: i32, %arg1: i32, %arg2: memref<20000x128xf32, #tpu.memory_space<hbm>>, %arg3: memref<320000x128xf32, #tpu.memory_space<hbm>>, %arg4: memref<320000xi32, #tpu.memory_space<hbm>>, %arg5: memref<320000xi32, #tpu.memory_space<hbm>>, %arg6: memref<160000xi32, #tpu.memory_space<hbm>>, %arg7: memref<2x10240x128xf32, #tpu.memory_space<hbm>>, %arg8: memref<80xi32, #tpu.memory_space<vmem>>, %arg9: memref<80xi32, #tpu.memory_space<vmem>>, %arg10: memref<80xi32, #tpu.memory_space<vmem>>, %arg11: memref<80x128xf32, #tpu.memory_space<vmem>>, %arg12: memref<80x128xf32, #tpu.memory_space<vmem>>, %arg13: memref<10240x128xf32, #tpu.memory_space<vmem_shared>>, %arg14: memref<!tpu.dma_semaphore, #tpu.memory_space<semaphore_mem>>, %arg15: memref<!tpu.dma_semaphore, #tpu.memory_space<semaphore_mem>>) attributes {dimension_semantics = [#tpu.dimension_semantics<core_parallel>, #tpu.dimension_semantics<subcore_parallel>], iteration_bounds = array<i64: 2, 16>, scalar_prefetch = 0 : i64, scratch_operands = 8 : i64, tpu.core_type = #tpu.core_type<sc_vector_subcore>, window_params = [{transform_indices = #map}, {transform_indices = #map}, {transform_indices = #map1}, {transform_indices = #map1}, {transform_indices = #map1}, {transform_indices = #map2}]} {
    %scan3A = arith.constant 0 : i32
    %scan3A_0 = arith.constant 0 : i32
    %scan3A_1 = arith.constant 80 : i32
    %scan3A_2 = arith.addi %scan3A_0, %scan3A_1 : i32
    %scan3A_3 = arith.constant 1 : i32
    scf.for %scan3A_24 = %scan3A_0 to %scan3A_2 step %scan3A_3  : i32 {
      %broadcast_in_dim3A = arith.constant 0.000000e+00 : f32
      %broadcast_in_dim3A_25 = vector.broadcast %broadcast_in_dim3A : f32 to vector<16xf32>
      %swap3A = arith.index_cast %scan3A_24 : i32 to index
      %swap3A_26 = arith.constant 0 : index
      %swap3A_27 = tpu.vector_load %arg11[%swap3A, %swap3A_26] {strides = array<i32>} : memref<80x128xf32, #tpu.memory_space<vmem>>, vector<1x16xf32>,
      %swap3A_28 = vector.shape_cast %swap3A_27 : vector<1x16xf32> to vector<16xf32>
      %swap3A_29 = vector.shape_cast %broadcast_in_dim3A_25 : vector<16xf32> to vector<1x16xf32>
      tpu.vector_store %arg11[%swap3A, %swap3A_26], %swap3A_29 {strides = array<i32>} : memref<80x128xf32, #tpu.memory_space<vmem>>, vector<1x16xf32>,
      %broadcast_in_dim3A_30 = arith.constant 0.000000e+00 : f32
      %broadcast_in_dim3A_31 = vector.broadcast %broadcast_in_dim3A_30 : f32 to vector<16xf32>
      %swap3A_32 = arith.index_cast %scan3A_24 : i32 to index
      %swap3A_33 = arith.constant 16 : index
      %swap3A_34 = tpu.vector_load %arg11[%swap3A_32, %swap3A_33] {strides = array<i32>} : memref<80x128xf32, #tpu.memory_space<vmem>>, vector<1x16xf32>,
      %swap3A_35 = vector.shape_cast %swap3A_34 : vector<1x16xf32> to vector<16xf32>
      %swap3A_36 = vector.shape_cast %broadcast_in_dim3A_31 : vector<16xf32> to vector<1x16xf32>
      tpu.vector_store %arg11[%swap3A_32, %swap3A_33], %swap3A_36 {strides = array<i32>} : memref<80x128xf32, #tpu.memory_space<vmem>>, vector<1x16xf32>,
      %broadcast_in_dim3A_37 = arith.constant 0.000000e+00 : f32
      %broadcast_in_dim3A_38 = vector.broadcast %broadcast_in_dim3A_37 : f32 to vector<16xf32>
      %swap3A_39 = arith.index_cast %scan3A_24 : i32 to index
      %swap3A_40 = arith.constant 32 : index
      %swap3A_41 = tpu.vector_load %arg11[%swap3A_39, %swap3A_40] {strides = array<i32>} : memref<80x128xf32, #tpu.memory_space<vmem>>, vector<1x16xf32>,
      %swap3A_42 = vector.shape_cast %swap3A_41 : vector<1x16xf32> to vector<16xf32>
      %swap3A_43 = vector.shape_cast %broadcast_in_dim3A_38 : vector<16xf32> to vector<1x16xf32>
      tpu.vector_store %arg11[%swap3A_39, %swap3A_40], %swap3A_43 {strides = array<i32>} : memref<80x128xf32, #tpu.memory_space<vmem>>, vector<1x16xf32>,
      %broadcast_in_dim3A_44 = arith.constant 0.000000e+00 : f32
      %broadcast_in_dim3A_45 = vector.broadcast %broadcast_in_dim3A_44 : f32 to vector<16xf32>
      %swap3A_46 = arith.index_cast %scan3A_24 : i32 to index
      %swap3A_47 = arith.constant 48 : index
      %swap3A_48 = tpu.vector_load %arg11[%swap3A_46, %swap3A_47] {strides = array<i32>} : memref<80x128xf32, #tpu.memory_space<vmem>>, vector<1x16xf32>,
      %swap3A_49 = vector.shape_cast %swap3A_48 : vector<1x16xf32> to vector<16xf32>
      %swap3A_50 = vector.shape_cast %broadcast_in_dim3A_45 : vector<16xf32> to vector<1x16xf32>
      tpu.vector_store %arg11[%swap3A_46, %swap3A_47], %swap3A_50 {strides = array<i32>} : memref<80x128xf32, #tpu.memory_space<vmem>>, vector<1x16xf32>,
      %broadcast_in_dim3A_51 = arith.constant 0.000000e+00 : f32
      %broadcast_in_dim3A_52 = vector.broadcast %broadcast_in_dim3A_51 : f32 to vector<16xf32>
      %swap3A_53 = arith.index_cast %scan3A_24 : i32 to index
      %swap3A_54 = arith.constant 64 : index
      %swap3A_55 = tpu.vector_load %arg11[%swap3A_53, %swap3A_54] {strides = array<i32>} : memref<80x128xf32, #tpu.memory_space<vmem>>, vector<1x16xf32>,
      %swap3A_56 = vector.shape_cast %swap3A_55 : vector<1x16xf32> to vector<16xf32>
      %swap3A_57 = vector.shape_cast %broadcast_in_dim3A_52 : vector<16xf32> to vector<1x16xf32>
      tpu.vector_store %arg11[%swap3A_53, %swap3A_54], %swap3A_57 {strides = array<i32>} : memref<80x128xf32, #tpu.memory_space<vmem>>, vector<1x16xf32>,
      %broadcast_in_dim3A_58 = arith.constant 0.000000e+00 : f32
      %broadcast_in_dim3A_59 = vector.broadcast %broadcast_in_dim3A_58 : f32 to vector<16xf32>
      %swap3A_60 = arith.index_cast %scan3A_24 : i32 to index
      %swap3A_61 = arith.constant 80 : index
      %swap3A_62 = tpu.vector_load %arg11[%swap3A_60, %swap3A_61] {strides = array<i32>} : memref<80x128xf32, #tpu.memory_space<vmem>>, vector<1x16xf32>,
      %swap3A_63 = vector.shape_cast %swap3A_62 : vector<1x16xf32> to vector<16xf32>
      %swap3A_64 = vector.shape_cast %broadcast_in_dim3A_59 : vector<16xf32> to vector<1x16xf32>
      tpu.vector_store %arg11[%swap3A_60, %swap3A_61], %swap3A_64 {strides = array<i32>} : memref<80x128xf32, #tpu.memory_space<vmem>>, vector<1x16xf32>,
      %broadcast_in_dim3A_65 = arith.constant 0.000000e+00 : f32
      %broadcast_in_dim3A_66 = vector.broadcast %broadcast_in_dim3A_65 : f32 to vector<16xf32>
      %swap3A_67 = arith.index_cast %scan3A_24 : i32 to index
      %swap3A_68 = arith.constant 96 : index
      %swap3A_69 = tpu.vector_load %arg11[%swap3A_67, %swap3A_68] {strides = array<i32>} : memref<80x128xf32, #tpu.memory_space<vmem>>, vector<1x16xf32>,
      %swap3A_70 = vector.shape_cast %swap3A_69 : vector<1x16xf32> to vector<16xf32>
      %swap3A_71 = vector.shape_cast %broadcast_in_dim3A_66 : vector<16xf32> to vector<1x16xf32>
      tpu.vector_store %arg11[%swap3A_67, %swap3A_68], %swap3A_71 {strides = array<i32>} : memref<80x128xf32, #tpu.memory_space<vmem>>, vector<1x16xf32>,
      %broadcast_in_dim3A_72 = arith.constant 0.000000e+00 : f32
      %broadcast_in_dim3A_73 = vector.broadcast %broadcast_in_dim3A_72 : f32 to vector<16xf32>
      %swap3A_74 = arith.index_cast %scan3A_24 : i32 to index
      %swap3A_75 = arith.constant 112 : index
      %swap3A_76 = tpu.vector_load %arg11[%swap3A_74, %swap3A_75] {strides = array<i32>} : memref<80x128xf32, #tpu.memory_space<vmem>>, vector<1x16xf32>,
      %swap3A_77 = vector.shape_cast %swap3A_76 : vector<1x16xf32> to vector<16xf32>
      %swap3A_78 = vector.shape_cast %broadcast_in_dim3A_73 : vector<16xf32> to vector<1x16xf32>
      tpu.vector_store %arg11[%swap3A_74, %swap3A_75], %swap3A_78 {strides = array<i32>} : memref<80x128xf32, #tpu.memory_space<vmem>>, vector<1x16xf32>,
    }
    %scan3A_4 = arith.constant 80 : i32
    %scan3A_5 = arith.constant 0 : i32
    %scan3A_6 = arith.constant 0 : i32
    %scan3A_7 = arith.constant 8 : i32
    %scan3A_8 = arith.addi %scan3A_6, %scan3A_7 : i32
    %scan3A_9 = arith.constant 1 : i32
    scf.for %scan3A_24 = %scan3A_6 to %scan3A_8 step %scan3A_9  : i32 {
      %mul3A = arith.constant 640 : i32
      %mul3A_25 = arith.muli %arg1, %mul3A : i32
      %mul3A_26 = arith.constant 80 : i32
      %mul3A_27 = arith.muli %scan3A_24, %mul3A_26 : i32
      %add3A = arith.addi %mul3A_25, %mul3A_27 : i32
      "tpu.region"() ({
        %run_scoped3A = tpu.sem_alloc : memref<!tpu.dma_semaphore, #tpu.memory_space<semaphore_mem>>
        %dma_start3A = arith.constant 0 : i32
        %dma_start3A_28 = tpu.memref_slice %arg13[%add3A, %dma_start3A] : memref<10240x128xf32, #tpu.memory_space<vmem_shared>> -> memref<80x128xf32, #tpu.memory_space<vmem_shared>>
        %dma_start3A_29 = arith.constant 0 : i32
        %dma_start3A_30 = tpu.memref_slice %arg13[%add3A, %dma_start3A_29] : memref<10240x128xf32, #tpu.memory_space<vmem_shared>> -> memref<80x128xf32, #tpu.memory_space<vmem_shared>>
        tpu.enqueue_dma source(%arg11 : memref<80x128xf32, #tpu.memory_space<vmem>>) target(%dma_start3A_30 : memref<80x128xf32, #tpu.memory_space<vmem_shared>>) target_semaphore(%run_scoped3A : memref<!tpu.dma_semaphore, #tpu.memory_space<semaphore_mem>>)
        %dma_wait3A = arith.constant 0 : i32
        %dma_wait3A_31 = tpu.memref_slice %arg13[%add3A, %dma_wait3A] : memref<10240x128xf32, #tpu.memory_space<vmem_shared>> -> memref<80x128xf32, #tpu.memory_space<vmem_shared>>
        %dma_wait3A_32 = arith.constant 0 : i32
        %dma_wait3A_33 = tpu.memref_slice %arg13[%add3A, %dma_wait3A_32] : memref<10240x128xf32, #tpu.memory_space<vmem_shared>> -> memref<80x128xf32, #tpu.memory_space<vmem_shared>>
        tpu.wait_dma2 semaphore(%run_scoped3A : memref<!tpu.dma_semaphore, #tpu.memory_space<semaphore_mem>>) src(%arg11 : memref<80x128xf32, #tpu.memory_space<vmem>>) dst(%dma_wait3A_33 : memref<80x128xf32, #tpu.memory_space<vmem_shared>>)
        tpu.yield
      }) : () -> ()
    }
    %scan3A_10 = arith.constant 8 : i32
    %barrier3A = arith.constant 0 : index
    tpu.barrier barrier_id(%barrier3A)
    %scan3A_11 = arith.constant 0 : i32
    %scan3A_12 = arith.constant 0 : i32
    %scan3A_13 = arith.constant 125 : i32
    %scan3A_14 = arith.addi %scan3A_12, %scan3A_13 : i32
    %scan3A_15 = arith.constant 1 : i32
    scf.for %scan3A_24 = %scan3A_12 to %scan3A_14 step %scan3A_15  : i32 {
      %mul3A = arith.constant 10000 : i32
      %mul3A_25 = arith.muli %arg1, %mul3A : i32
      %mul3A_26 = arith.constant 80 : i32
      %mul3A_27 = arith.muli %scan3A_24, %mul3A_26 : i32
      %add3A = arith.addi %mul3A_25, %mul3A_27 : i32
      %mul3A_28 = arith.constant 160000 : i32
      %mul3A_29 = arith.muli %arg0, %mul3A_28 : i32
      %add3A_30 = arith.addi %mul3A_29, %add3A : i32
      "tpu.region"() ({
        %run_scoped3A = tpu.sem_alloc : memref<!tpu.dma_semaphore, #tpu.memory_space<semaphore_mem>>
        %dma_start3A_50 = tpu.memref_slice %arg4[%add3A_30] : memref<320000xi32, #tpu.memory_space<hbm>> -> memref<80xi32, #tpu.memory_space<hbm>>
        %dma_start3A_51 = tpu.memref_slice %arg4[%add3A_30] : memref<320000xi32, #tpu.memory_space<hbm>> -> memref<80xi32, #tpu.memory_space<hbm>>
        tpu.enqueue_dma source(%dma_start3A_51 : memref<80xi32, #tpu.memory_space<hbm>>) target(%arg8 : memref<80xi32, #tpu.memory_space<vmem>>) target_semaphore(%run_scoped3A : memref<!tpu.dma_semaphore, #tpu.memory_space<semaphore_mem>>)
        %dma_wait3A_52 = tpu.memref_slice %arg4[%add3A_30] : memref<320000xi32, #tpu.memory_space<hbm>> -> memref<80xi32, #tpu.memory_space<hbm>>
        %dma_wait3A_53 = tpu.memref_slice %arg4[%add3A_30] : memref<320000xi32, #tpu.memory_space<hbm>> -> memref<80xi32, #tpu.memory_space<hbm>>
        tpu.wait_dma2 semaphore(%run_scoped3A : memref<!tpu.dma_semaphore, #tpu.memory_space<semaphore_mem>>) src(%dma_wait3A_53 : memref<80xi32, #tpu.memory_space<hbm>>) dst(%arg8 : memref<80xi32, #tpu.memory_space<vmem>>)
        tpu.yield
      }) : () -> ()
      "tpu.region"() ({
        %run_scoped3A = tpu.sem_alloc : memref<!tpu.dma_semaphore, #tpu.memory_space<semaphore_mem>>
        %dma_start3A_50 = tpu.memref_slice %arg6[%add3A] : memref<160000xi32, #tpu.memory_space<hbm>> -> memref<80xi32, #tpu.memory_space<hbm>>
        %dma_start3A_51 = tpu.memref_slice %arg6[%add3A] : memref<160000xi32, #tpu.memory_space<hbm>> -> memref<80xi32, #tpu.memory_space<hbm>>
        tpu.enqueue_dma source(%dma_start3A_51 : memref<80xi32, #tpu.memory_space<hbm>>) target(%arg10 : memref<80xi32, #tpu.memory_space<vmem>>) target_semaphore(%run_scoped3A : memref<!tpu.dma_semaphore, #tpu.memory_space<semaphore_mem>>)
        %dma_wait3A_52 = tpu.memref_slice %arg6[%add3A] : memref<160000xi32, #tpu.memory_space<hbm>> -> memref<80xi32, #tpu.memory_space<hbm>>
        %dma_wait3A_53 = tpu.memref_slice %arg6[%add3A] : memref<160000xi32, #tpu.memory_space<hbm>> -> memref<80xi32, #tpu.memory_space<hbm>>
        tpu.wait_dma2 semaphore(%run_scoped3A : memref<!tpu.dma_semaphore, #tpu.memory_space<semaphore_mem>>) src(%dma_wait3A_53 : memref<80xi32, #tpu.memory_space<hbm>>) dst(%arg10 : memref<80xi32, #tpu.memory_space<vmem>>)
        tpu.yield
      }) : () -> ()
      %mul3A_31 = arith.constant 160000 : i32
      %mul3A_32 = arith.muli %arg0, %mul3A_31 : i32
      %add3A_33 = arith.addi %mul3A_32, %add3A : i32
      "tpu.region"() ({
        %run_scoped3A = tpu.sem_alloc : memref<!tpu.dma_semaphore, #tpu.memory_space<semaphore_mem>>
        %dma_start3A_50 = tpu.memref_slice %arg5[%add3A_33] : memref<320000xi32, #tpu.memory_space<hbm>> -> memref<80xi32, #tpu.memory_space<hbm>>
        %dma_start3A_51 = tpu.memref_slice %arg5[%add3A_33] : memref<320000xi32, #tpu.memory_space<hbm>> -> memref<80xi32, #tpu.memory_space<hbm>>
        tpu.enqueue_dma source(%dma_start3A_51 : memref<80xi32, #tpu.memory_space<hbm>>) target(%arg9 : memref<80xi32, #tpu.memory_space<vmem>>) target_semaphore(%run_scoped3A : memref<!tpu.dma_semaphore, #tpu.memory_space<semaphore_mem>>)
        %dma_wait3A_52 = tpu.memref_slice %arg5[%add3A_33] : memref<320000xi32, #tpu.memory_space<hbm>> -> memref<80xi32, #tpu.memory_space<hbm>>
        %dma_wait3A_53 = tpu.memref_slice %arg5[%add3A_33] : memref<320000xi32, #tpu.memory_space<hbm>> -> memref<80xi32, #tpu.memory_space<hbm>>
        tpu.wait_dma2 semaphore(%run_scoped3A : memref<!tpu.dma_semaphore, #tpu.memory_space<semaphore_mem>>) src(%dma_wait3A_53 : memref<80xi32, #tpu.memory_space<hbm>>) dst(%arg9 : memref<80xi32, #tpu.memory_space<vmem>>)
        tpu.yield
      }) : () -> ()
      %dma_start3A = arith.constant 0 : i32
      %dma_start3A_34 = arith.constant 0 : i32
      %dma_start3A_35 = tpu.memref_slice %arg2[%dma_start3A, %dma_start3A_34] : memref<20000x128xf32, #tpu.memory_space<hbm>> -> memref<20000x128xf32, #tpu.memory_space<hbm>>
      tpu.enqueue_indirect_dma source(%dma_start3A_35 : memref<20000x128xf32, #tpu.memory_space<hbm>>) target(%arg11 : memref<80x128xf32, #tpu.memory_space<vmem>>) offsets(%arg8 : memref<80xi32, #tpu.memory_space<vmem>>) semaphore(%arg14 : memref<!tpu.dma_semaphore, #tpu.memory_space<semaphore_mem>>)
      %dma_start3A_36 = arith.constant 0 : i32
      %dma_start3A_37 = arith.constant 0 : i32
      %dma_start3A_38 = tpu.memref_slice %arg3[%dma_start3A_36, %dma_start3A_37] : memref<320000x128xf32, #tpu.memory_space<hbm>> -> memref<320000x128xf32, #tpu.memory_space<hbm>>
      tpu.enqueue_indirect_dma source(%dma_start3A_38 : memref<320000x128xf32, #tpu.memory_space<hbm>>) target(%arg12 : memref<80x128xf32, #tpu.memory_space<vmem>>) offsets(%arg9 : memref<80xi32, #tpu.memory_space<vmem>>) semaphore(%arg15 : memref<!tpu.dma_semaphore, #tpu.memory_space<semaphore_mem>>)
      %dma_wait3A = arith.constant 0 : i32
      %dma_wait3A_39 = arith.constant 0 : i32
      %dma_wait3A_40 = tpu.memref_slice %arg2[%dma_wait3A, %dma_wait3A_39] : memref<20000x128xf32, #tpu.memory_space<hbm>> -> memref<20000x128xf32, #tpu.memory_space<hbm>>
      tpu.wait_indirect_dma semaphore(%arg14 : memref<!tpu.dma_semaphore, #tpu.memory_space<semaphore_mem>>) src(%dma_wait3A_40 : memref<20000x128xf32, #tpu.memory_space<hbm>>) dst(%arg11 : memref<80x128xf32, #tpu.memory_space<vmem>>)
      %dma_wait3A_41 = arith.constant 0 : i32
      %dma_wait3A_42 = arith.constant 0 : i32
      %dma_wait3A_43 = tpu.memref_slice %arg3[%dma_wait3A_41, %dma_wait3A_42] : memref<320000x128xf32, #tpu.memory_space<hbm>> -> memref<320000x128xf32, #tpu.memory_space<hbm>>
      tpu.wait_indirect_dma semaphore(%arg15 : memref<!tpu.dma_semaphore, #tpu.memory_space<semaphore_mem>>) src(%dma_wait3A_43 : memref<320000x128xf32, #tpu.memory_space<hbm>>) dst(%arg12 : memref<80x128xf32, #tpu.memory_space<vmem>>)
      %scan3A_44 = arith.constant 0 : i32
      %scan3A_45 = arith.constant 0 : i32
      %scan3A_46 = arith.constant 80 : i32
      %scan3A_47 = arith.addi %scan3A_45, %scan3A_46 : i32
      %scan3A_48 = arith.constant 1 : i32
      scf.for %scan3A_50 = %scan3A_45 to %scan3A_47 step %scan3A_48  : i32 {
        %get3A = arith.index_cast %scan3A_50 : i32 to index
        %get3A_51 = arith.constant 0 : index
        %get3A_52 = tpu.vector_load %arg11[%get3A, %get3A_51] {strides = array<i32>} : memref<80x128xf32, #tpu.memory_space<vmem>>, vector<1x16xf32>,
        %get3A_53 = vector.shape_cast %get3A_52 : vector<1x16xf32> to vector<16xf32>
        %get3A_54 = arith.index_cast %scan3A_50 : i32 to index
        %get3A_55 = arith.constant 0 : index
        %get3A_56 = tpu.vector_load %arg12[%get3A_54, %get3A_55] {strides = array<i32>} : memref<80x128xf32, #tpu.memory_space<vmem>>, vector<1x16xf32>,
        %get3A_57 = vector.shape_cast %get3A_56 : vector<1x16xf32> to vector<16xf32>
        %add3A_58 = arith.addf %get3A_53, %get3A_57 : vector<16xf32>
        %max3A = arith.constant 0.000000e+00 : f32
        %max3A_59 = vector.broadcast %max3A : f32 to vector<16xf32>
        %max3A_60 = arith.maximumf %add3A_58, %max3A_59 : vector<16xf32>
        %swap3A = arith.index_cast %scan3A_50 : i32 to index
        %swap3A_61 = arith.constant 0 : index
        %swap3A_62 = tpu.vector_load %arg11[%swap3A, %swap3A_61] {strides = array<i32>} : memref<80x128xf32, #tpu.memory_space<vmem>>, vector<1x16xf32>,
        %swap3A_63 = vector.shape_cast %swap3A_62 : vector<1x16xf32> to vector<16xf32>
        %swap3A_64 = vector.shape_cast %max3A_60 : vector<16xf32> to vector<1x16xf32>
        tpu.vector_store %arg11[%swap3A, %swap3A_61], %swap3A_64 {strides = array<i32>} : memref<80x128xf32, #tpu.memory_space<vmem>>, vector<1x16xf32>,
        %get3A_65 = arith.index_cast %scan3A_50 : i32 to index
        %get3A_66 = arith.constant 16 : index
        %get3A_67 = tpu.vector_load %arg11[%get3A_65, %get3A_66] {strides = array<i32>} : memref<80x128xf32, #tpu.memory_space<vmem>>, vector<1x16xf32>,
        %get3A_68 = vector.shape_cast %get3A_67 : vector<1x16xf32> to vector<16xf32>
        %get3A_69 = arith.index_cast %scan3A_50 : i32 to index
        %get3A_70 = arith.constant 16 : index
        %get3A_71 = tpu.vector_load %arg12[%get3A_69, %get3A_70] {strides = array<i32>} : memref<80x128xf32, #tpu.memory_space<vmem>>, vector<1x16xf32>,
        %get3A_72 = vector.shape_cast %get3A_71 : vector<1x16xf32> to vector<16xf32>
        %add3A_73 = arith.addf %get3A_68, %get3A_72 : vector<16xf32>
        %max3A_74 = arith.constant 0.000000e+00 : f32
        %max3A_75 = vector.broadcast %max3A_74 : f32 to vector<16xf32>
        %max3A_76 = arith.maximumf %add3A_73, %max3A_75 : vector<16xf32>
        %swap3A_77 = arith.index_cast %scan3A_50 : i32 to index
        %swap3A_78 = arith.constant 16 : index
        %swap3A_79 = tpu.vector_load %arg11[%swap3A_77, %swap3A_78] {strides = array<i32>} : memref<80x128xf32, #tpu.memory_space<vmem>>, vector<1x16xf32>,
        %swap3A_80 = vector.shape_cast %swap3A_79 : vector<1x16xf32> to vector<16xf32>
        %swap3A_81 = vector.shape_cast %max3A_76 : vector<16xf32> to vector<1x16xf32>
        tpu.vector_store %arg11[%swap3A_77, %swap3A_78], %swap3A_81 {strides = array<i32>} : memref<80x128xf32, #tpu.memory_space<vmem>>, vector<1x16xf32>,
        %get3A_82 = arith.index_cast %scan3A_50 : i32 to index
        %get3A_83 = arith.constant 32 : index
        %get3A_84 = tpu.vector_load %arg11[%get3A_82, %get3A_83] {strides = array<i32>} : memref<80x128xf32, #tpu.memory_space<vmem>>, vector<1x16xf32>,
        %get3A_85 = vector.shape_cast %get3A_84 : vector<1x16xf32> to vector<16xf32>
        %get3A_86 = arith.index_cast %scan3A_50 : i32 to index
        %get3A_87 = arith.constant 32 : index
        %get3A_88 = tpu.vector_load %arg12[%get3A_86, %get3A_87] {strides = array<i32>} : memref<80x128xf32, #tpu.memory_space<vmem>>, vector<1x16xf32>,
        %get3A_89 = vector.shape_cast %get3A_88 : vector<1x16xf32> to vector<16xf32>
        %add3A_90 = arith.addf %get3A_85, %get3A_89 : vector<16xf32>
        %max3A_91 = arith.constant 0.000000e+00 : f32
        %max3A_92 = vector.broadcast %max3A_91 : f32 to vector<16xf32>
        %max3A_93 = arith.maximumf %add3A_90, %max3A_92 : vector<16xf32>
        %swap3A_94 = arith.index_cast %scan3A_50 : i32 to index
        %swap3A_95 = arith.constant 32 : index
        %swap3A_96 = tpu.vector_load %arg11[%swap3A_94, %swap3A_95] {strides = array<i32>} : memref<80x128xf32, #tpu.memory_space<vmem>>, vector<1x16xf32>,
        %swap3A_97 = vector.shape_cast %swap3A_96 : vector<1x16xf32> to vector<16xf32>
        %swap3A_98 = vector.shape_cast %max3A_93 : vector<16xf32> to vector<1x16xf32>
        tpu.vector_store %arg11[%swap3A_94, %swap3A_95], %swap3A_98 {strides = array<i32>} : memref<80x128xf32, #tpu.memory_space<vmem>>, vector<1x16xf32>,
        %get3A_99 = arith.index_cast %scan3A_50 : i32 to index
        %get3A_100 = arith.constant 48 : index
        %get3A_101 = tpu.vector_load %arg11[%get3A_99, %get3A_100] {strides = array<i32>} : memref<80x128xf32, #tpu.memory_space<vmem>>, vector<1x16xf32>,
        %get3A_102 = vector.shape_cast %get3A_101 : vector<1x16xf32> to vector<16xf32>
        %get3A_103 = arith.index_cast %scan3A_50 : i32 to index
        %get3A_104 = arith.constant 48 : index
        %get3A_105 = tpu.vector_load %arg12[%get3A_103, %get3A_104] {strides = array<i32>} : memref<80x128xf32, #tpu.memory_space<vmem>>, vector<1x16xf32>,
        %get3A_106 = vector.shape_cast %get3A_105 : vector<1x16xf32> to vector<16xf32>
        %add3A_107 = arith.addf %get3A_102, %get3A_106 : vector<16xf32>
        %max3A_108 = arith.constant 0.000000e+00 : f32
        %max3A_109 = vector.broadcast %max3A_108 : f32 to vector<16xf32>
        %max3A_110 = arith.maximumf %add3A_107, %max3A_109 : vector<16xf32>
        %swap3A_111 = arith.index_cast %scan3A_50 : i32 to index
        %swap3A_112 = arith.constant 48 : index
        %swap3A_113 = tpu.vector_load %arg11[%swap3A_111, %swap3A_112] {strides = array<i32>} : memref<80x128xf32, #tpu.memory_space<vmem>>, vector<1x16xf32>,
        %swap3A_114 = vector.shape_cast %swap3A_113 : vector<1x16xf32> to vector<16xf32>
        %swap3A_115 = vector.shape_cast %max3A_110 : vector<16xf32> to vector<1x16xf32>
        tpu.vector_store %arg11[%swap3A_111, %swap3A_112], %swap3A_115 {strides = array<i32>} : memref<80x128xf32, #tpu.memory_space<vmem>>, vector<1x16xf32>,
        %get3A_116 = arith.index_cast %scan3A_50 : i32 to index
        %get3A_117 = arith.constant 64 : index
        %get3A_118 = tpu.vector_load %arg11[%get3A_116, %get3A_117] {strides = array<i32>} : memref<80x128xf32, #tpu.memory_space<vmem>>, vector<1x16xf32>,
        %get3A_119 = vector.shape_cast %get3A_118 : vector<1x16xf32> to vector<16xf32>
        %get3A_120 = arith.index_cast %scan3A_50 : i32 to index
        %get3A_121 = arith.constant 64 : index
        %get3A_122 = tpu.vector_load %arg12[%get3A_120, %get3A_121] {strides = array<i32>} : memref<80x128xf32, #tpu.memory_space<vmem>>, vector<1x16xf32>,
        %get3A_123 = vector.shape_cast %get3A_122 : vector<1x16xf32> to vector<16xf32>
        %add3A_124 = arith.addf %get3A_119, %get3A_123 : vector<16xf32>
        %max3A_125 = arith.constant 0.000000e+00 : f32
        %max3A_126 = vector.broadcast %max3A_125 : f32 to vector<16xf32>
        %max3A_127 = arith.maximumf %add3A_124, %max3A_126 : vector<16xf32>
        %swap3A_128 = arith.index_cast %scan3A_50 : i32 to index
        %swap3A_129 = arith.constant 64 : index
        %swap3A_130 = tpu.vector_load %arg11[%swap3A_128, %swap3A_129] {strides = array<i32>} : memref<80x128xf32, #tpu.memory_space<vmem>>, vector<1x16xf32>,
        %swap3A_131 = vector.shape_cast %swap3A_130 : vector<1x16xf32> to vector<16xf32>
        %swap3A_132 = vector.shape_cast %max3A_127 : vector<16xf32> to vector<1x16xf32>
        tpu.vector_store %arg11[%swap3A_128, %swap3A_129], %swap3A_132 {strides = array<i32>} : memref<80x128xf32, #tpu.memory_space<vmem>>, vector<1x16xf32>,
        %get3A_133 = arith.index_cast %scan3A_50 : i32 to index
        %get3A_134 = arith.constant 80 : index
        %get3A_135 = tpu.vector_load %arg11[%get3A_133, %get3A_134] {strides = array<i32>} : memref<80x128xf32, #tpu.memory_space<vmem>>, vector<1x16xf32>,
        %get3A_136 = vector.shape_cast %get3A_135 : vector<1x16xf32> to vector<16xf32>
        %get3A_137 = arith.index_cast %scan3A_50 : i32 to index
        %get3A_138 = arith.constant 80 : index
        %get3A_139 = tpu.vector_load %arg12[%get3A_137, %get3A_138] {strides = array<i32>} : memref<80x128xf32, #tpu.memory_space<vmem>>, vector<1x16xf32>,
        %get3A_140 = vector.shape_cast %get3A_139 : vector<1x16xf32> to vector<16xf32>
        %add3A_141 = arith.addf %get3A_136, %get3A_140 : vector<16xf32>
        %max3A_142 = arith.constant 0.000000e+00 : f32
        %max3A_143 = vector.broadcast %max3A_142 : f32 to vector<16xf32>
        %max3A_144 = arith.maximumf %add3A_141, %max3A_143 : vector<16xf32>
        %swap3A_145 = arith.index_cast %scan3A_50 : i32 to index
        %swap3A_146 = arith.constant 80 : index
        %swap3A_147 = tpu.vector_load %arg11[%swap3A_145, %swap3A_146] {strides = array<i32>} : memref<80x128xf32, #tpu.memory_space<vmem>>, vector<1x16xf32>,
        %swap3A_148 = vector.shape_cast %swap3A_147 : vector<1x16xf32> to vector<16xf32>
        %swap3A_149 = vector.shape_cast %max3A_144 : vector<16xf32> to vector<1x16xf32>
        tpu.vector_store %arg11[%swap3A_145, %swap3A_146], %swap3A_149 {strides = array<i32>} : memref<80x128xf32, #tpu.memory_space<vmem>>, vector<1x16xf32>,
        %get3A_150 = arith.index_cast %scan3A_50 : i32 to index
        %get3A_151 = arith.constant 96 : index
        %get3A_152 = tpu.vector_load %arg11[%get3A_150, %get3A_151] {strides = array<i32>} : memref<80x128xf32, #tpu.memory_space<vmem>>, vector<1x16xf32>,
        %get3A_153 = vector.shape_cast %get3A_152 : vector<1x16xf32> to vector<16xf32>
        %get3A_154 = arith.index_cast %scan3A_50 : i32 to index
        %get3A_155 = arith.constant 96 : index
        %get3A_156 = tpu.vector_load %arg12[%get3A_154, %get3A_155] {strides = array<i32>} : memref<80x128xf32, #tpu.memory_space<vmem>>, vector<1x16xf32>,
        %get3A_157 = vector.shape_cast %get3A_156 : vector<1x16xf32> to vector<16xf32>
        %add3A_158 = arith.addf %get3A_153, %get3A_157 : vector<16xf32>
        %max3A_159 = arith.constant 0.000000e+00 : f32
        %max3A_160 = vector.broadcast %max3A_159 : f32 to vector<16xf32>
        %max3A_161 = arith.maximumf %add3A_158, %max3A_160 : vector<16xf32>
        %swap3A_162 = arith.index_cast %scan3A_50 : i32 to index
        %swap3A_163 = arith.constant 96 : index
        %swap3A_164 = tpu.vector_load %arg11[%swap3A_162, %swap3A_163] {strides = array<i32>} : memref<80x128xf32, #tpu.memory_space<vmem>>, vector<1x16xf32>,
        %swap3A_165 = vector.shape_cast %swap3A_164 : vector<1x16xf32> to vector<16xf32>
        %swap3A_166 = vector.shape_cast %max3A_161 : vector<16xf32> to vector<1x16xf32>
        tpu.vector_store %arg11[%swap3A_162, %swap3A_163], %swap3A_166 {strides = array<i32>} : memref<80x128xf32, #tpu.memory_space<vmem>>, vector<1x16xf32>,
        %get3A_167 = arith.index_cast %scan3A_50 : i32 to index
        %get3A_168 = arith.constant 112 : index
        %get3A_169 = tpu.vector_load %arg11[%get3A_167, %get3A_168] {strides = array<i32>} : memref<80x128xf32, #tpu.memory_space<vmem>>, vector<1x16xf32>,
        %get3A_170 = vector.shape_cast %get3A_169 : vector<1x16xf32> to vector<16xf32>
        %get3A_171 = arith.index_cast %scan3A_50 : i32 to index
        %get3A_172 = arith.constant 112 : index
        %get3A_173 = tpu.vector_load %arg12[%get3A_171, %get3A_172] {strides = array<i32>} : memref<80x128xf32, #tpu.memory_space<vmem>>, vector<1x16xf32>,
        %get3A_174 = vector.shape_cast %get3A_173 : vector<1x16xf32> to vector<16xf32>
        %add3A_175 = arith.addf %get3A_170, %get3A_174 : vector<16xf32>
        %max3A_176 = arith.constant 0.000000e+00 : f32
        %max3A_177 = vector.broadcast %max3A_176 : f32 to vector<16xf32>
        %max3A_178 = arith.maximumf %add3A_175, %max3A_177 : vector<16xf32>
        %swap3A_179 = arith.index_cast %scan3A_50 : i32 to index
        %swap3A_180 = arith.constant 112 : index
        %swap3A_181 = tpu.vector_load %arg11[%swap3A_179, %swap3A_180] {strides = array<i32>} : memref<80x128xf32, #tpu.memory_space<vmem>>, vector<1x16xf32>,
        %swap3A_182 = vector.shape_cast %swap3A_181 : vector<1x16xf32> to vector<16xf32>
        %swap3A_183 = vector.shape_cast %max3A_178 : vector<16xf32> to vector<1x16xf32>
        tpu.vector_store %arg11[%swap3A_179, %swap3A_180], %swap3A_183 {strides = array<i32>} : memref<80x128xf32, #tpu.memory_space<vmem>>, vector<1x16xf32>,
      }
      %scan3A_49 = arith.constant 80 : i32
      "tpu.region"() ({
        %run_scoped3A = tpu.sem_alloc : memref<!tpu.dma_semaphore, #tpu.memory_space<semaphore_mem>>
        %dma_start3A_50 = arith.constant 0 : i32
        %dma_start3A_51 = arith.constant 0 : i32
        %dma_start3A_52 = tpu.memref_slice %arg13[%dma_start3A_50, %dma_start3A_51] : memref<10240x128xf32, #tpu.memory_space<vmem_shared>> -> memref<10240x128xf32, #tpu.memory_space<vmem_shared>>
        tpu.enqueue_indirect_dma source(%arg11 : memref<80x128xf32, #tpu.memory_space<vmem>>) target(%dma_start3A_52 : memref<10240x128xf32, #tpu.memory_space<vmem_shared>>) offsets(%arg10 : memref<80xi32, #tpu.memory_space<vmem>>) semaphore(%run_scoped3A : memref<!tpu.dma_semaphore, #tpu.memory_space<semaphore_mem>>) {add = true}
        %dma_wait3A_53 = arith.constant 0 : i32
        %dma_wait3A_54 = arith.constant 0 : i32
        %dma_wait3A_55 = tpu.memref_slice %arg13[%dma_wait3A_53, %dma_wait3A_54] : memref<10240x128xf32, #tpu.memory_space<vmem_shared>> -> memref<10240x128xf32, #tpu.memory_space<vmem_shared>>
        tpu.wait_indirect_dma semaphore(%run_scoped3A : memref<!tpu.dma_semaphore, #tpu.memory_space<semaphore_mem>>) src(%arg11 : memref<80x128xf32, #tpu.memory_space<vmem>>) dst(%dma_wait3A_55 : memref<10240x128xf32, #tpu.memory_space<vmem_shared>>)
        tpu.yield
      }) : () -> ()
    }
    %scan3A_16 = arith.constant 125 : i32
    %barrier3A_17 = arith.constant 0 : index
    tpu.barrier barrier_id(%barrier3A_17)
    %scan3A_18 = arith.constant 0 : i32
    %scan3A_19 = arith.constant 0 : i32
    %scan3A_20 = arith.constant 8 : i32
    %scan3A_21 = arith.addi %scan3A_19, %scan3A_20 : i32
    %scan3A_22 = arith.constant 1 : i32
    scf.for %scan3A_24 = %scan3A_19 to %scan3A_21 step %scan3A_22  : i32 {
      %mul3A = arith.constant 640 : i32
      %mul3A_25 = arith.muli %arg1, %mul3A : i32
      %mul3A_26 = arith.constant 80 : i32
      %mul3A_27 = arith.muli %scan3A_24, %mul3A_26 : i32
      %add3A = arith.addi %mul3A_25, %mul3A_27 : i32
      "tpu.region"() ({
        %run_scoped3A = tpu.sem_alloc : memref<!tpu.dma_semaphore, #tpu.memory_space<semaphore_mem>>
        %dma_start3A = arith.constant 0 : i32
        %dma_start3A_28 = tpu.memref_slice %arg13[%add3A, %dma_start3A] : memref<10240x128xf32, #tpu.memory_space<vmem_shared>> -> memref<80x128xf32, #tpu.memory_space<vmem_shared>>
        %dma_start3A_29 = arith.constant 0 : i32
        %dma_start3A_30 = tpu.memref_slice %arg13[%add3A, %dma_start3A_29] : memref<10240x128xf32, #tpu.memory_space<vmem_shared>> -> memref<80x128xf32, #tpu.memory_space<vmem_shared>>
        tpu.enqueue_dma source(%dma_start3A_30 : memref<80x128xf32, #tpu.memory_space<vmem_shared>>) target(%arg12 : memref<80x128xf32, #tpu.memory_space<vmem>>) target_semaphore(%run_scoped3A : memref<!tpu.dma_semaphore, #tpu.memory_space<semaphore_mem>>)
        %dma_wait3A = arith.constant 0 : i32
        %dma_wait3A_31 = tpu.memref_slice %arg13[%add3A, %dma_wait3A] : memref<10240x128xf32, #tpu.memory_space<vmem_shared>> -> memref<80x128xf32, #tpu.memory_space<vmem_shared>>
        %dma_wait3A_32 = arith.constant 0 : i32
        %dma_wait3A_33 = tpu.memref_slice %arg13[%add3A, %dma_wait3A_32] : memref<10240x128xf32, #tpu.memory_space<vmem_shared>> -> memref<80x128xf32, #tpu.memory_space<vmem_shared>>
        tpu.wait_dma2 semaphore(%run_scoped3A : memref<!tpu.dma_semaphore, #tpu.memory_space<semaphore_mem>>) src(%dma_wait3A_33 : memref<80x128xf32, #tpu.memory_space<vmem_shared>>) dst(%arg12 : memref<80x128xf32, #tpu.memory_space<vmem>>)
        tpu.yield
      }) : () -> ()
      "tpu.region"() ({
        %run_scoped3A = tpu.sem_alloc : memref<!tpu.dma_semaphore, #tpu.memory_space<semaphore_mem>>
        %dma_start3A = arith.constant 0 : i32
        %dma_start3A_28 = tpu.memref_slice %arg7[%arg0, %add3A, %dma_start3A] : memref<2x10240x128xf32, #tpu.memory_space<hbm>> -> memref<1x80x128xf32, #tpu.memory_space<hbm>>
        %dma_start3A_29 = tpu.memref_squeeze %dma_start3A_28 : memref<1x80x128xf32, #tpu.memory_space<hbm>> -> memref<80x128xf32, #tpu.memory_space<hbm>>
        %dma_start3A_30 = arith.constant 0 : i32
        %dma_start3A_31 = tpu.memref_slice %arg7[%arg0, %add3A, %dma_start3A_30] : memref<2x10240x128xf32, #tpu.memory_space<hbm>> -> memref<1x80x128xf32, #tpu.memory_space<hbm>>
        %dma_start3A_32 = tpu.memref_squeeze %dma_start3A_31 : memref<1x80x128xf32, #tpu.memory_space<hbm>> -> memref<80x128xf32, #tpu.memory_space<hbm>>
        tpu.enqueue_dma source(%arg12 : memref<80x128xf32, #tpu.memory_space<vmem>>) target(%dma_start3A_32 : memref<80x128xf32, #tpu.memory_space<hbm>>) target_semaphore(%run_scoped3A : memref<!tpu.dma_semaphore, #tpu.memory_space<semaphore_mem>>)
        %dma_wait3A = arith.constant 0 : i32
        %dma_wait3A_33 = tpu.memref_slice %arg7[%arg0, %add3A, %dma_wait3A] : memref<2x10240x128xf32, #tpu.memory_space<hbm>> -> memref<1x80x128xf32, #tpu.memory_space<hbm>>
        %dma_wait3A_34 = tpu.memref_squeeze %dma_wait3A_33 : memref<1x80x128xf32, #tpu.memory_space<hbm>> -> memref<80x128xf32, #tpu.memory_space<hbm>>
        %dma_wait3A_35 = arith.constant 0 : i32
        %dma_wait3A_36 = tpu.memref_slice %arg7[%arg0, %add3A, %dma_wait3A_35] : memref<2x10240x128xf32, #tpu.memory_space<hbm>> -> memref<1x80x128xf32, #tpu.memory_space<hbm>>
        %dma_wait3A_37 = tpu.memref_squeeze %dma_wait3A_36 : memref<1x80x128xf32, #tpu.memory_space<hbm>> -> memref<80x128xf32, #tpu.memory_space<hbm>>
        tpu.wait_dma2 semaphore(%run_scoped3A : memref<!tpu.dma_semaphore, #tpu.memory_space<semaphore_mem>>) src(%arg12 : memref<80x128xf32, #tpu.memory_space<vmem>>) dst(%dma_wait3A_37 : memref<80x128xf32, #tpu.memory_space<hbm>>)
        tpu.yield
      }) : () -> ()
    }
    %scan3A_23 = arith.constant 8 : i32
    return
  }
}

#map = affine_map<(d0, d1) -> (0, 0)>
#map1 = affine_map<(d0, d1) -> (0)>
#map2 = affine_map<(d0, d1) -> (0, 0, 0)>
module attributes {stable_mosaic.version = 14 : i64} {
  func.func @_sc_message(%arg0: i32, %arg1: i32, %arg2: memref<20000x128xf32, #tpu.memory_space<hbm>>, %arg3: memref<320000x128xf32, #tpu.memory_space<hbm>>, %arg4: memref<320000xi32, #tpu.memory_space<hbm>>, %arg5: memref<320000xi32, #tpu.memory_space<hbm>>, %arg6: memref<160000xi32, #tpu.memory_space<hbm>>, %arg7: memref<2x10240x128xf32, #tpu.memory_space<hbm>>, %arg8: memref<80xi32, #tpu.memory_space<vmem>>, %arg9: memref<80xi32, #tpu.memory_space<vmem>>, %arg10: memref<80xi32, #tpu.memory_space<vmem>>, %arg11: memref<80x128xf32, #tpu.memory_space<vmem>>, %arg12: memref<80x128xf32, #tpu.memory_space<vmem>>, %arg13: memref<10240x128xf32, #tpu.memory_space<vmem_shared>>, %arg14: memref<!tpu.dma_semaphore, #tpu.memory_space<semaphore_mem>>, %arg15: memref<!tpu.dma_semaphore, #tpu.memory_space<semaphore_mem>>) attributes {dimension_semantics = [#tpu.dimension_semantics<core_parallel>, #tpu.dimension_semantics<subcore_parallel>], iteration_bounds = array<i64: 2, 16>, scalar_prefetch = 0 : i64, scratch_operands = 8 : i64, tpu.core_type = #tpu.core_type<sc_vector_subcore>, window_params = [{transform_indices = #map}, {transform_indices = #map}, {transform_indices = #map1}, {transform_indices = #map1}, {transform_indices = #map1}, {transform_indices = #map2}]} {
    %scan3A = arith.constant 0 : i32
    %scan3A_0 = arith.constant 0 : i32
    %scan3A_1 = arith.constant 80 : i32
    %scan3A_2 = arith.addi %scan3A_0, %scan3A_1 : i32
    %scan3A_3 = arith.constant 1 : i32
    scf.for %scan3A_24 = %scan3A_0 to %scan3A_2 step %scan3A_3  : i32 {
      %broadcast_in_dim3A = arith.constant 0.000000e+00 : f32
      %broadcast_in_dim3A_25 = vector.broadcast %broadcast_in_dim3A : f32 to vector<16xf32>
      %swap3A = arith.index_cast %scan3A_24 : i32 to index
      %swap3A_26 = arith.constant 0 : index
      %swap3A_27 = tpu.vector_load %arg11[%swap3A, %swap3A_26] {strides = array<i32>} : memref<80x128xf32, #tpu.memory_space<vmem>>, vector<1x16xf32>,
      %swap3A_28 = vector.shape_cast %swap3A_27 : vector<1x16xf32> to vector<16xf32>
      %swap3A_29 = vector.shape_cast %broadcast_in_dim3A_25 : vector<16xf32> to vector<1x16xf32>
      tpu.vector_store %arg11[%swap3A, %swap3A_26], %swap3A_29 {strides = array<i32>} : memref<80x128xf32, #tpu.memory_space<vmem>>, vector<1x16xf32>,
      %broadcast_in_dim3A_30 = arith.constant 0.000000e+00 : f32
      %broadcast_in_dim3A_31 = vector.broadcast %broadcast_in_dim3A_30 : f32 to vector<16xf32>
      %swap3A_32 = arith.index_cast %scan3A_24 : i32 to index
      %swap3A_33 = arith.constant 16 : index
      %swap3A_34 = tpu.vector_load %arg11[%swap3A_32, %swap3A_33] {strides = array<i32>} : memref<80x128xf32, #tpu.memory_space<vmem>>, vector<1x16xf32>,
      %swap3A_35 = vector.shape_cast %swap3A_34 : vector<1x16xf32> to vector<16xf32>
      %swap3A_36 = vector.shape_cast %broadcast_in_dim3A_31 : vector<16xf32> to vector<1x16xf32>
      tpu.vector_store %arg11[%swap3A_32, %swap3A_33], %swap3A_36 {strides = array<i32>} : memref<80x128xf32, #tpu.memory_space<vmem>>, vector<1x16xf32>,
      %broadcast_in_dim3A_37 = arith.constant 0.000000e+00 : f32
      %broadcast_in_dim3A_38 = vector.broadcast %broadcast_in_dim3A_37 : f32 to vector<16xf32>
      %swap3A_39 = arith.index_cast %scan3A_24 : i32 to index
      %swap3A_40 = arith.constant 32 : index
      %swap3A_41 = tpu.vector_load %arg11[%swap3A_39, %swap3A_40] {strides = array<i32>} : memref<80x128xf32, #tpu.memory_space<vmem>>, vector<1x16xf32>,
      %swap3A_42 = vector.shape_cast %swap3A_41 : vector<1x16xf32> to vector<16xf32>
      %swap3A_43 = vector.shape_cast %broadcast_in_dim3A_38 : vector<16xf32> to vector<1x16xf32>
      tpu.vector_store %arg11[%swap3A_39, %swap3A_40], %swap3A_43 {strides = array<i32>} : memref<80x128xf32, #tpu.memory_space<vmem>>, vector<1x16xf32>,
      %broadcast_in_dim3A_44 = arith.constant 0.000000e+00 : f32
      %broadcast_in_dim3A_45 = vector.broadcast %broadcast_in_dim3A_44 : f32 to vector<16xf32>
      %swap3A_46 = arith.index_cast %scan3A_24 : i32 to index
      %swap3A_47 = arith.constant 48 : index
      %swap3A_48 = tpu.vector_load %arg11[%swap3A_46, %swap3A_47] {strides = array<i32>} : memref<80x128xf32, #tpu.memory_space<vmem>>, vector<1x16xf32>,
      %swap3A_49 = vector.shape_cast %swap3A_48 : vector<1x16xf32> to vector<16xf32>
      %swap3A_50 = vector.shape_cast %broadcast_in_dim3A_45 : vector<16xf32> to vector<1x16xf32>
      tpu.vector_store %arg11[%swap3A_46, %swap3A_47], %swap3A_50 {strides = array<i32>} : memref<80x128xf32, #tpu.memory_space<vmem>>, vector<1x16xf32>,
      %broadcast_in_dim3A_51 = arith.constant 0.000000e+00 : f32
      %broadcast_in_dim3A_52 = vector.broadcast %broadcast_in_dim3A_51 : f32 to vector<16xf32>
      %swap3A_53 = arith.index_cast %scan3A_24 : i32 to index
      %swap3A_54 = arith.constant 64 : index
      %swap3A_55 = tpu.vector_load %arg11[%swap3A_53, %swap3A_54] {strides = array<i32>} : memref<80x128xf32, #tpu.memory_space<vmem>>, vector<1x16xf32>,
      %swap3A_56 = vector.shape_cast %swap3A_55 : vector<1x16xf32> to vector<16xf32>
      %swap3A_57 = vector.shape_cast %broadcast_in_dim3A_52 : vector<16xf32> to vector<1x16xf32>
      tpu.vector_store %arg11[%swap3A_53, %swap3A_54], %swap3A_57 {strides = array<i32>} : memref<80x128xf32, #tpu.memory_space<vmem>>, vector<1x16xf32>,
      %broadcast_in_dim3A_58 = arith.constant 0.000000e+00 : f32
      %broadcast_in_dim3A_59 = vector.broadcast %broadcast_in_dim3A_58 : f32 to vector<16xf32>
      %swap3A_60 = arith.index_cast %scan3A_24 : i32 to index
      %swap3A_61 = arith.constant 80 : index
      %swap3A_62 = tpu.vector_load %arg11[%swap3A_60, %swap3A_61] {strides = array<i32>} : memref<80x128xf32, #tpu.memory_space<vmem>>, vector<1x16xf32>,
      %swap3A_63 = vector.shape_cast %swap3A_62 : vector<1x16xf32> to vector<16xf32>
      %swap3A_64 = vector.shape_cast %broadcast_in_dim3A_59 : vector<16xf32> to vector<1x16xf32>
      tpu.vector_store %arg11[%swap3A_60, %swap3A_61], %swap3A_64 {strides = array<i32>} : memref<80x128xf32, #tpu.memory_space<vmem>>, vector<1x16xf32>,
      %broadcast_in_dim3A_65 = arith.constant 0.000000e+00 : f32
      %broadcast_in_dim3A_66 = vector.broadcast %broadcast_in_dim3A_65 : f32 to vector<16xf32>
      %swap3A_67 = arith.index_cast %scan3A_24 : i32 to index
      %swap3A_68 = arith.constant 96 : index
      %swap3A_69 = tpu.vector_load %arg11[%swap3A_67, %swap3A_68] {strides = array<i32>} : memref<80x128xf32, #tpu.memory_space<vmem>>, vector<1x16xf32>,
      %swap3A_70 = vector.shape_cast %swap3A_69 : vector<1x16xf32> to vector<16xf32>
      %swap3A_71 = vector.shape_cast %broadcast_in_dim3A_66 : vector<16xf32> to vector<1x16xf32>
      tpu.vector_store %arg11[%swap3A_67, %swap3A_68], %swap3A_71 {strides = array<i32>} : memref<80x128xf32, #tpu.memory_space<vmem>>, vector<1x16xf32>,
      %broadcast_in_dim3A_72 = arith.constant 0.000000e+00 : f32
      %broadcast_in_dim3A_73 = vector.broadcast %broadcast_in_dim3A_72 : f32 to vector<16xf32>
      %swap3A_74 = arith.index_cast %scan3A_24 : i32 to index
      %swap3A_75 = arith.constant 112 : index
      %swap3A_76 = tpu.vector_load %arg11[%swap3A_74, %swap3A_75] {strides = array<i32>} : memref<80x128xf32, #tpu.memory_space<vmem>>, vector<1x16xf32>,
      %swap3A_77 = vector.shape_cast %swap3A_76 : vector<1x16xf32> to vector<16xf32>
      %swap3A_78 = vector.shape_cast %broadcast_in_dim3A_73 : vector<16xf32> to vector<1x16xf32>
      tpu.vector_store %arg11[%swap3A_74, %swap3A_75], %swap3A_78 {strides = array<i32>} : memref<80x128xf32, #tpu.memory_space<vmem>>, vector<1x16xf32>,
    }
    %scan3A_4 = arith.constant 80 : i32
    %scan3A_5 = arith.constant 0 : i32
    %scan3A_6 = arith.constant 0 : i32
    %scan3A_7 = arith.constant 8 : i32
    %scan3A_8 = arith.addi %scan3A_6, %scan3A_7 : i32
    %scan3A_9 = arith.constant 1 : i32
    scf.for %scan3A_24 = %scan3A_6 to %scan3A_8 step %scan3A_9  : i32 {
      %mul3A = arith.constant 640 : i32
      %mul3A_25 = arith.muli %arg1, %mul3A : i32
      %mul3A_26 = arith.constant 80 : i32
      %mul3A_27 = arith.muli %scan3A_24, %mul3A_26 : i32
      %add3A = arith.addi %mul3A_25, %mul3A_27 : i32
      "tpu.region"() ({
        %run_scoped3A = tpu.sem_alloc : memref<!tpu.dma_semaphore, #tpu.memory_space<semaphore_mem>>
        %dma_start3A = arith.constant 0 : i32
        %dma_start3A_28 = tpu.memref_slice %arg13[%add3A, %dma_start3A] : memref<10240x128xf32, #tpu.memory_space<vmem_shared>> -> memref<80x128xf32, #tpu.memory_space<vmem_shared>>
        %dma_start3A_29 = arith.constant 0 : i32
        %dma_start3A_30 = tpu.memref_slice %arg13[%add3A, %dma_start3A_29] : memref<10240x128xf32, #tpu.memory_space<vmem_shared>> -> memref<80x128xf32, #tpu.memory_space<vmem_shared>>
        tpu.enqueue_dma source(%arg11 : memref<80x128xf32, #tpu.memory_space<vmem>>) target(%dma_start3A_30 : memref<80x128xf32, #tpu.memory_space<vmem_shared>>) target_semaphore(%run_scoped3A : memref<!tpu.dma_semaphore, #tpu.memory_space<semaphore_mem>>)
        %dma_wait3A = arith.constant 0 : i32
        %dma_wait3A_31 = tpu.memref_slice %arg13[%add3A, %dma_wait3A] : memref<10240x128xf32, #tpu.memory_space<vmem_shared>> -> memref<80x128xf32, #tpu.memory_space<vmem_shared>>
        %dma_wait3A_32 = arith.constant 0 : i32
        %dma_wait3A_33 = tpu.memref_slice %arg13[%add3A, %dma_wait3A_32] : memref<10240x128xf32, #tpu.memory_space<vmem_shared>> -> memref<80x128xf32, #tpu.memory_space<vmem_shared>>
        tpu.wait_dma2 semaphore(%run_scoped3A : memref<!tpu.dma_semaphore, #tpu.memory_space<semaphore_mem>>) src(%arg11 : memref<80x128xf32, #tpu.memory_space<vmem>>) dst(%dma_wait3A_33 : memref<80x128xf32, #tpu.memory_space<vmem_shared>>)
        tpu.yield
      }) : () -> ()
    }
    %scan3A_10 = arith.constant 8 : i32
    %barrier3A = arith.constant 0 : index
    tpu.barrier barrier_id(%barrier3A)
    %scan3A_11 = arith.constant 0 : i32
    %scan3A_12 = arith.constant 0 : i32
    %scan3A_13 = arith.constant 125 : i32
    %scan3A_14 = arith.addi %scan3A_12, %scan3A_13 : i32
    %scan3A_15 = arith.constant 1 : i32
    scf.for %scan3A_24 = %scan3A_12 to %scan3A_14 step %scan3A_15  : i32 {
      %mul3A = arith.constant 10000 : i32
      %mul3A_25 = arith.muli %arg1, %mul3A : i32
      %mul3A_26 = arith.constant 80 : i32
      %mul3A_27 = arith.muli %scan3A_24, %mul3A_26 : i32
      %add3A = arith.addi %mul3A_25, %mul3A_27 : i32
      %mul3A_28 = arith.constant 160000 : i32
      %mul3A_29 = arith.muli %arg0, %mul3A_28 : i32
      %add3A_30 = arith.addi %mul3A_29, %add3A : i32
      "tpu.region"() ({
        %run_scoped3A = tpu.sem_alloc : memref<!tpu.dma_semaphore, #tpu.memory_space<semaphore_mem>>
        %dma_start3A_50 = tpu.memref_slice %arg4[%add3A_30] : memref<320000xi32, #tpu.memory_space<hbm>> -> memref<80xi32, #tpu.memory_space<hbm>>
        %dma_start3A_51 = tpu.memref_slice %arg4[%add3A_30] : memref<320000xi32, #tpu.memory_space<hbm>> -> memref<80xi32, #tpu.memory_space<hbm>>
        tpu.enqueue_dma source(%dma_start3A_51 : memref<80xi32, #tpu.memory_space<hbm>>) target(%arg8 : memref<80xi32, #tpu.memory_space<vmem>>) target_semaphore(%run_scoped3A : memref<!tpu.dma_semaphore, #tpu.memory_space<semaphore_mem>>)
        %dma_wait3A_52 = tpu.memref_slice %arg4[%add3A_30] : memref<320000xi32, #tpu.memory_space<hbm>> -> memref<80xi32, #tpu.memory_space<hbm>>
        %dma_wait3A_53 = tpu.memref_slice %arg4[%add3A_30] : memref<320000xi32, #tpu.memory_space<hbm>> -> memref<80xi32, #tpu.memory_space<hbm>>
        tpu.wait_dma2 semaphore(%run_scoped3A : memref<!tpu.dma_semaphore, #tpu.memory_space<semaphore_mem>>) src(%dma_wait3A_53 : memref<80xi32, #tpu.memory_space<hbm>>) dst(%arg8 : memref<80xi32, #tpu.memory_space<vmem>>)
        tpu.yield
      }) : () -> ()
      "tpu.region"() ({
        %run_scoped3A = tpu.sem_alloc : memref<!tpu.dma_semaphore, #tpu.memory_space<semaphore_mem>>
        %dma_start3A_50 = tpu.memref_slice %arg6[%add3A] : memref<160000xi32, #tpu.memory_space<hbm>> -> memref<80xi32, #tpu.memory_space<hbm>>
        %dma_start3A_51 = tpu.memref_slice %arg6[%add3A] : memref<160000xi32, #tpu.memory_space<hbm>> -> memref<80xi32, #tpu.memory_space<hbm>>
        tpu.enqueue_dma source(%dma_start3A_51 : memref<80xi32, #tpu.memory_space<hbm>>) target(%arg10 : memref<80xi32, #tpu.memory_space<vmem>>) target_semaphore(%run_scoped3A : memref<!tpu.dma_semaphore, #tpu.memory_space<semaphore_mem>>)
        %dma_wait3A_52 = tpu.memref_slice %arg6[%add3A] : memref<160000xi32, #tpu.memory_space<hbm>> -> memref<80xi32, #tpu.memory_space<hbm>>
        %dma_wait3A_53 = tpu.memref_slice %arg6[%add3A] : memref<160000xi32, #tpu.memory_space<hbm>> -> memref<80xi32, #tpu.memory_space<hbm>>
        tpu.wait_dma2 semaphore(%run_scoped3A : memref<!tpu.dma_semaphore, #tpu.memory_space<semaphore_mem>>) src(%dma_wait3A_53 : memref<80xi32, #tpu.memory_space<hbm>>) dst(%arg10 : memref<80xi32, #tpu.memory_space<vmem>>)
        tpu.yield
      }) : () -> ()
      %mul3A_31 = arith.constant 160000 : i32
      %mul3A_32 = arith.muli %arg0, %mul3A_31 : i32
      %add3A_33 = arith.addi %mul3A_32, %add3A : i32
      "tpu.region"() ({
        %run_scoped3A = tpu.sem_alloc : memref<!tpu.dma_semaphore, #tpu.memory_space<semaphore_mem>>
        %dma_start3A_50 = tpu.memref_slice %arg5[%add3A_33] : memref<320000xi32, #tpu.memory_space<hbm>> -> memref<80xi32, #tpu.memory_space<hbm>>
        %dma_start3A_51 = tpu.memref_slice %arg5[%add3A_33] : memref<320000xi32, #tpu.memory_space<hbm>> -> memref<80xi32, #tpu.memory_space<hbm>>
        tpu.enqueue_dma source(%dma_start3A_51 : memref<80xi32, #tpu.memory_space<hbm>>) target(%arg9 : memref<80xi32, #tpu.memory_space<vmem>>) target_semaphore(%run_scoped3A : memref<!tpu.dma_semaphore, #tpu.memory_space<semaphore_mem>>)
        %dma_wait3A_52 = tpu.memref_slice %arg5[%add3A_33] : memref<320000xi32, #tpu.memory_space<hbm>> -> memref<80xi32, #tpu.memory_space<hbm>>
        %dma_wait3A_53 = tpu.memref_slice %arg5[%add3A_33] : memref<320000xi32, #tpu.memory_space<hbm>> -> memref<80xi32, #tpu.memory_space<hbm>>
        tpu.wait_dma2 semaphore(%run_scoped3A : memref<!tpu.dma_semaphore, #tpu.memory_space<semaphore_mem>>) src(%dma_wait3A_53 : memref<80xi32, #tpu.memory_space<hbm>>) dst(%arg9 : memref<80xi32, #tpu.memory_space<vmem>>)
        tpu.yield
      }) : () -> ()
      %dma_start3A = arith.constant 0 : i32
      %dma_start3A_34 = arith.constant 0 : i32
      %dma_start3A_35 = tpu.memref_slice %arg2[%dma_start3A, %dma_start3A_34] : memref<20000x128xf32, #tpu.memory_space<hbm>> -> memref<20000x128xf32, #tpu.memory_space<hbm>>
      tpu.enqueue_indirect_dma source(%dma_start3A_35 : memref<20000x128xf32, #tpu.memory_space<hbm>>) target(%arg11 : memref<80x128xf32, #tpu.memory_space<vmem>>) offsets(%arg8 : memref<80xi32, #tpu.memory_space<vmem>>) semaphore(%arg14 : memref<!tpu.dma_semaphore, #tpu.memory_space<semaphore_mem>>)
      %dma_start3A_36 = arith.constant 0 : i32
      %dma_start3A_37 = arith.constant 0 : i32
      %dma_start3A_38 = tpu.memref_slice %arg3[%dma_start3A_36, %dma_start3A_37] : memref<320000x128xf32, #tpu.memory_space<hbm>> -> memref<320000x128xf32, #tpu.memory_space<hbm>>
      tpu.enqueue_indirect_dma source(%dma_start3A_38 : memref<320000x128xf32, #tpu.memory_space<hbm>>) target(%arg12 : memref<80x128xf32, #tpu.memory_space<vmem>>) offsets(%arg9 : memref<80xi32, #tpu.memory_space<vmem>>) semaphore(%arg15 : memref<!tpu.dma_semaphore, #tpu.memory_space<semaphore_mem>>)
      %dma_wait3A = arith.constant 0 : i32
      %dma_wait3A_39 = arith.constant 0 : i32
      %dma_wait3A_40 = tpu.memref_slice %arg2[%dma_wait3A, %dma_wait3A_39] : memref<20000x128xf32, #tpu.memory_space<hbm>> -> memref<20000x128xf32, #tpu.memory_space<hbm>>
      tpu.wait_indirect_dma semaphore(%arg14 : memref<!tpu.dma_semaphore, #tpu.memory_space<semaphore_mem>>) src(%dma_wait3A_40 : memref<20000x128xf32, #tpu.memory_space<hbm>>) dst(%arg11 : memref<80x128xf32, #tpu.memory_space<vmem>>)
      %dma_wait3A_41 = arith.constant 0 : i32
      %dma_wait3A_42 = arith.constant 0 : i32
      %dma_wait3A_43 = tpu.memref_slice %arg3[%dma_wait3A_41, %dma_wait3A_42] : memref<320000x128xf32, #tpu.memory_space<hbm>> -> memref<320000x128xf32, #tpu.memory_space<hbm>>
      tpu.wait_indirect_dma semaphore(%arg15 : memref<!tpu.dma_semaphore, #tpu.memory_space<semaphore_mem>>) src(%dma_wait3A_43 : memref<320000x128xf32, #tpu.memory_space<hbm>>) dst(%arg12 : memref<80x128xf32, #tpu.memory_space<vmem>>)
      %scan3A_44 = arith.constant 0 : i32
      %scan3A_45 = arith.constant 0 : i32
      %scan3A_46 = arith.constant 80 : i32
      %scan3A_47 = arith.addi %scan3A_45, %scan3A_46 : i32
      %scan3A_48 = arith.constant 1 : i32
      scf.for %scan3A_50 = %scan3A_45 to %scan3A_47 step %scan3A_48  : i32 {
        %get3A = arith.index_cast %scan3A_50 : i32 to index
        %get3A_51 = arith.constant 0 : index
        %get3A_52 = tpu.vector_load %arg11[%get3A, %get3A_51] {strides = array<i32>} : memref<80x128xf32, #tpu.memory_space<vmem>>, vector<1x16xf32>,
        %get3A_53 = vector.shape_cast %get3A_52 : vector<1x16xf32> to vector<16xf32>
        %get3A_54 = arith.index_cast %scan3A_50 : i32 to index
        %get3A_55 = arith.constant 0 : index
        %get3A_56 = tpu.vector_load %arg12[%get3A_54, %get3A_55] {strides = array<i32>} : memref<80x128xf32, #tpu.memory_space<vmem>>, vector<1x16xf32>,
        %get3A_57 = vector.shape_cast %get3A_56 : vector<1x16xf32> to vector<16xf32>
        %add3A_58 = arith.addf %get3A_53, %get3A_57 : vector<16xf32>
        %max3A = arith.constant 0.000000e+00 : f32
        %max3A_59 = vector.broadcast %max3A : f32 to vector<16xf32>
        %max3A_60 = arith.maximumf %add3A_58, %max3A_59 : vector<16xf32>
        %swap3A = arith.index_cast %scan3A_50 : i32 to index
        %swap3A_61 = arith.constant 0 : index
        %swap3A_62 = tpu.vector_load %arg11[%swap3A, %swap3A_61] {strides = array<i32>} : memref<80x128xf32, #tpu.memory_space<vmem>>, vector<1x16xf32>,
        %swap3A_63 = vector.shape_cast %swap3A_62 : vector<1x16xf32> to vector<16xf32>
        %swap3A_64 = vector.shape_cast %max3A_60 : vector<16xf32> to vector<1x16xf32>
        tpu.vector_store %arg11[%swap3A, %swap3A_61], %swap3A_64 {strides = array<i32>} : memref<80x128xf32, #tpu.memory_space<vmem>>, vector<1x16xf32>,
        %get3A_65 = arith.index_cast %scan3A_50 : i32 to index
        %get3A_66 = arith.constant 16 : index
        %get3A_67 = tpu.vector_load %arg11[%get3A_65, %get3A_66] {strides = array<i32>} : memref<80x128xf32, #tpu.memory_space<vmem>>, vector<1x16xf32>,
        %get3A_68 = vector.shape_cast %get3A_67 : vector<1x16xf32> to vector<16xf32>
        %get3A_69 = arith.index_cast %scan3A_50 : i32 to index
        %get3A_70 = arith.constant 16 : index
        %get3A_71 = tpu.vector_load %arg12[%get3A_69, %get3A_70] {strides = array<i32>} : memref<80x128xf32, #tpu.memory_space<vmem>>, vector<1x16xf32>,
        %get3A_72 = vector.shape_cast %get3A_71 : vector<1x16xf32> to vector<16xf32>
        %add3A_73 = arith.addf %get3A_68, %get3A_72 : vector<16xf32>
        %max3A_74 = arith.constant 0.000000e+00 : f32
        %max3A_75 = vector.broadcast %max3A_74 : f32 to vector<16xf32>
        %max3A_76 = arith.maximumf %add3A_73, %max3A_75 : vector<16xf32>
        %swap3A_77 = arith.index_cast %scan3A_50 : i32 to index
        %swap3A_78 = arith.constant 16 : index
        %swap3A_79 = tpu.vector_load %arg11[%swap3A_77, %swap3A_78] {strides = array<i32>} : memref<80x128xf32, #tpu.memory_space<vmem>>, vector<1x16xf32>,
        %swap3A_80 = vector.shape_cast %swap3A_79 : vector<1x16xf32> to vector<16xf32>
        %swap3A_81 = vector.shape_cast %max3A_76 : vector<16xf32> to vector<1x16xf32>
        tpu.vector_store %arg11[%swap3A_77, %swap3A_78], %swap3A_81 {strides = array<i32>} : memref<80x128xf32, #tpu.memory_space<vmem>>, vector<1x16xf32>,
        %get3A_82 = arith.index_cast %scan3A_50 : i32 to index
        %get3A_83 = arith.constant 32 : index
        %get3A_84 = tpu.vector_load %arg11[%get3A_82, %get3A_83] {strides = array<i32>} : memref<80x128xf32, #tpu.memory_space<vmem>>, vector<1x16xf32>,
        %get3A_85 = vector.shape_cast %get3A_84 : vector<1x16xf32> to vector<16xf32>
        %get3A_86 = arith.index_cast %scan3A_50 : i32 to index
        %get3A_87 = arith.constant 32 : index
        %get3A_88 = tpu.vector_load %arg12[%get3A_86, %get3A_87] {strides = array<i32>} : memref<80x128xf32, #tpu.memory_space<vmem>>, vector<1x16xf32>,
        %get3A_89 = vector.shape_cast %get3A_88 : vector<1x16xf32> to vector<16xf32>
        %add3A_90 = arith.addf %get3A_85, %get3A_89 : vector<16xf32>
        %max3A_91 = arith.constant 0.000000e+00 : f32
        %max3A_92 = vector.broadcast %max3A_91 : f32 to vector<16xf32>
        %max3A_93 = arith.maximumf %add3A_90, %max3A_92 : vector<16xf32>
        %swap3A_94 = arith.index_cast %scan3A_50 : i32 to index
        %swap3A_95 = arith.constant 32 : index
        %swap3A_96 = tpu.vector_load %arg11[%swap3A_94, %swap3A_95] {strides = array<i32>} : memref<80x128xf32, #tpu.memory_space<vmem>>, vector<1x16xf32>,
        %swap3A_97 = vector.shape_cast %swap3A_96 : vector<1x16xf32> to vector<16xf32>
        %swap3A_98 = vector.shape_cast %max3A_93 : vector<16xf32> to vector<1x16xf32>
        tpu.vector_store %arg11[%swap3A_94, %swap3A_95], %swap3A_98 {strides = array<i32>} : memref<80x128xf32, #tpu.memory_space<vmem>>, vector<1x16xf32>,
        %get3A_99 = arith.index_cast %scan3A_50 : i32 to index
        %get3A_100 = arith.constant 48 : index
        %get3A_101 = tpu.vector_load %arg11[%get3A_99, %get3A_100] {strides = array<i32>} : memref<80x128xf32, #tpu.memory_space<vmem>>, vector<1x16xf32>,
        %get3A_102 = vector.shape_cast %get3A_101 : vector<1x16xf32> to vector<16xf32>
        %get3A_103 = arith.index_cast %scan3A_50 : i32 to index
        %get3A_104 = arith.constant 48 : index
        %get3A_105 = tpu.vector_load %arg12[%get3A_103, %get3A_104] {strides = array<i32>} : memref<80x128xf32, #tpu.memory_space<vmem>>, vector<1x16xf32>,
        %get3A_106 = vector.shape_cast %get3A_105 : vector<1x16xf32> to vector<16xf32>
        %add3A_107 = arith.addf %get3A_102, %get3A_106 : vector<16xf32>
        %max3A_108 = arith.constant 0.000000e+00 : f32
        %max3A_109 = vector.broadcast %max3A_108 : f32 to vector<16xf32>
        %max3A_110 = arith.maximumf %add3A_107, %max3A_109 : vector<16xf32>
        %swap3A_111 = arith.index_cast %scan3A_50 : i32 to index
        %swap3A_112 = arith.constant 48 : index
        %swap3A_113 = tpu.vector_load %arg11[%swap3A_111, %swap3A_112] {strides = array<i32>} : memref<80x128xf32, #tpu.memory_space<vmem>>, vector<1x16xf32>,
        %swap3A_114 = vector.shape_cast %swap3A_113 : vector<1x16xf32> to vector<16xf32>
        %swap3A_115 = vector.shape_cast %max3A_110 : vector<16xf32> to vector<1x16xf32>
        tpu.vector_store %arg11[%swap3A_111, %swap3A_112], %swap3A_115 {strides = array<i32>} : memref<80x128xf32, #tpu.memory_space<vmem>>, vector<1x16xf32>,
        %get3A_116 = arith.index_cast %scan3A_50 : i32 to index
        %get3A_117 = arith.constant 64 : index
        %get3A_118 = tpu.vector_load %arg11[%get3A_116, %get3A_117] {strides = array<i32>} : memref<80x128xf32, #tpu.memory_space<vmem>>, vector<1x16xf32>,
        %get3A_119 = vector.shape_cast %get3A_118 : vector<1x16xf32> to vector<16xf32>
        %get3A_120 = arith.index_cast %scan3A_50 : i32 to index
        %get3A_121 = arith.constant 64 : index
        %get3A_122 = tpu.vector_load %arg12[%get3A_120, %get3A_121] {strides = array<i32>} : memref<80x128xf32, #tpu.memory_space<vmem>>, vector<1x16xf32>,
        %get3A_123 = vector.shape_cast %get3A_122 : vector<1x16xf32> to vector<16xf32>
        %add3A_124 = arith.addf %get3A_119, %get3A_123 : vector<16xf32>
        %max3A_125 = arith.constant 0.000000e+00 : f32
        %max3A_126 = vector.broadcast %max3A_125 : f32 to vector<16xf32>
        %max3A_127 = arith.maximumf %add3A_124, %max3A_126 : vector<16xf32>
        %swap3A_128 = arith.index_cast %scan3A_50 : i32 to index
        %swap3A_129 = arith.constant 64 : index
        %swap3A_130 = tpu.vector_load %arg11[%swap3A_128, %swap3A_129] {strides = array<i32>} : memref<80x128xf32, #tpu.memory_space<vmem>>, vector<1x16xf32>,
        %swap3A_131 = vector.shape_cast %swap3A_130 : vector<1x16xf32> to vector<16xf32>
        %swap3A_132 = vector.shape_cast %max3A_127 : vector<16xf32> to vector<1x16xf32>
        tpu.vector_store %arg11[%swap3A_128, %swap3A_129], %swap3A_132 {strides = array<i32>} : memref<80x128xf32, #tpu.memory_space<vmem>>, vector<1x16xf32>,
        %get3A_133 = arith.index_cast %scan3A_50 : i32 to index
        %get3A_134 = arith.constant 80 : index
        %get3A_135 = tpu.vector_load %arg11[%get3A_133, %get3A_134] {strides = array<i32>} : memref<80x128xf32, #tpu.memory_space<vmem>>, vector<1x16xf32>,
        %get3A_136 = vector.shape_cast %get3A_135 : vector<1x16xf32> to vector<16xf32>
        %get3A_137 = arith.index_cast %scan3A_50 : i32 to index
        %get3A_138 = arith.constant 80 : index
        %get3A_139 = tpu.vector_load %arg12[%get3A_137, %get3A_138] {strides = array<i32>} : memref<80x128xf32, #tpu.memory_space<vmem>>, vector<1x16xf32>,
        %get3A_140 = vector.shape_cast %get3A_139 : vector<1x16xf32> to vector<16xf32>
        %add3A_141 = arith.addf %get3A_136, %get3A_140 : vector<16xf32>
        %max3A_142 = arith.constant 0.000000e+00 : f32
        %max3A_143 = vector.broadcast %max3A_142 : f32 to vector<16xf32>
        %max3A_144 = arith.maximumf %add3A_141, %max3A_143 : vector<16xf32>
        %swap3A_145 = arith.index_cast %scan3A_50 : i32 to index
        %swap3A_146 = arith.constant 80 : index
        %swap3A_147 = tpu.vector_load %arg11[%swap3A_145, %swap3A_146] {strides = array<i32>} : memref<80x128xf32, #tpu.memory_space<vmem>>, vector<1x16xf32>,
        %swap3A_148 = vector.shape_cast %swap3A_147 : vector<1x16xf32> to vector<16xf32>
        %swap3A_149 = vector.shape_cast %max3A_144 : vector<16xf32> to vector<1x16xf32>
        tpu.vector_store %arg11[%swap3A_145, %swap3A_146], %swap3A_149 {strides = array<i32>} : memref<80x128xf32, #tpu.memory_space<vmem>>, vector<1x16xf32>,
        %get3A_150 = arith.index_cast %scan3A_50 : i32 to index
        %get3A_151 = arith.constant 96 : index
        %get3A_152 = tpu.vector_load %arg11[%get3A_150, %get3A_151] {strides = array<i32>} : memref<80x128xf32, #tpu.memory_space<vmem>>, vector<1x16xf32>,
        %get3A_153 = vector.shape_cast %get3A_152 : vector<1x16xf32> to vector<16xf32>
        %get3A_154 = arith.index_cast %scan3A_50 : i32 to index
        %get3A_155 = arith.constant 96 : index
        %get3A_156 = tpu.vector_load %arg12[%get3A_154, %get3A_155] {strides = array<i32>} : memref<80x128xf32, #tpu.memory_space<vmem>>, vector<1x16xf32>,
        %get3A_157 = vector.shape_cast %get3A_156 : vector<1x16xf32> to vector<16xf32>
        %add3A_158 = arith.addf %get3A_153, %get3A_157 : vector<16xf32>
        %max3A_159 = arith.constant 0.000000e+00 : f32
        %max3A_160 = vector.broadcast %max3A_159 : f32 to vector<16xf32>
        %max3A_161 = arith.maximumf %add3A_158, %max3A_160 : vector<16xf32>
        %swap3A_162 = arith.index_cast %scan3A_50 : i32 to index
        %swap3A_163 = arith.constant 96 : index
        %swap3A_164 = tpu.vector_load %arg11[%swap3A_162, %swap3A_163] {strides = array<i32>} : memref<80x128xf32, #tpu.memory_space<vmem>>, vector<1x16xf32>,
        %swap3A_165 = vector.shape_cast %swap3A_164 : vector<1x16xf32> to vector<16xf32>
        %swap3A_166 = vector.shape_cast %max3A_161 : vector<16xf32> to vector<1x16xf32>
        tpu.vector_store %arg11[%swap3A_162, %swap3A_163], %swap3A_166 {strides = array<i32>} : memref<80x128xf32, #tpu.memory_space<vmem>>, vector<1x16xf32>,
        %get3A_167 = arith.index_cast %scan3A_50 : i32 to index
        %get3A_168 = arith.constant 112 : index
        %get3A_169 = tpu.vector_load %arg11[%get3A_167, %get3A_168] {strides = array<i32>} : memref<80x128xf32, #tpu.memory_space<vmem>>, vector<1x16xf32>,
        %get3A_170 = vector.shape_cast %get3A_169 : vector<1x16xf32> to vector<16xf32>
        %get3A_171 = arith.index_cast %scan3A_50 : i32 to index
        %get3A_172 = arith.constant 112 : index
        %get3A_173 = tpu.vector_load %arg12[%get3A_171, %get3A_172] {strides = array<i32>} : memref<80x128xf32, #tpu.memory_space<vmem>>, vector<1x16xf32>,
        %get3A_174 = vector.shape_cast %get3A_173 : vector<1x16xf32> to vector<16xf32>
        %add3A_175 = arith.addf %get3A_170, %get3A_174 : vector<16xf32>
        %max3A_176 = arith.constant 0.000000e+00 : f32
        %max3A_177 = vector.broadcast %max3A_176 : f32 to vector<16xf32>
        %max3A_178 = arith.maximumf %add3A_175, %max3A_177 : vector<16xf32>
        %swap3A_179 = arith.index_cast %scan3A_50 : i32 to index
        %swap3A_180 = arith.constant 112 : index
        %swap3A_181 = tpu.vector_load %arg11[%swap3A_179, %swap3A_180] {strides = array<i32>} : memref<80x128xf32, #tpu.memory_space<vmem>>, vector<1x16xf32>,
        %swap3A_182 = vector.shape_cast %swap3A_181 : vector<1x16xf32> to vector<16xf32>
        %swap3A_183 = vector.shape_cast %max3A_178 : vector<16xf32> to vector<1x16xf32>
        tpu.vector_store %arg11[%swap3A_179, %swap3A_180], %swap3A_183 {strides = array<i32>} : memref<80x128xf32, #tpu.memory_space<vmem>>, vector<1x16xf32>,
      }
      %scan3A_49 = arith.constant 80 : i32
      "tpu.region"() ({
        %run_scoped3A = tpu.sem_alloc : memref<!tpu.dma_semaphore, #tpu.memory_space<semaphore_mem>>
        %dma_start3A_50 = arith.constant 0 : i32
        %dma_start3A_51 = arith.constant 0 : i32
        %dma_start3A_52 = tpu.memref_slice %arg13[%dma_start3A_50, %dma_start3A_51] : memref<10240x128xf32, #tpu.memory_space<vmem_shared>> -> memref<10240x128xf32, #tpu.memory_space<vmem_shared>>
        tpu.enqueue_indirect_dma source(%arg11 : memref<80x128xf32, #tpu.memory_space<vmem>>) target(%dma_start3A_52 : memref<10240x128xf32, #tpu.memory_space<vmem_shared>>) offsets(%arg10 : memref<80xi32, #tpu.memory_space<vmem>>) semaphore(%run_scoped3A : memref<!tpu.dma_semaphore, #tpu.memory_space<semaphore_mem>>) {add = true}
        %dma_wait3A_53 = arith.constant 0 : i32
        %dma_wait3A_54 = arith.constant 0 : i32
        %dma_wait3A_55 = tpu.memref_slice %arg13[%dma_wait3A_53, %dma_wait3A_54] : memref<10240x128xf32, #tpu.memory_space<vmem_shared>> -> memref<10240x128xf32, #tpu.memory_space<vmem_shared>>
        tpu.wait_indirect_dma semaphore(%run_scoped3A : memref<!tpu.dma_semaphore, #tpu.memory_space<semaphore_mem>>) src(%arg11 : memref<80x128xf32, #tpu.memory_space<vmem>>) dst(%dma_wait3A_55 : memref<10240x128xf32, #tpu.memory_space<vmem_shared>>)
        tpu.yield
      }) : () -> ()
    }
    %scan3A_16 = arith.constant 125 : i32
    %barrier3A_17 = arith.constant 0 : index
    tpu.barrier barrier_id(%barrier3A_17)
    %scan3A_18 = arith.constant 0 : i32
    %scan3A_19 = arith.constant 0 : i32
    %scan3A_20 = arith.constant 8 : i32
    %scan3A_21 = arith.addi %scan3A_19, %scan3A_20 : i32
    %scan3A_22 = arith.constant 1 : i32
    scf.for %scan3A_24 = %scan3A_19 to %scan3A_21 step %scan3A_22  : i32 {
      %mul3A = arith.constant 640 : i32
      %mul3A_25 = arith.muli %arg1, %mul3A : i32
      %mul3A_26 = arith.constant 80 : i32
      %mul3A_27 = arith.muli %scan3A_24, %mul3A_26 : i32
      %add3A = arith.addi %mul3A_25, %mul3A_27 : i32
      "tpu.region"() ({
        %run_scoped3A = tpu.sem_alloc : memref<!tpu.dma_semaphore, #tpu.memory_space<semaphore_mem>>
        %dma_start3A = arith.constant 0 : i32
        %dma_start3A_28 = tpu.memref_slice %arg13[%add3A, %dma_start3A] : memref<10240x128xf32, #tpu.memory_space<vmem_shared>> -> memref<80x128xf32, #tpu.memory_space<vmem_shared>>
        %dma_start3A_29 = arith.constant 0 : i32
        %dma_start3A_30 = tpu.memref_slice %arg13[%add3A, %dma_start3A_29] : memref<10240x128xf32, #tpu.memory_space<vmem_shared>> -> memref<80x128xf32, #tpu.memory_space<vmem_shared>>
        tpu.enqueue_dma source(%dma_start3A_30 : memref<80x128xf32, #tpu.memory_space<vmem_shared>>) target(%arg12 : memref<80x128xf32, #tpu.memory_space<vmem>>) target_semaphore(%run_scoped3A : memref<!tpu.dma_semaphore, #tpu.memory_space<semaphore_mem>>)
        %dma_wait3A = arith.constant 0 : i32
        %dma_wait3A_31 = tpu.memref_slice %arg13[%add3A, %dma_wait3A] : memref<10240x128xf32, #tpu.memory_space<vmem_shared>> -> memref<80x128xf32, #tpu.memory_space<vmem_shared>>
        %dma_wait3A_32 = arith.constant 0 : i32
        %dma_wait3A_33 = tpu.memref_slice %arg13[%add3A, %dma_wait3A_32] : memref<10240x128xf32, #tpu.memory_space<vmem_shared>> -> memref<80x128xf32, #tpu.memory_space<vmem_shared>>
        tpu.wait_dma2 semaphore(%run_scoped3A : memref<!tpu.dma_semaphore, #tpu.memory_space<semaphore_mem>>) src(%dma_wait3A_33 : memref<80x128xf32, #tpu.memory_space<vmem_shared>>) dst(%arg12 : memref<80x128xf32, #tpu.memory_space<vmem>>)
        tpu.yield
      }) : () -> ()
      "tpu.region"() ({
        %run_scoped3A = tpu.sem_alloc : memref<!tpu.dma_semaphore, #tpu.memory_space<semaphore_mem>>
        %dma_start3A = arith.constant 0 : i32
        %dma_start3A_28 = tpu.memref_slice %arg7[%arg0, %add3A, %dma_start3A] : memref<2x10240x128xf32, #tpu.memory_space<hbm>> -> memref<1x80x128xf32, #tpu.memory_space<hbm>>
        %dma_start3A_29 = tpu.memref_squeeze %dma_start3A_28 : memref<1x80x128xf32, #tpu.memory_space<hbm>> -> memref<80x128xf32, #tpu.memory_space<hbm>>
        %dma_start3A_30 = arith.constant 0 : i32
        %dma_start3A_31 = tpu.memref_slice %arg7[%arg0, %add3A, %dma_start3A_30] : memref<2x10240x128xf32, #tpu.memory_space<hbm>> -> memref<1x80x128xf32, #tpu.memory_space<hbm>>
        %dma_start3A_32 = tpu.memref_squeeze %dma_start3A_31 : memref<1x80x128xf32, #tpu.memory_space<hbm>> -> memref<80x128xf32, #tpu.memory_space<hbm>>
        tpu.enqueue_dma source(%arg12 : memref<80x128xf32, #tpu.memory_space<vmem>>) target(%dma_start3A_32 : memref<80x128xf32, #tpu.memory_space<hbm>>) target_semaphore(%run_scoped3A : memref<!tpu.dma_semaphore, #tpu.memory_space<semaphore_mem>>)
        %dma_wait3A = arith.constant 0 : i32
        %dma_wait3A_33 = tpu.memref_slice %arg7[%arg0, %add3A, %dma_wait3A] : memref<2x10240x128xf32, #tpu.memory_space<hbm>> -> memref<1x80x128xf32, #tpu.memory_space<hbm>>
        %dma_wait3A_34 = tpu.memref_squeeze %dma_wait3A_33 : memref<1x80x128xf32, #tpu.memory_space<hbm>> -> memref<80x128xf32, #tpu.memory_space<hbm>>
        %dma_wait3A_35 = arith.constant 0 : i32
        %dma_wait3A_36 = tpu.memref_slice %arg7[%arg0, %add3A, %dma_wait3A_35] : memref<2x10240x128xf32, #tpu.memory_space<hbm>> -> memref<1x80x128xf32, #tpu.memory_space<hbm>>
        %dma_wait3A_37 = tpu.memref_squeeze %dma_wait3A_36 : memref<1x80x128xf32, #tpu.memory_space<hbm>> -> memref<80x128xf32, #tpu.memory_space<hbm>>
        tpu.wait_dma2 semaphore(%run_scoped3A : memref<!tpu.dma_semaphore, #tpu.memory_space<semaphore_mem>>) src(%arg12 : memref<80x128xf32, #tpu.memory_space<vmem>>) dst(%dma_wait3A_37 : memref<80x128xf32, #tpu.memory_space<hbm>>)
        tpu.yield
      }) : () -> ()
    }
    %scan3A_23 = arith.constant 8 : i32
    return
  }
}

#map = affine_map<(d0, d1) -> (0, 0)>
#map1 = affine_map<(d0, d1) -> (0)>
#map2 = affine_map<(d0, d1) -> (0, 0, 0)>
module attributes {stable_mosaic.version = 14 : i64} {
  func.func @_sc_message(%arg0: i32, %arg1: i32, %arg2: memref<20000x128xf32, #tpu.memory_space<hbm>>, %arg3: memref<320000x128xf32, #tpu.memory_space<hbm>>, %arg4: memref<320000xi32, #tpu.memory_space<hbm>>, %arg5: memref<320000xi32, #tpu.memory_space<hbm>>, %arg6: memref<160000xi32, #tpu.memory_space<hbm>>, %arg7: memref<2x10240x128xf32, #tpu.memory_space<hbm>>, %arg8: memref<80xi32, #tpu.memory_space<vmem>>, %arg9: memref<80xi32, #tpu.memory_space<vmem>>, %arg10: memref<80xi32, #tpu.memory_space<vmem>>, %arg11: memref<80x128xf32, #tpu.memory_space<vmem>>, %arg12: memref<80x128xf32, #tpu.memory_space<vmem>>, %arg13: memref<10240x128xf32, #tpu.memory_space<vmem_shared>>, %arg14: memref<!tpu.dma_semaphore, #tpu.memory_space<semaphore_mem>>, %arg15: memref<!tpu.dma_semaphore, #tpu.memory_space<semaphore_mem>>) attributes {dimension_semantics = [#tpu.dimension_semantics<core_parallel>, #tpu.dimension_semantics<subcore_parallel>], iteration_bounds = array<i64: 2, 16>, scalar_prefetch = 0 : i64, scratch_operands = 8 : i64, tpu.core_type = #tpu.core_type<sc_vector_subcore>, window_params = [{transform_indices = #map}, {transform_indices = #map}, {transform_indices = #map1}, {transform_indices = #map1}, {transform_indices = #map1}, {transform_indices = #map2}]} {
    %scan3A = arith.constant 0 : i32
    %scan3A_0 = arith.constant 0 : i32
    %scan3A_1 = arith.constant 80 : i32
    %scan3A_2 = arith.addi %scan3A_0, %scan3A_1 : i32
    %scan3A_3 = arith.constant 1 : i32
    scf.for %scan3A_24 = %scan3A_0 to %scan3A_2 step %scan3A_3  : i32 {
      %broadcast_in_dim3A = arith.constant 0.000000e+00 : f32
      %broadcast_in_dim3A_25 = vector.broadcast %broadcast_in_dim3A : f32 to vector<16xf32>
      %swap3A = arith.index_cast %scan3A_24 : i32 to index
      %swap3A_26 = arith.constant 0 : index
      %swap3A_27 = tpu.vector_load %arg11[%swap3A, %swap3A_26] {strides = array<i32>} : memref<80x128xf32, #tpu.memory_space<vmem>>, vector<1x16xf32>,
      %swap3A_28 = vector.shape_cast %swap3A_27 : vector<1x16xf32> to vector<16xf32>
      %swap3A_29 = vector.shape_cast %broadcast_in_dim3A_25 : vector<16xf32> to vector<1x16xf32>
      tpu.vector_store %arg11[%swap3A, %swap3A_26], %swap3A_29 {strides = array<i32>} : memref<80x128xf32, #tpu.memory_space<vmem>>, vector<1x16xf32>,
      %broadcast_in_dim3A_30 = arith.constant 0.000000e+00 : f32
      %broadcast_in_dim3A_31 = vector.broadcast %broadcast_in_dim3A_30 : f32 to vector<16xf32>
      %swap3A_32 = arith.index_cast %scan3A_24 : i32 to index
      %swap3A_33 = arith.constant 16 : index
      %swap3A_34 = tpu.vector_load %arg11[%swap3A_32, %swap3A_33] {strides = array<i32>} : memref<80x128xf32, #tpu.memory_space<vmem>>, vector<1x16xf32>,
      %swap3A_35 = vector.shape_cast %swap3A_34 : vector<1x16xf32> to vector<16xf32>
      %swap3A_36 = vector.shape_cast %broadcast_in_dim3A_31 : vector<16xf32> to vector<1x16xf32>
      tpu.vector_store %arg11[%swap3A_32, %swap3A_33], %swap3A_36 {strides = array<i32>} : memref<80x128xf32, #tpu.memory_space<vmem>>, vector<1x16xf32>,
      %broadcast_in_dim3A_37 = arith.constant 0.000000e+00 : f32
      %broadcast_in_dim3A_38 = vector.broadcast %broadcast_in_dim3A_37 : f32 to vector<16xf32>
      %swap3A_39 = arith.index_cast %scan3A_24 : i32 to index
      %swap3A_40 = arith.constant 32 : index
      %swap3A_41 = tpu.vector_load %arg11[%swap3A_39, %swap3A_40] {strides = array<i32>} : memref<80x128xf32, #tpu.memory_space<vmem>>, vector<1x16xf32>,
      %swap3A_42 = vector.shape_cast %swap3A_41 : vector<1x16xf32> to vector<16xf32>
      %swap3A_43 = vector.shape_cast %broadcast_in_dim3A_38 : vector<16xf32> to vector<1x16xf32>
      tpu.vector_store %arg11[%swap3A_39, %swap3A_40], %swap3A_43 {strides = array<i32>} : memref<80x128xf32, #tpu.memory_space<vmem>>, vector<1x16xf32>,
      %broadcast_in_dim3A_44 = arith.constant 0.000000e+00 : f32
      %broadcast_in_dim3A_45 = vector.broadcast %broadcast_in_dim3A_44 : f32 to vector<16xf32>
      %swap3A_46 = arith.index_cast %scan3A_24 : i32 to index
      %swap3A_47 = arith.constant 48 : index
      %swap3A_48 = tpu.vector_load %arg11[%swap3A_46, %swap3A_47] {strides = array<i32>} : memref<80x128xf32, #tpu.memory_space<vmem>>, vector<1x16xf32>,
      %swap3A_49 = vector.shape_cast %swap3A_48 : vector<1x16xf32> to vector<16xf32>
      %swap3A_50 = vector.shape_cast %broadcast_in_dim3A_45 : vector<16xf32> to vector<1x16xf32>
      tpu.vector_store %arg11[%swap3A_46, %swap3A_47], %swap3A_50 {strides = array<i32>} : memref<80x128xf32, #tpu.memory_space<vmem>>, vector<1x16xf32>,
      %broadcast_in_dim3A_51 = arith.constant 0.000000e+00 : f32
      %broadcast_in_dim3A_52 = vector.broadcast %broadcast_in_dim3A_51 : f32 to vector<16xf32>
      %swap3A_53 = arith.index_cast %scan3A_24 : i32 to index
      %swap3A_54 = arith.constant 64 : index
      %swap3A_55 = tpu.vector_load %arg11[%swap3A_53, %swap3A_54] {strides = array<i32>} : memref<80x128xf32, #tpu.memory_space<vmem>>, vector<1x16xf32>,
      %swap3A_56 = vector.shape_cast %swap3A_55 : vector<1x16xf32> to vector<16xf32>
      %swap3A_57 = vector.shape_cast %broadcast_in_dim3A_52 : vector<16xf32> to vector<1x16xf32>
      tpu.vector_store %arg11[%swap3A_53, %swap3A_54], %swap3A_57 {strides = array<i32>} : memref<80x128xf32, #tpu.memory_space<vmem>>, vector<1x16xf32>,
      %broadcast_in_dim3A_58 = arith.constant 0.000000e+00 : f32
      %broadcast_in_dim3A_59 = vector.broadcast %broadcast_in_dim3A_58 : f32 to vector<16xf32>
      %swap3A_60 = arith.index_cast %scan3A_24 : i32 to index
      %swap3A_61 = arith.constant 80 : index
      %swap3A_62 = tpu.vector_load %arg11[%swap3A_60, %swap3A_61] {strides = array<i32>} : memref<80x128xf32, #tpu.memory_space<vmem>>, vector<1x16xf32>,
      %swap3A_63 = vector.shape_cast %swap3A_62 : vector<1x16xf32> to vector<16xf32>
      %swap3A_64 = vector.shape_cast %broadcast_in_dim3A_59 : vector<16xf32> to vector<1x16xf32>
      tpu.vector_store %arg11[%swap3A_60, %swap3A_61], %swap3A_64 {strides = array<i32>} : memref<80x128xf32, #tpu.memory_space<vmem>>, vector<1x16xf32>,
      %broadcast_in_dim3A_65 = arith.constant 0.000000e+00 : f32
      %broadcast_in_dim3A_66 = vector.broadcast %broadcast_in_dim3A_65 : f32 to vector<16xf32>
      %swap3A_67 = arith.index_cast %scan3A_24 : i32 to index
      %swap3A_68 = arith.constant 96 : index
      %swap3A_69 = tpu.vector_load %arg11[%swap3A_67, %swap3A_68] {strides = array<i32>} : memref<80x128xf32, #tpu.memory_space<vmem>>, vector<1x16xf32>,
      %swap3A_70 = vector.shape_cast %swap3A_69 : vector<1x16xf32> to vector<16xf32>
      %swap3A_71 = vector.shape_cast %broadcast_in_dim3A_66 : vector<16xf32> to vector<1x16xf32>
      tpu.vector_store %arg11[%swap3A_67, %swap3A_68], %swap3A_71 {strides = array<i32>} : memref<80x128xf32, #tpu.memory_space<vmem>>, vector<1x16xf32>,
      %broadcast_in_dim3A_72 = arith.constant 0.000000e+00 : f32
      %broadcast_in_dim3A_73 = vector.broadcast %broadcast_in_dim3A_72 : f32 to vector<16xf32>
      %swap3A_74 = arith.index_cast %scan3A_24 : i32 to index
      %swap3A_75 = arith.constant 112 : index
      %swap3A_76 = tpu.vector_load %arg11[%swap3A_74, %swap3A_75] {strides = array<i32>} : memref<80x128xf32, #tpu.memory_space<vmem>>, vector<1x16xf32>,
      %swap3A_77 = vector.shape_cast %swap3A_76 : vector<1x16xf32> to vector<16xf32>
      %swap3A_78 = vector.shape_cast %broadcast_in_dim3A_73 : vector<16xf32> to vector<1x16xf32>
      tpu.vector_store %arg11[%swap3A_74, %swap3A_75], %swap3A_78 {strides = array<i32>} : memref<80x128xf32, #tpu.memory_space<vmem>>, vector<1x16xf32>,
    }
    %scan3A_4 = arith.constant 80 : i32
    %scan3A_5 = arith.constant 0 : i32
    %scan3A_6 = arith.constant 0 : i32
    %scan3A_7 = arith.constant 8 : i32
    %scan3A_8 = arith.addi %scan3A_6, %scan3A_7 : i32
    %scan3A_9 = arith.constant 1 : i32
    scf.for %scan3A_24 = %scan3A_6 to %scan3A_8 step %scan3A_9  : i32 {
      %mul3A = arith.constant 640 : i32
      %mul3A_25 = arith.muli %arg1, %mul3A : i32
      %mul3A_26 = arith.constant 80 : i32
      %mul3A_27 = arith.muli %scan3A_24, %mul3A_26 : i32
      %add3A = arith.addi %mul3A_25, %mul3A_27 : i32
      "tpu.region"() ({
        %run_scoped3A = tpu.sem_alloc : memref<!tpu.dma_semaphore, #tpu.memory_space<semaphore_mem>>
        %dma_start3A = arith.constant 0 : i32
        %dma_start3A_28 = tpu.memref_slice %arg13[%add3A, %dma_start3A] : memref<10240x128xf32, #tpu.memory_space<vmem_shared>> -> memref<80x128xf32, #tpu.memory_space<vmem_shared>>
        %dma_start3A_29 = arith.constant 0 : i32
        %dma_start3A_30 = tpu.memref_slice %arg13[%add3A, %dma_start3A_29] : memref<10240x128xf32, #tpu.memory_space<vmem_shared>> -> memref<80x128xf32, #tpu.memory_space<vmem_shared>>
        tpu.enqueue_dma source(%arg11 : memref<80x128xf32, #tpu.memory_space<vmem>>) target(%dma_start3A_30 : memref<80x128xf32, #tpu.memory_space<vmem_shared>>) target_semaphore(%run_scoped3A : memref<!tpu.dma_semaphore, #tpu.memory_space<semaphore_mem>>)
        %dma_wait3A = arith.constant 0 : i32
        %dma_wait3A_31 = tpu.memref_slice %arg13[%add3A, %dma_wait3A] : memref<10240x128xf32, #tpu.memory_space<vmem_shared>> -> memref<80x128xf32, #tpu.memory_space<vmem_shared>>
        %dma_wait3A_32 = arith.constant 0 : i32
        %dma_wait3A_33 = tpu.memref_slice %arg13[%add3A, %dma_wait3A_32] : memref<10240x128xf32, #tpu.memory_space<vmem_shared>> -> memref<80x128xf32, #tpu.memory_space<vmem_shared>>
        tpu.wait_dma2 semaphore(%run_scoped3A : memref<!tpu.dma_semaphore, #tpu.memory_space<semaphore_mem>>) src(%arg11 : memref<80x128xf32, #tpu.memory_space<vmem>>) dst(%dma_wait3A_33 : memref<80x128xf32, #tpu.memory_space<vmem_shared>>)
        tpu.yield
      }) : () -> ()
    }
    %scan3A_10 = arith.constant 8 : i32
    %barrier3A = arith.constant 0 : index
    tpu.barrier barrier_id(%barrier3A)
    %scan3A_11 = arith.constant 0 : i32
    %scan3A_12 = arith.constant 0 : i32
    %scan3A_13 = arith.constant 125 : i32
    %scan3A_14 = arith.addi %scan3A_12, %scan3A_13 : i32
    %scan3A_15 = arith.constant 1 : i32
    scf.for %scan3A_24 = %scan3A_12 to %scan3A_14 step %scan3A_15  : i32 {
      %mul3A = arith.constant 10000 : i32
      %mul3A_25 = arith.muli %arg1, %mul3A : i32
      %mul3A_26 = arith.constant 80 : i32
      %mul3A_27 = arith.muli %scan3A_24, %mul3A_26 : i32
      %add3A = arith.addi %mul3A_25, %mul3A_27 : i32
      %mul3A_28 = arith.constant 160000 : i32
      %mul3A_29 = arith.muli %arg0, %mul3A_28 : i32
      %add3A_30 = arith.addi %mul3A_29, %add3A : i32
      "tpu.region"() ({
        %run_scoped3A = tpu.sem_alloc : memref<!tpu.dma_semaphore, #tpu.memory_space<semaphore_mem>>
        %dma_start3A_50 = tpu.memref_slice %arg4[%add3A_30] : memref<320000xi32, #tpu.memory_space<hbm>> -> memref<80xi32, #tpu.memory_space<hbm>>
        %dma_start3A_51 = tpu.memref_slice %arg4[%add3A_30] : memref<320000xi32, #tpu.memory_space<hbm>> -> memref<80xi32, #tpu.memory_space<hbm>>
        tpu.enqueue_dma source(%dma_start3A_51 : memref<80xi32, #tpu.memory_space<hbm>>) target(%arg8 : memref<80xi32, #tpu.memory_space<vmem>>) target_semaphore(%run_scoped3A : memref<!tpu.dma_semaphore, #tpu.memory_space<semaphore_mem>>)
        %dma_wait3A_52 = tpu.memref_slice %arg4[%add3A_30] : memref<320000xi32, #tpu.memory_space<hbm>> -> memref<80xi32, #tpu.memory_space<hbm>>
        %dma_wait3A_53 = tpu.memref_slice %arg4[%add3A_30] : memref<320000xi32, #tpu.memory_space<hbm>> -> memref<80xi32, #tpu.memory_space<hbm>>
        tpu.wait_dma2 semaphore(%run_scoped3A : memref<!tpu.dma_semaphore, #tpu.memory_space<semaphore_mem>>) src(%dma_wait3A_53 : memref<80xi32, #tpu.memory_space<hbm>>) dst(%arg8 : memref<80xi32, #tpu.memory_space<vmem>>)
        tpu.yield
      }) : () -> ()
      "tpu.region"() ({
        %run_scoped3A = tpu.sem_alloc : memref<!tpu.dma_semaphore, #tpu.memory_space<semaphore_mem>>
        %dma_start3A_50 = tpu.memref_slice %arg6[%add3A] : memref<160000xi32, #tpu.memory_space<hbm>> -> memref<80xi32, #tpu.memory_space<hbm>>
        %dma_start3A_51 = tpu.memref_slice %arg6[%add3A] : memref<160000xi32, #tpu.memory_space<hbm>> -> memref<80xi32, #tpu.memory_space<hbm>>
        tpu.enqueue_dma source(%dma_start3A_51 : memref<80xi32, #tpu.memory_space<hbm>>) target(%arg10 : memref<80xi32, #tpu.memory_space<vmem>>) target_semaphore(%run_scoped3A : memref<!tpu.dma_semaphore, #tpu.memory_space<semaphore_mem>>)
        %dma_wait3A_52 = tpu.memref_slice %arg6[%add3A] : memref<160000xi32, #tpu.memory_space<hbm>> -> memref<80xi32, #tpu.memory_space<hbm>>
        %dma_wait3A_53 = tpu.memref_slice %arg6[%add3A] : memref<160000xi32, #tpu.memory_space<hbm>> -> memref<80xi32, #tpu.memory_space<hbm>>
        tpu.wait_dma2 semaphore(%run_scoped3A : memref<!tpu.dma_semaphore, #tpu.memory_space<semaphore_mem>>) src(%dma_wait3A_53 : memref<80xi32, #tpu.memory_space<hbm>>) dst(%arg10 : memref<80xi32, #tpu.memory_space<vmem>>)
        tpu.yield
      }) : () -> ()
      %mul3A_31 = arith.constant 160000 : i32
      %mul3A_32 = arith.muli %arg0, %mul3A_31 : i32
      %add3A_33 = arith.addi %mul3A_32, %add3A : i32
      "tpu.region"() ({
        %run_scoped3A = tpu.sem_alloc : memref<!tpu.dma_semaphore, #tpu.memory_space<semaphore_mem>>
        %dma_start3A_50 = tpu.memref_slice %arg5[%add3A_33] : memref<320000xi32, #tpu.memory_space<hbm>> -> memref<80xi32, #tpu.memory_space<hbm>>
        %dma_start3A_51 = tpu.memref_slice %arg5[%add3A_33] : memref<320000xi32, #tpu.memory_space<hbm>> -> memref<80xi32, #tpu.memory_space<hbm>>
        tpu.enqueue_dma source(%dma_start3A_51 : memref<80xi32, #tpu.memory_space<hbm>>) target(%arg9 : memref<80xi32, #tpu.memory_space<vmem>>) target_semaphore(%run_scoped3A : memref<!tpu.dma_semaphore, #tpu.memory_space<semaphore_mem>>)
        %dma_wait3A_52 = tpu.memref_slice %arg5[%add3A_33] : memref<320000xi32, #tpu.memory_space<hbm>> -> memref<80xi32, #tpu.memory_space<hbm>>
        %dma_wait3A_53 = tpu.memref_slice %arg5[%add3A_33] : memref<320000xi32, #tpu.memory_space<hbm>> -> memref<80xi32, #tpu.memory_space<hbm>>
        tpu.wait_dma2 semaphore(%run_scoped3A : memref<!tpu.dma_semaphore, #tpu.memory_space<semaphore_mem>>) src(%dma_wait3A_53 : memref<80xi32, #tpu.memory_space<hbm>>) dst(%arg9 : memref<80xi32, #tpu.memory_space<vmem>>)
        tpu.yield
      }) : () -> ()
      %dma_start3A = arith.constant 0 : i32
      %dma_start3A_34 = arith.constant 0 : i32
      %dma_start3A_35 = tpu.memref_slice %arg2[%dma_start3A, %dma_start3A_34] : memref<20000x128xf32, #tpu.memory_space<hbm>> -> memref<20000x128xf32, #tpu.memory_space<hbm>>
      tpu.enqueue_indirect_dma source(%dma_start3A_35 : memref<20000x128xf32, #tpu.memory_space<hbm>>) target(%arg11 : memref<80x128xf32, #tpu.memory_space<vmem>>) offsets(%arg8 : memref<80xi32, #tpu.memory_space<vmem>>) semaphore(%arg14 : memref<!tpu.dma_semaphore, #tpu.memory_space<semaphore_mem>>)
      %dma_start3A_36 = arith.constant 0 : i32
      %dma_start3A_37 = arith.constant 0 : i32
      %dma_start3A_38 = tpu.memref_slice %arg3[%dma_start3A_36, %dma_start3A_37] : memref<320000x128xf32, #tpu.memory_space<hbm>> -> memref<320000x128xf32, #tpu.memory_space<hbm>>
      tpu.enqueue_indirect_dma source(%dma_start3A_38 : memref<320000x128xf32, #tpu.memory_space<hbm>>) target(%arg12 : memref<80x128xf32, #tpu.memory_space<vmem>>) offsets(%arg9 : memref<80xi32, #tpu.memory_space<vmem>>) semaphore(%arg15 : memref<!tpu.dma_semaphore, #tpu.memory_space<semaphore_mem>>)
      %dma_wait3A = arith.constant 0 : i32
      %dma_wait3A_39 = arith.constant 0 : i32
      %dma_wait3A_40 = tpu.memref_slice %arg2[%dma_wait3A, %dma_wait3A_39] : memref<20000x128xf32, #tpu.memory_space<hbm>> -> memref<20000x128xf32, #tpu.memory_space<hbm>>
      tpu.wait_indirect_dma semaphore(%arg14 : memref<!tpu.dma_semaphore, #tpu.memory_space<semaphore_mem>>) src(%dma_wait3A_40 : memref<20000x128xf32, #tpu.memory_space<hbm>>) dst(%arg11 : memref<80x128xf32, #tpu.memory_space<vmem>>)
      %dma_wait3A_41 = arith.constant 0 : i32
      %dma_wait3A_42 = arith.constant 0 : i32
      %dma_wait3A_43 = tpu.memref_slice %arg3[%dma_wait3A_41, %dma_wait3A_42] : memref<320000x128xf32, #tpu.memory_space<hbm>> -> memref<320000x128xf32, #tpu.memory_space<hbm>>
      tpu.wait_indirect_dma semaphore(%arg15 : memref<!tpu.dma_semaphore, #tpu.memory_space<semaphore_mem>>) src(%dma_wait3A_43 : memref<320000x128xf32, #tpu.memory_space<hbm>>) dst(%arg12 : memref<80x128xf32, #tpu.memory_space<vmem>>)
      %scan3A_44 = arith.constant 0 : i32
      %scan3A_45 = arith.constant 0 : i32
      %scan3A_46 = arith.constant 80 : i32
      %scan3A_47 = arith.addi %scan3A_45, %scan3A_46 : i32
      %scan3A_48 = arith.constant 1 : i32
      scf.for %scan3A_50 = %scan3A_45 to %scan3A_47 step %scan3A_48  : i32 {
        %get3A = arith.index_cast %scan3A_50 : i32 to index
        %get3A_51 = arith.constant 0 : index
        %get3A_52 = tpu.vector_load %arg11[%get3A, %get3A_51] {strides = array<i32>} : memref<80x128xf32, #tpu.memory_space<vmem>>, vector<1x16xf32>,
        %get3A_53 = vector.shape_cast %get3A_52 : vector<1x16xf32> to vector<16xf32>
        %get3A_54 = arith.index_cast %scan3A_50 : i32 to index
        %get3A_55 = arith.constant 0 : index
        %get3A_56 = tpu.vector_load %arg12[%get3A_54, %get3A_55] {strides = array<i32>} : memref<80x128xf32, #tpu.memory_space<vmem>>, vector<1x16xf32>,
        %get3A_57 = vector.shape_cast %get3A_56 : vector<1x16xf32> to vector<16xf32>
        %add3A_58 = arith.addf %get3A_53, %get3A_57 : vector<16xf32>
        %max3A = arith.constant 0.000000e+00 : f32
        %max3A_59 = vector.broadcast %max3A : f32 to vector<16xf32>
        %max3A_60 = arith.maximumf %add3A_58, %max3A_59 : vector<16xf32>
        %swap3A = arith.index_cast %scan3A_50 : i32 to index
        %swap3A_61 = arith.constant 0 : index
        %swap3A_62 = tpu.vector_load %arg11[%swap3A, %swap3A_61] {strides = array<i32>} : memref<80x128xf32, #tpu.memory_space<vmem>>, vector<1x16xf32>,
        %swap3A_63 = vector.shape_cast %swap3A_62 : vector<1x16xf32> to vector<16xf32>
        %swap3A_64 = vector.shape_cast %max3A_60 : vector<16xf32> to vector<1x16xf32>
        tpu.vector_store %arg11[%swap3A, %swap3A_61], %swap3A_64 {strides = array<i32>} : memref<80x128xf32, #tpu.memory_space<vmem>>, vector<1x16xf32>,
        %get3A_65 = arith.index_cast %scan3A_50 : i32 to index
        %get3A_66 = arith.constant 16 : index
        %get3A_67 = tpu.vector_load %arg11[%get3A_65, %get3A_66] {strides = array<i32>} : memref<80x128xf32, #tpu.memory_space<vmem>>, vector<1x16xf32>,
        %get3A_68 = vector.shape_cast %get3A_67 : vector<1x16xf32> to vector<16xf32>
        %get3A_69 = arith.index_cast %scan3A_50 : i32 to index
        %get3A_70 = arith.constant 16 : index
        %get3A_71 = tpu.vector_load %arg12[%get3A_69, %get3A_70] {strides = array<i32>} : memref<80x128xf32, #tpu.memory_space<vmem>>, vector<1x16xf32>,
        %get3A_72 = vector.shape_cast %get3A_71 : vector<1x16xf32> to vector<16xf32>
        %add3A_73 = arith.addf %get3A_68, %get3A_72 : vector<16xf32>
        %max3A_74 = arith.constant 0.000000e+00 : f32
        %max3A_75 = vector.broadcast %max3A_74 : f32 to vector<16xf32>
        %max3A_76 = arith.maximumf %add3A_73, %max3A_75 : vector<16xf32>
        %swap3A_77 = arith.index_cast %scan3A_50 : i32 to index
        %swap3A_78 = arith.constant 16 : index
        %swap3A_79 = tpu.vector_load %arg11[%swap3A_77, %swap3A_78] {strides = array<i32>} : memref<80x128xf32, #tpu.memory_space<vmem>>, vector<1x16xf32>,
        %swap3A_80 = vector.shape_cast %swap3A_79 : vector<1x16xf32> to vector<16xf32>
        %swap3A_81 = vector.shape_cast %max3A_76 : vector<16xf32> to vector<1x16xf32>
        tpu.vector_store %arg11[%swap3A_77, %swap3A_78], %swap3A_81 {strides = array<i32>} : memref<80x128xf32, #tpu.memory_space<vmem>>, vector<1x16xf32>,
        %get3A_82 = arith.index_cast %scan3A_50 : i32 to index
        %get3A_83 = arith.constant 32 : index
        %get3A_84 = tpu.vector_load %arg11[%get3A_82, %get3A_83] {strides = array<i32>} : memref<80x128xf32, #tpu.memory_space<vmem>>, vector<1x16xf32>,
        %get3A_85 = vector.shape_cast %get3A_84 : vector<1x16xf32> to vector<16xf32>
        %get3A_86 = arith.index_cast %scan3A_50 : i32 to index
        %get3A_87 = arith.constant 32 : index
        %get3A_88 = tpu.vector_load %arg12[%get3A_86, %get3A_87] {strides = array<i32>} : memref<80x128xf32, #tpu.memory_space<vmem>>, vector<1x16xf32>,
        %get3A_89 = vector.shape_cast %get3A_88 : vector<1x16xf32> to vector<16xf32>
        %add3A_90 = arith.addf %get3A_85, %get3A_89 : vector<16xf32>
        %max3A_91 = arith.constant 0.000000e+00 : f32
        %max3A_92 = vector.broadcast %max3A_91 : f32 to vector<16xf32>
        %max3A_93 = arith.maximumf %add3A_90, %max3A_92 : vector<16xf32>
        %swap3A_94 = arith.index_cast %scan3A_50 : i32 to index
        %swap3A_95 = arith.constant 32 : index
        %swap3A_96 = tpu.vector_load %arg11[%swap3A_94, %swap3A_95] {strides = array<i32>} : memref<80x128xf32, #tpu.memory_space<vmem>>, vector<1x16xf32>,
        %swap3A_97 = vector.shape_cast %swap3A_96 : vector<1x16xf32> to vector<16xf32>
        %swap3A_98 = vector.shape_cast %max3A_93 : vector<16xf32> to vector<1x16xf32>
        tpu.vector_store %arg11[%swap3A_94, %swap3A_95], %swap3A_98 {strides = array<i32>} : memref<80x128xf32, #tpu.memory_space<vmem>>, vector<1x16xf32>,
        %get3A_99 = arith.index_cast %scan3A_50 : i32 to index
        %get3A_100 = arith.constant 48 : index
        %get3A_101 = tpu.vector_load %arg11[%get3A_99, %get3A_100] {strides = array<i32>} : memref<80x128xf32, #tpu.memory_space<vmem>>, vector<1x16xf32>,
        %get3A_102 = vector.shape_cast %get3A_101 : vector<1x16xf32> to vector<16xf32>
        %get3A_103 = arith.index_cast %scan3A_50 : i32 to index
        %get3A_104 = arith.constant 48 : index
        %get3A_105 = tpu.vector_load %arg12[%get3A_103, %get3A_104] {strides = array<i32>} : memref<80x128xf32, #tpu.memory_space<vmem>>, vector<1x16xf32>,
        %get3A_106 = vector.shape_cast %get3A_105 : vector<1x16xf32> to vector<16xf32>
        %add3A_107 = arith.addf %get3A_102, %get3A_106 : vector<16xf32>
        %max3A_108 = arith.constant 0.000000e+00 : f32
        %max3A_109 = vector.broadcast %max3A_108 : f32 to vector<16xf32>
        %max3A_110 = arith.maximumf %add3A_107, %max3A_109 : vector<16xf32>
        %swap3A_111 = arith.index_cast %scan3A_50 : i32 to index
        %swap3A_112 = arith.constant 48 : index
        %swap3A_113 = tpu.vector_load %arg11[%swap3A_111, %swap3A_112] {strides = array<i32>} : memref<80x128xf32, #tpu.memory_space<vmem>>, vector<1x16xf32>,
        %swap3A_114 = vector.shape_cast %swap3A_113 : vector<1x16xf32> to vector<16xf32>
        %swap3A_115 = vector.shape_cast %max3A_110 : vector<16xf32> to vector<1x16xf32>
        tpu.vector_store %arg11[%swap3A_111, %swap3A_112], %swap3A_115 {strides = array<i32>} : memref<80x128xf32, #tpu.memory_space<vmem>>, vector<1x16xf32>,
        %get3A_116 = arith.index_cast %scan3A_50 : i32 to index
        %get3A_117 = arith.constant 64 : index
        %get3A_118 = tpu.vector_load %arg11[%get3A_116, %get3A_117] {strides = array<i32>} : memref<80x128xf32, #tpu.memory_space<vmem>>, vector<1x16xf32>,
        %get3A_119 = vector.shape_cast %get3A_118 : vector<1x16xf32> to vector<16xf32>
        %get3A_120 = arith.index_cast %scan3A_50 : i32 to index
        %get3A_121 = arith.constant 64 : index
        %get3A_122 = tpu.vector_load %arg12[%get3A_120, %get3A_121] {strides = array<i32>} : memref<80x128xf32, #tpu.memory_space<vmem>>, vector<1x16xf32>,
        %get3A_123 = vector.shape_cast %get3A_122 : vector<1x16xf32> to vector<16xf32>
        %add3A_124 = arith.addf %get3A_119, %get3A_123 : vector<16xf32>
        %max3A_125 = arith.constant 0.000000e+00 : f32
        %max3A_126 = vector.broadcast %max3A_125 : f32 to vector<16xf32>
        %max3A_127 = arith.maximumf %add3A_124, %max3A_126 : vector<16xf32>
        %swap3A_128 = arith.index_cast %scan3A_50 : i32 to index
        %swap3A_129 = arith.constant 64 : index
        %swap3A_130 = tpu.vector_load %arg11[%swap3A_128, %swap3A_129] {strides = array<i32>} : memref<80x128xf32, #tpu.memory_space<vmem>>, vector<1x16xf32>,
        %swap3A_131 = vector.shape_cast %swap3A_130 : vector<1x16xf32> to vector<16xf32>
        %swap3A_132 = vector.shape_cast %max3A_127 : vector<16xf32> to vector<1x16xf32>
        tpu.vector_store %arg11[%swap3A_128, %swap3A_129], %swap3A_132 {strides = array<i32>} : memref<80x128xf32, #tpu.memory_space<vmem>>, vector<1x16xf32>,
        %get3A_133 = arith.index_cast %scan3A_50 : i32 to index
        %get3A_134 = arith.constant 80 : index
        %get3A_135 = tpu.vector_load %arg11[%get3A_133, %get3A_134] {strides = array<i32>} : memref<80x128xf32, #tpu.memory_space<vmem>>, vector<1x16xf32>,
        %get3A_136 = vector.shape_cast %get3A_135 : vector<1x16xf32> to vector<16xf32>
        %get3A_137 = arith.index_cast %scan3A_50 : i32 to index
        %get3A_138 = arith.constant 80 : index
        %get3A_139 = tpu.vector_load %arg12[%get3A_137, %get3A_138] {strides = array<i32>} : memref<80x128xf32, #tpu.memory_space<vmem>>, vector<1x16xf32>,
        %get3A_140 = vector.shape_cast %get3A_139 : vector<1x16xf32> to vector<16xf32>
        %add3A_141 = arith.addf %get3A_136, %get3A_140 : vector<16xf32>
        %max3A_142 = arith.constant 0.000000e+00 : f32
        %max3A_143 = vector.broadcast %max3A_142 : f32 to vector<16xf32>
        %max3A_144 = arith.maximumf %add3A_141, %max3A_143 : vector<16xf32>
        %swap3A_145 = arith.index_cast %scan3A_50 : i32 to index
        %swap3A_146 = arith.constant 80 : index
        %swap3A_147 = tpu.vector_load %arg11[%swap3A_145, %swap3A_146] {strides = array<i32>} : memref<80x128xf32, #tpu.memory_space<vmem>>, vector<1x16xf32>,
        %swap3A_148 = vector.shape_cast %swap3A_147 : vector<1x16xf32> to vector<16xf32>
        %swap3A_149 = vector.shape_cast %max3A_144 : vector<16xf32> to vector<1x16xf32>
        tpu.vector_store %arg11[%swap3A_145, %swap3A_146], %swap3A_149 {strides = array<i32>} : memref<80x128xf32, #tpu.memory_space<vmem>>, vector<1x16xf32>,
        %get3A_150 = arith.index_cast %scan3A_50 : i32 to index
        %get3A_151 = arith.constant 96 : index
        %get3A_152 = tpu.vector_load %arg11[%get3A_150, %get3A_151] {strides = array<i32>} : memref<80x128xf32, #tpu.memory_space<vmem>>, vector<1x16xf32>,
        %get3A_153 = vector.shape_cast %get3A_152 : vector<1x16xf32> to vector<16xf32>
        %get3A_154 = arith.index_cast %scan3A_50 : i32 to index
        %get3A_155 = arith.constant 96 : index
        %get3A_156 = tpu.vector_load %arg12[%get3A_154, %get3A_155] {strides = array<i32>} : memref<80x128xf32, #tpu.memory_space<vmem>>, vector<1x16xf32>,
        %get3A_157 = vector.shape_cast %get3A_156 : vector<1x16xf32> to vector<16xf32>
        %add3A_158 = arith.addf %get3A_153, %get3A_157 : vector<16xf32>
        %max3A_159 = arith.constant 0.000000e+00 : f32
        %max3A_160 = vector.broadcast %max3A_159 : f32 to vector<16xf32>
        %max3A_161 = arith.maximumf %add3A_158, %max3A_160 : vector<16xf32>
        %swap3A_162 = arith.index_cast %scan3A_50 : i32 to index
        %swap3A_163 = arith.constant 96 : index
        %swap3A_164 = tpu.vector_load %arg11[%swap3A_162, %swap3A_163] {strides = array<i32>} : memref<80x128xf32, #tpu.memory_space<vmem>>, vector<1x16xf32>,
        %swap3A_165 = vector.shape_cast %swap3A_164 : vector<1x16xf32> to vector<16xf32>
        %swap3A_166 = vector.shape_cast %max3A_161 : vector<16xf32> to vector<1x16xf32>
        tpu.vector_store %arg11[%swap3A_162, %swap3A_163], %swap3A_166 {strides = array<i32>} : memref<80x128xf32, #tpu.memory_space<vmem>>, vector<1x16xf32>,
        %get3A_167 = arith.index_cast %scan3A_50 : i32 to index
        %get3A_168 = arith.constant 112 : index
        %get3A_169 = tpu.vector_load %arg11[%get3A_167, %get3A_168] {strides = array<i32>} : memref<80x128xf32, #tpu.memory_space<vmem>>, vector<1x16xf32>,
        %get3A_170 = vector.shape_cast %get3A_169 : vector<1x16xf32> to vector<16xf32>
        %get3A_171 = arith.index_cast %scan3A_50 : i32 to index
        %get3A_172 = arith.constant 112 : index
        %get3A_173 = tpu.vector_load %arg12[%get3A_171, %get3A_172] {strides = array<i32>} : memref<80x128xf32, #tpu.memory_space<vmem>>, vector<1x16xf32>,
        %get3A_174 = vector.shape_cast %get3A_173 : vector<1x16xf32> to vector<16xf32>
        %add3A_175 = arith.addf %get3A_170, %get3A_174 : vector<16xf32>
        %max3A_176 = arith.constant 0.000000e+00 : f32
        %max3A_177 = vector.broadcast %max3A_176 : f32 to vector<16xf32>
        %max3A_178 = arith.maximumf %add3A_175, %max3A_177 : vector<16xf32>
        %swap3A_179 = arith.index_cast %scan3A_50 : i32 to index
        %swap3A_180 = arith.constant 112 : index
        %swap3A_181 = tpu.vector_load %arg11[%swap3A_179, %swap3A_180] {strides = array<i32>} : memref<80x128xf32, #tpu.memory_space<vmem>>, vector<1x16xf32>,
        %swap3A_182 = vector.shape_cast %swap3A_181 : vector<1x16xf32> to vector<16xf32>
        %swap3A_183 = vector.shape_cast %max3A_178 : vector<16xf32> to vector<1x16xf32>
        tpu.vector_store %arg11[%swap3A_179, %swap3A_180], %swap3A_183 {strides = array<i32>} : memref<80x128xf32, #tpu.memory_space<vmem>>, vector<1x16xf32>,
      }
      %scan3A_49 = arith.constant 80 : i32
      "tpu.region"() ({
        %run_scoped3A = tpu.sem_alloc : memref<!tpu.dma_semaphore, #tpu.memory_space<semaphore_mem>>
        %dma_start3A_50 = arith.constant 0 : i32
        %dma_start3A_51 = arith.constant 0 : i32
        %dma_start3A_52 = tpu.memref_slice %arg13[%dma_start3A_50, %dma_start3A_51] : memref<10240x128xf32, #tpu.memory_space<vmem_shared>> -> memref<10240x128xf32, #tpu.memory_space<vmem_shared>>
        tpu.enqueue_indirect_dma source(%arg11 : memref<80x128xf32, #tpu.memory_space<vmem>>) target(%dma_start3A_52 : memref<10240x128xf32, #tpu.memory_space<vmem_shared>>) offsets(%arg10 : memref<80xi32, #tpu.memory_space<vmem>>) semaphore(%run_scoped3A : memref<!tpu.dma_semaphore, #tpu.memory_space<semaphore_mem>>) {add = true}
        %dma_wait3A_53 = arith.constant 0 : i32
        %dma_wait3A_54 = arith.constant 0 : i32
        %dma_wait3A_55 = tpu.memref_slice %arg13[%dma_wait3A_53, %dma_wait3A_54] : memref<10240x128xf32, #tpu.memory_space<vmem_shared>> -> memref<10240x128xf32, #tpu.memory_space<vmem_shared>>
        tpu.wait_indirect_dma semaphore(%run_scoped3A : memref<!tpu.dma_semaphore, #tpu.memory_space<semaphore_mem>>) src(%arg11 : memref<80x128xf32, #tpu.memory_space<vmem>>) dst(%dma_wait3A_55 : memref<10240x128xf32, #tpu.memory_space<vmem_shared>>)
        tpu.yield
      }) : () -> ()
    }
    %scan3A_16 = arith.constant 125 : i32
    %barrier3A_17 = arith.constant 0 : index
    tpu.barrier barrier_id(%barrier3A_17)
    %scan3A_18 = arith.constant 0 : i32
    %scan3A_19 = arith.constant 0 : i32
    %scan3A_20 = arith.constant 8 : i32
    %scan3A_21 = arith.addi %scan3A_19, %scan3A_20 : i32
    %scan3A_22 = arith.constant 1 : i32
    scf.for %scan3A_24 = %scan3A_19 to %scan3A_21 step %scan3A_22  : i32 {
      %mul3A = arith.constant 640 : i32
      %mul3A_25 = arith.muli %arg1, %mul3A : i32
      %mul3A_26 = arith.constant 80 : i32
      %mul3A_27 = arith.muli %scan3A_24, %mul3A_26 : i32
      %add3A = arith.addi %mul3A_25, %mul3A_27 : i32
      "tpu.region"() ({
        %run_scoped3A = tpu.sem_alloc : memref<!tpu.dma_semaphore, #tpu.memory_space<semaphore_mem>>
        %dma_start3A = arith.constant 0 : i32
        %dma_start3A_28 = tpu.memref_slice %arg13[%add3A, %dma_start3A] : memref<10240x128xf32, #tpu.memory_space<vmem_shared>> -> memref<80x128xf32, #tpu.memory_space<vmem_shared>>
        %dma_start3A_29 = arith.constant 0 : i32
        %dma_start3A_30 = tpu.memref_slice %arg13[%add3A, %dma_start3A_29] : memref<10240x128xf32, #tpu.memory_space<vmem_shared>> -> memref<80x128xf32, #tpu.memory_space<vmem_shared>>
        tpu.enqueue_dma source(%dma_start3A_30 : memref<80x128xf32, #tpu.memory_space<vmem_shared>>) target(%arg12 : memref<80x128xf32, #tpu.memory_space<vmem>>) target_semaphore(%run_scoped3A : memref<!tpu.dma_semaphore, #tpu.memory_space<semaphore_mem>>)
        %dma_wait3A = arith.constant 0 : i32
        %dma_wait3A_31 = tpu.memref_slice %arg13[%add3A, %dma_wait3A] : memref<10240x128xf32, #tpu.memory_space<vmem_shared>> -> memref<80x128xf32, #tpu.memory_space<vmem_shared>>
        %dma_wait3A_32 = arith.constant 0 : i32
        %dma_wait3A_33 = tpu.memref_slice %arg13[%add3A, %dma_wait3A_32] : memref<10240x128xf32, #tpu.memory_space<vmem_shared>> -> memref<80x128xf32, #tpu.memory_space<vmem_shared>>
        tpu.wait_dma2 semaphore(%run_scoped3A : memref<!tpu.dma_semaphore, #tpu.memory_space<semaphore_mem>>) src(%dma_wait3A_33 : memref<80x128xf32, #tpu.memory_space<vmem_shared>>) dst(%arg12 : memref<80x128xf32, #tpu.memory_space<vmem>>)
        tpu.yield
      }) : () -> ()
      "tpu.region"() ({
        %run_scoped3A = tpu.sem_alloc : memref<!tpu.dma_semaphore, #tpu.memory_space<semaphore_mem>>
        %dma_start3A = arith.constant 0 : i32
        %dma_start3A_28 = tpu.memref_slice %arg7[%arg0, %add3A, %dma_start3A] : memref<2x10240x128xf32, #tpu.memory_space<hbm>> -> memref<1x80x128xf32, #tpu.memory_space<hbm>>
        %dma_start3A_29 = tpu.memref_squeeze %dma_start3A_28 : memref<1x80x128xf32, #tpu.memory_space<hbm>> -> memref<80x128xf32, #tpu.memory_space<hbm>>
        %dma_start3A_30 = arith.constant 0 : i32
        %dma_start3A_31 = tpu.memref_slice %arg7[%arg0, %add3A, %dma_start3A_30] : memref<2x10240x128xf32, #tpu.memory_space<hbm>> -> memref<1x80x128xf32, #tpu.memory_space<hbm>>
        %dma_start3A_32 = tpu.memref_squeeze %dma_start3A_31 : memref<1x80x128xf32, #tpu.memory_space<hbm>> -> memref<80x128xf32, #tpu.memory_space<hbm>>
        tpu.enqueue_dma source(%arg12 : memref<80x128xf32, #tpu.memory_space<vmem>>) target(%dma_start3A_32 : memref<80x128xf32, #tpu.memory_space<hbm>>) target_semaphore(%run_scoped3A : memref<!tpu.dma_semaphore, #tpu.memory_space<semaphore_mem>>)
        %dma_wait3A = arith.constant 0 : i32
        %dma_wait3A_33 = tpu.memref_slice %arg7[%arg0, %add3A, %dma_wait3A] : memref<2x10240x128xf32, #tpu.memory_space<hbm>> -> memref<1x80x128xf32, #tpu.memory_space<hbm>>
        %dma_wait3A_34 = tpu.memref_squeeze %dma_wait3A_33 : memref<1x80x128xf32, #tpu.memory_space<hbm>> -> memref<80x128xf32, #tpu.memory_space<hbm>>
        %dma_wait3A_35 = arith.constant 0 : i32
        %dma_wait3A_36 = tpu.memref_slice %arg7[%arg0, %add3A, %dma_wait3A_35] : memref<2x10240x128xf32, #tpu.memory_space<hbm>> -> memref<1x80x128xf32, #tpu.memory_space<hbm>>
        %dma_wait3A_37 = tpu.memref_squeeze %dma_wait3A_36 : memref<1x80x128xf32, #tpu.memory_space<hbm>> -> memref<80x128xf32, #tpu.memory_space<hbm>>
        tpu.wait_dma2 semaphore(%run_scoped3A : memref<!tpu.dma_semaphore, #tpu.memory_space<semaphore_mem>>) src(%arg12 : memref<80x128xf32, #tpu.memory_space<vmem>>) dst(%dma_wait3A_37 : memref<80x128xf32, #tpu.memory_space<hbm>>)
        tpu.yield
      }) : () -> ()
    }
    %scan3A_23 = arith.constant 8 : i32
    return
  }
}

module attributes {stable_mosaic.version = 14 : i64} {
  func.func @_edge_body(%arg0: i32, %arg1: memref<640x16xf32, #tpu.memory_space<vmem>>, %arg2: memref<16x256xf32, #tpu.memory_space<vmem>>, %arg3: memref<1x256xf32, #tpu.memory_space<vmem>>, %arg4: memref<256x256xf32, #tpu.memory_space<vmem>>, %arg5: memref<1x256xf32, #tpu.memory_space<vmem>>, %arg6: memref<640x256xf32, #tpu.memory_space<vmem>>) attributes {dimension_semantics = [#tpu.dimension_semantics<arbitrary>], iteration_bounds = array<i64: 250>, scalar_prefetch = 0 : i64, scratch_operands = 0 : i64, tpu.core_type = #tpu.core_type<tc>, window_params = [{transform_indices = @transform_0, window_bounds = array<i64: 640, 16>}, {pipeline_mode = #tpu.pipeline_mode<synchronous>, transform_indices = @transform_1, window_bounds = array<i64: 16, 256>}, {pipeline_mode = #tpu.pipeline_mode<synchronous>, transform_indices = @transform_2, window_bounds = array<i64: 1, 256>}, {pipeline_mode = #tpu.pipeline_mode<synchronous>, transform_indices = @transform_3, window_bounds = array<i64: 256, 256>}, {pipeline_mode = #tpu.pipeline_mode<synchronous>, transform_indices = @transform_4, window_bounds = array<i64: 1, 256>}, {transform_indices = @transform_5, window_bounds = array<i64: 640, 256>}]} {
    %get3A = arith.constant 0 : index
    %get3A_0 = arith.constant 0 : index
    %get3A_1 = vector.load %arg1[%get3A, %get3A_0] : memref<640x16xf32, #tpu.memory_space<vmem>>, vector<640x16xf32>
    %get3A_2 = arith.constant 0 : index
    %get3A_3 = arith.constant 0 : index
    %get3A_4 = vector.load %arg2[%get3A_2, %get3A_3] : memref<16x256xf32, #tpu.memory_space<vmem>>, vector<16x256xf32>
    %dot_general3A = arith.constant dense<0.000000e+00> : vector<640x256xf32>
    %dot_general3A_5 = tpu.matmul %get3A_1, %get3A_4, %dot_general3A {dimension_numbers = #tpu.dot_dimension_numbers<[1], [0], [0], [1], [0, 0, 1, 1], [], []>, transpose_lhs_hint = false} : vector<640x16xf32>, vector<16x256xf32>, vector<640x256xf32> -> vector<640x256xf32>
    %get3A_6 = arith.constant 0 : index
    %get3A_7 = arith.constant 0 : index
    %get3A_8 = vector.load %arg3[%get3A_6, %get3A_7] : memref<1x256xf32, #tpu.memory_space<vmem>>, vector<1x256xf32>
    %add3A = vector.broadcast %get3A_8 : vector<1x256xf32> to vector<640x256xf32>
    %add3A_9 = arith.addf %dot_general3A_5, %add3A : vector<640x256xf32>
    %max3A = arith.constant 0.000000e+00 : f32
    %max3A_10 = vector.broadcast %max3A : f32 to vector<640x256xf32>
    %max3A_11 = arith.maximumf %add3A_9, %max3A_10 : vector<640x256xf32>
    %get3A_12 = arith.constant 0 : index
    %get3A_13 = arith.constant 0 : index
    %get3A_14 = vector.load %arg4[%get3A_12, %get3A_13] : memref<256x256xf32, #tpu.memory_space<vmem>>, vector<256x256xf32>
    %dot_general3A_15 = arith.constant dense<0.000000e+00> : vector<640x256xf32>
    %dot_general3A_16 = tpu.matmul %max3A_11, %get3A_14, %dot_general3A_15 {dimension_numbers = #tpu.dot_dimension_numbers<[1], [0], [0], [1], [0, 0, 1, 1], [], []>, transpose_lhs_hint = false} : vector<640x256xf32>, vector<256x256xf32>, vector<640x256xf32> -> vector<640x256xf32>
    %get3A_17 = arith.constant 0 : index
    %get3A_18 = arith.constant 0 : index
    %get3A_19 = vector.load %arg5[%get3A_17, %get3A_18] : memref<1x256xf32, #tpu.memory_space<vmem>>, vector<1x256xf32>
    %add3A_20 = vector.broadcast %get3A_19 : vector<1x256xf32> to vector<640x256xf32>
    %add3A_21 = arith.addf %dot_general3A_16, %add3A_20 : vector<640x256xf32>
    %swap3A = arith.constant 0 : index
    %swap3A_22 = arith.constant 0 : index
    %swap3A_23 = vector.load %arg6[%swap3A, %swap3A_22] : memref<640x256xf32, #tpu.memory_space<vmem>>, vector<640x256xf32>
    tpu.vector_store %arg6[%swap3A, %swap3A_22], %add3A_21 {strides = array<i32>} : memref<640x256xf32, #tpu.memory_space<vmem>>, vector<640x256xf32>,
    return
  }
  func.func @transform_0(%arg0: i32) -> (i32, i32) {
    %c0_i32 = arith.constant 0 : i32
    %c0_i32_0 = arith.constant 0 : i32
    return %arg0, %c0_i32 : i32, i32
  }
  func.func @transform_1(%arg0: i32) -> (i32, i32) {
    %c0_i32 = arith.constant 0 : i32
    %c0_i32_0 = arith.constant 0 : i32
    %c0_i32_1 = arith.constant 0 : i32
    return %c0_i32, %c0_i32_0 : i32, i32
  }
  func.func @transform_2(%arg0: i32) -> (i32, i32) {
    %c0_i32 = arith.constant 0 : i32
    %c0_i32_0 = arith.constant 0 : i32
    %c0_i32_1 = arith.constant 0 : i32
    return %c0_i32, %c0_i32_0 : i32, i32
  }
  func.func @transform_3(%arg0: i32) -> (i32, i32) {
    %c0_i32 = arith.constant 0 : i32
    %c0_i32_0 = arith.constant 0 : i32
    %c0_i32_1 = arith.constant 0 : i32
    return %c0_i32, %c0_i32_0 : i32, i32
  }
  func.func @transform_4(%arg0: i32) -> (i32, i32) {
    %c0_i32 = arith.constant 0 : i32
    %c0_i32_0 = arith.constant 0 : i32
    %c0_i32_1 = arith.constant 0 : i32
    return %c0_i32, %c0_i32_0 : i32, i32
  }
  func.func @transform_5(%arg0: i32) -> (i32, i32) {
    %c0_i32 = arith.constant 0 : i32
    %c0_i32_0 = arith.constant 0 : i32
    return %arg0, %c0_i32 : i32, i32
  }
}

module attributes {stable_mosaic.version = 14 : i64} {
  func.func @_node_body(%arg0: i32, %arg1: memref<400x128xf32, #tpu.memory_space<vmem>>, %arg2: memref<400x128xf32, #tpu.memory_space<vmem>>, %arg3: memref<1x400x128xf32, #tpu.memory_space<vmem>>, %arg4: memref<1x400x128xf32, #tpu.memory_space<vmem>>, %arg5: memref<256x256xf32, #tpu.memory_space<vmem>>, %arg6: memref<1x256xf32, #tpu.memory_space<vmem>>, %arg7: memref<256x256xf32, #tpu.memory_space<vmem>>, %arg8: memref<1x256xf32, #tpu.memory_space<vmem>>, %arg9: memref<1x1xf32, #tpu.memory_space<vmem>>, %arg10: memref<400x256xf32, #tpu.memory_space<vmem>>, %arg11: memref<1x256xf32, #tpu.memory_space<vmem>>, %arg12: memref<1x256xf32, #tpu.memory_space<vmem>>) attributes {dimension_semantics = [#tpu.dimension_semantics<arbitrary>], iteration_bounds = array<i64: 25>, scalar_prefetch = 0 : i64, scratch_operands = 0 : i64, tpu.core_type = #tpu.core_type<tc>, window_params = [{transform_indices = @transform_0, window_bounds = array<i64: 400, 128>}, {transform_indices = @transform_1, window_bounds = array<i64: 400, 128>}, {transform_indices = @transform_2, window_bounds = array<i64: 1, 400, 128>}, {transform_indices = @transform_3, window_bounds = array<i64: 1, 400, 128>}, {pipeline_mode = #tpu.pipeline_mode<synchronous>, transform_indices = @transform_4, window_bounds = array<i64: 256, 256>}, {pipeline_mode = #tpu.pipeline_mode<synchronous>, transform_indices = @transform_5, window_bounds = array<i64: 1, 256>}, {pipeline_mode = #tpu.pipeline_mode<synchronous>, transform_indices = @transform_6, window_bounds = array<i64: 256, 256>}, {pipeline_mode = #tpu.pipeline_mode<synchronous>, transform_indices = @transform_7, window_bounds = array<i64: 1, 256>}, {pipeline_mode = #tpu.pipeline_mode<synchronous>, transform_indices = @transform_8, window_bounds = array<i64: 1, 1>}, {transform_indices = @transform_9, window_bounds = array<i64: 400, 256>}, {pipeline_mode = #tpu.pipeline_mode<synchronous>, transform_indices = @transform_10, window_bounds = array<i64: 1, 256>}, {pipeline_mode = #tpu.pipeline_mode<synchronous>, transform_indices = @transform_11, window_bounds = array<i64: 1, 256>}]} {
    %get3A = arith.constant 0 : index
    %get3A_0 = arith.constant 0 : index
    %get3A_1 = vector.load %arg1[%get3A, %get3A_0] : memref<400x128xf32, #tpu.memory_space<vmem>>, vector<400x128xf32>
    %get3A_2 = arith.constant 0 : index
    %get3A_3 = arith.constant 0 : index
    %get3A_4 = vector.load %arg2[%get3A_2, %get3A_3] : memref<400x128xf32, #tpu.memory_space<vmem>>, vector<400x128xf32>
    %concatenate3A = tpu.concatenate %get3A_1, %get3A_4 in 1 : vector<400x128xf32>, vector<400x128xf32> -> vector<400x256xf32>
    %get3A_5 = arith.constant 0 : index
    %get3A_6 = arith.constant 0 : index
    %get3A_7 = arith.constant 0 : index
    %get3A_8 = vector.load %arg3[%get3A_5, %get3A_6, %get3A_7] : memref<1x400x128xf32, #tpu.memory_space<vmem>>, vector<1x400x128xf32>
    %get3A_9 = vector.shape_cast %get3A_8 : vector<1x400x128xf32> to vector<400x128xf32>
    %get3A_10 = arith.constant 0 : index
    %get3A_11 = arith.constant 0 : index
    %get3A_12 = arith.constant 0 : index
    %get3A_13 = vector.load %arg4[%get3A_10, %get3A_11, %get3A_12] : memref<1x400x128xf32, #tpu.memory_space<vmem>>, vector<1x400x128xf32>
    %get3A_14 = vector.shape_cast %get3A_13 : vector<1x400x128xf32> to vector<400x128xf32>
    %concatenate3A_15 = tpu.concatenate %get3A_9, %get3A_14 in 1 : vector<400x128xf32>, vector<400x128xf32> -> vector<400x256xf32>
    %get3A_16 = arith.constant 0 : index
    %get3A_17 = arith.constant 0 : index
    %get3A_18 = vector.load %arg9[%get3A_16, %get3A_17] : memref<1x1xf32, #tpu.memory_space<vmem>>, vector<1x1xf32>
    %mul3A = vector.broadcast %get3A_18 : vector<1x1xf32> to vector<400x256xf32>
    %mul3A_19 = arith.mulf %mul3A, %concatenate3A : vector<400x256xf32>
    %add3A = arith.addf %mul3A_19, %concatenate3A_15 : vector<400x256xf32>
    %get3A_20 = arith.constant 0 : index
    %get3A_21 = arith.constant 0 : index
    %get3A_22 = vector.load %arg5[%get3A_20, %get3A_21] : memref<256x256xf32, #tpu.memory_space<vmem>>, vector<256x256xf32>
    %dot_general3A = arith.constant dense<0.000000e+00> : vector<400x256xf32>
    %dot_general3A_23 = tpu.matmul %add3A, %get3A_22, %dot_general3A {dimension_numbers = #tpu.dot_dimension_numbers<[1], [0], [0], [1], [0, 0, 1, 1], [], []>, transpose_lhs_hint = false} : vector<400x256xf32>, vector<256x256xf32>, vector<400x256xf32> -> vector<400x256xf32>
    %get3A_24 = arith.constant 0 : index
    %get3A_25 = arith.constant 0 : index
    %get3A_26 = vector.load %arg6[%get3A_24, %get3A_25] : memref<1x256xf32, #tpu.memory_space<vmem>>, vector<1x256xf32>
    %add3A_27 = vector.broadcast %get3A_26 : vector<1x256xf32> to vector<400x256xf32>
    %add3A_28 = arith.addf %dot_general3A_23, %add3A_27 : vector<400x256xf32>
    %max3A = arith.constant 0.000000e+00 : f32
    %max3A_29 = vector.broadcast %max3A : f32 to vector<400x256xf32>
    %max3A_30 = arith.maximumf %add3A_28, %max3A_29 : vector<400x256xf32>
    %get3A_31 = arith.constant 0 : index
    %get3A_32 = arith.constant 0 : index
    %get3A_33 = vector.load %arg7[%get3A_31, %get3A_32] : memref<256x256xf32, #tpu.memory_space<vmem>>, vector<256x256xf32>
    %dot_general3A_34 = arith.constant dense<0.000000e+00> : vector<400x256xf32>
    %dot_general3A_35 = tpu.matmul %max3A_30, %get3A_33, %dot_general3A_34 {dimension_numbers = #tpu.dot_dimension_numbers<[1], [0], [0], [1], [0, 0, 1, 1], [], []>, transpose_lhs_hint = false} : vector<400x256xf32>, vector<256x256xf32>, vector<400x256xf32> -> vector<400x256xf32>
    %get3A_36 = arith.constant 0 : index
    %get3A_37 = arith.constant 0 : index
    %get3A_38 = vector.load %arg8[%get3A_36, %get3A_37] : memref<1x256xf32, #tpu.memory_space<vmem>>, vector<1x256xf32>
    %add3A_39 = vector.broadcast %get3A_38 : vector<1x256xf32> to vector<400x256xf32>
    %add3A_40 = arith.addf %dot_general3A_35, %add3A_39 : vector<400x256xf32>
    %swap3A = arith.constant 0 : index
    %swap3A_41 = arith.constant 0 : index
    %swap3A_42 = vector.load %arg10[%swap3A, %swap3A_41] : memref<400x256xf32, #tpu.memory_space<vmem>>, vector<400x256xf32>
    tpu.vector_store %arg10[%swap3A, %swap3A_41], %add3A_40 {strides = array<i32>} : memref<400x256xf32, #tpu.memory_space<vmem>>, vector<400x256xf32>,
    %reduce_sum3A = arith.constant dense<0.000000e+00> : vector<256xf32>
    %reduce_sum3A_43 = vector.multi_reduction <add>, %add3A_40, %reduce_sum3A [0] : vector<400x256xf32> to vector<256xf32>
    %broadcast_in_dim3A = vector.shape_cast %reduce_sum3A_43 : vector<256xf32> to vector<1x256xf32>
    %mul3A_44 = arith.mulf %add3A_40, %add3A_40 : vector<400x256xf32>
    %reduce_sum3A_45 = arith.constant dense<0.000000e+00> : vector<256xf32>
    %reduce_sum3A_46 = vector.multi_reduction <add>, %mul3A_44, %reduce_sum3A_45 [0] : vector<400x256xf32> to vector<256xf32>
    %broadcast_in_dim3A_47 = vector.shape_cast %reduce_sum3A_46 : vector<256xf32> to vector<1x256xf32>
    %eq3A = arith.constant 0 : i32
    %eq3A_48 = arith.cmpi eq, %arg0, %eq3A : i32
    %convert_element_type3A = arith.extui %eq3A_48 : i1 to i32
    %cond3A = arith.constant 0 : i32
    %cond3A_49 = arith.cmpi ne, %convert_element_type3A, %cond3A : i32
    scf.if %cond3A_49 {
      %swap3A_54 = arith.constant 0 : index
      %swap3A_55 = arith.constant 0 : index
      %swap3A_56 = vector.load %arg11[%swap3A_54, %swap3A_55] : memref<1x256xf32, #tpu.memory_space<vmem>>, vector<1x256xf32>
      tpu.vector_store %arg11[%swap3A_54, %swap3A_55], %broadcast_in_dim3A {strides = array<i32>} : memref<1x256xf32, #tpu.memory_space<vmem>>, vector<1x256xf32>,
      %swap3A_57 = arith.constant 0 : index
      %swap3A_58 = arith.constant 0 : index
      %swap3A_59 = vector.load %arg12[%swap3A_57, %swap3A_58] : memref<1x256xf32, #tpu.memory_space<vmem>>, vector<1x256xf32>
      tpu.vector_store %arg12[%swap3A_57, %swap3A_58], %broadcast_in_dim3A_47 {strides = array<i32>} : memref<1x256xf32, #tpu.memory_space<vmem>>, vector<1x256xf32>,
    } else {
    }
    %gt3A = arith.constant 0 : i32
    %gt3A_50 = arith.cmpi sgt, %arg0, %gt3A : i32
    %convert_element_type3A_51 = arith.extui %gt3A_50 : i1 to i32
    %cond3A_52 = arith.constant 0 : i32
    %cond3A_53 = arith.cmpi ne, %convert_element_type3A_51, %cond3A_52 : i32
    scf.if %cond3A_53 {
      %get3A_54 = arith.constant 0 : index
      %get3A_55 = arith.constant 0 : index
      %get3A_56 = vector.load %arg11[%get3A_54, %get3A_55] : memref<1x256xf32, #tpu.memory_space<vmem>>, vector<1x256xf32>
      %add3A_57 = arith.addf %get3A_56, %broadcast_in_dim3A : vector<1x256xf32>
      %swap3A_58 = arith.constant 0 : index
      %swap3A_59 = arith.constant 0 : index
      %swap3A_60 = vector.load %arg11[%swap3A_58, %swap3A_59] : memref<1x256xf32, #tpu.memory_space<vmem>>, vector<1x256xf32>
      tpu.vector_store %arg11[%swap3A_58, %swap3A_59], %add3A_57 {strides = array<i32>} : memref<1x256xf32, #tpu.memory_space<vmem>>, vector<1x256xf32>,
      %get3A_61 = arith.constant 0 : index
      %get3A_62 = arith.constant 0 : index
      %get3A_63 = vector.load %arg12[%get3A_61, %get3A_62] : memref<1x256xf32, #tpu.memory_space<vmem>>, vector<1x256xf32>
      %add3A_64 = arith.addf %get3A_63, %broadcast_in_dim3A_47 : vector<1x256xf32>
      %swap3A_65 = arith.constant 0 : index
      %swap3A_66 = arith.constant 0 : index
      %swap3A_67 = vector.load %arg12[%swap3A_65, %swap3A_66] : memref<1x256xf32, #tpu.memory_space<vmem>>, vector<1x256xf32>
      tpu.vector_store %arg12[%swap3A_65, %swap3A_66], %add3A_64 {strides = array<i32>} : memref<1x256xf32, #tpu.memory_space<vmem>>, vector<1x256xf32>,
    } else {
    }
    return
  }
  func.func @transform_0(%arg0: i32) -> (i32, i32) {
    %c0_i32 = arith.constant 0 : i32
    %c0_i32_0 = arith.constant 0 : i32
    return %arg0, %c0_i32 : i32, i32
  }
  func.func @transform_1(%arg0: i32) -> (i32, i32) {
    %add3A = arith.constant 25 : i32
    %add3A_0 = arith.addi %add3A, %arg0 : i32
    %c0_i32 = arith.constant 0 : i32
    %c0_i32_1 = arith.constant 0 : i32
    return %add3A_0, %c0_i32 : i32, i32
  }
  func.func @transform_2(%arg0: i32) -> (i32, i32, i32) {
    %c0_i32 = arith.constant 0 : i32
    %c0_i32_0 = arith.constant 0 : i32
    %c0_i32_1 = arith.constant 0 : i32
    return %c0_i32, %arg0, %c0_i32_0 : i32, i32, i32
  }
  func.func @transform_3(%arg0: i32) -> (i32, i32, i32) {
    %c1_i32 = arith.constant 1 : i32
    %c0_i32 = arith.constant 0 : i32
    %c0_i32_0 = arith.constant 0 : i32
    return %c1_i32, %arg0, %c0_i32 : i32, i32, i32
  }
  func.func @transform_4(%arg0: i32) -> (i32, i32) {
    %c0_i32 = arith.constant 0 : i32
    %c0_i32_0 = arith.constant 0 : i32
    %c0_i32_1 = arith.constant 0 : i32
    return %c0_i32, %c0_i32_0 : i32, i32
  }
  func.func @transform_5(%arg0: i32) -> (i32, i32) {
    %c0_i32 = arith.constant 0 : i32
    %c0_i32_0 = arith.constant 0 : i32
    %c0_i32_1 = arith.constant 0 : i32
    return %c0_i32, %c0_i32_0 : i32, i32
  }
  func.func @transform_6(%arg0: i32) -> (i32, i32) {
    %c0_i32 = arith.constant 0 : i32
    %c0_i32_0 = arith.constant 0 : i32
    %c0_i32_1 = arith.constant 0 : i32
    return %c0_i32, %c0_i32_0 : i32, i32
  }
  func.func @transform_7(%arg0: i32) -> (i32, i32) {
    %c0_i32 = arith.constant 0 : i32
    %c0_i32_0 = arith.constant 0 : i32
    %c0_i32_1 = arith.constant 0 : i32
    return %c0_i32, %c0_i32_0 : i32, i32
  }
  func.func @transform_8(%arg0: i32) -> (i32, i32) {
    %c0_i32 = arith.constant 0 : i32
    %c0_i32_0 = arith.constant 0 : i32
    %c0_i32_1 = arith.constant 0 : i32
    return %c0_i32, %c0_i32_0 : i32, i32
  }
  func.func @transform_9(%arg0: i32) -> (i32, i32) {
    %c0_i32 = arith.constant 0 : i32
    %c0_i32_0 = arith.constant 0 : i32
    return %arg0, %c0_i32 : i32, i32
  }
  func.func @transform_10(%arg0: i32) -> (i32, i32) {
    %c0_i32 = arith.constant 0 : i32
    %c0_i32_0 = arith.constant 0 : i32
    %c0_i32_1 = arith.constant 0 : i32
    return %c0_i32, %c0_i32_0 : i32, i32
  }
  func.func @transform_11(%arg0: i32) -> (i32, i32) {
    %c0_i32 = arith.constant 0 : i32
    %c0_i32_0 = arith.constant 0 : i32
    %c0_i32_1 = arith.constant 0 : i32
    return %c0_i32, %c0_i32_0 : i32, i32
  }
}

module attributes {stable_mosaic.version = 14 : i64} {
  func.func @_bnap_body(%arg0: i32, %arg1: i32, %arg2: memref<400x128xf32, #tpu.memory_space<vmem>>, %arg3: memref<1x128xf32, #tpu.memory_space<vmem>>, %arg4: memref<1x128xf32, #tpu.memory_space<vmem>>, %arg5: memref<1x128xf32, #tpu.memory_space<vmem>>, %arg6: memref<1x128xf32, #tpu.memory_space<vmem>>, %arg7: memref<400x128xf32, #tpu.memory_space<vmem>>) attributes {dimension_semantics = [#tpu.dimension_semantics<arbitrary>, #tpu.dimension_semantics<arbitrary>], iteration_bounds = array<i64: 2, 25>, scalar_prefetch = 0 : i64, scratch_operands = 0 : i64, tpu.core_type = #tpu.core_type<tc>, window_params = [{transform_indices = @transform_0, window_bounds = array<i64: 400, 128>}, {transform_indices = @transform_1, window_bounds = array<i64: 1, 128>}, {transform_indices = @transform_2, window_bounds = array<i64: 1, 128>}, {transform_indices = @transform_3, window_bounds = array<i64: 1, 128>}, {transform_indices = @transform_4, window_bounds = array<i64: 1, 128>}, {transform_indices = @transform_5, window_bounds = array<i64: 400, 128>}]} {
    %get3A = arith.constant 0 : index
    %get3A_0 = arith.constant 0 : index
    %get3A_1 = vector.load %arg3[%get3A, %get3A_0] : memref<1x128xf32, #tpu.memory_space<vmem>>, vector<1x128xf32>
    %get3A_2 = arith.constant 0 : index
    %get3A_3 = arith.constant 0 : index
    %get3A_4 = vector.load %arg2[%get3A_2, %get3A_3] : memref<400x128xf32, #tpu.memory_space<vmem>>, vector<400x128xf32>
    %get3A_5 = arith.constant 0 : index
    %get3A_6 = arith.constant 0 : index
    %get3A_7 = vector.load %arg4[%get3A_5, %get3A_6] : memref<1x128xf32, #tpu.memory_space<vmem>>, vector<1x128xf32>
    %sub3A = vector.broadcast %get3A_7 : vector<1x128xf32> to vector<400x128xf32>
    %sub3A_8 = arith.subf %get3A_4, %sub3A : vector<400x128xf32>
    %mul3A = vector.broadcast %get3A_1 : vector<1x128xf32> to vector<400x128xf32>
    %mul3A_9 = arith.mulf %mul3A, %sub3A_8 : vector<400x128xf32>
    %get3A_10 = arith.constant 0 : index
    %get3A_11 = arith.constant 0 : index
    %get3A_12 = vector.load %arg5[%get3A_10, %get3A_11] : memref<1x128xf32, #tpu.memory_space<vmem>>, vector<1x128xf32>
    %add3A = arith.constant 9.99999974E-6 : f32
    %add3A_13 = vector.broadcast %add3A : f32 to vector<1x128xf32>
    %add3A_14 = arith.addf %get3A_12, %add3A_13 : vector<1x128xf32>
    %sqrt3A = math.sqrt %add3A_14 : vector<1x128xf32>
    %div3A = vector.broadcast %sqrt3A : vector<1x128xf32> to vector<400x128xf32>
    %div3A_15 = arith.divf %mul3A_9, %div3A : vector<400x128xf32>
    %get3A_16 = arith.constant 0 : index
    %get3A_17 = arith.constant 0 : index
    %get3A_18 = vector.load %arg6[%get3A_16, %get3A_17] : memref<1x128xf32, #tpu.memory_space<vmem>>, vector<1x128xf32>
    %add3A_19 = vector.broadcast %get3A_18 : vector<1x128xf32> to vector<400x128xf32>
    %add3A_20 = arith.addf %div3A_15, %add3A_19 : vector<400x128xf32>
    %max3A = arith.constant 0.000000e+00 : f32
    %max3A_21 = vector.broadcast %max3A : f32 to vector<400x128xf32>
    %max3A_22 = arith.maximumf %add3A_20, %max3A_21 : vector<400x128xf32>
    %swap3A = arith.constant 0 : index
    %swap3A_23 = arith.constant 0 : index
    %swap3A_24 = vector.load %arg7[%swap3A, %swap3A_23] : memref<400x128xf32, #tpu.memory_space<vmem>>, vector<400x128xf32>
    tpu.vector_store %arg7[%swap3A, %swap3A_23], %max3A_22 {strides = array<i32>} : memref<400x128xf32, #tpu.memory_space<vmem>>, vector<400x128xf32>,
    return
  }
  func.func @transform_0(%arg0: i32, %arg1: i32) -> (i32, i32) {
    %c0_i32 = arith.constant 0 : i32
    return %arg1, %arg0 : i32, i32
  }
  func.func @transform_1(%arg0: i32, %arg1: i32) -> (i32, i32) {
    %c0_i32 = arith.constant 0 : i32
    %c0_i32_0 = arith.constant 0 : i32
    return %c0_i32, %arg0 : i32, i32
  }
  func.func @transform_2(%arg0: i32, %arg1: i32) -> (i32, i32) {
    %c0_i32 = arith.constant 0 : i32
    %c0_i32_0 = arith.constant 0 : i32
    return %c0_i32, %arg0 : i32, i32
  }
  func.func @transform_3(%arg0: i32, %arg1: i32) -> (i32, i32) {
    %c0_i32 = arith.constant 0 : i32
    %c0_i32_0 = arith.constant 0 : i32
    return %c0_i32, %arg0 : i32, i32
  }
  func.func @transform_4(%arg0: i32, %arg1: i32) -> (i32, i32) {
    %c0_i32 = arith.constant 0 : i32
    %c0_i32_0 = arith.constant 0 : i32
    return %c0_i32, %arg0 : i32, i32
  }
  func.func @transform_5(%arg0: i32, %arg1: i32) -> (i32, i32) {
    %mul3A = arith.constant 25 : i32
    %mul3A_0 = arith.muli %arg0, %mul3A : i32
    %add3A = arith.addi %mul3A_0, %arg1 : i32
    %c0_i32 = arith.constant 0 : i32
    %c0_i32_1 = arith.constant 0 : i32
    return %add3A, %c0_i32 : i32, i32
  }
}

module attributes {stable_mosaic.version = 14 : i64} {
  func.func @_heada_body(%arg0: i32, %arg1: memref<400x128xf32, #tpu.memory_space<vmem>>, %arg2: memref<400x128xf32, #tpu.memory_space<vmem>>, %arg3: memref<256x256xf32, #tpu.memory_space<vmem>>, %arg4: memref<1x256xf32, #tpu.memory_space<vmem>>, %arg5: memref<400x256xf32, #tpu.memory_space<vmem>>, %arg6: memref<1x256xf32, #tpu.memory_space<vmem>>, %arg7: memref<1x256xf32, #tpu.memory_space<vmem>>) attributes {dimension_semantics = [#tpu.dimension_semantics<arbitrary>], iteration_bounds = array<i64: 25>, scalar_prefetch = 0 : i64, scratch_operands = 0 : i64, tpu.core_type = #tpu.core_type<tc>, window_params = [{transform_indices = @transform_0, window_bounds = array<i64: 400, 128>}, {transform_indices = @transform_1, window_bounds = array<i64: 400, 128>}, {pipeline_mode = #tpu.pipeline_mode<synchronous>, transform_indices = @transform_2, window_bounds = array<i64: 256, 256>}, {pipeline_mode = #tpu.pipeline_mode<synchronous>, transform_indices = @transform_3, window_bounds = array<i64: 1, 256>}, {transform_indices = @transform_4, window_bounds = array<i64: 400, 256>}, {pipeline_mode = #tpu.pipeline_mode<synchronous>, transform_indices = @transform_5, window_bounds = array<i64: 1, 256>}, {pipeline_mode = #tpu.pipeline_mode<synchronous>, transform_indices = @transform_6, window_bounds = array<i64: 1, 256>}]} {
    %get3A = arith.constant 0 : index
    %get3A_0 = arith.constant 0 : index
    %get3A_1 = vector.load %arg1[%get3A, %get3A_0] : memref<400x128xf32, #tpu.memory_space<vmem>>, vector<400x128xf32>
    %get3A_2 = arith.constant 0 : index
    %get3A_3 = arith.constant 0 : index
    %get3A_4 = vector.load %arg2[%get3A_2, %get3A_3] : memref<400x128xf32, #tpu.memory_space<vmem>>, vector<400x128xf32>
    %concatenate3A = tpu.concatenate %get3A_1, %get3A_4 in 1 : vector<400x128xf32>, vector<400x128xf32> -> vector<400x256xf32>
    %get3A_5 = arith.constant 0 : index
    %get3A_6 = arith.constant 0 : index
    %get3A_7 = vector.load %arg3[%get3A_5, %get3A_6] : memref<256x256xf32, #tpu.memory_space<vmem>>, vector<256x256xf32>
    %dot_general3A = arith.constant dense<0.000000e+00> : vector<400x256xf32>
    %dot_general3A_8 = tpu.matmul %concatenate3A, %get3A_7, %dot_general3A {dimension_numbers = #tpu.dot_dimension_numbers<[1], [0], [0], [1], [0, 0, 1, 1], [], []>, transpose_lhs_hint = false} : vector<400x256xf32>, vector<256x256xf32>, vector<400x256xf32> -> vector<400x256xf32>
    %get3A_9 = arith.constant 0 : index
    %get3A_10 = arith.constant 0 : index
    %get3A_11 = vector.load %arg4[%get3A_9, %get3A_10] : memref<1x256xf32, #tpu.memory_space<vmem>>, vector<1x256xf32>
    %add3A = vector.broadcast %get3A_11 : vector<1x256xf32> to vector<400x256xf32>
    %add3A_12 = arith.addf %dot_general3A_8, %add3A : vector<400x256xf32>
    %swap3A = arith.constant 0 : index
    %swap3A_13 = arith.constant 0 : index
    %swap3A_14 = vector.load %arg5[%swap3A, %swap3A_13] : memref<400x256xf32, #tpu.memory_space<vmem>>, vector<400x256xf32>
    tpu.vector_store %arg5[%swap3A, %swap3A_13], %add3A_12 {strides = array<i32>} : memref<400x256xf32, #tpu.memory_space<vmem>>, vector<400x256xf32>,
    %reduce_sum3A = arith.constant dense<0.000000e+00> : vector<256xf32>
    %reduce_sum3A_15 = vector.multi_reduction <add>, %add3A_12, %reduce_sum3A [0] : vector<400x256xf32> to vector<256xf32>
    %broadcast_in_dim3A = vector.shape_cast %reduce_sum3A_15 : vector<256xf32> to vector<1x256xf32>
    %mul3A = arith.mulf %add3A_12, %add3A_12 : vector<400x256xf32>
    %reduce_sum3A_16 = arith.constant dense<0.000000e+00> : vector<256xf32>
    %reduce_sum3A_17 = vector.multi_reduction <add>, %mul3A, %reduce_sum3A_16 [0] : vector<400x256xf32> to vector<256xf32>
    %broadcast_in_dim3A_18 = vector.shape_cast %reduce_sum3A_17 : vector<256xf32> to vector<1x256xf32>
    %eq3A = arith.constant 0 : i32
    %eq3A_19 = arith.cmpi eq, %arg0, %eq3A : i32
    %convert_element_type3A = arith.extui %eq3A_19 : i1 to i32
    %cond3A = arith.constant 0 : i32
    %cond3A_20 = arith.cmpi ne, %convert_element_type3A, %cond3A : i32
    scf.if %cond3A_20 {
      %swap3A_25 = arith.constant 0 : index
      %swap3A_26 = arith.constant 0 : index
      %swap3A_27 = vector.load %arg6[%swap3A_25, %swap3A_26] : memref<1x256xf32, #tpu.memory_space<vmem>>, vector<1x256xf32>
      tpu.vector_store %arg6[%swap3A_25, %swap3A_26], %broadcast_in_dim3A {strides = array<i32>} : memref<1x256xf32, #tpu.memory_space<vmem>>, vector<1x256xf32>,
      %swap3A_28 = arith.constant 0 : index
      %swap3A_29 = arith.constant 0 : index
      %swap3A_30 = vector.load %arg7[%swap3A_28, %swap3A_29] : memref<1x256xf32, #tpu.memory_space<vmem>>, vector<1x256xf32>
      tpu.vector_store %arg7[%swap3A_28, %swap3A_29], %broadcast_in_dim3A_18 {strides = array<i32>} : memref<1x256xf32, #tpu.memory_space<vmem>>, vector<1x256xf32>,
    } else {
    }
    %gt3A = arith.constant 0 : i32
    %gt3A_21 = arith.cmpi sgt, %arg0, %gt3A : i32
    %convert_element_type3A_22 = arith.extui %gt3A_21 : i1 to i32
    %cond3A_23 = arith.constant 0 : i32
    %cond3A_24 = arith.cmpi ne, %convert_element_type3A_22, %cond3A_23 : i32
    scf.if %cond3A_24 {
      %get3A_25 = arith.constant 0 : index
      %get3A_26 = arith.constant 0 : index
      %get3A_27 = vector.load %arg6[%get3A_25, %get3A_26] : memref<1x256xf32, #tpu.memory_space<vmem>>, vector<1x256xf32>
      %add3A_28 = arith.addf %get3A_27, %broadcast_in_dim3A : vector<1x256xf32>
      %swap3A_29 = arith.constant 0 : index
      %swap3A_30 = arith.constant 0 : index
      %swap3A_31 = vector.load %arg6[%swap3A_29, %swap3A_30] : memref<1x256xf32, #tpu.memory_space<vmem>>, vector<1x256xf32>
      tpu.vector_store %arg6[%swap3A_29, %swap3A_30], %add3A_28 {strides = array<i32>} : memref<1x256xf32, #tpu.memory_space<vmem>>, vector<1x256xf32>,
      %get3A_32 = arith.constant 0 : index
      %get3A_33 = arith.constant 0 : index
      %get3A_34 = vector.load %arg7[%get3A_32, %get3A_33] : memref<1x256xf32, #tpu.memory_space<vmem>>, vector<1x256xf32>
      %add3A_35 = arith.addf %get3A_34, %broadcast_in_dim3A_18 : vector<1x256xf32>
      %swap3A_36 = arith.constant 0 : index
      %swap3A_37 = arith.constant 0 : index
      %swap3A_38 = vector.load %arg7[%swap3A_36, %swap3A_37] : memref<1x256xf32, #tpu.memory_space<vmem>>, vector<1x256xf32>
      tpu.vector_store %arg7[%swap3A_36, %swap3A_37], %add3A_35 {strides = array<i32>} : memref<1x256xf32, #tpu.memory_space<vmem>>, vector<1x256xf32>,
    } else {
    }
    return
  }
  func.func @transform_0(%arg0: i32) -> (i32, i32) {
    %c0_i32 = arith.constant 0 : i32
    %c0_i32_0 = arith.constant 0 : i32
    return %arg0, %c0_i32 : i32, i32
  }
  func.func @transform_1(%arg0: i32) -> (i32, i32) {
    %add3A = arith.constant 25 : i32
    %add3A_0 = arith.addi %add3A, %arg0 : i32
    %c0_i32 = arith.constant 0 : i32
    %c0_i32_1 = arith.constant 0 : i32
    return %add3A_0, %c0_i32 : i32, i32
  }
  func.func @transform_2(%arg0: i32) -> (i32, i32) {
    %c0_i32 = arith.constant 0 : i32
    %c0_i32_0 = arith.constant 0 : i32
    %c0_i32_1 = arith.constant 0 : i32
    return %c0_i32, %c0_i32_0 : i32, i32
  }
  func.func @transform_3(%arg0: i32) -> (i32, i32) {
    %c0_i32 = arith.constant 0 : i32
    %c0_i32_0 = arith.constant 0 : i32
    %c0_i32_1 = arith.constant 0 : i32
    return %c0_i32, %c0_i32_0 : i32, i32
  }
  func.func @transform_4(%arg0: i32) -> (i32, i32) {
    %c0_i32 = arith.constant 0 : i32
    %c0_i32_0 = arith.constant 0 : i32
    return %arg0, %c0_i32 : i32, i32
  }
  func.func @transform_5(%arg0: i32) -> (i32, i32) {
    %c0_i32 = arith.constant 0 : i32
    %c0_i32_0 = arith.constant 0 : i32
    %c0_i32_1 = arith.constant 0 : i32
    return %c0_i32, %c0_i32_0 : i32, i32
  }
  func.func @transform_6(%arg0: i32) -> (i32, i32) {
    %c0_i32 = arith.constant 0 : i32
    %c0_i32_0 = arith.constant 0 : i32
    %c0_i32_1 = arith.constant 0 : i32
    return %c0_i32, %c0_i32_0 : i32, i32
  }
}

module attributes {stable_mosaic.version = 14 : i64} {
  func.func @_headb_body(%arg0: i32, %arg1: memref<400x256xf32, #tpu.memory_space<vmem>>, %arg2: memref<256x1xf32, #tpu.memory_space<vmem>>, %arg3: memref<1x1xf32, #tpu.memory_space<vmem>>, %arg4: memref<400x1xf32, #tpu.memory_space<vmem>>) attributes {dimension_semantics = [#tpu.dimension_semantics<arbitrary>], iteration_bounds = array<i64: 25>, scalar_prefetch = 0 : i64, scratch_operands = 0 : i64, tpu.core_type = #tpu.core_type<tc>, window_params = [{transform_indices = @transform_0, window_bounds = array<i64: 400, 256>}, {pipeline_mode = #tpu.pipeline_mode<synchronous>, transform_indices = @transform_1, window_bounds = array<i64: 256, 1>}, {pipeline_mode = #tpu.pipeline_mode<synchronous>, transform_indices = @transform_2, window_bounds = array<i64: 1, 1>}, {transform_indices = @transform_3, window_bounds = array<i64: 400, 1>}]} {
    %get3A = arith.constant 0 : index
    %get3A_0 = arith.constant 0 : index
    %get3A_1 = vector.load %arg1[%get3A, %get3A_0] : memref<400x256xf32, #tpu.memory_space<vmem>>, vector<400x256xf32>
    %get3A_2 = arith.constant 0 : index
    %get3A_3 = arith.constant 0 : index
    %get3A_4 = vector.load %arg2[%get3A_2, %get3A_3] : memref<256x1xf32, #tpu.memory_space<vmem>>, vector<256x1xf32>
    %dot_general3A = arith.constant dense<0.000000e+00> : vector<400x1xf32>
    %dot_general3A_5 = tpu.matmul %get3A_1, %get3A_4, %dot_general3A {dimension_numbers = #tpu.dot_dimension_numbers<[1], [0], [0], [1], [0, 0, 1, 1], [], []>, transpose_lhs_hint = false} : vector<400x256xf32>, vector<256x1xf32>, vector<400x1xf32> -> vector<400x1xf32>
    %get3A_6 = arith.constant 0 : index
    %get3A_7 = arith.constant 0 : index
    %get3A_8 = vector.load %arg3[%get3A_6, %get3A_7] : memref<1x1xf32, #tpu.memory_space<vmem>>, vector<1x1xf32>
    %add3A = vector.broadcast %get3A_8 : vector<1x1xf32> to vector<400x1xf32>
    %add3A_9 = arith.addf %dot_general3A_5, %add3A : vector<400x1xf32>
    %swap3A = arith.constant 0 : index
    %swap3A_10 = arith.constant 0 : index
    %swap3A_11 = vector.load %arg4[%swap3A, %swap3A_10] : memref<400x1xf32, #tpu.memory_space<vmem>>, vector<400x1xf32>
    tpu.vector_store %arg4[%swap3A, %swap3A_10], %add3A_9 {strides = array<i32>} : memref<400x1xf32, #tpu.memory_space<vmem>>, vector<400x1xf32>,
    return
  }
  func.func @transform_0(%arg0: i32) -> (i32, i32) {
    %c0_i32 = arith.constant 0 : i32
    %c0_i32_0 = arith.constant 0 : i32
    return %arg0, %c0_i32 : i32, i32
  }
  func.func @transform_1(%arg0: i32) -> (i32, i32) {
    %c0_i32 = arith.constant 0 : i32
    %c0_i32_0 = arith.constant 0 : i32
    %c0_i32_1 = arith.constant 0 : i32
    return %c0_i32, %c0_i32_0 : i32, i32
  }
  func.func @transform_2(%arg0: i32) -> (i32, i32) {
    %c0_i32 = arith.constant 0 : i32
    %c0_i32_0 = arith.constant 0 : i32
    %c0_i32_1 = arith.constant 0 : i32
    return %c0_i32, %c0_i32_0 : i32, i32
  }
  func.func @transform_3(%arg0: i32) -> (i32, i32) {
    %c0_i32 = arith.constant 0 : i32
    %c0_i32_0 = arith.constant 0 : i32
    return %arg0, %c0_i32 : i32, i32
  }
}

</mosaic_0001>

<sc_bundles>
// kernel: gather_offload_async_start.1
scs
__scs_entry_jumppad:
0x0: {  	(pc) =	sbr.rel $0x88, $3  }
0x1: {  	(tag) =	ssettag $0x0;
	lr =	simm.s32 $0x1  }
0x2: {  	[smem:$0x3F8D] =	sst lr;
	_ =	strace $0xD0000000  }
0x3: {  	_ = 	snop  }
0x4: {  	_ = 	snop  }
0x5: {  	_ = 	snop  }
0x6: {  	_ = 	snop  }
0x7: {  	_ = 	snop  }
__scs_overlays_trampoline_lowered:
0x8: {  	[smem:$0x3F9C] =	sst s0  }
0x9: {  	[smem:$0x3F9D] =	sst s1  }
0xa: {  	[smem:$0x3F9E] =	sst s2  }
0xb: {  	[smem:$0x3F9F] =	sst s3  }
0xc: {  	[smem:$0x3FA0] =	sst s4  }
0xd: {  	[smem:$0x3FA1] =	sst s5  }
0xe: {  	[smem:$0x3FA2] =	sst s6  }
0xf: {  	[smem:$0x3FA3] =	sst s7  }
0x10: {  	[smem:$0x3FA4] =	sst s8  }
0x11: {  	[smem:$0x3FA5] =	sst s9;
	s0 =	simm.s32 @!p0 $0x0  }
0x12: {  	s1 =	sld [smem:$0x3F8B];
	s0 =	simm.s32 @p0 $0x1  }
0x13: {  	[smem:$0x3FA6] =	sst s0;
	s0 =	simm.s32 @!p1 $0x0  }
0x14: {  	s2 =	sld [smem:$0x3F8A];
	s0 =	simm.s32 @p1 $0x1  }
0x15: {  	[smem:$0x3FA7] =	sst s0;
	s0 =	simm.s32 @!p2 $0x0  }
0x16: {  	s3 =	sld [smem:$0x3FDB];
	s0 =	simm.s32 @p2 $0x1  }
0x17: {  	s4 =	simm.s32 $0x1BF5;
	[smem:$0x3FA9] =	sst s0  }
0x18: {  	s0 =	sld [smem:$0x3F8C];
	_ =	swait.ge [sflag:s4], $0x0  }
0x19: {  	s7 =	sld [smem:$0x3F8D]  }
0x1a: {  	s8 =	sadd.s32 $0xFFFFE003, lr  }
0x1b: {  	s9 =	sadd.s32 $0xFFFFFEF7, lr;
	s5 =	simm.s32 $0xFFFFFFFF;
	p2 =	slt.u32 s8, $0xFFFFF086  }
0x1c: {  	p1 =	slt.u32 s9, $0xF7A;
	s5 =	simm.s32 @!p2 $0x0  }
0x1d: {  	s5 =	simm.s32 @p1 $0x1;
	p0 =	seq.s32 s7, s2  }
0x1e: {  	s7 =	smul.u32 @!p0 $0xF7A, s2;
	p2 =	seq.s32 @!p0 s5, $0x0  }
0x1f: {  	s9 =	smul.u32 $0xF7A, s1;
	s8 =	simm.s32 @!p0 $0x1BF5;
	p2 =	por !p2, p0  }
0x20: {  	[sflag:s8] =	ssyncset.s32 @!p0 $0xFFFFF086;
	s6 =	sadd.s32 @!p0 s3, s7;
	s7 =	simm.s32 @!p0 $0x108  }
0x21: {  	s3 =	sadd.s32 s3, s9;
	s6 =	sadd.s32 @!p0 $0x88, s6;
	s7 =	simm.s32 @p2 $0x1082  }
0x22: {  	[simem:s7], [sflag:s8] =	dma.local @!p0 [hbm:s6], $0xF7A  }
0x23: {  	s9 =	sor.u32 $0xD0000000, s2;
	s6 =	simm.s32 $0x108;
	_ =	swait.ge @!p0 [sflag:s8], $0x0  }
0x24: {  	s3 =	sadd.s32 $0x88, s3;
	s6 =	simm.s32 @!p1 $0x1082;
	[sflag:s4] =	ssyncset.s32 $0xFFFFF086  }
0x25: {  	[simem:s6], [sflag:s4] =	dma.local [hbm:s3], $0xF7A  }
0x26: {  	[smem:$0x3F8D] =	sst s1;
	(tag) =	ssettag s2;
	_ =	strace s9  }
0x27: {  	s1 =	sld [smem:$0x3F9D]  }
0x28: {  	s2 =	sld [smem:$0x3F9E]  }
0x29: {  	s4 =	sld [smem:$0x3FA0]  }
0x2a: {  	p0 =	seq.s32 s5, $0x0;
	s5 =	sld [smem:$0x3FA1]  }
0x2b: {  	s6 =	sld [smem:$0x3FA2]  }
0x2c: {  	s7 =	sld [smem:$0x3FA3]  }
0x2d: {  	s3 =	simm.s32 $0x108;
	s8 =	sld [smem:$0x3FA4]  }
0x2e: {  	s3 =	simm.s32 @!p0 $0x1082;
	s9 =	sld [smem:$0x3FA5]  }
0x2f: {  	lr =	sadd.s32 s0, s3;
	s0 =	sld [smem:$0x3F9C]  }
0x30: {  	s3 =	sld [smem:$0x3F9F]  }
0x31: {  	[smem:$0x3FA8] =	sst s10  }
0x32: {  	s10 =	sld [smem:$0x3FA6];
	_ =	sdelay $0x3  }
0x33: {  	p0 =	seq.s32 s10, $0x1;
	s10 =	sld [smem:$0x3FA8];
	_ =	sdelay $0x3  }
0x34: {  	[smem:$0x3FA8] =	sst s10  }
0x35: {  	s10 =	sld [smem:$0x3FA7];
	_ =	sdelay $0x3  }
0x36: {  	p1 =	seq.s32 s10, $0x1;
	s10 =	sld [smem:$0x3FA8];
	_ =	sdelay $0x3  }
0x37: {  	[smem:$0x3FA8] =	sst s10  }
0x38: {  	s10 =	sld [smem:$0x3FA9]  }
0x39: {  	_ = 	snop;
	(pc) =	sbr.ind lr, $3  }
0x3a: {  	_ = 	snop  }
0x3b: {  	_ = 	snop  }
0x3c: {  	p2 =	seq.s32 s10, $0x1;
	s10 =	sld [smem:$0x3FA8]  }
0x3d: {  	_ =	shalt  }
0x3e: {  	_ =	shalt  }
0x3f: {  	_ =	shalt  }
0x40: {  	_ =	shalt  }
0x41: {  	_ =	shalt  }
0x42: {  	_ =	shalt  }
0x43: {  	_ =	shalt  }
0x44: {  	_ =	shalt  }
0x45: {  	_ =	shalt  }
0x46: {  	_ =	shalt  }
0x47: {  	_ =	shalt  }
0x48: {  	_ =	shalt  }
0x49: {  	_ =	shalt  }
0x4a: {  	_ =	shalt  }
0x4b: {  	_ =	shalt  }
0x4c: {  	_ =	shalt  }
0x4d: {  	_ =	shalt  }
0x4e: {  	_ =	shalt  }
0x4f: {  	_ =	shalt  }
0x50: {  	_ =	shalt  }
0x51: {  	_ =	shalt  }
0x52: {  	_ =	shalt  }
0x53: {  	_ =	shalt  }
0x54: {  	_ =	shalt  }
0x55: {  	_ =	shalt  }
0x56: {  	_ =	shalt  }
0x57: {  	_ =	shalt  }
0x58: {  	_ =	shalt  }
0x59: {  	_ =	shalt  }
0x5a: {  	_ =	shalt  }
0x5b: {  	_ =	shalt  }
0x5c: {  	_ =	shalt  }
0x5d: {  	_ =	shalt  }
0x5e: {  	_ =	shalt  }
0x5f: {  	_ =	shalt  }
0x60: {  	_ =	shalt  }
0x61: {  	_ =	shalt  }
0x62: {  	_ =	shalt  }
0x63: {  	_ =	shalt  }
0x64: {  	_ =	shalt  }
0x65: {  	_ =	shalt  }
0x66: {  	_ =	shalt  }
0x67: {  	_ =	shalt  }
0x68: {  	_ =	shalt  }
0x69: {  	_ =	shalt  }
0x6a: {  	_ =	shalt  }
0x6b: {  	_ =	shalt  }
0x6c: {  	_ =	shalt  }
0x6d: {  	_ =	shalt  }
0x6e: {  	_ =	shalt  }
0x6f: {  	_ =	shalt  }
0x70: {  	_ =	shalt  }
0x71: {  	_ =	shalt  }
0x72: {  	_ =	shalt  }
0x73: {  	_ =	shalt  }
0x74: {  	_ =	shalt  }
0x75: {  	_ =	shalt  }
0x76: {  	_ =	shalt  }
0x77: {  	_ =	shalt  }
0x78: {  	_ =	shalt  }
0x79: {  	_ =	shalt  }
0x7a: {  	_ =	shalt  }
0x7b: {  	_ =	shalt  }
0x7c: {  	_ =	shalt  }
0x7d: {  	_ =	shalt  }
0x7e: {  	_ =	shalt  }
0x7f: {  	_ =	shalt  }
0x80: {  	_ =	shalt  }
0x81: {  	_ =	shalt  }
0x82: {  	_ =	shalt  }
0x83: {  	_ =	shalt  }
0x84: {  	_ =	shalt  }
0x85: {  	_ =	shalt  }
0x86: {  	_ =	shalt  }
0x87: {  	_ =	shalt  }
.Lfunc_end0:
.L_simem_size_0:
called_computation.1_lowered:
.L_overlay_start_0:
0x88: {  	s2 =	sld [smem:$0x3FD9]  }
0x89: {  	s3 =	sld [smem:$0x3FFE];
	_ =	sdelay $0x1  }
0x8a: {  	s1 =	srdreg.scid  }
0x8b: {  	s0 =	sand.u32 $0x1, s1  }
0x8c: {  	s16 =	sshll.u32 s0, $0xA;
	s2 =	sadd.s32 s3, s2  }
0x8d: {  	s2 =	sadd.s32 s2, s16  }
0x8e: {  	[smem:$0x3FB4] =	sst s2  }
0x8f: {  	_ = 	snop  }
0x90: {  	(tm) =	ssettm $0x1  }
0x91: {  	s17 =	sld [smem:$0x3FFB];
	_ =	sdelay $0x3  }
0x92: {  	_ =	strace s17  }
0x93: {  	s2 =	sld [smem:$0x3FFC];
	_ =	sdelay $0x3  }
0x94: {  	_ =	strace s2  }
0x95: {  	s2 =	sld [smem:$0x3FFD];
	_ =	sdelay $0x3  }
0x96: {  	_ =	strace s2  }
0x97: {  	_ =	strace $0x8FFFFFFF  }
0x98: {  	s18 =	sld [smem:$0x3FDB];
	_ =	sdelay $0x1  }
0x99: {  	s19 =	simm.s32 $_scs_section_size  }
0x9a: {  	s4 =	simm.s32 $_size__tile_overlayer_lowered;
	s5 =	simm.s32 $_tile_overlayer_lowered  }
0x9b: {  	s22 =	simm.s32 $0x1BFF;
	s21 =	sshll.u32 s5, $0x1;
	s2 =	sadd.s32 s19, s18  }
0x9c: {  	s6 =	simm.s32 $0x0;
	s20 =	sshll.u32 s4, $0x1;
	s4 =	sadd.s32 s21, s2  }
0x9d: {  	[timem:s6], [sflag:s22] =	dma.local [hbm:s4], s20  }
0x9e: {  	_ =	swait.ge [sflag:s22], s20  }
0x9f: {  	s3 =	ssub.s32 $0x0, s20;
	[sflag:s22] =	ssyncset.done $0x0  }
0xa0: {  	[sflag:s22] =	ssyncadd.s32 s3;
	_ =	sdelay $0x1  }
0xa1: {  	s23 =	simm.s32 $0x1B8B  }
0xa2: {  	_ =	swait.ge [sflag:s23], $0x1  }
0xa3: {  	[sflag:s23] =	ssyncset.done $0x0  }
0xa4: {  	s25 =	simm.s32 $0x1B8E;
	s24 =	sld [smem:$0x3FFE];
	[sflag:s23] =	ssyncadd.s32 $0xFFFFFFFF  }
0xa5: {  	s26 =	simm.s32 $execute0_lowered;
	[smem:$0x3FD2] =	sst s25  }
0xa6: {  	s4 =	sshll.u32 s26, $0x1;
	_ =	strace $0x80000046;
	[dreg:$0x1] =	wrdreg $0xFFFFFFFF  }
0xa7: {  	s28 =	simm.s32 $_size_execute0_lowered;
	s2 =	sadd.s32 s2, s4;
	[dreg:$0x0] =	wrdreg $0x0  }
0xa8: {  	s4 =	sshll.u32 s28, $0x1;
	[dreg:$0x2] =	wrdreg s2  }
0xa9: {  	[dreg:$0x3] =	wrdreg s4  }
0xaa: {  	[dreg:$0x4] =	wrdreg $0xC0  }
0xab: {  	_ =	task [dreg:s6], $0x5FFFF  }
0xac: {  	[dreg:$0x1] =	wrdreg $0xFFFFFFFF  }
0xad: {  	[dreg:$0x0] =	wrdreg $0x60  }
0xae: {  	[dreg:$0x2] =	wrdreg s24  }
0xaf: {  	[dreg:$0x3] =	wrdreg $0x9  }
0xb0: {  	_ =	task.clear_ibuf [dreg:s6], $0x4FFFF;
	_ =	strace $0x90000046  }
0xb1: {  	s29 =	simm.s32 $0x9;
	_ =	strace $0x80000048  }
0xb2: {  	_ =	swait.ge [sflag:s29], $0x1  }
0xb3: {  	[sflag:s29] =	ssyncadd.s32 $0xFFFFFFFF  }
0xb4: {  	_ =	strace $0x90000048  }
0xb5: {  	_ =	sfence  }
0xb6: {  	s30 =	sld [smem:$0x0];
	_ =	sdelay $0x2  }
0xb7: {  	s31 =	sshll.u32 s1, $0xD;
	s1 =	sshrl.u32 s1, $0x2  }
0xb8: {  	s3 =	sand.u32 $0x4000, s31;
	s1 =	sadd.s32 s1, s30  }
0xb9: {  	s0 =	sor.u32 s3, s0;
	s1 =	sshll.u32 s1, $0x11  }
0xba: {  	s0 =	sor.u32 s1, s0  }
0xbb: {  	s0 =	sadd.s32 $0x8F2B, s0  }
0xbc: {  	[sflag:s0] =	ssyncadd.remote.s32 $0x1  }
0xbd: {  	_ =	sfence.sel $0xFFFF  }
0xbe: {  	[dreg:$0x0] =	wrdreg $0xFFFFFFFF;
	(pc) =	sbr.abs _section_cstart, $3  }
0xbf: {  	[dreg:$0x1] =	wrdreg $0xFFFFFFFF  }
0xc0: {  	_ =	task.clear_ibuf [dreg:s6], $0x2FFFF;
	_ =	strace $0x9FFFFFFF  }
0xc1: {  	(tm) =	ssettm $0x7FFFFFFF  }
tec
execute0_lowered:
.L_overlay_start_1:
0x0: {  	(tag) =	ssettag $0x1  }
0x1: {  	s8 =	rddreg [dreg:$0x0]  }
0x2: {  	s0 =	rddreg [dreg:$0x1];
	_ =	strace $0x80000047;
	s1 =	stileid.u32  }
0x3: {  	s3 =	srdreg.scid;
	s4 =	simm.s32 $0x1;
	s7 =	simm.s32 $0x1  }
0x4: {  	s9 =	simm.s32 $0x1;
	s10 =	simm.s32 $0x3;
	s13 =	simm.s32 $0x0  }
0x5: {  	s12 =	simm.s32 $0x0;
	s5 =	sand.u32 $0x1, s3;
	s6 =	sshll.u32 s1, $0x1  }
0x6: {  	s2 =	sadd.s32 $0x5C00, s8;
	s3 =	sadd.s32 $0x19C00, s8;
	s5 =	sor.u32 s6, s5  }
.Ltmp0:
0x7: {  	[sflag:s4] =	ssyncpa.u1 $0x0;
	p0 =	slt.u32 s5, $0x9;
	(pc) =	sbr.rel .LBB2_1-.Ltmp0, $4  }
0x8: {  	s6 =	simm.s32 $0x2;
	s7 =	simm.s32 @!p0 $0x0;
	p0 =	sne.s32 s5, $0x8  }
0x9: {  	[sflag:s6] =	ssyncpa.u1 $0x0;
	s5 =	smul.u32 $0xFA0, s5;
	s9 =	simm.s32 @!p0 $0x0  }
0xa: {  	s8 =	sadd.s32 $0x2E5000, s8;
	[sflag:s10] =	ssyncpa.u1 $0x0;
	s7 =	sadd.s32 s9, s7  }
0xb: {  	vm0 =	vmmov $0xffff;
	s10 =	simm.s32 $0x0;
	s11 =	smov.u32 s5;
	s9 =	sadd.s32 $0x1, s7  }
.LBB2_4:
0xc: {  	v2 =	vnsel vm1, $0x0, v2  }
0xd: {  	vm1 =	vgt.s32 v0, $0x0;
	v2 =	vmin.u32 v2, $0x270FF  }
0xe: {  	v0 =	vnsel vm1, $0x0, v0  }
0xf: {  	v0 =	vmin.u32 v0, $0x270FF  }
0x10: {  	[tilespmem:s18], [sflag:$0x1] =	stream.indirect_vreg.gather [hbm4b:s2+s10], $0x1, v1, vm0, $0x4038;
	[tilespmem:$0x3E80] =	vst v63  }
0x11: {  	(ifvalue) =	ssetifvalue $0x7FFFFFFF  }
0x12: {  	[tilespmem:s15], [sflag:$0x1] =	stream.indirect_vreg.gather [hbm4b:s2+s10], $0x1, v2, vm0, $0x4038;
	[tilespmem:$0x3E80] =	vst v63  }
0x13: {  	s29 =	sadd.s32 $0x10, s15;
	(ifvalue) =	ssetifvalue $0x7FFFFFFF  }
0x14: {  	[tilespmem:s29], [sflag:$0x1] =	stream.indirect_vreg.gather [hbm4b:s2+s10], $0x1, v0, vm0, $0x4038;
	[tilespmem:$0x3E80] =	vst v63  }
0x15: {  	_ =	swait.ge [sflag:s4], $0xFA0  }
0x16: {  	s30 =	sshrl.u32 s13, $0x3;
	[sflag:s4] =	ssyncset.done $0x0  }
0x17: {  	s31 =	sand.u32 $0x7, s13;
	s15 =	sadd.s32 s8, s30;
	[sflag:s4] =	ssyncadd.s32 $0xFFFFF060  }
0x18: {  	[hbm4b:s15+s31] =	stream.linear.scatter [tilespmem:s14], [sflag:$0x3], $0xFA0, $0x38;
	[tilespmem:$0x3E80] =	vst v63  }
.LBB2_5:
0x19: {  	s15 =	sadd.s32 $0x1F400, s11  }
0x1a: {  	p1 =	sgt.s32 s15, $0x270FF  }
0x1b: {  	s15 =	smov.u32 @p1 s5;
	p1 =	sne.s32 s12, s9  }
.Ltmp1:
0x1c: {  	p0 =	slt.u32 s12, $0x2;
	(pc) =	sbr.rel @!p1 .LBB2_6-.Ltmp1, $4  }
0x1d: {  	s14 =	simm.s32 @!p0 $0x3  }
0x1e: {  	_ =	swait.ge @!p0 [sflag:s14], $0xFA0  }
0x1f: {  	s16 =	sadd.s32 $0x1, s12;
	s13 =	smov.u32 s11;
	[sflag:s14] =	ssyncset.done @!p0 $0x0  }
0x20: {  	s12 =	smov.u32 s16;
	s11 =	smov.u32 s15;
	[sflag:s14] =	ssyncadd.s32 @!p0 $0xFFFFF060  }
.LBB2_1:
0x21: {  	p0 =	sge.u32 s12, s7  }
0x22: {  	s14 =	sxor.u32 @!p0 $0x1, s12  }
0x23: {  	s14 =	smul.u32 @!p0 $0x3E80, s14  }
0x24: {  	s31 =	sadd.s32 $0xFFFFFFFF, s12;
	s15 =	sshrl.u32 @!p0 s11, $0x3  }
0x25: {  	s16 =	sand.u32 @!p0 $0x7, s11;
	s15 =	sadd.s32 @!p0 s3, s15;
	s14 =	sshra.s32 @!p0 s14, $0x2  }
0x26: {  	[tilespmem:s14], [sflag:$0x2] =	stream.linear.gather @!p0 [hbm4b:s15+s16], $0xFA0, $0x38;
	[tilespmem:$0x3E80] =	vst v63  }
0x27: {  	p0 =	sge.u32 s31, s7  }
.Ltmp2:
0x28: {  	_ = 	snop;
	(pc) =	sbr.rel @p0 .LBB2_5-.Ltmp2, $1  }
0x29: {  	_ =	sdelay $0x3  }
0x2a: {  	s14 =	sand.u32 $0x1, s12  }
0x2b: {  	_ =	swait.ge [sflag:s6], $0xFA0;
	p0 =	seq.s32 s14, $0x1;
	s14 =	simm.s32 $0xFA0  }
0x2c: {  	[sflag:s6] =	ssyncset.done $0x0;
	s14 =	simm.s32 @!p0 $0x0  }
0x2d: {  	[sflag:s6] =	ssyncadd.s32 $0xFFFFF060;
	(ifvalue) =	ssetifvalue $0x7FFFFFFF;
	v0 =	vld.msk [tilespmem:s14+$0x0 ss:$0x1], $0xffff;
	_ =	sdelay $0x4  }
0x2e: {  	s15 =	sadd.s32 $0x10, s14;
	vm1 =	vgt.s32 v0, $0x0  }
0x2f: {  	v2 =	vld.msk [tilespmem:s15+$0x0 ss:$0x1], $0xffff;
	v1 =	vnsel vm1, $0x0, v0  }
0x30: {  	v1 =	vmin.u32 v1, $0x270FF;
	_ =	sdelay $0x2  }
0x31: {  	s17 =	simm.s32 $0x20;
	s14 =	sadd.s32 $0x1F40, s14;
	s16 =	sadd.s32 $0x10, s15  }
0x32: {  	s15 =	sadd.s32 $0x10, s14;
	s18 =	smov.u32 s14;
	v0 =	vld.msk [tilespmem:s16+$0x0 ss:$0x1], $0xffff;
	vm1 =	vgt.s32 v2, $0x0;
	(ifvalue) =	ssetifvalue $0x7FFFFFFF  }
.LBB2_3:
0x33: {  	[tilespmem:s18], [sflag:$0x1] =	stream.indirect_vreg.gather [hbm4b:s2+s10], $0x1, v1, vm0, $0x4038;
	[tilespmem:$0x3E80] =	vst v63  }
0x34: {  	s17 =	sadd.s32 $0x10, s17  }
0x35: {  	v2 =	vnsel vm1, $0x0, v2;
	p0 =	slt.u32 s17, $0xF90  }
.Ltmp3:
0x36: {  	s18 =	smov.u32 s15;
	v1 =	vmin.u32 v2, $0x270FF;
	(pc) =	sbr.rel @p0 .LBB2_3-.Ltmp3, $3  }
0x37: {  	_ =	sdelay $0x1  }
0x38: {  	s16 =	sadd.s32 $0x10, s16  }
0x39: {  	vm1 =	vgt.s32 v0, $0x0;
	s15 =	sadd.s32 $0x10, s15;
	v2 =	vmov v0;
	(ifvalue) =	ssetifvalue $0x7FFFFFFF;
	v0 =	vld.msk [tilespmem:s16+$0x0 ss:$0x1], $0xffff  }
.Ltmp4:
0x3a: {  	_ = 	snop;
	(pc) =	sbr.rel .LBB2_4-.Ltmp4, $1  }
0x3b: {  	_ =	sdelay $0x3  }
.LBB2_6:
0x3c: {  	_ =	sfence.sel $0x180000  }
0x3d: {  	s2 =	simm.s32 $0x2;
	[bflag:$0x0] =	sbarrier.arrive $0xFFFF  }
0x3e: {  	s30 =	simm.s32 $0x3;
	[sflag:s2] =	ssyncpa.u1 $0x1  }
0x3f: {  	s31 =	simm.s32 $0x1;
	[sflag:s30] =	ssyncpa.u1 $0x1  }
0x40: {  	[sflag:s31] =	ssyncpa.u1 $0x1  }
0x41: {  	p0 =	sne.s32 s1, $0x0;
	_ =	strace $0x90000047  }
0x42: {  	s0 =	sadd.s32 @!p0 $0x100000, s0;
	[bflag:$0x2] =	sbarrier.arrive $0xFFFF  }
0x43: {  	[sflag:s0] =	ssyncadd.tile.s32 @!p0 $0x1;
	_ =	shalt  }
.Lfunc_end2:
_tile_overlayer_lowered:
.L_overlay_start_2:
0x44: {  	(tag) =	ssettag $0x2  }
0x45: {  	s0 =	rddreg [dreg:$0x0];
	s2 =	stileid.u32  }
0x46: {  	s1 =	rddreg [dreg:$0x1];
	p0 =	sne.s32 s2, $0x0  }
0x47: {  	s3 =	rddreg [dreg:$0x2];
	[bflag:$0x3] =	sbarrier.arrive $0xFFFF;
	s2 =	simm.s32 @!p0 $0x1C01  }
0x48: {  	[timem:s3], [sflag:s2] =	dma.local @!p0 [hbm:s0], s1  }
0x49: {  	s0 =	simm.s32 @!p0 $0x1  }
0x4a: {  	_ =	swait.ge @!p0 [sflag:s0], s1  }
0x4b: {  	s1 =	ssub.s32 @!p0 $0x0, s1;
	[sflag:s0] =	ssyncset.done @!p0 $0x0  }
0x4c: {  	[sflag:s0] =	ssyncadd.s32 @!p0 s1  }
0x4d: {  	[bflag:$0x3] =	sbarrier.arrive $0xFFFF  }
0x4e: {  	_ =	shalt  }

// kernel: gather_offload_async_start
scs
__scs_entry_jumppad:
0x0: {  	(pc) =	sbr.rel $0x88, $3  }
0x1: {  	(tag) =	ssettag $0x0;
	lr =	simm.s32 $0x1  }
0x2: {  	[smem:$0x3F8D] =	sst lr;
	_ =	strace $0xD0000000  }
0x3: {  	_ = 	snop  }
0x4: {  	_ = 	snop  }
0x5: {  	_ = 	snop  }
0x6: {  	_ = 	snop  }
0x7: {  	_ = 	snop  }
__scs_overlays_trampoline_lowered:
0x8: {  	[smem:$0x3F9C] =	sst s0  }
0x9: {  	[smem:$0x3F9D] =	sst s1  }
0xa: {  	[smem:$0x3F9E] =	sst s2  }
0xb: {  	[smem:$0x3F9F] =	sst s3  }
0xc: {  	[smem:$0x3FA0] =	sst s4  }
0xd: {  	[smem:$0x3FA1] =	sst s5  }
0xe: {  	[smem:$0x3FA2] =	sst s6  }
0xf: {  	[smem:$0x3FA3] =	sst s7  }
0x10: {  	[smem:$0x3FA4] =	sst s8  }
0x11: {  	[smem:$0x3FA5] =	sst s9;
	s0 =	simm.s32 @!p0 $0x0  }
0x12: {  	s1 =	sld [smem:$0x3F8B];
	s0 =	simm.s32 @p0 $0x1  }
0x13: {  	[smem:$0x3FA6] =	sst s0;
	s0 =	simm.s32 @!p1 $0x0  }
0x14: {  	s2 =	sld [smem:$0x3F8A];
	s0 =	simm.s32 @p1 $0x1  }
0x15: {  	[smem:$0x3FA7] =	sst s0;
	s0 =	simm.s32 @!p2 $0x0  }
0x16: {  	s3 =	sld [smem:$0x3FDB];
	s0 =	simm.s32 @p2 $0x1  }
0x17: {  	s4 =	simm.s32 $0x1BF5;
	[smem:$0x3FA9] =	sst s0  }
0x18: {  	s0 =	sld [smem:$0x3F8C];
	_ =	swait.ge [sflag:s4], $0x0  }
0x19: {  	s7 =	sld [smem:$0x3F8D]  }
0x1a: {  	s8 =	sadd.s32 $0xFFFFE003, lr  }
0x1b: {  	s9 =	sadd.s32 $0xFFFFFEF7, lr;
	s5 =	simm.s32 $0xFFFFFFFF;
	p2 =	slt.u32 s8, $0xFFFFF086  }
0x1c: {  	p1 =	slt.u32 s9, $0xF7A;
	s5 =	simm.s32 @!p2 $0x0  }
0x1d: {  	s5 =	simm.s32 @p1 $0x1;
	p0 =	seq.s32 s7, s2  }
0x1e: {  	s7 =	smul.u32 @!p0 $0xF7A, s2;
	p2 =	seq.s32 @!p0 s5, $0x0  }
0x1f: {  	s9 =	smul.u32 $0xF7A, s1;
	s8 =	simm.s32 @!p0 $0x1BF5;
	p2 =	por !p2, p0  }
0x20: {  	[sflag:s8] =	ssyncset.s32 @!p0 $0xFFFFF086;
	s6 =	sadd.s32 @!p0 s3, s7;
	s7 =	simm.s32 @!p0 $0x108  }
0x21: {  	s3 =	sadd.s32 s3, s9;
	s6 =	sadd.s32 @!p0 $0x88, s6;
	s7 =	simm.s32 @p2 $0x1082  }
0x22: {  	[simem:s7], [sflag:s8] =	dma.local @!p0 [hbm:s6], $0xF7A  }
0x23: {  	s9 =	sor.u32 $0xD0000000, s2;
	s6 =	simm.s32 $0x108;
	_ =	swait.ge @!p0 [sflag:s8], $0x0  }
0x24: {  	s3 =	sadd.s32 $0x88, s3;
	s6 =	simm.s32 @!p1 $0x1082;
	[sflag:s4] =	ssyncset.s32 $0xFFFFF086  }
0x25: {  	[simem:s6], [sflag:s4] =	dma.local [hbm:s3], $0xF7A  }
0x26: {  	[smem:$0x3F8D] =	sst s1;
	(tag) =	ssettag s2;
	_ =	strace s9  }
0x27: {  	s1 =	sld [smem:$0x3F9D]  }
0x28: {  	s2 =	sld [smem:$0x3F9E]  }
0x29: {  	s4 =	sld [smem:$0x3FA0]  }
0x2a: {  	p0 =	seq.s32 s5, $0x0;
	s5 =	sld [smem:$0x3FA1]  }
0x2b: {  	s6 =	sld [smem:$0x3FA2]  }
0x2c: {  	s7 =	sld [smem:$0x3FA3]  }
0x2d: {  	s3 =	simm.s32 $0x108;
	s8 =	sld [smem:$0x3FA4]  }
0x2e: {  	s3 =	simm.s32 @!p0 $0x1082;
	s9 =	sld [smem:$0x3FA5]  }
0x2f: {  	lr =	sadd.s32 s0, s3;
	s0 =	sld [smem:$0x3F9C]  }
0x30: {  	s3 =	sld [smem:$0x3F9F]  }
0x31: {  	[smem:$0x3FA8] =	sst s10  }
0x32: {  	s10 =	sld [smem:$0x3FA6];
	_ =	sdelay $0x3  }
0x33: {  	p0 =	seq.s32 s10, $0x1;
	s10 =	sld [smem:$0x3FA8];
	_ =	sdelay $0x3  }
0x34: {  	[smem:$0x3FA8] =	sst s10  }
0x35: {  	s10 =	sld [smem:$0x3FA7];
	_ =	sdelay $0x3  }
0x36: {  	p1 =	seq.s32 s10, $0x1;
	s10 =	sld [smem:$0x3FA8];
	_ =	sdelay $0x3  }
0x37: {  	[smem:$0x3FA8] =	sst s10  }
0x38: {  	s10 =	sld [smem:$0x3FA9]  }
0x39: {  	_ = 	snop;
	(pc) =	sbr.ind lr, $3  }
0x3a: {  	_ = 	snop  }
0x3b: {  	_ = 	snop  }
0x3c: {  	p2 =	seq.s32 s10, $0x1;
	s10 =	sld [smem:$0x3FA8]  }
0x3d: {  	_ =	shalt  }
0x3e: {  	_ =	shalt  }
0x3f: {  	_ =	shalt  }
0x40: {  	_ =	shalt  }
0x41: {  	_ =	shalt  }
0x42: {  	_ =	shalt  }
0x43: {  	_ =	shalt  }
0x44: {  	_ =	shalt  }
0x45: {  	_ =	shalt  }
0x46: {  	_ =	shalt  }
0x47: {  	_ =	shalt  }
0x48: {  	_ =	shalt  }
0x49: {  	_ =	shalt  }
0x4a: {  	_ =	shalt  }
0x4b: {  	_ =	shalt  }
0x4c: {  	_ =	shalt  }
0x4d: {  	_ =	shalt  }
0x4e: {  	_ =	shalt  }
0x4f: {  	_ =	shalt  }
0x50: {  	_ =	shalt  }
0x51: {  	_ =	shalt  }
0x52: {  	_ =	shalt  }
0x53: {  	_ =	shalt  }
0x54: {  	_ =	shalt  }
0x55: {  	_ =	shalt  }
0x56: {  	_ =	shalt  }
0x57: {  	_ =	shalt  }
0x58: {  	_ =	shalt  }
0x59: {  	_ =	shalt  }
0x5a: {  	_ =	shalt  }
0x5b: {  	_ =	shalt  }
0x5c: {  	_ =	shalt  }
0x5d: {  	_ =	shalt  }
0x5e: {  	_ =	shalt  }
0x5f: {  	_ =	shalt  }
0x60: {  	_ =	shalt  }
0x61: {  	_ =	shalt  }
0x62: {  	_ =	shalt  }
0x63: {  	_ =	shalt  }
0x64: {  	_ =	shalt  }
0x65: {  	_ =	shalt  }
0x66: {  	_ =	shalt  }
0x67: {  	_ =	shalt  }
0x68: {  	_ =	shalt  }
0x69: {  	_ =	shalt  }
0x6a: {  	_ =	shalt  }
0x6b: {  	_ =	shalt  }
0x6c: {  	_ =	shalt  }
0x6d: {  	_ =	shalt  }
0x6e: {  	_ =	shalt  }
0x6f: {  	_ =	shalt  }
0x70: {  	_ =	shalt  }
0x71: {  	_ =	shalt  }
0x72: {  	_ =	shalt  }
0x73: {  	_ =	shalt  }
0x74: {  	_ =	shalt  }
0x75: {  	_ =	shalt  }
0x76: {  	_ =	shalt  }
0x77: {  	_ =	shalt  }
0x78: {  	_ =	shalt  }
0x79: {  	_ =	shalt  }
0x7a: {  	_ =	shalt  }
0x7b: {  	_ =	shalt  }
0x7c: {  	_ =	shalt  }
0x7d: {  	_ =	shalt  }
0x7e: {  	_ =	shalt  }
0x7f: {  	_ =	shalt  }
0x80: {  	_ =	shalt  }
0x81: {  	_ =	shalt  }
0x82: {  	_ =	shalt  }
0x83: {  	_ =	shalt  }
0x84: {  	_ =	shalt  }
0x85: {  	_ =	shalt  }
0x86: {  	_ =	shalt  }
0x87: {  	_ =	shalt  }
.Lfunc_end0:
.L_simem_size_0:
called_computation_lowered:
.L_overlay_start_0:
0x88: {  	s2 =	sld [smem:$0x3FD9]  }
0x89: {  	s3 =	sld [smem:$0x3FFE];
	_ =	sdelay $0x1  }
0x8a: {  	s1 =	srdreg.scid  }
0x8b: {  	s0 =	sand.u32 $0x1, s1  }
0x8c: {  	s16 =	sshll.u32 s0, $0xA;
	s2 =	sadd.s32 s3, s2  }
0x8d: {  	s2 =	sadd.s32 s2, s16  }
0x8e: {  	[smem:$0x3FB4] =	sst s2  }
0x8f: {  	_ = 	snop  }
0x90: {  	(tm) =	ssettm $0x1  }
0x91: {  	s17 =	sld [smem:$0x3FFB];
	_ =	sdelay $0x3  }
0x92: {  	_ =	strace s17  }
0x93: {  	s2 =	sld [smem:$0x3FFC];
	_ =	sdelay $0x3  }
0x94: {  	_ =	strace s2  }
0x95: {  	s2 =	sld [smem:$0x3FFD];
	_ =	sdelay $0x3  }
0x96: {  	_ =	strace s2  }
0x97: {  	_ =	strace $0x8FFFFFFF  }
0x98: {  	s18 =	sld [smem:$0x3FDB];
	_ =	sdelay $0x1  }
0x99: {  	s19 =	simm.s32 $_scs_section_size  }
0x9a: {  	s4 =	simm.s32 $_size__tile_overlayer_lowered;
	s5 =	simm.s32 $_tile_overlayer_lowered  }
0x9b: {  	s22 =	simm.s32 $0x1BFF;
	s21 =	sshll.u32 s5, $0x1;
	s2 =	sadd.s32 s19, s18  }
0x9c: {  	s6 =	simm.s32 $0x0;
	s20 =	sshll.u32 s4, $0x1;
	s4 =	sadd.s32 s21, s2  }
0x9d: {  	[timem:s6], [sflag:s22] =	dma.local [hbm:s4], s20  }
0x9e: {  	_ =	swait.ge [sflag:s22], s20  }
0x9f: {  	s3 =	ssub.s32 $0x0, s20;
	[sflag:s22] =	ssyncset.done $0x0  }
0xa0: {  	[sflag:s22] =	ssyncadd.s32 s3;
	_ =	sdelay $0x1  }
0xa1: {  	s23 =	simm.s32 $0x1B8B  }
0xa2: {  	_ =	swait.ge [sflag:s23], $0x1  }
0xa3: {  	[sflag:s23] =	ssyncset.done $0x0  }
0xa4: {  	s25 =	simm.s32 $0x1B8E;
	s24 =	sld [smem:$0x3FFE];
	[sflag:s23] =	ssyncadd.s32 $0xFFFFFFFF  }
0xa5: {  	s26 =	simm.s32 $execute0_lowered;
	[smem:$0x3FD2] =	sst s25  }
0xa6: {  	s4 =	sshll.u32 s26, $0x1;
	_ =	strace $0x80000049;
	[dreg:$0x1] =	wrdreg $0xFFFFFFFF  }
0xa7: {  	s28 =	simm.s32 $_size_execute0_lowered;
	s2 =	sadd.s32 s2, s4;
	[dreg:$0x0] =	wrdreg $0x0  }
0xa8: {  	s4 =	sshll.u32 s28, $0x1;
	[dreg:$0x2] =	wrdreg s2  }
0xa9: {  	[dreg:$0x3] =	wrdreg s4  }
0xaa: {  	[dreg:$0x4] =	wrdreg $0xC0  }
0xab: {  	_ =	task [dreg:s6], $0x5FFFF  }
0xac: {  	[dreg:$0x1] =	wrdreg $0xFFFFFFFF  }
0xad: {  	[dreg:$0x0] =	wrdreg $0x60  }
0xae: {  	[dreg:$0x2] =	wrdreg s24  }
0xaf: {  	[dreg:$0x3] =	wrdreg $0x9  }
0xb0: {  	_ =	task.clear_ibuf [dreg:s6], $0x4FFFF;
	_ =	strace $0x90000049  }
0xb1: {  	s29 =	simm.s32 $0x9;
	_ =	strace $0x8000004B  }
0xb2: {  	_ =	swait.ge [sflag:s29], $0x1  }
0xb3: {  	[sflag:s29] =	ssyncadd.s32 $0xFFFFFFFF  }
0xb4: {  	_ =	strace $0x9000004B  }
0xb5: {  	_ =	sfence  }
0xb6: {  	s30 =	sld [smem:$0x0];
	_ =	sdelay $0x2  }
0xb7: {  	s31 =	sshll.u32 s1, $0xD;
	s1 =	sshrl.u32 s1, $0x2  }
0xb8: {  	s3 =	sand.u32 $0x4000, s31;
	s1 =	sadd.s32 s1, s30  }
0xb9: {  	s0 =	sor.u32 s3, s0;
	s1 =	sshll.u32 s1, $0x11  }
0xba: {  	s0 =	sor.u32 s1, s0  }
0xbb: {  	s0 =	sadd.s32 $0x8F2B, s0  }
0xbc: {  	[sflag:s0] =	ssyncadd.remote.s32 $0x1  }
0xbd: {  	_ =	sfence.sel $0xFFFF  }
0xbe: {  	[dreg:$0x0] =	wrdreg $0xFFFFFFFF;
	(pc) =	sbr.abs _section_cstart, $3  }
0xbf: {  	[dreg:$0x1] =	wrdreg $0xFFFFFFFF  }
0xc0: {  	_ =	task.clear_ibuf [dreg:s6], $0x2FFFF;
	_ =	strace $0x9FFFFFFF  }
0xc1: {  	(tm) =	ssettm $0x7FFFFFFF  }
tec
execute0_lowered:
.L_overlay_start_1:
0x0: {  	(tag) =	ssettag $0x1  }
0x1: {  	s8 =	rddreg [dreg:$0x0]  }
0x2: {  	s0 =	rddreg [dreg:$0x1];
	_ =	strace $0x8000004A;
	s1 =	stileid.u32  }
0x3: {  	s3 =	srdreg.scid;
	s4 =	simm.s32 $0x1;
	s7 =	simm.s32 $0x1  }
0x4: {  	s9 =	simm.s32 $0x1;
	s10 =	simm.s32 $0x3;
	s13 =	simm.s32 $0x0  }
0x5: {  	s12 =	simm.s32 $0x0;
	s5 =	sand.u32 $0x1, s3;
	s6 =	sshll.u32 s1, $0x1  }
0x6: {  	s2 =	sadd.s32 $0xAC00, s8;
	s3 =	sadd.s32 $0x19C00, s8;
	s5 =	sor.u32 s6, s5  }
.Ltmp0:
0x7: {  	[sflag:s4] =	ssyncpa.u1 $0x0;
	p0 =	slt.u32 s5, $0x9;
	(pc) =	sbr.rel .LBB2_1-.Ltmp0, $4  }
0x8: {  	s6 =	simm.s32 $0x2;
	s7 =	simm.s32 @!p0 $0x0;
	p0 =	sne.s32 s5, $0x8  }
0x9: {  	[sflag:s6] =	ssyncpa.u1 $0x0;
	s5 =	smul.u32 $0xFA0, s5;
	s9 =	simm.s32 @!p0 $0x0  }
0xa: {  	s8 =	sadd.s32 $0x2EA000, s8;
	[sflag:s10] =	ssyncpa.u1 $0x0;
	s7 =	sadd.s32 s9, s7  }
0xb: {  	vm0 =	vmmov $0xffff;
	s10 =	simm.s32 $0x0;
	s11 =	smov.u32 s5;
	s9 =	sadd.s32 $0x1, s7  }
.LBB2_4:
0xc: {  	v2 =	vnsel vm1, $0x0, v2  }
0xd: {  	vm1 =	vgt.s32 v0, $0x0;
	v2 =	vmin.u32 v2, $0x270FF  }
0xe: {  	v0 =	vnsel vm1, $0x0, v0  }
0xf: {  	v0 =	vmin.u32 v0, $0x270FF  }
0x10: {  	[tilespmem:s18], [sflag:$0x1] =	stream.indirect_vreg.gather [hbm4b:s2+s10], $0x1, v1, vm0, $0x4038;
	[tilespmem:$0x3E80] =	vst v63  }
0x11: {  	(ifvalue) =	ssetifvalue $0x7FFFFFFF  }
0x12: {  	[tilespmem:s15], [sflag:$0x1] =	stream.indirect_vreg.gather [hbm4b:s2+s10], $0x1, v2, vm0, $0x4038;
	[tilespmem:$0x3E80] =	vst v63  }
0x13: {  	s29 =	sadd.s32 $0x10, s15;
	(ifvalue) =	ssetifvalue $0x7FFFFFFF  }
0x14: {  	[tilespmem:s29], [sflag:$0x1] =	stream.indirect_vreg.gather [hbm4b:s2+s10], $0x1, v0, vm0, $0x4038;
	[tilespmem:$0x3E80] =	vst v63  }
0x15: {  	_ =	swait.ge [sflag:s4], $0xFA0  }
0x16: {  	s30 =	sshrl.u32 s13, $0x3;
	[sflag:s4] =	ssyncset.done $0x0  }
0x17: {  	s31 =	sand.u32 $0x7, s13;
	s15 =	sadd.s32 s8, s30;
	[sflag:s4] =	ssyncadd.s32 $0xFFFFF060  }
0x18: {  	[hbm4b:s15+s31] =	stream.linear.scatter [tilespmem:s14], [sflag:$0x3], $0xFA0, $0x38;
	[tilespmem:$0x3E80] =	vst v63  }
.LBB2_5:
0x19: {  	s15 =	sadd.s32 $0x1F400, s11  }
0x1a: {  	p1 =	sgt.s32 s15, $0x270FF  }
0x1b: {  	s15 =	smov.u32 @p1 s5;
	p1 =	sne.s32 s12, s9  }
.Ltmp1:
0x1c: {  	p0 =	slt.u32 s12, $0x2;
	(pc) =	sbr.rel @!p1 .LBB2_6-.Ltmp1, $4  }
0x1d: {  	s14 =	simm.s32 @!p0 $0x3  }
0x1e: {  	_ =	swait.ge @!p0 [sflag:s14], $0xFA0  }
0x1f: {  	s16 =	sadd.s32 $0x1, s12;
	s13 =	smov.u32 s11;
	[sflag:s14] =	ssyncset.done @!p0 $0x0  }
0x20: {  	s12 =	smov.u32 s16;
	s11 =	smov.u32 s15;
	[sflag:s14] =	ssyncadd.s32 @!p0 $0xFFFFF060  }
.LBB2_1:
0x21: {  	p0 =	sge.u32 s12, s7  }
0x22: {  	s14 =	sxor.u32 @!p0 $0x1, s12  }
0x23: {  	s14 =	smul.u32 @!p0 $0x3E80, s14  }
0x24: {  	s31 =	sadd.s32 $0xFFFFFFFF, s12;
	s15 =	sshrl.u32 @!p0 s11, $0x3  }
0x25: {  	s16 =	sand.u32 @!p0 $0x7, s11;
	s15 =	sadd.s32 @!p0 s3, s15;
	s14 =	sshra.s32 @!p0 s14, $0x2  }
0x26: {  	[tilespmem:s14], [sflag:$0x2] =	stream.linear.gather @!p0 [hbm4b:s15+s16], $0xFA0, $0x38;
	[tilespmem:$0x3E80] =	vst v63  }
0x27: {  	p0 =	sge.u32 s31, s7  }
.Ltmp2:
0x28: {  	_ = 	snop;
	(pc) =	sbr.rel @p0 .LBB2_5-.Ltmp2, $1  }
0x29: {  	_ =	sdelay $0x3  }
0x2a: {  	s14 =	sand.u32 $0x1, s12  }
0x2b: {  	_ =	swait.ge [sflag:s6], $0xFA0;
	p0 =	seq.s32 s14, $0x1;
	s14 =	simm.s32 $0xFA0  }
0x2c: {  	[sflag:s6] =	ssyncset.done $0x0;
	s14 =	simm.s32 @!p0 $0x0  }
0x2d: {  	[sflag:s6] =	ssyncadd.s32 $0xFFFFF060;
	(ifvalue) =	ssetifvalue $0x7FFFFFFF;
	v0 =	vld.msk [tilespmem:s14+$0x0 ss:$0x1], $0xffff;
	_ =	sdelay $0x4  }
0x2e: {  	s15 =	sadd.s32 $0x10, s14;
	vm1 =	vgt.s32 v0, $0x0  }
0x2f: {  	v2 =	vld.msk [tilespmem:s15+$0x0 ss:$0x1], $0xffff;
	v1 =	vnsel vm1, $0x0, v0  }
0x30: {  	v1 =	vmin.u32 v1, $0x270FF;
	_ =	sdelay $0x2  }
0x31: {  	s17 =	simm.s32 $0x20;
	s14 =	sadd.s32 $0x1F40, s14;
	s16 =	sadd.s32 $0x10, s15  }
0x32: {  	s15 =	sadd.s32 $0x10, s14;
	s18 =	smov.u32 s14;
	v0 =	vld.msk [tilespmem:s16+$0x0 ss:$0x1], $0xffff;
	vm1 =	vgt.s32 v2, $0x0;
	(ifvalue) =	ssetifvalue $0x7FFFFFFF  }
.LBB2_3:
0x33: {  	[tilespmem:s18], [sflag:$0x1] =	stream.indirect_vreg.gather [hbm4b:s2+s10], $0x1, v1, vm0, $0x4038;
	[tilespmem:$0x3E80] =	vst v63  }
0x34: {  	s17 =	sadd.s32 $0x10, s17  }
0x35: {  	v2 =	vnsel vm1, $0x0, v2;
	p0 =	slt.u32 s17, $0xF90  }
.Ltmp3:
0x36: {  	s18 =	smov.u32 s15;
	v1 =	vmin.u32 v2, $0x270FF;
	(pc) =	sbr.rel @p0 .LBB2_3-.Ltmp3, $3  }
0x37: {  	_ =	sdelay $0x1  }
0x38: {  	s16 =	sadd.s32 $0x10, s16  }
0x39: {  	vm1 =	vgt.s32 v0, $0x0;
	s15 =	sadd.s32 $0x10, s15;
	v2 =	vmov v0;
	(ifvalue) =	ssetifvalue $0x7FFFFFFF;
	v0 =	vld.msk [tilespmem:s16+$0x0 ss:$0x1], $0xffff  }
.Ltmp4:
0x3a: {  	_ = 	snop;
	(pc) =	sbr.rel .LBB2_4-.Ltmp4, $1  }
0x3b: {  	_ =	sdelay $0x3  }
.LBB2_6:
0x3c: {  	_ =	sfence.sel $0x180000  }
0x3d: {  	s2 =	simm.s32 $0x2;
	[bflag:$0x0] =	sbarrier.arrive $0xFFFF  }
0x3e: {  	s30 =	simm.s32 $0x3;
	[sflag:s2] =	ssyncpa.u1 $0x1  }
0x3f: {  	s31 =	simm.s32 $0x1;
	[sflag:s30] =	ssyncpa.u1 $0x1  }
0x40: {  	[sflag:s31] =	ssyncpa.u1 $0x1  }
0x41: {  	p0 =	sne.s32 s1, $0x0;
	_ =	strace $0x9000004A  }
0x42: {  	s0 =	sadd.s32 @!p0 $0x100000, s0;
	[bflag:$0x2] =	sbarrier.arrive $0xFFFF  }
0x43: {  	[sflag:s0] =	ssyncadd.tile.s32 @!p0 $0x1;
	_ =	shalt  }
.Lfunc_end2:
_tile_overlayer_lowered:
.L_overlay_start_2:
0x44: {  	(tag) =	ssettag $0x2  }
0x45: {  	s0 =	rddreg [dreg:$0x0];
	s2 =	stileid.u32  }
0x46: {  	s1 =	rddreg [dreg:$0x1];
	p0 =	sne.s32 s2, $0x0  }
0x47: {  	s3 =	rddreg [dreg:$0x2];
	[bflag:$0x3] =	sbarrier.arrive $0xFFFF;
	s2 =	simm.s32 @!p0 $0x1C01  }
0x48: {  	[timem:s3], [sflag:s2] =	dma.local @!p0 [hbm:s0], s1  }
0x49: {  	s0 =	simm.s32 @!p0 $0x1  }
0x4a: {  	_ =	swait.ge @!p0 [sflag:s0], s1  }
0x4b: {  	s1 =	ssub.s32 @!p0 $0x0, s1;
	[sflag:s0] =	ssyncset.done @!p0 $0x0  }
0x4c: {  	[sflag:s0] =	ssyncadd.s32 @!p0 s1  }
0x4d: {  	[bflag:$0x3] =	sbarrier.arrive $0xFFFF  }
0x4e: {  	_ =	shalt  }

// kernel: kernel.20.cloned.1.call-start
scs
__scs_entry_jumppad:
0x0: {  	(pc) =	sbr.rel $0x88, $3  }
0x1: {  	(tag) =	ssettag $0x0;
	lr =	simm.s32 $0x1  }
0x2: {  	[smem:$0x3F8D] =	sst lr;
	_ =	strace $0xD0000000  }
0x3: {  	_ = 	snop  }
0x4: {  	_ = 	snop  }
0x5: {  	_ = 	snop  }
0x6: {  	_ = 	snop  }
0x7: {  	_ = 	snop  }
__scs_overlays_trampoline_lowered:
0x8: {  	[smem:$0x3F9C] =	sst s0  }
0x9: {  	[smem:$0x3F9D] =	sst s1  }
0xa: {  	[smem:$0x3F9E] =	sst s2  }
0xb: {  	[smem:$0x3F9F] =	sst s3  }
0xc: {  	[smem:$0x3FA0] =	sst s4  }
0xd: {  	[smem:$0x3FA1] =	sst s5  }
0xe: {  	[smem:$0x3FA2] =	sst s6  }
0xf: {  	[smem:$0x3FA3] =	sst s7  }
0x10: {  	[smem:$0x3FA4] =	sst s8  }
0x11: {  	[smem:$0x3FA5] =	sst s9;
	s0 =	simm.s32 @!p0 $0x0  }
0x12: {  	s1 =	sld [smem:$0x3F8B];
	s0 =	simm.s32 @p0 $0x1  }
0x13: {  	[smem:$0x3FA6] =	sst s0;
	s0 =	simm.s32 @!p1 $0x0  }
0x14: {  	s2 =	sld [smem:$0x3F8A];
	s0 =	simm.s32 @p1 $0x1  }
0x15: {  	[smem:$0x3FA7] =	sst s0;
	s0 =	simm.s32 @!p2 $0x0  }
0x16: {  	s3 =	sld [smem:$0x3FDB];
	s0 =	simm.s32 @p2 $0x1  }
0x17: {  	s4 =	simm.s32 $0x1BF5;
	[smem:$0x3FA9] =	sst s0  }
0x18: {  	s0 =	sld [smem:$0x3F8C];
	_ =	swait.ge [sflag:s4], $0x0  }
0x19: {  	s7 =	sld [smem:$0x3F8D]  }
0x1a: {  	s8 =	sadd.s32 $0xFFFFE003, lr  }
0x1b: {  	s9 =	sadd.s32 $0xFFFFFEF7, lr;
	s5 =	simm.s32 $0xFFFFFFFF;
	p2 =	slt.u32 s8, $0xFFFFF086  }
0x1c: {  	p1 =	slt.u32 s9, $0xF7A;
	s5 =	simm.s32 @!p2 $0x0  }
0x1d: {  	s5 =	simm.s32 @p1 $0x1;
	p0 =	seq.s32 s7, s2  }
0x1e: {  	s7 =	smul.u32 @!p0 $0xF7A, s2;
	p2 =	seq.s32 @!p0 s5, $0x0  }
0x1f: {  	s9 =	smul.u32 $0xF7A, s1;
	s8 =	simm.s32 @!p0 $0x1BF5;
	p2 =	por !p2, p0  }
0x20: {  	[sflag:s8] =	ssyncset.s32 @!p0 $0xFFFFF086;
	s6 =	sadd.s32 @!p0 s3, s7;
	s7 =	simm.s32 @!p0 $0x108  }
0x21: {  	s3 =	sadd.s32 s3, s9;
	s6 =	sadd.s32 @!p0 $0x88, s6;
	s7 =	simm.s32 @p2 $0x1082  }
0x22: {  	[simem:s7], [sflag:s8] =	dma.local @!p0 [hbm:s6], $0xF7A  }
0x23: {  	s9 =	sor.u32 $0xD0000000, s2;
	s6 =	simm.s32 $0x108;
	_ =	swait.ge @!p0 [sflag:s8], $0x0  }
0x24: {  	s3 =	sadd.s32 $0x88, s3;
	s6 =	simm.s32 @!p1 $0x1082;
	[sflag:s4] =	ssyncset.s32 $0xFFFFF086  }
0x25: {  	[simem:s6], [sflag:s4] =	dma.local [hbm:s3], $0xF7A  }
0x26: {  	[smem:$0x3F8D] =	sst s1;
	(tag) =	ssettag s2;
	_ =	strace s9  }
0x27: {  	s1 =	sld [smem:$0x3F9D]  }
0x28: {  	s2 =	sld [smem:$0x3F9E]  }
0x29: {  	s4 =	sld [smem:$0x3FA0]  }
0x2a: {  	p0 =	seq.s32 s5, $0x0;
	s5 =	sld [smem:$0x3FA1]  }
0x2b: {  	s6 =	sld [smem:$0x3FA2]  }
0x2c: {  	s7 =	sld [smem:$0x3FA3]  }
0x2d: {  	s3 =	simm.s32 $0x108;
	s8 =	sld [smem:$0x3FA4]  }
0x2e: {  	s3 =	simm.s32 @!p0 $0x1082;
	s9 =	sld [smem:$0x3FA5]  }
0x2f: {  	lr =	sadd.s32 s0, s3;
	s0 =	sld [smem:$0x3F9C]  }
0x30: {  	s3 =	sld [smem:$0x3F9F]  }
0x31: {  	[smem:$0x3FA8] =	sst s10  }
0x32: {  	s10 =	sld [smem:$0x3FA6];
	_ =	sdelay $0x3  }
0x33: {  	p0 =	seq.s32 s10, $0x1;
	s10 =	sld [smem:$0x3FA8];
	_ =	sdelay $0x3  }
0x34: {  	[smem:$0x3FA8] =	sst s10  }
0x35: {  	s10 =	sld [smem:$0x3FA7];
	_ =	sdelay $0x3  }
0x36: {  	p1 =	seq.s32 s10, $0x1;
	s10 =	sld [smem:$0x3FA8];
	_ =	sdelay $0x3  }
0x37: {  	[smem:$0x3FA8] =	sst s10  }
0x38: {  	s10 =	sld [smem:$0x3FA9]  }
0x39: {  	_ = 	snop;
	(pc) =	sbr.ind lr, $3  }
0x3a: {  	_ = 	snop  }
0x3b: {  	_ = 	snop  }
0x3c: {  	p2 =	seq.s32 s10, $0x1;
	s10 =	sld [smem:$0x3FA8]  }
0x3d: {  	_ =	shalt  }
0x3e: {  	_ =	shalt  }
0x3f: {  	_ =	shalt  }
0x40: {  	_ =	shalt  }
0x41: {  	_ =	shalt  }
0x42: {  	_ =	shalt  }
0x43: {  	_ =	shalt  }
0x44: {  	_ =	shalt  }
0x45: {  	_ =	shalt  }
0x46: {  	_ =	shalt  }
0x47: {  	_ =	shalt  }
0x48: {  	_ =	shalt  }
0x49: {  	_ =	shalt  }
0x4a: {  	_ =	shalt  }
0x4b: {  	_ =	shalt  }
0x4c: {  	_ =	shalt  }
0x4d: {  	_ =	shalt  }
0x4e: {  	_ =	shalt  }
0x4f: {  	_ =	shalt  }
0x50: {  	_ =	shalt  }
0x51: {  	_ =	shalt  }
0x52: {  	_ =	shalt  }
0x53: {  	_ =	shalt  }
0x54: {  	_ =	shalt  }
0x55: {  	_ =	shalt  }
0x56: {  	_ =	shalt  }
0x57: {  	_ =	shalt  }
0x58: {  	_ =	shalt  }
0x59: {  	_ =	shalt  }
0x5a: {  	_ =	shalt  }
0x5b: {  	_ =	shalt  }
0x5c: {  	_ =	shalt  }
0x5d: {  	_ =	shalt  }
0x5e: {  	_ =	shalt  }
0x5f: {  	_ =	shalt  }
0x60: {  	_ =	shalt  }
0x61: {  	_ =	shalt  }
0x62: {  	_ =	shalt  }
0x63: {  	_ =	shalt  }
0x64: {  	_ =	shalt  }
0x65: {  	_ =	shalt  }
0x66: {  	_ =	shalt  }
0x67: {  	_ =	shalt  }
0x68: {  	_ =	shalt  }
0x69: {  	_ =	shalt  }
0x6a: {  	_ =	shalt  }
0x6b: {  	_ =	shalt  }
0x6c: {  	_ =	shalt  }
0x6d: {  	_ =	shalt  }
0x6e: {  	_ =	shalt  }
0x6f: {  	_ =	shalt  }
0x70: {  	_ =	shalt  }
0x71: {  	_ =	shalt  }
0x72: {  	_ =	shalt  }
0x73: {  	_ =	shalt  }
0x74: {  	_ =	shalt  }
0x75: {  	_ =	shalt  }
0x76: {  	_ =	shalt  }
0x77: {  	_ =	shalt  }
0x78: {  	_ =	shalt  }
0x79: {  	_ =	shalt  }
0x7a: {  	_ =	shalt  }
0x7b: {  	_ =	shalt  }
0x7c: {  	_ =	shalt  }
0x7d: {  	_ =	shalt  }
0x7e: {  	_ =	shalt  }
0x7f: {  	_ =	shalt  }
0x80: {  	_ =	shalt  }
0x81: {  	_ =	shalt  }
0x82: {  	_ =	shalt  }
0x83: {  	_ =	shalt  }
0x84: {  	_ =	shalt  }
0x85: {  	_ =	shalt  }
0x86: {  	_ =	shalt  }
0x87: {  	_ =	shalt  }
.Lfunc_end0:
.L_simem_size_0:
called_computation.2_lowered:
.L_overlay_start_0:
0x88: {  	s2 =	sld [smem:$0x3FD9]  }
0x89: {  	s3 =	sld [smem:$0x3FFE];
	_ =	sdelay $0x1  }
0x8a: {  	s1 =	srdreg.scid  }
0x8b: {  	s0 =	sand.u32 $0x1, s1  }
0x8c: {  	s16 =	sshll.u32 s0, $0xA;
	s2 =	sadd.s32 s3, s2  }
0x8d: {  	s2 =	sadd.s32 s2, s16  }
0x8e: {  	[smem:$0x3FB4] =	sst s2  }
0x8f: {  	_ = 	snop  }
0x90: {  	(tm) =	ssettm $0x1  }
0x91: {  	s17 =	sld [smem:$0x3FFB];
	_ =	sdelay $0x3  }
0x92: {  	_ =	strace s17  }
0x93: {  	s2 =	sld [smem:$0x3FFC];
	_ =	sdelay $0x3  }
0x94: {  	_ =	strace s2  }
0x95: {  	s2 =	sld [smem:$0x3FFD];
	_ =	sdelay $0x3  }
0x96: {  	_ =	strace s2  }
0x97: {  	_ =	strace $0x8FFFFFFF  }
0x98: {  	s18 =	sld [smem:$0x3FDB];
	_ =	sdelay $0x1  }
0x99: {  	s19 =	simm.s32 $_scs_section_size  }
0x9a: {  	s4 =	simm.s32 $_size__tile_overlayer_lowered;
	s5 =	simm.s32 $_tile_overlayer_lowered  }
0x9b: {  	s22 =	simm.s32 $0x1BFF;
	s21 =	sshll.u32 s5, $0x1;
	s2 =	sadd.s32 s19, s18  }
0x9c: {  	s6 =	simm.s32 $0x0;
	s20 =	sshll.u32 s4, $0x1;
	s4 =	sadd.s32 s21, s2  }
0x9d: {  	[timem:s6], [sflag:s22] =	dma.local [hbm:s4], s20  }
0x9e: {  	_ =	swait.ge [sflag:s22], s20  }
0x9f: {  	s3 =	ssub.s32 $0x0, s20;
	[sflag:s22] =	ssyncset.done $0x0  }
0xa0: {  	[sflag:s22] =	ssyncadd.s32 s3;
	_ =	sdelay $0x1  }
0xa1: {  	s23 =	simm.s32 $0x1B8B  }
0xa2: {  	_ =	swait.ge [sflag:s23], $0x1  }
0xa3: {  	[sflag:s23] =	ssyncset.done $0x0  }
0xa4: {  	s25 =	simm.s32 $0x1B8E;
	s24 =	sld [smem:$0x3FFE];
	[sflag:s23] =	ssyncadd.s32 $0xFFFFFFFF  }
0xa5: {  	s26 =	simm.s32 $execute0_lowered;
	[smem:$0x3FD2] =	sst s25  }
0xa6: {  	s4 =	sshll.u32 s26, $0x1;
	_ =	strace $0x8000004C;
	[dreg:$0x1] =	wrdreg $0xFFFFFFFF  }
0xa7: {  	s28 =	simm.s32 $_size_execute0_lowered;
	s2 =	sadd.s32 s2, s4;
	[dreg:$0x0] =	wrdreg $0x0  }
0xa8: {  	s4 =	sshll.u32 s28, $0x1;
	[dreg:$0x2] =	wrdreg s2  }
0xa9: {  	[dreg:$0x3] =	wrdreg s4  }
0xaa: {  	[dreg:$0x4] =	wrdreg $0xC0  }
0xab: {  	_ =	task [dreg:s6], $0x5FFFF  }
0xac: {  	[dreg:$0x1] =	wrdreg $0xFFFFFFFF  }
0xad: {  	[dreg:$0x0] =	wrdreg $0x60  }
0xae: {  	[dreg:$0x2] =	wrdreg s24  }
0xaf: {  	[dreg:$0x3] =	wrdreg $0x51800  }
0xb0: {  	[dreg:$0x4] =	wrdreg $0x9  }
0xb1: {  	_ =	task.clear_ibuf [dreg:s6], $0x5FFFF;
	_ =	strace $0x9000004C  }
0xb2: {  	s29 =	simm.s32 $0x9;
	_ =	strace $0x8000004E  }
0xb3: {  	_ =	swait.ge [sflag:s29], $0x1  }
0xb4: {  	[sflag:s29] =	ssyncadd.s32 $0xFFFFFFFF  }
0xb5: {  	_ =	strace $0x9000004E  }
0xb6: {  	_ =	sfence  }
0xb7: {  	s30 =	sld [smem:$0x0];
	_ =	sdelay $0x2  }
0xb8: {  	s31 =	sshll.u32 s1, $0xD;
	s1 =	sshrl.u32 s1, $0x2  }
0xb9: {  	s3 =	sand.u32 $0x4000, s31;
	s1 =	sadd.s32 s1, s30  }
0xba: {  	s0 =	sor.u32 s3, s0;
	s1 =	sshll.u32 s1, $0x11  }
0xbb: {  	s0 =	sor.u32 s1, s0  }
0xbc: {  	s0 =	sadd.s32 $0x8F2B, s0  }
0xbd: {  	[sflag:s0] =	ssyncadd.remote.s32 $0x1  }
0xbe: {  	_ =	sfence.sel $0xFFFF  }
0xbf: {  	[dreg:$0x0] =	wrdreg $0xFFFFFFFF;
	(pc) =	sbr.abs _section_cstart, $3  }
0xc0: {  	[dreg:$0x1] =	wrdreg $0xFFFFFFFF  }
0xc1: {  	_ =	task.clear_ibuf [dreg:s6], $0x2FFFF;
	_ =	strace $0x9FFFFFFF  }
0xc2: {  	(tm) =	ssettm $0x7FFFFFFF  }
0xc3: {  	_ =	shalt  }
tec
execute0_lowered:
.L_overlay_start_1:
0x0: {  	(tag) =	ssettag $0x1  }
0x1: {  	s0 =	rddreg [dreg:$0x0]  }
0x2: {  	s1 =	rddreg [dreg:$0x1];
	s2 =	simm.s32 $0x0  }
0x3: {  	s3 =	srdreg.scid;
	s19 =	stileid.u32;
	s29 =	simm.s32 $0x180  }
0x4: {  	s30 =	simm.s32 $0x3;
	s31 =	simm.s32 $0x100;
	s4 =	sadd.s32 $0x296C00, s0  }
0x5: {  	[smem:$0x7FF] =	sst s2;
	s5 =	sadd.s32 $0x778C00, s0;
	s7 =	smul.u32 $0x14000, s19  }
0x6: {  	s3 =	sand.u32 $0x1, s3;
	s8 =	sadd.s32 $0x2F8E00, s0;
	s28 =	smul.u32 $0x2710, s19  }
0x7: {  	_ =	strace $0x8000004D;
	s6 =	ssub.s32 $0x2, s3;
	s10 =	smul.u32 $0x140000, s3  }
0x8: {  	s9 =	sshrl.u32 s6, $0x1;
	s11 =	sor.u32 $0x2800, s7;
	s12 =	sadd.s32 $0x5000, s7  }
0x9: {  	s13 =	sadd.s32 $0x7800, s7;
	s23 =	sadd.s32 $0xA000, s7;
	s24 =	sadd.s32 $0xC800, s7  }
0xa: {  	s25 =	sadd.s32 $0xF000, s7;
	s6 =	ssub.s32 s6, s9;
	s9 =	smul.u32 $0x50000, s19  }
0xb: {  	s14 =	sadd.s32 s10, s7;
	s15 =	sadd.s32 s10, s11;
	s7 =	sadd.s32 $0x11800, s7  }
0xc: {  	s22 =	sadd.s32 s10, s12;
	s26 =	sadd.s32 s10, s13;
	s16 =	sadd.s32 s10, s23  }
0xd: {  	s18 =	sadd.s32 s10, s24;
	s20 =	sadd.s32 s10, s25;
	s23 =	sadd.s32 s23, s1  }
0xe: {  	s24 =	sadd.s32 s24, s1;
	s25 =	sadd.s32 s25, s1;
	s14 =	sshrl.u32 s14, $0x3  }
0xf: {  	s15 =	sshrl.u32 s15, $0x3;
	s16 =	sshrl.u32 s16, $0x3;
	s10 =	sadd.s32 s10, s7  }
0x10: {  	s14 =	sadd.s32 s8, s14;
	s21 =	sadd.s32 s8, s15;
	s15 =	sshrl.u32 s26, $0x3  }
0x11: {  	s17 =	sadd.s32 s8, s16;
	s10 =	sshrl.u32 s10, $0x3;
	s16 =	sadd.s32 $0x2EA000, s0  }
0x12: {  	s26 =	smax.u32 s6, $0x1;
	s6 =	simm.s32 $0x2980;
	[dreg:$0x3] =	wrdreg s14  }
0x13: {  	[dreg:$0x4] =	wrdreg s21;
	s14 =	sshrl.u32 s22, $0x3;
	s15 =	sadd.s32 s8, s15  }
0x14: {  	[dreg:$0x7] =	wrdreg s17;
	s22 =	sshrl.u32 s9, $0x2;
	s17 =	smul.u32 $0x27100, s3  }
0x15: {  	[dreg:$0xb] =	wrdreg s26;
	s26 =	sadd.s32 s7, s1;
	s3 =	simm.s32 $0x50  }
0x16: {  	s7 =	simm.s32 $0x1;
	s9 =	simm.s32 $0x0;
	s14 =	sadd.s32 s8, s14  }
0x17: {  	[dreg:$0x6] =	wrdreg s15;
	s15 =	sshrl.u32 s20, $0x3;
	s20 =	sadd.s32 s11, s1  }
0x18: {  	[dreg:$0x5] =	wrdreg s14;
	s14 =	sshrl.u32 s18, $0x3;
	s21 =	sadd.s32 s8, s15  }
0x19: {  	s15 =	sadd.s32 $0x2EF000, s0;
	s14 =	sadd.s32 s8, s14;
	[dreg:$0x9] =	wrdreg s21  }
0x1a: {  	s18 =	sadd.s32 s22, s1;
	s8 =	sadd.s32 s8, s10;
	[dreg:$0x8] =	wrdreg s14  }
0x1b: {  	s22 =	sadd.s32 s13, s1;
	s21 =	sadd.s32 s12, s1;
	[dreg:$0xa] =	wrdreg s8  }
0x1c: {  	v0 =	vimm.f32 $0.0e+00;
	s14 =	sadd.s32 $0xFC00, s0;
	s0 =	simm.s32 $0x80;
	s8 =	simm.s32 $0x2  }
.LBB2_1:
0x1d: {  	s10 =	simm.s32 $0x0;
	s11 =	simm.s32 $0x200  }
.LBB2_2:
0x1e: {  	p0 =	sne.s32 s11, $0x9E00;
	[tilespmem:s10+$0x1F0] =	vst v0  }
0x1f: {  	[tilespmem:s10+$0x180] =	vst v0  }
0x20: {  	[tilespmem:s10+$0x190] =	vst v0  }
.Ltmp0:
0x21: {  	[tilespmem:s10+$0x1A0] =	vst v0;
	(pc) =	sbr.rel @p0 .LBB2_2-.Ltmp0, $4  }
0x22: {  	[tilespmem:s10+$0x1B0] =	vst v0  }
0x23: {  	[tilespmem:s10+$0x1C0] =	vst v0  }
0x24: {  	[tilespmem:s10+$0x1D0] =	vst v0  }
0x25: {  	[tilespmem:s10+$0x1E0] =	vst v0;
	s10 =	sshra.s32 s11, $0x2;
	s11 =	sadd.s32 $0x200, s11  }
0x26: {  	[tilespmem:s10+$0x1F0] =	vst v0  }
0x27: {  	[tilespmem:s10+$0x180] =	vst v0  }
0x28: {  	[tilespmem:s10+$0x190] =	vst v0  }
0x29: {  	[tilespmem:s10+$0x1A0] =	vst v0  }
0x2a: {  	[tilespmem:s10+$0x1B0] =	vst v0  }
0x2b: {  	[tilespmem:s10+$0x1C0] =	vst v0  }
0x2c: {  	[tilespmem:s10+$0x1D0] =	vst v0  }
0x2d: {  	[tilespmem:s10+$0x1E0] =	vst v0  }
0x2e: {  	[spmem:s18] =	stream.linear.scatter [tilespmem:s29], [sflag:$0x3], $0x2800, $0x38;
	[tilespmem:$0x19180] =	vst v63  }
0x2f: {  	_ =	swait.ge [sflag:s30], $0x2800  }
0x30: {  	[sflag:s30] =	ssyncset.done $0x0  }
0x31: {  	[sflag:s30] =	ssyncadd.s32 $0xFFFFD800  }
0x32: {  	[spmem:s20] =	stream.linear.scatter [tilespmem:s29], [sflag:$0x3], $0x2800, $0x38;
	[tilespmem:$0x19180] =	vst v63  }
0x33: {  	_ =	swait.ge [sflag:s30], $0x2800  }
0x34: {  	[sflag:s30] =	ssyncset.done $0x0  }
0x35: {  	[sflag:s30] =	ssyncadd.s32 $0xFFFFD800  }
0x36: {  	[spmem:s21] =	stream.linear.scatter [tilespmem:s29], [sflag:$0x3], $0x2800, $0x38;
	[tilespmem:$0x19180] =	vst v63  }
0x37: {  	_ =	swait.ge [sflag:s30], $0x2800  }
0x38: {  	[sflag:s30] =	ssyncset.done $0x0  }
0x39: {  	[sflag:s30] =	ssyncadd.s32 $0xFFFFD800  }
0x3a: {  	[spmem:s22] =	stream.linear.scatter [tilespmem:s29], [sflag:$0x3], $0x2800, $0x38;
	[tilespmem:$0x19180] =	vst v63  }
0x3b: {  	_ =	swait.ge [sflag:s30], $0x2800  }
0x3c: {  	[sflag:s30] =	ssyncset.done $0x0  }
0x3d: {  	[sflag:s30] =	ssyncadd.s32 $0xFFFFD800  }
0x3e: {  	[spmem:s23] =	stream.linear.scatter [tilespmem:s29], [sflag:$0x3], $0x2800, $0x38;
	[tilespmem:$0x19180] =	vst v63  }
0x3f: {  	_ =	swait.ge [sflag:s30], $0x2800  }
0x40: {  	[sflag:s30] =	ssyncset.done $0x0  }
0x41: {  	[sflag:s30] =	ssyncadd.s32 $0xFFFFD800  }
0x42: {  	[spmem:s24] =	stream.linear.scatter [tilespmem:s29], [sflag:$0x3], $0x2800, $0x38;
	[tilespmem:$0x19180] =	vst v63  }
0x43: {  	_ =	swait.ge [sflag:s30], $0x2800  }
0x44: {  	[sflag:s30] =	ssyncset.done $0x0  }
0x45: {  	[sflag:s30] =	ssyncadd.s32 $0xFFFFD800  }
0x46: {  	[spmem:s25] =	stream.linear.scatter [tilespmem:s29], [sflag:$0x3], $0x2800, $0x38;
	[tilespmem:$0x19180] =	vst v63  }
0x47: {  	_ =	swait.ge [sflag:s30], $0x2800  }
0x48: {  	[sflag:s30] =	ssyncset.done $0x0  }
0x49: {  	[sflag:s30] =	ssyncadd.s32 $0xFFFFD800  }
0x4a: {  	[spmem:s26] =	stream.linear.scatter [tilespmem:s29], [sflag:$0x3], $0x2800, $0x38;
	[tilespmem:$0x19180] =	vst v63  }
0x4b: {  	_ =	swait.ge [sflag:s30], $0x2800  }
0x4c: {  	[sflag:s30] =	ssyncset.done $0x0  }
0x4d: {  	[sflag:s30] =	ssyncadd.s32 $0xFFFFD800  }
0x4e: {  	s10 =	simm.s32 $0x0;
	s11 =	simm.s32 $0x0;
	[bflag:$0x0] =	sbarrier.arrive $0xFFFF  }
.LBB2_4:
0x4f: {  	s12 =	smul.u32 $0x50, s11;
	_ =	sdelay $0x1  }
0x50: {  	s12 =	sadd.s32 s28, s12  }
0x51: {  	s13 =	sadd.s32 s17, s12  }
0x52: {  	s13 =	sshrl.u32 s13, $0x3  }
0x53: {  	s19 =	sadd.s32 s14, s13  }
0x54: {  	[tilespmem:s10], [sflag:$0x3] =	stream.linear.gather [hbm4b:s19+s10], $0x50, $0x38;
	[tilespmem:$0x19180] =	vst v63  }
0x55: {  	_ =	swait.ge [sflag:s30], $0x50  }
0x56: {  	s12 =	sshrl.u32 s12, $0x3;
	[sflag:s30] =	ssyncset.done $0x0  }
0x57: {  	s12 =	sadd.s32 s16, s12;
	[sflag:s30] =	ssyncadd.s32 $0xFFFFFFB0  }
0x58: {  	[tilespmem:s31], [sflag:$0x3] =	stream.linear.gather [hbm4b:s12+s10], $0x50, $0x38;
	[tilespmem:$0x19180] =	vst v63  }
0x59: {  	_ =	swait.ge [sflag:s30], $0x50  }
0x5a: {  	[sflag:s30] =	ssyncset.done $0x0  }
0x5b: {  	s19 =	sadd.s32 s15, s13;
	[sflag:s30] =	ssyncadd.s32 $0xFFFFFFB0  }
0x5c: {  	[tilespmem:s0], [sflag:$0x3] =	stream.linear.gather [hbm4b:s19+s10], $0x50, $0x38;
	[tilespmem:$0x19180] =	vst v63  }
0x5d: {  	_ =	swait.ge [sflag:s30], $0x50  }
0x5e: {  	[sflag:s30] =	ssyncset.done $0x0  }
0x5f: {  	[sflag:s30] =	ssyncadd.s32 $0xFFFFFFB0  }
0x60: {  	[tilespmem:s29], [sflag:$0x1] =	stream.indirect.gather [hbm4b:s4+s3], $0x80, s10, s3, $0xb8;
	[tilespmem:$0x19180] =	vst v63  }
0x61: {  	_ = 	snop  }
0x62: {  	[tilespmem:s6], [sflag:$0x2] =	stream.indirect.gather [hbm4b:s5+s3], $0x80, s0, s3, $0xb8;
	[tilespmem:$0x19180] =	vst v63  }
0x63: {  	_ =	swait.ge [sflag:s7], $0x2800  }
0x64: {  	[sflag:s7] =	ssyncset.done $0x0  }
0x65: {  	[sflag:s7] =	ssyncadd.s32 $0xFFFFD800  }
0x66: {  	_ =	swait.ge [sflag:s8], $0x2800  }
0x67: {  	[sflag:s8] =	ssyncset.done $0x0  }
0x68: {  	s12 =	simm.s32 $0x0;
	[sflag:s8] =	ssyncadd.s32 $0xFFFFD800  }
0x69: {  	v7 =	vld [tilespmem:s12+$0x2980]  }
0x6a: {  	v12 =	vld [tilespmem:s12+$0x2990]  }
0x6b: {  	v6 =	vld [tilespmem:s12+$0x29A0]  }
0x6c: {  	v5 =	vld [tilespmem:s12+$0x29B0]  }
0x6d: {  	v4 =	vld [tilespmem:s12+$0x29C0]  }
0x6e: {  	v3 =	vld [tilespmem:s12+$0x29D0]  }
0x6f: {  	v2 =	vld [tilespmem:s12+$0x29E0]  }
0x70: {  	v1 =	vld [tilespmem:s12+$0x29F0]  }
0x71: {  	v13 =	vld [tilespmem:s12+$0x180]  }
0x72: {  	v14 =	vld [tilespmem:s12+$0x190]  }
0x73: {  	v11 =	vld [tilespmem:s12+$0x1A0]  }
0x74: {  	v10 =	vld [tilespmem:s12+$0x1B0]  }
0x75: {  	v9 =	vld [tilespmem:s12+$0x1C0]  }
0x76: {  	v8 =	vld [tilespmem:s12+$0x1D0];
	v13 =	vadd.f32 v7, v13  }
0x77: {  	s13 =	simm.s32 $0x200;
	v12 =	vadd.f32 v12, v14;
	v7 =	vld [tilespmem:s12+$0x1E0]  }
.LBB2_5:
0x78: {  	s19 =	sshra.s32 s13, $0x2;
	p0 =	sne.s32 s13, $0x9E00;
	v13 =	vmax.f32 v13, $0.0e+00;
	v6 =	vadd.f32 v6, v11;
	v11 =	vld [tilespmem:s12+$0x1F0]  }
0x79: {  	v14 =	vld [tilespmem:s19+$0x2980];
	[tilespmem:s12+$0x180] =	vst v13;
	v12 =	vmax.f32 v12, $0.0e+00;
	v5 =	vadd.f32 v5, v10  }
0x7a: {  	v15 =	vld [tilespmem:s19+$0x2990];
	[tilespmem:s12+$0x190] =	vst v12;
	v10 =	vmax.f32 v6, $0.0e+00;
	v4 =	vadd.f32 v4, v9  }
0x7b: {  	v6 =	vld [tilespmem:s19+$0x29A0];
	[tilespmem:s12+$0x1A0] =	vst v10;
	v9 =	vmax.f32 v5, $0.0e+00;
	v3 =	vadd.f32 v3, v8  }
0x7c: {  	v5 =	vld [tilespmem:s19+$0x29B0];
	[tilespmem:s12+$0x1B0] =	vst v9;
	v8 =	vmax.f32 v4, $0.0e+00;
	v2 =	vadd.f32 v2, v7  }
0x7d: {  	v4 =	vld [tilespmem:s19+$0x29C0];
	[tilespmem:s12+$0x1C0] =	vst v8;
	v7 =	vmax.f32 v3, $0.0e+00;
	v1 =	vadd.f32 v1, v11  }
0x7e: {  	v3 =	vld [tilespmem:s19+$0x29D0];
	[tilespmem:s12+$0x1D0] =	vst v7;
	v7 =	vmax.f32 v2, $0.0e+00  }
0x7f: {  	v2 =	vld [tilespmem:s19+$0x29E0];
	[tilespmem:s12+$0x1E0] =	vst v7;
	v7 =	vmax.f32 v1, $0.0e+00  }
0x80: {  	v1 =	vld [tilespmem:s19+$0x29F0];
	[tilespmem:s12+$0x1F0] =	vst v7;
	s12 =	smov.u32 s19  }
0x81: {  	v7 =	vld [tilespmem:s12+$0x180]  }
0x82: {  	v12 =	vld [tilespmem:s12+$0x190]  }
.Ltmp1:
0x83: {  	v11 =	vld [tilespmem:s12+$0x1A0];
	(pc) =	sbr.rel @p0 .LBB2_5-.Ltmp1, $4  }
0x84: {  	v10 =	vld [tilespmem:s12+$0x1B0]  }
0x85: {  	v9 =	vld [tilespmem:s12+$0x1C0]  }
0x86: {  	v13 =	vadd.f32 v14, v7;
	v8 =	vld [tilespmem:s12+$0x1D0]  }
0x87: {  	s13 =	sadd.s32 $0x200, s13;
	v12 =	vadd.f32 v15, v12;
	v7 =	vld [tilespmem:s12+$0x1E0]  }
0x88: {  	v13 =	vmax.f32 v13, $0.0e+00;
	v6 =	vadd.f32 v6, v11;
	v63 =	vld [tilespmem:s12+$0x1F0]  }
0x89: {  	[tilespmem:s12+$0x180] =	vst v13;
	v12 =	vmax.f32 v12, $0.0e+00;
	v5 =	vadd.f32 v5, v10  }
0x8a: {  	[tilespmem:s12+$0x190] =	vst v12;
	v6 =	vmax.f32 v6, $0.0e+00;
	v4 =	vadd.f32 v4, v9  }
0x8b: {  	[tilespmem:s12+$0x1A0] =	vst v6;
	v5 =	vmax.f32 v5, $0.0e+00;
	v3 =	vadd.f32 v3, v8  }
0x8c: {  	[tilespmem:s12+$0x1B0] =	vst v5;
	v4 =	vmax.f32 v4, $0.0e+00;
	v2 =	vadd.f32 v2, v7  }
0x8d: {  	[tilespmem:s12+$0x1C0] =	vst v4;
	v3 =	vmax.f32 v3, $0.0e+00;
	v1 =	vadd.f32 v1, v63  }
0x8e: {  	s11 =	sadd.s32 $0x1, s11;
	[tilespmem:s12+$0x1D0] =	vst v3;
	v2 =	vmax.f32 v2, $0.0e+00  }
0x8f: {  	p0 =	sne.s32 s11, $0x7D;
	[tilespmem:s12+$0x1E0] =	vst v2;
	v1 =	vmax.f32 v1, $0.0e+00  }
.Ltmp2:
0x90: {  	[tilespmem:s12+$0x1F0] =	vst v1;
	(pc) =	sbr.rel @p0 .LBB2_4-.Ltmp2, $4  }
0x91: {  	[spmem:s1] =	stream.indirect.scatter.add.f32 [tilespmem:s29], [sflag:$0x3], $0x80, s31, s3, $0xb8;
	[tilespmem:$0x19180] =	vst v63  }
0x92: {  	_ =	swait.ge [sflag:s30], $0x2800  }
0x93: {  	[sflag:s30] =	ssyncset.done $0x0  }
0x94: {  	[sflag:s30] =	ssyncadd.s32 $0xFFFFD800  }
0x95: {  	[bflag:$0x0] =	sbarrier.arrive $0xFFFF  }
0x96: {  	[tilespmem:s6], [sflag:$0x3] =	stream.linear.gather [spmem:s18], $0x2800, $0x38;
	[tilespmem:$0x19180] =	vst v63  }
0x97: {  	_ =	swait.ge [sflag:s30], $0x2800  }
0x98: {  	[sflag:s30] =	ssyncset.done $0x0  }
0x99: {  	s10 =	rddreg [dreg:$0x3];
	[sflag:s30] =	ssyncadd.s32 $0xFFFFD800  }
0x9a: {  	[hbm4b:s10+s2] =	stream.linear.scatter [tilespmem:s6], [sflag:$0x3], $0x2800, $0x38;
	[tilespmem:$0x19180] =	vst v63  }
0x9b: {  	_ =	swait.ge [sflag:s30], $0x2800  }
0x9c: {  	[sflag:s30] =	ssyncset.done $0x0  }
0x9d: {  	[sflag:s30] =	ssyncadd.s32 $0xFFFFD800  }
0x9e: {  	[tilespmem:s6], [sflag:$0x3] =	stream.linear.gather [spmem:s20], $0x2800, $0x38;
	[tilespmem:$0x19180] =	vst v63  }
0x9f: {  	_ =	swait.ge [sflag:s30], $0x2800  }
0xa0: {  	[sflag:s30] =	ssyncset.done $0x0  }
0xa1: {  	s11 =	rddreg [dreg:$0x4];
	[sflag:s30] =	ssyncadd.s32 $0xFFFFD800  }
0xa2: {  	[hbm4b:s11+s2] =	stream.linear.scatter [tilespmem:s6], [sflag:$0x3], $0x2800, $0x38;
	[tilespmem:$0x19180] =	vst v63  }
0xa3: {  	_ =	swait.ge [sflag:s30], $0x2800  }
0xa4: {  	[sflag:s30] =	ssyncset.done $0x0  }
0xa5: {  	[sflag:s30] =	ssyncadd.s32 $0xFFFFD800  }
0xa6: {  	[tilespmem:s6], [sflag:$0x3] =	stream.linear.gather [spmem:s21], $0x2800, $0x38;
	[tilespmem:$0x19180] =	vst v63  }
0xa7: {  	_ =	swait.ge [sflag:s30], $0x2800  }
0xa8: {  	[sflag:s30] =	ssyncset.done $0x0  }
0xa9: {  	s12 =	rddreg [dreg:$0x5];
	[sflag:s30] =	ssyncadd.s32 $0xFFFFD800  }
0xaa: {  	[hbm4b:s12+s2] =	stream.linear.scatter [tilespmem:s6], [sflag:$0x3], $0x2800, $0x38;
	[tilespmem:$0x19180] =	vst v63  }
0xab: {  	_ =	swait.ge [sflag:s30], $0x2800  }
0xac: {  	[sflag:s30] =	ssyncset.done $0x0  }
0xad: {  	[sflag:s30] =	ssyncadd.s32 $0xFFFFD800  }
0xae: {  	[tilespmem:s6], [sflag:$0x3] =	stream.linear.gather [spmem:s22], $0x2800, $0x38;
	[tilespmem:$0x19180] =	vst v63  }
0xaf: {  	_ =	swait.ge [sflag:s30], $0x2800  }
0xb0: {  	[sflag:s30] =	ssyncset.done $0x0  }
0xb1: {  	s13 =	rddreg [dreg:$0x6];
	[sflag:s30] =	ssyncadd.s32 $0xFFFFD800  }
0xb2: {  	[hbm4b:s13+s2] =	stream.linear.scatter [tilespmem:s6], [sflag:$0x3], $0x2800, $0x38;
	[tilespmem:$0x19180] =	vst v63  }
0xb3: {  	_ =	swait.ge [sflag:s30], $0x2800  }
0xb4: {  	[sflag:s30] =	ssyncset.done $0x0  }
0xb5: {  	[sflag:s30] =	ssyncadd.s32 $0xFFFFD800  }
0xb6: {  	[tilespmem:s6], [sflag:$0x3] =	stream.linear.gather [spmem:s23], $0x2800, $0x38;
	[tilespmem:$0x19180] =	vst v63  }
0xb7: {  	_ =	swait.ge [sflag:s30], $0x2800  }
0xb8: {  	[sflag:s30] =	ssyncset.done $0x0  }
0xb9: {  	s19 =	rddreg [dreg:$0x7];
	[sflag:s30] =	ssyncadd.s32 $0xFFFFD800  }
0xba: {  	[hbm4b:s19+s2] =	stream.linear.scatter [tilespmem:s6], [sflag:$0x3], $0x2800, $0x38;
	[tilespmem:$0x19180] =	vst v63  }
0xbb: {  	_ =	swait.ge [sflag:s30], $0x2800  }
0xbc: {  	[sflag:s30] =	ssyncset.done $0x0  }
0xbd: {  	[sflag:s30] =	ssyncadd.s32 $0xFFFFD800  }
0xbe: {  	[tilespmem:s6], [sflag:$0x3] =	stream.linear.gather [spmem:s24], $0x2800, $0x38;
	[tilespmem:$0x19180] =	vst v63  }
0xbf: {  	_ =	swait.ge [sflag:s30], $0x2800  }
0xc0: {  	[sflag:s30] =	ssyncset.done $0x0  }
0xc1: {  	s11 =	rddreg [dreg:$0x8];
	[sflag:s30] =	ssyncadd.s32 $0xFFFFD800  }
0xc2: {  	[hbm4b:s11+s2] =	stream.linear.scatter [tilespmem:s6], [sflag:$0x3], $0x2800, $0x38;
	[tilespmem:$0x19180] =	vst v63  }
0xc3: {  	_ =	swait.ge [sflag:s30], $0x2800  }
0xc4: {  	[sflag:s30] =	ssyncset.done $0x0  }
0xc5: {  	[sflag:s30] =	ssyncadd.s32 $0xFFFFD800  }
0xc6: {  	[tilespmem:s6], [sflag:$0x3] =	stream.linear.gather [spmem:s25], $0x2800, $0x38;
	[tilespmem:$0x19180] =	vst v63  }
0xc7: {  	_ =	swait.ge [sflag:s30], $0x2800  }
0xc8: {  	[sflag:s30] =	ssyncset.done $0x0  }
0xc9: {  	s12 =	rddreg [dreg:$0x9];
	[sflag:s30] =	ssyncadd.s32 $0xFFFFD800  }
0xca: {  	[hbm4b:s12+s2] =	stream.linear.scatter [tilespmem:s6], [sflag:$0x3], $0x2800, $0x38;
	[tilespmem:$0x19180] =	vst v63  }
0xcb: {  	_ =	swait.ge [sflag:s30], $0x2800  }
0xcc: {  	[sflag:s30] =	ssyncset.done $0x0  }
0xcd: {  	[sflag:s30] =	ssyncadd.s32 $0xFFFFD800  }
0xce: {  	[tilespmem:s6], [sflag:$0x3] =	stream.linear.gather [spmem:s26], $0x2800, $0x38;
	[tilespmem:$0x19180] =	vst v63  }
0xcf: {  	_ =	swait.ge [sflag:s30], $0x2800  }
0xd0: {  	[sflag:s30] =	ssyncset.done $0x0  }
0xd1: {  	s13 =	rddreg [dreg:$0xa];
	[sflag:s30] =	ssyncadd.s32 $0xFFFFD800  }
0xd2: {  	[hbm4b:s13+s2] =	stream.linear.scatter [tilespmem:s6], [sflag:$0x3], $0x2800, $0x38;
	[tilespmem:$0x19180] =	vst v63  }
0xd3: {  	_ =	swait.ge [sflag:s30], $0x2800  }
0xd4: {  	s9 =	sadd.s32 $0x1, s9;
	s19 =	rddreg [dreg:$0xb]  }
0xd5: {  	p0 =	sne.s32 s9, s19  }
.Ltmp3:
0xd6: {  	_ = 	snop;
	(pc) =	sbr.rel @p0 .LBB2_1-.Ltmp3, $3  }
0xd7: {  	_ =	sdelay $0x1  }
0xd8: {  	[sflag:s30] =	ssyncset.done $0x0  }
0xd9: {  	[sflag:s30] =	ssyncadd.s32 $0xFFFFD800  }
0xda: {  	_ =	sfence.sel $0x180000  }
0xdb: {  	[bflag:$0x0] =	sbarrier.arrive $0xFFFF  }
0xdc: {  	_ =	strace $0x9000004D  }
0xdd: {  	s0 =	stileid.u32;
	[bflag:$0x2] =	sbarrier.arrive $0xFFFF  }
0xde: {  	p0 =	sne.s32 s0, $0x0;
	s0 =	rddreg [dreg:$0x2]  }
0xdf: {  	s0 =	sadd.s32 @!p0 $0x100000, s0  }
0xe0: {  	[sflag:s0] =	ssyncadd.tile.s32 @!p0 $0x1;
	_ =	shalt  }
.Lfunc_end2:
_tile_overlayer_lowered:
.L_overlay_start_2:
0xe1: {  	(tag) =	ssettag $0x2  }
0xe2: {  	s0 =	rddreg [dreg:$0x0];
	s2 =	stileid.u32  }
0xe3: {  	s1 =	rddreg [dreg:$0x1];
	p0 =	sne.s32 s2, $0x0  }
0xe4: {  	s3 =	rddreg [dreg:$0x2];
	[bflag:$0x3] =	sbarrier.arrive $0xFFFF;
	s2 =	simm.s32 @!p0 $0x1C03  }
0xe5: {  	[timem:s3], [sflag:s2] =	dma.local @!p0 [hbm:s0], s1  }
0xe6: {  	s0 =	simm.s32 @!p0 $0x3  }
0xe7: {  	_ =	swait.ge @!p0 [sflag:s0], s1  }
0xe8: {  	s1 =	ssub.s32 @!p0 $0x0, s1;
	[sflag:s0] =	ssyncset.done @!p0 $0x0  }
0xe9: {  	[sflag:s0] =	ssyncadd.s32 @!p0 s1  }
0xea: {  	[bflag:$0x3] =	sbarrier.arrive $0xFFFF  }
0xeb: {  	_ =	shalt  }

// kernel: kernel.23.cloned.1.call-start
scs
__scs_entry_jumppad:
0x0: {  	(pc) =	sbr.rel $0x88, $3  }
0x1: {  	(tag) =	ssettag $0x0;
	lr =	simm.s32 $0x1  }
0x2: {  	[smem:$0x3F8D] =	sst lr;
	_ =	strace $0xD0000000  }
0x3: {  	_ = 	snop  }
0x4: {  	_ = 	snop  }
0x5: {  	_ = 	snop  }
0x6: {  	_ = 	snop  }
0x7: {  	_ = 	snop  }
__scs_overlays_trampoline_lowered:
0x8: {  	[smem:$0x3F9C] =	sst s0  }
0x9: {  	[smem:$0x3F9D] =	sst s1  }
0xa: {  	[smem:$0x3F9E] =	sst s2  }
0xb: {  	[smem:$0x3F9F] =	sst s3  }
0xc: {  	[smem:$0x3FA0] =	sst s4  }
0xd: {  	[smem:$0x3FA1] =	sst s5  }
0xe: {  	[smem:$0x3FA2] =	sst s6  }
0xf: {  	[smem:$0x3FA3] =	sst s7  }
0x10: {  	[smem:$0x3FA4] =	sst s8  }
0x11: {  	[smem:$0x3FA5] =	sst s9;
	s0 =	simm.s32 @!p0 $0x0  }
0x12: {  	s1 =	sld [smem:$0x3F8B];
	s0 =	simm.s32 @p0 $0x1  }
0x13: {  	[smem:$0x3FA6] =	sst s0;
	s0 =	simm.s32 @!p1 $0x0  }
0x14: {  	s2 =	sld [smem:$0x3F8A];
	s0 =	simm.s32 @p1 $0x1  }
0x15: {  	[smem:$0x3FA7] =	sst s0;
	s0 =	simm.s32 @!p2 $0x0  }
0x16: {  	s3 =	sld [smem:$0x3FDB];
	s0 =	simm.s32 @p2 $0x1  }
0x17: {  	s4 =	simm.s32 $0x1BF5;
	[smem:$0x3FA9] =	sst s0  }
0x18: {  	s0 =	sld [smem:$0x3F8C];
	_ =	swait.ge [sflag:s4], $0x0  }
0x19: {  	s7 =	sld [smem:$0x3F8D]  }
0x1a: {  	s8 =	sadd.s32 $0xFFFFE003, lr  }
0x1b: {  	s9 =	sadd.s32 $0xFFFFFEF7, lr;
	s5 =	simm.s32 $0xFFFFFFFF;
	p2 =	slt.u32 s8, $0xFFFFF086  }
0x1c: {  	p1 =	slt.u32 s9, $0xF7A;
	s5 =	simm.s32 @!p2 $0x0  }
0x1d: {  	s5 =	simm.s32 @p1 $0x1;
	p0 =	seq.s32 s7, s2  }
0x1e: {  	s7 =	smul.u32 @!p0 $0xF7A, s2;
	p2 =	seq.s32 @!p0 s5, $0x0  }
0x1f: {  	s9 =	smul.u32 $0xF7A, s1;
	s8 =	simm.s32 @!p0 $0x1BF5;
	p2 =	por !p2, p0  }
0x20: {  	[sflag:s8] =	ssyncset.s32 @!p0 $0xFFFFF086;
	s6 =	sadd.s32 @!p0 s3, s7;
	s7 =	simm.s32 @!p0 $0x108  }
0x21: {  	s3 =	sadd.s32 s3, s9;
	s6 =	sadd.s32 @!p0 $0x88, s6;
	s7 =	simm.s32 @p2 $0x1082  }
0x22: {  	[simem:s7], [sflag:s8] =	dma.local @!p0 [hbm:s6], $0xF7A  }
0x23: {  	s9 =	sor.u32 $0xD0000000, s2;
	s6 =	simm.s32 $0x108;
	_ =	swait.ge @!p0 [sflag:s8], $0x0  }
0x24: {  	s3 =	sadd.s32 $0x88, s3;
	s6 =	simm.s32 @!p1 $0x1082;
	[sflag:s4] =	ssyncset.s32 $0xFFFFF086  }
0x25: {  	[simem:s6], [sflag:s4] =	dma.local [hbm:s3], $0xF7A  }
0x26: {  	[smem:$0x3F8D] =	sst s1;
	(tag) =	ssettag s2;
	_ =	strace s9  }
0x27: {  	s1 =	sld [smem:$0x3F9D]  }
0x28: {  	s2 =	sld [smem:$0x3F9E]  }
0x29: {  	s4 =	sld [smem:$0x3FA0]  }
0x2a: {  	p0 =	seq.s32 s5, $0x0;
	s5 =	sld [smem:$0x3FA1]  }
0x2b: {  	s6 =	sld [smem:$0x3FA2]  }
0x2c: {  	s7 =	sld [smem:$0x3FA3]  }
0x2d: {  	s3 =	simm.s32 $0x108;
	s8 =	sld [smem:$0x3FA4]  }
0x2e: {  	s3 =	simm.s32 @!p0 $0x1082;
	s9 =	sld [smem:$0x3FA5]  }
0x2f: {  	lr =	sadd.s32 s0, s3;
	s0 =	sld [smem:$0x3F9C]  }
0x30: {  	s3 =	sld [smem:$0x3F9F]  }
0x31: {  	[smem:$0x3FA8] =	sst s10  }
0x32: {  	s10 =	sld [smem:$0x3FA6];
	_ =	sdelay $0x3  }
0x33: {  	p0 =	seq.s32 s10, $0x1;
	s10 =	sld [smem:$0x3FA8];
	_ =	sdelay $0x3  }
0x34: {  	[smem:$0x3FA8] =	sst s10  }
0x35: {  	s10 =	sld [smem:$0x3FA7];
	_ =	sdelay $0x3  }
0x36: {  	p1 =	seq.s32 s10, $0x1;
	s10 =	sld [smem:$0x3FA8];
	_ =	sdelay $0x3  }
0x37: {  	[smem:$0x3FA8] =	sst s10  }
0x38: {  	s10 =	sld [smem:$0x3FA9]  }
0x39: {  	_ = 	snop;
	(pc) =	sbr.ind lr, $3  }
0x3a: {  	_ = 	snop  }
0x3b: {  	_ = 	snop  }
0x3c: {  	p2 =	seq.s32 s10, $0x1;
	s10 =	sld [smem:$0x3FA8]  }
0x3d: {  	_ =	shalt  }
0x3e: {  	_ =	shalt  }
0x3f: {  	_ =	shalt  }
0x40: {  	_ =	shalt  }
0x41: {  	_ =	shalt  }
0x42: {  	_ =	shalt  }
0x43: {  	_ =	shalt  }
0x44: {  	_ =	shalt  }
0x45: {  	_ =	shalt  }
0x46: {  	_ =	shalt  }
0x47: {  	_ =	shalt  }
0x48: {  	_ =	shalt  }
0x49: {  	_ =	shalt  }
0x4a: {  	_ =	shalt  }
0x4b: {  	_ =	shalt  }
0x4c: {  	_ =	shalt  }
0x4d: {  	_ =	shalt  }
0x4e: {  	_ =	shalt  }
0x4f: {  	_ =	shalt  }
0x50: {  	_ =	shalt  }
0x51: {  	_ =	shalt  }
0x52: {  	_ =	shalt  }
0x53: {  	_ =	shalt  }
0x54: {  	_ =	shalt  }
0x55: {  	_ =	shalt  }
0x56: {  	_ =	shalt  }
0x57: {  	_ =	shalt  }
0x58: {  	_ =	shalt  }
0x59: {  	_ =	shalt  }
0x5a: {  	_ =	shalt  }
0x5b: {  	_ =	shalt  }
0x5c: {  	_ =	shalt  }
0x5d: {  	_ =	shalt  }
0x5e: {  	_ =	shalt  }
0x5f: {  	_ =	shalt  }
0x60: {  	_ =	shalt  }
0x61: {  	_ =	shalt  }
0x62: {  	_ =	shalt  }
0x63: {  	_ =	shalt  }
0x64: {  	_ =	shalt  }
0x65: {  	_ =	shalt  }
0x66: {  	_ =	shalt  }
0x67: {  	_ =	shalt  }
0x68: {  	_ =	shalt  }
0x69: {  	_ =	shalt  }
0x6a: {  	_ =	shalt  }
0x6b: {  	_ =	shalt  }
0x6c: {  	_ =	shalt  }
0x6d: {  	_ =	shalt  }
0x6e: {  	_ =	shalt  }
0x6f: {  	_ =	shalt  }
0x70: {  	_ =	shalt  }
0x71: {  	_ =	shalt  }
0x72: {  	_ =	shalt  }
0x73: {  	_ =	shalt  }
0x74: {  	_ =	shalt  }
0x75: {  	_ =	shalt  }
0x76: {  	_ =	shalt  }
0x77: {  	_ =	shalt  }
0x78: {  	_ =	shalt  }
0x79: {  	_ =	shalt  }
0x7a: {  	_ =	shalt  }
0x7b: {  	_ =	shalt  }
0x7c: {  	_ =	shalt  }
0x7d: {  	_ =	shalt  }
0x7e: {  	_ =	shalt  }
0x7f: {  	_ =	shalt  }
0x80: {  	_ =	shalt  }
0x81: {  	_ =	shalt  }
0x82: {  	_ =	shalt  }
0x83: {  	_ =	shalt  }
0x84: {  	_ =	shalt  }
0x85: {  	_ =	shalt  }
0x86: {  	_ =	shalt  }
0x87: {  	_ =	shalt  }
.Lfunc_end0:
.L_simem_size_0:
called_computation.3_lowered:
.L_overlay_start_0:
0x88: {  	s2 =	sld [smem:$0x3FD9]  }
0x89: {  	s3 =	sld [smem:$0x3FFE];
	_ =	sdelay $0x1  }
0x8a: {  	s1 =	srdreg.scid  }
0x8b: {  	s0 =	sand.u32 $0x1, s1  }
0x8c: {  	s16 =	sshll.u32 s0, $0xA;
	s2 =	sadd.s32 s3, s2  }
0x8d: {  	s2 =	sadd.s32 s2, s16  }
0x8e: {  	[smem:$0x3FB4] =	sst s2  }
0x8f: {  	_ = 	snop  }
0x90: {  	(tm) =	ssettm $0x1  }
0x91: {  	s17 =	sld [smem:$0x3FFB];
	_ =	sdelay $0x3  }
0x92: {  	_ =	strace s17  }
0x93: {  	s2 =	sld [smem:$0x3FFC];
	_ =	sdelay $0x3  }
0x94: {  	_ =	strace s2  }
0x95: {  	s2 =	sld [smem:$0x3FFD];
	_ =	sdelay $0x3  }
0x96: {  	_ =	strace s2  }
0x97: {  	_ =	strace $0x8FFFFFFF  }
0x98: {  	s18 =	sld [smem:$0x3FDB];
	_ =	sdelay $0x1  }
0x99: {  	s19 =	simm.s32 $_scs_section_size  }
0x9a: {  	s4 =	simm.s32 $_size__tile_overlayer_lowered;
	s5 =	simm.s32 $_tile_overlayer_lowered  }
0x9b: {  	s22 =	simm.s32 $0x1BFF;
	s21 =	sshll.u32 s5, $0x1;
	s2 =	sadd.s32 s19, s18  }
0x9c: {  	s6 =	simm.s32 $0x0;
	s20 =	sshll.u32 s4, $0x1;
	s4 =	sadd.s32 s21, s2  }
0x9d: {  	[timem:s6], [sflag:s22] =	dma.local [hbm:s4], s20  }
0x9e: {  	_ =	swait.ge [sflag:s22], s20  }
0x9f: {  	s3 =	ssub.s32 $0x0, s20;
	[sflag:s22] =	ssyncset.done $0x0  }
0xa0: {  	[sflag:s22] =	ssyncadd.s32 s3;
	_ =	sdelay $0x1  }
0xa1: {  	s23 =	simm.s32 $0x1B8B  }
0xa2: {  	_ =	swait.ge [sflag:s23], $0x1  }
0xa3: {  	[sflag:s23] =	ssyncset.done $0x0  }
0xa4: {  	s25 =	simm.s32 $0x1B8E;
	s24 =	sld [smem:$0x3FFE];
	[sflag:s23] =	ssyncadd.s32 $0xFFFFFFFF  }
0xa5: {  	s26 =	simm.s32 $execute0_lowered;
	[smem:$0x3FD2] =	sst s25  }
0xa6: {  	s4 =	sshll.u32 s26, $0x1;
	_ =	strace $0x8000004F;
	[dreg:$0x1] =	wrdreg $0xFFFFFFFF  }
0xa7: {  	s28 =	simm.s32 $_size_execute0_lowered;
	s2 =	sadd.s32 s2, s4;
	[dreg:$0x0] =	wrdreg $0x0  }
0xa8: {  	s4 =	sshll.u32 s28, $0x1;
	[dreg:$0x2] =	wrdreg s2  }
0xa9: {  	[dreg:$0x3] =	wrdreg s4  }
0xaa: {  	[dreg:$0x4] =	wrdreg $0xC0  }
0xab: {  	_ =	task [dreg:s6], $0x5FFFF  }
0xac: {  	[dreg:$0x1] =	wrdreg $0xFFFFFFFF  }
0xad: {  	[dreg:$0x0] =	wrdreg $0x60  }
0xae: {  	[dreg:$0x2] =	wrdreg s24  }
0xaf: {  	[dreg:$0x3] =	wrdreg $0x51800  }
0xb0: {  	[dreg:$0x4] =	wrdreg $0x9  }
0xb1: {  	_ =	task.clear_ibuf [dreg:s6], $0x5FFFF;
	_ =	strace $0x9000004F  }
0xb2: {  	s29 =	simm.s32 $0x9;
	_ =	strace $0x80000051  }
0xb3: {  	_ =	swait.ge [sflag:s29], $0x1  }
0xb4: {  	[sflag:s29] =	ssyncadd.s32 $0xFFFFFFFF  }
0xb5: {  	_ =	strace $0x90000051  }
0xb6: {  	_ =	sfence  }
0xb7: {  	s30 =	sld [smem:$0x0];
	_ =	sdelay $0x2  }
0xb8: {  	s31 =	sshll.u32 s1, $0xD;
	s1 =	sshrl.u32 s1, $0x2  }
0xb9: {  	s3 =	sand.u32 $0x4000, s31;
	s1 =	sadd.s32 s1, s30  }
0xba: {  	s0 =	sor.u32 s3, s0;
	s1 =	sshll.u32 s1, $0x11  }
0xbb: {  	s0 =	sor.u32 s1, s0  }
0xbc: {  	s0 =	sadd.s32 $0x8F2B, s0  }
0xbd: {  	[sflag:s0] =	ssyncadd.remote.s32 $0x1  }
0xbe: {  	_ =	sfence.sel $0xFFFF  }
0xbf: {  	[dreg:$0x0] =	wrdreg $0xFFFFFFFF;
	(pc) =	sbr.abs _section_cstart, $3  }
0xc0: {  	[dreg:$0x1] =	wrdreg $0xFFFFFFFF  }
0xc1: {  	_ =	task.clear_ibuf [dreg:s6], $0x2FFFF;
	_ =	strace $0x9FFFFFFF  }
0xc2: {  	(tm) =	ssettm $0x7FFFFFFF  }
0xc3: {  	_ =	shalt  }
tec
execute0_lowered:
.L_overlay_start_1:
0x0: {  	(tag) =	ssettag $0x1  }
0x1: {  	s0 =	rddreg [dreg:$0x0]  }
0x2: {  	s1 =	rddreg [dreg:$0x1];
	s2 =	simm.s32 $0x0  }
0x3: {  	s3 =	srdreg.scid;
	s19 =	stileid.u32;
	s29 =	simm.s32 $0x180  }
0x4: {  	s30 =	simm.s32 $0x3;
	s31 =	simm.s32 $0x100;
	s4 =	sadd.s32 $0x296C00, s0  }
0x5: {  	[smem:$0x7FF] =	sst s2;
	s5 =	sadd.s32 $0x113CC00, s0;
	s7 =	smul.u32 $0x14000, s19  }
0x6: {  	s3 =	sand.u32 $0x1, s3;
	s8 =	sadd.s32 $0x2F8E00, s0;
	s28 =	smul.u32 $0x2710, s19  }
0x7: {  	_ =	strace $0x80000050;
	s6 =	ssub.s32 $0x2, s3;
	s10 =	smul.u32 $0x140000, s3  }
0x8: {  	s9 =	sshrl.u32 s6, $0x1;
	s11 =	sor.u32 $0x2800, s7;
	s12 =	sadd.s32 $0x5000, s7  }
0x9: {  	s13 =	sadd.s32 $0x7800, s7;
	s23 =	sadd.s32 $0xA000, s7;
	s24 =	sadd.s32 $0xC800, s7  }
0xa: {  	s25 =	sadd.s32 $0xF000, s7;
	s6 =	ssub.s32 s6, s9;
	s9 =	smul.u32 $0x50000, s19  }
0xb: {  	s14 =	sadd.s32 s10, s7;
	s15 =	sadd.s32 s10, s11;
	s7 =	sadd.s32 $0x11800, s7  }
0xc: {  	s22 =	sadd.s32 s10, s12;
	s26 =	sadd.s32 s10, s13;
	s16 =	sadd.s32 s10, s23  }
0xd: {  	s18 =	sadd.s32 s10, s24;
	s20 =	sadd.s32 s10, s25;
	s23 =	sadd.s32 s23, s1  }
0xe: {  	s24 =	sadd.s32 s24, s1;
	s25 =	sadd.s32 s25, s1;
	s14 =	sshrl.u32 s14, $0x3  }
0xf: {  	s15 =	sshrl.u32 s15, $0x3;
	s16 =	sshrl.u32 s16, $0x3;
	s10 =	sadd.s32 s10, s7  }
0x10: {  	s14 =	sadd.s32 s8, s14;
	s21 =	sadd.s32 s8, s15;
	s15 =	sshrl.u32 s26, $0x3  }
0x11: {  	s17 =	sadd.s32 s8, s16;
	s10 =	sshrl.u32 s10, $0x3;
	s16 =	sadd.s32 $0x2EA000, s0  }
0x12: {  	s26 =	smax.u32 s6, $0x1;
	s6 =	simm.s32 $0x2980;
	[dreg:$0x3] =	wrdreg s14  }
0x13: {  	[dreg:$0x4] =	wrdreg s21;
	s14 =	sshrl.u32 s22, $0x3;
	s15 =	sadd.s32 s8, s15  }
0x14: {  	[dreg:$0x7] =	wrdreg s17;
	s22 =	sshrl.u32 s9, $0x2;
	s17 =	smul.u32 $0x27100, s3  }
0x15: {  	[dreg:$0xb] =	wrdreg s26;
	s26 =	sadd.s32 s7, s1;
	s3 =	simm.s32 $0x50  }
0x16: {  	s7 =	simm.s32 $0x1;
	s9 =	simm.s32 $0x0;
	s14 =	sadd.s32 s8, s14  }
0x17: {  	[dreg:$0x6] =	wrdreg s15;
	s15 =	sshrl.u32 s20, $0x3;
	s20 =	sadd.s32 s11, s1  }
0x18: {  	[dreg:$0x5] =	wrdreg s14;
	s14 =	sshrl.u32 s18, $0x3;
	s21 =	sadd.s32 s8, s15  }
0x19: {  	s15 =	sadd.s32 $0x2EF000, s0;
	s14 =	sadd.s32 s8, s14;
	[dreg:$0x9] =	wrdreg s21  }
0x1a: {  	s18 =	sadd.s32 s22, s1;
	s8 =	sadd.s32 s8, s10;
	[dreg:$0x8] =	wrdreg s14  }
0x1b: {  	s22 =	sadd.s32 s13, s1;
	s21 =	sadd.s32 s12, s1;
	[dreg:$0xa] =	wrdreg s8  }
0x1c: {  	v0 =	vimm.f32 $0.0e+00;
	s14 =	sadd.s32 $0xFC00, s0;
	s0 =	simm.s32 $0x80;
	s8 =	simm.s32 $0x2  }
.LBB2_1:
0x1d: {  	s10 =	simm.s32 $0x0;
	s11 =	simm.s32 $0x200  }
.LBB2_2:
0x1e: {  	p0 =	sne.s32 s11, $0x9E00;
	[tilespmem:s10+$0x1F0] =	vst v0  }
0x1f: {  	[tilespmem:s10+$0x180] =	vst v0  }
0x20: {  	[tilespmem:s10+$0x190] =	vst v0  }
.Ltmp0:
0x21: {  	[tilespmem:s10+$0x1A0] =	vst v0;
	(pc) =	sbr.rel @p0 .LBB2_2-.Ltmp0, $4  }
0x22: {  	[tilespmem:s10+$0x1B0] =	vst v0  }
0x23: {  	[tilespmem:s10+$0x1C0] =	vst v0  }
0x24: {  	[tilespmem:s10+$0x1D0] =	vst v0  }
0x25: {  	[tilespmem:s10+$0x1E0] =	vst v0;
	s10 =	sshra.s32 s11, $0x2;
	s11 =	sadd.s32 $0x200, s11  }
0x26: {  	[tilespmem:s10+$0x1F0] =	vst v0  }
0x27: {  	[tilespmem:s10+$0x180] =	vst v0  }
0x28: {  	[tilespmem:s10+$0x190] =	vst v0  }
0x29: {  	[tilespmem:s10+$0x1A0] =	vst v0  }
0x2a: {  	[tilespmem:s10+$0x1B0] =	vst v0  }
0x2b: {  	[tilespmem:s10+$0x1C0] =	vst v0  }
0x2c: {  	[tilespmem:s10+$0x1D0] =	vst v0  }
0x2d: {  	[tilespmem:s10+$0x1E0] =	vst v0  }
0x2e: {  	[spmem:s18] =	stream.linear.scatter [tilespmem:s29], [sflag:$0x3], $0x2800, $0x38;
	[tilespmem:$0x19180] =	vst v63  }
0x2f: {  	_ =	swait.ge [sflag:s30], $0x2800  }
0x30: {  	[sflag:s30] =	ssyncset.done $0x0  }
0x31: {  	[sflag:s30] =	ssyncadd.s32 $0xFFFFD800  }
0x32: {  	[spmem:s20] =	stream.linear.scatter [tilespmem:s29], [sflag:$0x3], $0x2800, $0x38;
	[tilespmem:$0x19180] =	vst v63  }
0x33: {  	_ =	swait.ge [sflag:s30], $0x2800  }
0x34: {  	[sflag:s30] =	ssyncset.done $0x0  }
0x35: {  	[sflag:s30] =	ssyncadd.s32 $0xFFFFD800  }
0x36: {  	[spmem:s21] =	stream.linear.scatter [tilespmem:s29], [sflag:$0x3], $0x2800, $0x38;
	[tilespmem:$0x19180] =	vst v63  }
0x37: {  	_ =	swait.ge [sflag:s30], $0x2800  }
0x38: {  	[sflag:s30] =	ssyncset.done $0x0  }
0x39: {  	[sflag:s30] =	ssyncadd.s32 $0xFFFFD800  }
0x3a: {  	[spmem:s22] =	stream.linear.scatter [tilespmem:s29], [sflag:$0x3], $0x2800, $0x38;
	[tilespmem:$0x19180] =	vst v63  }
0x3b: {  	_ =	swait.ge [sflag:s30], $0x2800  }
0x3c: {  	[sflag:s30] =	ssyncset.done $0x0  }
0x3d: {  	[sflag:s30] =	ssyncadd.s32 $0xFFFFD800  }
0x3e: {  	[spmem:s23] =	stream.linear.scatter [tilespmem:s29], [sflag:$0x3], $0x2800, $0x38;
	[tilespmem:$0x19180] =	vst v63  }
0x3f: {  	_ =	swait.ge [sflag:s30], $0x2800  }
0x40: {  	[sflag:s30] =	ssyncset.done $0x0  }
0x41: {  	[sflag:s30] =	ssyncadd.s32 $0xFFFFD800  }
0x42: {  	[spmem:s24] =	stream.linear.scatter [tilespmem:s29], [sflag:$0x3], $0x2800, $0x38;
	[tilespmem:$0x19180] =	vst v63  }
0x43: {  	_ =	swait.ge [sflag:s30], $0x2800  }
0x44: {  	[sflag:s30] =	ssyncset.done $0x0  }
0x45: {  	[sflag:s30] =	ssyncadd.s32 $0xFFFFD800  }
0x46: {  	[spmem:s25] =	stream.linear.scatter [tilespmem:s29], [sflag:$0x3], $0x2800, $0x38;
	[tilespmem:$0x19180] =	vst v63  }
0x47: {  	_ =	swait.ge [sflag:s30], $0x2800  }
0x48: {  	[sflag:s30] =	ssyncset.done $0x0  }
0x49: {  	[sflag:s30] =	ssyncadd.s32 $0xFFFFD800  }
0x4a: {  	[spmem:s26] =	stream.linear.scatter [tilespmem:s29], [sflag:$0x3], $0x2800, $0x38;
	[tilespmem:$0x19180] =	vst v63  }
0x4b: {  	_ =	swait.ge [sflag:s30], $0x2800  }
0x4c: {  	[sflag:s30] =	ssyncset.done $0x0  }
0x4d: {  	[sflag:s30] =	ssyncadd.s32 $0xFFFFD800  }
0x4e: {  	s10 =	simm.s32 $0x0;
	s11 =	simm.s32 $0x0;
	[bflag:$0x0] =	sbarrier.arrive $0xFFFF  }
.LBB2_4:
0x4f: {  	s12 =	smul.u32 $0x50, s11;
	_ =	sdelay $0x1  }
0x50: {  	s12 =	sadd.s32 s28, s12  }
0x51: {  	s13 =	sadd.s32 s17, s12  }
0x52: {  	s13 =	sshrl.u32 s13, $0x3  }
0x53: {  	s19 =	sadd.s32 s14, s13  }
0x54: {  	[tilespmem:s10], [sflag:$0x3] =	stream.linear.gather [hbm4b:s19+s10], $0x50, $0x38;
	[tilespmem:$0x19180] =	vst v63  }
0x55: {  	_ =	swait.ge [sflag:s30], $0x50  }
0x56: {  	s12 =	sshrl.u32 s12, $0x3;
	[sflag:s30] =	ssyncset.done $0x0  }
0x57: {  	s12 =	sadd.s32 s16, s12;
	[sflag:s30] =	ssyncadd.s32 $0xFFFFFFB0  }
0x58: {  	[tilespmem:s31], [sflag:$0x3] =	stream.linear.gather [hbm4b:s12+s10], $0x50, $0x38;
	[tilespmem:$0x19180] =	vst v63  }
0x59: {  	_ =	swait.ge [sflag:s30], $0x50  }
0x5a: {  	[sflag:s30] =	ssyncset.done $0x0  }
0x5b: {  	s19 =	sadd.s32 s15, s13;
	[sflag:s30] =	ssyncadd.s32 $0xFFFFFFB0  }
0x5c: {  	[tilespmem:s0], [sflag:$0x3] =	stream.linear.gather [hbm4b:s19+s10], $0x50, $0x38;
	[tilespmem:$0x19180] =	vst v63  }
0x5d: {  	_ =	swait.ge [sflag:s30], $0x50  }
0x5e: {  	[sflag:s30] =	ssyncset.done $0x0  }
0x5f: {  	[sflag:s30] =	ssyncadd.s32 $0xFFFFFFB0  }
0x60: {  	[tilespmem:s29], [sflag:$0x1] =	stream.indirect.gather [hbm4b:s4+s3], $0x80, s10, s3, $0xb8;
	[tilespmem:$0x19180] =	vst v63  }
0x61: {  	_ = 	snop  }
0x62: {  	[tilespmem:s6], [sflag:$0x2] =	stream.indirect.gather [hbm4b:s5+s3], $0x80, s0, s3, $0xb8;
	[tilespmem:$0x19180] =	vst v63  }
0x63: {  	_ =	swait.ge [sflag:s7], $0x2800  }
0x64: {  	[sflag:s7] =	ssyncset.done $0x0  }
0x65: {  	[sflag:s7] =	ssyncadd.s32 $0xFFFFD800  }
0x66: {  	_ =	swait.ge [sflag:s8], $0x2800  }
0x67: {  	[sflag:s8] =	ssyncset.done $0x0  }
0x68: {  	s12 =	simm.s32 $0x0;
	[sflag:s8] =	ssyncadd.s32 $0xFFFFD800  }
0x69: {  	v7 =	vld [tilespmem:s12+$0x2980]  }
0x6a: {  	v12 =	vld [tilespmem:s12+$0x2990]  }
0x6b: {  	v6 =	vld [tilespmem:s12+$0x29A0]  }
0x6c: {  	v5 =	vld [tilespmem:s12+$0x29B0]  }
0x6d: {  	v4 =	vld [tilespmem:s12+$0x29C0]  }
0x6e: {  	v3 =	vld [tilespmem:s12+$0x29D0]  }
0x6f: {  	v2 =	vld [tilespmem:s12+$0x29E0]  }
0x70: {  	v1 =	vld [tilespmem:s12+$0x29F0]  }
0x71: {  	v13 =	vld [tilespmem:s12+$0x180]  }
0x72: {  	v14 =	vld [tilespmem:s12+$0x190]  }
0x73: {  	v11 =	vld [tilespmem:s12+$0x1A0]  }
0x74: {  	v10 =	vld [tilespmem:s12+$0x1B0]  }
0x75: {  	v9 =	vld [tilespmem:s12+$0x1C0]  }
0x76: {  	v8 =	vld [tilespmem:s12+$0x1D0];
	v13 =	vadd.f32 v7, v13  }
0x77: {  	s13 =	simm.s32 $0x200;
	v12 =	vadd.f32 v12, v14;
	v7 =	vld [tilespmem:s12+$0x1E0]  }
.LBB2_5:
0x78: {  	s19 =	sshra.s32 s13, $0x2;
	p0 =	sne.s32 s13, $0x9E00;
	v13 =	vmax.f32 v13, $0.0e+00;
	v6 =	vadd.f32 v6, v11;
	v11 =	vld [tilespmem:s12+$0x1F0]  }
0x79: {  	v14 =	vld [tilespmem:s19+$0x2980];
	[tilespmem:s12+$0x180] =	vst v13;
	v12 =	vmax.f32 v12, $0.0e+00;
	v5 =	vadd.f32 v5, v10  }
0x7a: {  	v15 =	vld [tilespmem:s19+$0x2990];
	[tilespmem:s12+$0x190] =	vst v12;
	v10 =	vmax.f32 v6, $0.0e+00;
	v4 =	vadd.f32 v4, v9  }
0x7b: {  	v6 =	vld [tilespmem:s19+$0x29A0];
	[tilespmem:s12+$0x1A0] =	vst v10;
	v9 =	vmax.f32 v5, $0.0e+00;
	v3 =	vadd.f32 v3, v8  }
0x7c: {  	v5 =	vld [tilespmem:s19+$0x29B0];
	[tilespmem:s12+$0x1B0] =	vst v9;
	v8 =	vmax.f32 v4, $0.0e+00;
	v2 =	vadd.f32 v2, v7  }
0x7d: {  	v4 =	vld [tilespmem:s19+$0x29C0];
	[tilespmem:s12+$0x1C0] =	vst v8;
	v7 =	vmax.f32 v3, $0.0e+00;
	v1 =	vadd.f32 v1, v11  }
0x7e: {  	v3 =	vld [tilespmem:s19+$0x29D0];
	[tilespmem:s12+$0x1D0] =	vst v7;
	v7 =	vmax.f32 v2, $0.0e+00  }
0x7f: {  	v2 =	vld [tilespmem:s19+$0x29E0];
	[tilespmem:s12+$0x1E0] =	vst v7;
	v7 =	vmax.f32 v1, $0.0e+00  }
0x80: {  	v1 =	vld [tilespmem:s19+$0x29F0];
	[tilespmem:s12+$0x1F0] =	vst v7;
	s12 =	smov.u32 s19  }
0x81: {  	v7 =	vld [tilespmem:s12+$0x180]  }
0x82: {  	v12 =	vld [tilespmem:s12+$0x190]  }
.Ltmp1:
0x83: {  	v11 =	vld [tilespmem:s12+$0x1A0];
	(pc) =	sbr.rel @p0 .LBB2_5-.Ltmp1, $4  }
0x84: {  	v10 =	vld [tilespmem:s12+$0x1B0]  }
0x85: {  	v9 =	vld [tilespmem:s12+$0x1C0]  }
0x86: {  	v13 =	vadd.f32 v14, v7;
	v8 =	vld [tilespmem:s12+$0x1D0]  }
0x87: {  	s13 =	sadd.s32 $0x200, s13;
	v12 =	vadd.f32 v15, v12;
	v7 =	vld [tilespmem:s12+$0x1E0]  }
0x88: {  	v13 =	vmax.f32 v13, $0.0e+00;
	v6 =	vadd.f32 v6, v11;
	v63 =	vld [tilespmem:s12+$0x1F0]  }
0x89: {  	[tilespmem:s12+$0x180] =	vst v13;
	v12 =	vmax.f32 v12, $0.0e+00;
	v5 =	vadd.f32 v5, v10  }
0x8a: {  	[tilespmem:s12+$0x190] =	vst v12;
	v6 =	vmax.f32 v6, $0.0e+00;
	v4 =	vadd.f32 v4, v9  }
0x8b: {  	[tilespmem:s12+$0x1A0] =	vst v6;
	v5 =	vmax.f32 v5, $0.0e+00;
	v3 =	vadd.f32 v3, v8  }
0x8c: {  	[tilespmem:s12+$0x1B0] =	vst v5;
	v4 =	vmax.f32 v4, $0.0e+00;
	v2 =	vadd.f32 v2, v7  }
0x8d: {  	[tilespmem:s12+$0x1C0] =	vst v4;
	v3 =	vmax.f32 v3, $0.0e+00;
	v1 =	vadd.f32 v1, v63  }
0x8e: {  	s11 =	sadd.s32 $0x1, s11;
	[tilespmem:s12+$0x1D0] =	vst v3;
	v2 =	vmax.f32 v2, $0.0e+00  }
0x8f: {  	p0 =	sne.s32 s11, $0x7D;
	[tilespmem:s12+$0x1E0] =	vst v2;
	v1 =	vmax.f32 v1, $0.0e+00  }
.Ltmp2:
0x90: {  	[tilespmem:s12+$0x1F0] =	vst v1;
	(pc) =	sbr.rel @p0 .LBB2_4-.Ltmp2, $4  }
0x91: {  	[spmem:s1] =	stream.indirect.scatter.add.f32 [tilespmem:s29], [sflag:$0x3], $0x80, s31, s3, $0xb8;
	[tilespmem:$0x19180] =	vst v63  }
0x92: {  	_ =	swait.ge [sflag:s30], $0x2800  }
0x93: {  	[sflag:s30] =	ssyncset.done $0x0  }
0x94: {  	[sflag:s30] =	ssyncadd.s32 $0xFFFFD800  }
0x95: {  	[bflag:$0x0] =	sbarrier.arrive $0xFFFF  }
0x96: {  	[tilespmem:s6], [sflag:$0x3] =	stream.linear.gather [spmem:s18], $0x2800, $0x38;
	[tilespmem:$0x19180] =	vst v63  }
0x97: {  	_ =	swait.ge [sflag:s30], $0x2800  }
0x98: {  	[sflag:s30] =	ssyncset.done $0x0  }
0x99: {  	s10 =	rddreg [dreg:$0x3];
	[sflag:s30] =	ssyncadd.s32 $0xFFFFD800  }
0x9a: {  	[hbm4b:s10+s2] =	stream.linear.scatter [tilespmem:s6], [sflag:$0x3], $0x2800, $0x38;
	[tilespmem:$0x19180] =	vst v63  }
0x9b: {  	_ =	swait.ge [sflag:s30], $0x2800  }
0x9c: {  	[sflag:s30] =	ssyncset.done $0x0  }
0x9d: {  	[sflag:s30] =	ssyncadd.s32 $0xFFFFD800  }
0x9e: {  	[tilespmem:s6], [sflag:$0x3] =	stream.linear.gather [spmem:s20], $0x2800, $0x38;
	[tilespmem:$0x19180] =	vst v63  }
0x9f: {  	_ =	swait.ge [sflag:s30], $0x2800  }
0xa0: {  	[sflag:s30] =	ssyncset.done $0x0  }
0xa1: {  	s11 =	rddreg [dreg:$0x4];
	[sflag:s30] =	ssyncadd.s32 $0xFFFFD800  }
0xa2: {  	[hbm4b:s11+s2] =	stream.linear.scatter [tilespmem:s6], [sflag:$0x3], $0x2800, $0x38;
	[tilespmem:$0x19180] =	vst v63  }
0xa3: {  	_ =	swait.ge [sflag:s30], $0x2800  }
0xa4: {  	[sflag:s30] =	ssyncset.done $0x0  }
0xa5: {  	[sflag:s30] =	ssyncadd.s32 $0xFFFFD800  }
0xa6: {  	[tilespmem:s6], [sflag:$0x3] =	stream.linear.gather [spmem:s21], $0x2800, $0x38;
	[tilespmem:$0x19180] =	vst v63  }
0xa7: {  	_ =	swait.ge [sflag:s30], $0x2800  }
0xa8: {  	[sflag:s30] =	ssyncset.done $0x0  }
0xa9: {  	s12 =	rddreg [dreg:$0x5];
	[sflag:s30] =	ssyncadd.s32 $0xFFFFD800  }
0xaa: {  	[hbm4b:s12+s2] =	stream.linear.scatter [tilespmem:s6], [sflag:$0x3], $0x2800, $0x38;
	[tilespmem:$0x19180] =	vst v63  }
0xab: {  	_ =	swait.ge [sflag:s30], $0x2800  }
0xac: {  	[sflag:s30] =	ssyncset.done $0x0  }
0xad: {  	[sflag:s30] =	ssyncadd.s32 $0xFFFFD800  }
0xae: {  	[tilespmem:s6], [sflag:$0x3] =	stream.linear.gather [spmem:s22], $0x2800, $0x38;
	[tilespmem:$0x19180] =	vst v63  }
0xaf: {  	_ =	swait.ge [sflag:s30], $0x2800  }
0xb0: {  	[sflag:s30] =	ssyncset.done $0x0  }
0xb1: {  	s13 =	rddreg [dreg:$0x6];
	[sflag:s30] =	ssyncadd.s32 $0xFFFFD800  }
0xb2: {  	[hbm4b:s13+s2] =	stream.linear.scatter [tilespmem:s6], [sflag:$0x3], $0x2800, $0x38;
	[tilespmem:$0x19180] =	vst v63  }
0xb3: {  	_ =	swait.ge [sflag:s30], $0x2800  }
0xb4: {  	[sflag:s30] =	ssyncset.done $0x0  }
0xb5: {  	[sflag:s30] =	ssyncadd.s32 $0xFFFFD800  }
0xb6: {  	[tilespmem:s6], [sflag:$0x3] =	stream.linear.gather [spmem:s23], $0x2800, $0x38;
	[tilespmem:$0x19180] =	vst v63  }
0xb7: {  	_ =	swait.ge [sflag:s30], $0x2800  }
0xb8: {  	[sflag:s30] =	ssyncset.done $0x0  }
0xb9: {  	s19 =	rddreg [dreg:$0x7];
	[sflag:s30] =	ssyncadd.s32 $0xFFFFD800  }
0xba: {  	[hbm4b:s19+s2] =	stream.linear.scatter [tilespmem:s6], [sflag:$0x3], $0x2800, $0x38;
	[tilespmem:$0x19180] =	vst v63  }
0xbb: {  	_ =	swait.ge [sflag:s30], $0x2800  }
0xbc: {  	[sflag:s30] =	ssyncset.done $0x0  }
0xbd: {  	[sflag:s30] =	ssyncadd.s32 $0xFFFFD800  }
0xbe: {  	[tilespmem:s6], [sflag:$0x3] =	stream.linear.gather [spmem:s24], $0x2800, $0x38;
	[tilespmem:$0x19180] =	vst v63  }
0xbf: {  	_ =	swait.ge [sflag:s30], $0x2800  }
0xc0: {  	[sflag:s30] =	ssyncset.done $0x0  }
0xc1: {  	s11 =	rddreg [dreg:$0x8];
	[sflag:s30] =	ssyncadd.s32 $0xFFFFD800  }
0xc2: {  	[hbm4b:s11+s2] =	stream.linear.scatter [tilespmem:s6], [sflag:$0x3], $0x2800, $0x38;
	[tilespmem:$0x19180] =	vst v63  }
0xc3: {  	_ =	swait.ge [sflag:s30], $0x2800  }
0xc4: {  	[sflag:s30] =	ssyncset.done $0x0  }
0xc5: {  	[sflag:s30] =	ssyncadd.s32 $0xFFFFD800  }
0xc6: {  	[tilespmem:s6], [sflag:$0x3] =	stream.linear.gather [spmem:s25], $0x2800, $0x38;
	[tilespmem:$0x19180] =	vst v63  }
0xc7: {  	_ =	swait.ge [sflag:s30], $0x2800  }
0xc8: {  	[sflag:s30] =	ssyncset.done $0x0  }
0xc9: {  	s12 =	rddreg [dreg:$0x9];
	[sflag:s30] =	ssyncadd.s32 $0xFFFFD800  }
0xca: {  	[hbm4b:s12+s2] =	stream.linear.scatter [tilespmem:s6], [sflag:$0x3], $0x2800, $0x38;
	[tilespmem:$0x19180] =	vst v63  }
0xcb: {  	_ =	swait.ge [sflag:s30], $0x2800  }
0xcc: {  	[sflag:s30] =	ssyncset.done $0x0  }
0xcd: {  	[sflag:s30] =	ssyncadd.s32 $0xFFFFD800  }
0xce: {  	[tilespmem:s6], [sflag:$0x3] =	stream.linear.gather [spmem:s26], $0x2800, $0x38;
	[tilespmem:$0x19180] =	vst v63  }
0xcf: {  	_ =	swait.ge [sflag:s30], $0x2800  }
0xd0: {  	[sflag:s30] =	ssyncset.done $0x0  }
0xd1: {  	s13 =	rddreg [dreg:$0xa];
	[sflag:s30] =	ssyncadd.s32 $0xFFFFD800  }
0xd2: {  	[hbm4b:s13+s2] =	stream.linear.scatter [tilespmem:s6], [sflag:$0x3], $0x2800, $0x38;
	[tilespmem:$0x19180] =	vst v63  }
0xd3: {  	_ =	swait.ge [sflag:s30], $0x2800  }
0xd4: {  	s9 =	sadd.s32 $0x1, s9;
	s19 =	rddreg [dreg:$0xb]  }
0xd5: {  	p0 =	sne.s32 s9, s19  }
.Ltmp3:
0xd6: {  	_ = 	snop;
	(pc) =	sbr.rel @p0 .LBB2_1-.Ltmp3, $3  }
0xd7: {  	_ =	sdelay $0x1  }
0xd8: {  	[sflag:s30] =	ssyncset.done $0x0  }
0xd9: {  	[sflag:s30] =	ssyncadd.s32 $0xFFFFD800  }
0xda: {  	_ =	sfence.sel $0x180000  }
0xdb: {  	[bflag:$0x0] =	sbarrier.arrive $0xFFFF  }
0xdc: {  	_ =	strace $0x90000050  }
0xdd: {  	s0 =	stileid.u32;
	[bflag:$0x2] =	sbarrier.arrive $0xFFFF  }
0xde: {  	p0 =	sne.s32 s0, $0x0;
	s0 =	rddreg [dreg:$0x2]  }
0xdf: {  	s0 =	sadd.s32 @!p0 $0x100000, s0  }
0xe0: {  	[sflag:s0] =	ssyncadd.tile.s32 @!p0 $0x1;
	_ =	shalt  }
.Lfunc_end2:
_tile_overlayer_lowered:
.L_overlay_start_2:
0xe1: {  	(tag) =	ssettag $0x2  }
0xe2: {  	s0 =	rddreg [dreg:$0x0];
	s2 =	stileid.u32  }
0xe3: {  	s1 =	rddreg [dreg:$0x1];
	p0 =	sne.s32 s2, $0x0  }
0xe4: {  	s3 =	rddreg [dreg:$0x2];
	[bflag:$0x3] =	sbarrier.arrive $0xFFFF;
	s2 =	simm.s32 @!p0 $0x1C03  }
0xe5: {  	[timem:s3], [sflag:s2] =	dma.local @!p0 [hbm:s0], s1  }
0xe6: {  	s0 =	simm.s32 @!p0 $0x3  }
0xe7: {  	_ =	swait.ge @!p0 [sflag:s0], s1  }
0xe8: {  	s1 =	ssub.s32 @!p0 $0x0, s1;
	[sflag:s0] =	ssyncset.done @!p0 $0x0  }
0xe9: {  	[sflag:s0] =	ssyncadd.s32 @!p0 s1  }
0xea: {  	[bflag:$0x3] =	sbarrier.arrive $0xFFFF  }
0xeb: {  	_ =	shalt  }

// kernel: kernel.26.cloned.1.call-start
scs
__scs_entry_jumppad:
0x0: {  	(pc) =	sbr.rel $0x88, $3  }
0x1: {  	(tag) =	ssettag $0x0;
	lr =	simm.s32 $0x1  }
0x2: {  	[smem:$0x3F8D] =	sst lr;
	_ =	strace $0xD0000000  }
0x3: {  	_ = 	snop  }
0x4: {  	_ = 	snop  }
0x5: {  	_ = 	snop  }
0x6: {  	_ = 	snop  }
0x7: {  	_ = 	snop  }
__scs_overlays_trampoline_lowered:
0x8: {  	[smem:$0x3F9C] =	sst s0  }
0x9: {  	[smem:$0x3F9D] =	sst s1  }
0xa: {  	[smem:$0x3F9E] =	sst s2  }
0xb: {  	[smem:$0x3F9F] =	sst s3  }
0xc: {  	[smem:$0x3FA0] =	sst s4  }
0xd: {  	[smem:$0x3FA1] =	sst s5  }
0xe: {  	[smem:$0x3FA2] =	sst s6  }
0xf: {  	[smem:$0x3FA3] =	sst s7  }
0x10: {  	[smem:$0x3FA4] =	sst s8  }
0x11: {  	[smem:$0x3FA5] =	sst s9;
	s0 =	simm.s32 @!p0 $0x0  }
0x12: {  	s1 =	sld [smem:$0x3F8B];
	s0 =	simm.s32 @p0 $0x1  }
0x13: {  	[smem:$0x3FA6] =	sst s0;
	s0 =	simm.s32 @!p1 $0x0  }
0x14: {  	s2 =	sld [smem:$0x3F8A];
	s0 =	simm.s32 @p1 $0x1  }
0x15: {  	[smem:$0x3FA7] =	sst s0;
	s0 =	simm.s32 @!p2 $0x0  }
0x16: {  	s3 =	sld [smem:$0x3FDB];
	s0 =	simm.s32 @p2 $0x1  }
0x17: {  	s4 =	simm.s32 $0x1BF5;
	[smem:$0x3FA9] =	sst s0  }
0x18: {  	s0 =	sld [smem:$0x3F8C];
	_ =	swait.ge [sflag:s4], $0x0  }
0x19: {  	s7 =	sld [smem:$0x3F8D]  }
0x1a: {  	s8 =	sadd.s32 $0xFFFFE003, lr  }
0x1b: {  	s9 =	sadd.s32 $0xFFFFFEF7, lr;
	s5 =	simm.s32 $0xFFFFFFFF;
	p2 =	slt.u32 s8, $0xFFFFF086  }
0x1c: {  	p1 =	slt.u32 s9, $0xF7A;
	s5 =	simm.s32 @!p2 $0x0  }
0x1d: {  	s5 =	simm.s32 @p1 $0x1;
	p0 =	seq.s32 s7, s2  }
0x1e: {  	s7 =	smul.u32 @!p0 $0xF7A, s2;
	p2 =	seq.s32 @!p0 s5, $0x0  }
0x1f: {  	s9 =	smul.u32 $0xF7A, s1;
	s8 =	simm.s32 @!p0 $0x1BF5;
	p2 =	por !p2, p0  }
0x20: {  	[sflag:s8] =	ssyncset.s32 @!p0 $0xFFFFF086;
	s6 =	sadd.s32 @!p0 s3, s7;
	s7 =	simm.s32 @!p0 $0x108  }
0x21: {  	s3 =	sadd.s32 s3, s9;
	s6 =	sadd.s32 @!p0 $0x88, s6;
	s7 =	simm.s32 @p2 $0x1082  }
0x22: {  	[simem:s7], [sflag:s8] =	dma.local @!p0 [hbm:s6], $0xF7A  }
0x23: {  	s9 =	sor.u32 $0xD0000000, s2;
	s6 =	simm.s32 $0x108;
	_ =	swait.ge @!p0 [sflag:s8], $0x0  }
0x24: {  	s3 =	sadd.s32 $0x88, s3;
	s6 =	simm.s32 @!p1 $0x1082;
	[sflag:s4] =	ssyncset.s32 $0xFFFFF086  }
0x25: {  	[simem:s6], [sflag:s4] =	dma.local [hbm:s3], $0xF7A  }
0x26: {  	[smem:$0x3F8D] =	sst s1;
	(tag) =	ssettag s2;
	_ =	strace s9  }
0x27: {  	s1 =	sld [smem:$0x3F9D]  }
0x28: {  	s2 =	sld [smem:$0x3F9E]  }
0x29: {  	s4 =	sld [smem:$0x3FA0]  }
0x2a: {  	p0 =	seq.s32 s5, $0x0;
	s5 =	sld [smem:$0x3FA1]  }
0x2b: {  	s6 =	sld [smem:$0x3FA2]  }
0x2c: {  	s7 =	sld [smem:$0x3FA3]  }
0x2d: {  	s3 =	simm.s32 $0x108;
	s8 =	sld [smem:$0x3FA4]  }
0x2e: {  	s3 =	simm.s32 @!p0 $0x1082;
	s9 =	sld [smem:$0x3FA5]  }
0x2f: {  	lr =	sadd.s32 s0, s3;
	s0 =	sld [smem:$0x3F9C]  }
0x30: {  	s3 =	sld [smem:$0x3F9F]  }
0x31: {  	[smem:$0x3FA8] =	sst s10  }
0x32: {  	s10 =	sld [smem:$0x3FA6];
	_ =	sdelay $0x3  }
0x33: {  	p0 =	seq.s32 s10, $0x1;
	s10 =	sld [smem:$0x3FA8];
	_ =	sdelay $0x3  }
0x34: {  	[smem:$0x3FA8] =	sst s10  }
0x35: {  	s10 =	sld [smem:$0x3FA7];
	_ =	sdelay $0x3  }
0x36: {  	p1 =	seq.s32 s10, $0x1;
	s10 =	sld [smem:$0x3FA8];
	_ =	sdelay $0x3  }
0x37: {  	[smem:$0x3FA8] =	sst s10  }
0x38: {  	s10 =	sld [smem:$0x3FA9]  }
0x39: {  	_ = 	snop;
	(pc) =	sbr.ind lr, $3  }
0x3a: {  	_ = 	snop  }
0x3b: {  	_ = 	snop  }
0x3c: {  	p2 =	seq.s32 s10, $0x1;
	s10 =	sld [smem:$0x3FA8]  }
0x3d: {  	_ =	shalt  }
0x3e: {  	_ =	shalt  }
0x3f: {  	_ =	shalt  }
0x40: {  	_ =	shalt  }
0x41: {  	_ =	shalt  }
0x42: {  	_ =	shalt  }
0x43: {  	_ =	shalt  }
0x44: {  	_ =	shalt  }
0x45: {  	_ =	shalt  }
0x46: {  	_ =	shalt  }
0x47: {  	_ =	shalt  }
0x48: {  	_ =	shalt  }
0x49: {  	_ =	shalt  }
0x4a: {  	_ =	shalt  }
0x4b: {  	_ =	shalt  }
0x4c: {  	_ =	shalt  }
0x4d: {  	_ =	shalt  }
0x4e: {  	_ =	shalt  }
0x4f: {  	_ =	shalt  }
0x50: {  	_ =	shalt  }
0x51: {  	_ =	shalt  }
0x52: {  	_ =	shalt  }
0x53: {  	_ =	shalt  }
0x54: {  	_ =	shalt  }
0x55: {  	_ =	shalt  }
0x56: {  	_ =	shalt  }
0x57: {  	_ =	shalt  }
0x58: {  	_ =	shalt  }
0x59: {  	_ =	shalt  }
0x5a: {  	_ =	shalt  }
0x5b: {  	_ =	shalt  }
0x5c: {  	_ =	shalt  }
0x5d: {  	_ =	shalt  }
0x5e: {  	_ =	shalt  }
0x5f: {  	_ =	shalt  }
0x60: {  	_ =	shalt  }
0x61: {  	_ =	shalt  }
0x62: {  	_ =	shalt  }
0x63: {  	_ =	shalt  }
0x64: {  	_ =	shalt  }
0x65: {  	_ =	shalt  }
0x66: {  	_ =	shalt  }
0x67: {  	_ =	shalt  }
0x68: {  	_ =	shalt  }
0x69: {  	_ =	shalt  }
0x6a: {  	_ =	shalt  }
0x6b: {  	_ =	shalt  }
0x6c: {  	_ =	shalt  }
0x6d: {  	_ =	shalt  }
0x6e: {  	_ =	shalt  }
0x6f: {  	_ =	shalt  }
0x70: {  	_ =	shalt  }
0x71: {  	_ =	shalt  }
0x72: {  	_ =	shalt  }
0x73: {  	_ =	shalt  }
0x74: {  	_ =	shalt  }
0x75: {  	_ =	shalt  }
0x76: {  	_ =	shalt  }
0x77: {  	_ =	shalt  }
0x78: {  	_ =	shalt  }
0x79: {  	_ =	shalt  }
0x7a: {  	_ =	shalt  }
0x7b: {  	_ =	shalt  }
0x7c: {  	_ =	shalt  }
0x7d: {  	_ =	shalt  }
0x7e: {  	_ =	shalt  }
0x7f: {  	_ =	shalt  }
0x80: {  	_ =	shalt  }
0x81: {  	_ =	shalt  }
0x82: {  	_ =	shalt  }
0x83: {  	_ =	shalt  }
0x84: {  	_ =	shalt  }
0x85: {  	_ =	shalt  }
0x86: {  	_ =	shalt  }
0x87: {  	_ =	shalt  }
.Lfunc_end0:
.L_simem_size_0:
called_computation.4_lowered:
.L_overlay_start_0:
0x88: {  	s2 =	sld [smem:$0x3FD9]  }
0x89: {  	s3 =	sld [smem:$0x3FFE];
	_ =	sdelay $0x1  }
0x8a: {  	s1 =	srdreg.scid  }
0x8b: {  	s0 =	sand.u32 $0x1, s1  }
0x8c: {  	s16 =	sshll.u32 s0, $0xA;
	s2 =	sadd.s32 s3, s2  }
0x8d: {  	s2 =	sadd.s32 s2, s16  }
0x8e: {  	[smem:$0x3FB4] =	sst s2  }
0x8f: {  	_ = 	snop  }
0x90: {  	(tm) =	ssettm $0x1  }
0x91: {  	s17 =	sld [smem:$0x3FFB];
	_ =	sdelay $0x3  }
0x92: {  	_ =	strace s17  }
0x93: {  	s2 =	sld [smem:$0x3FFC];
	_ =	sdelay $0x3  }
0x94: {  	_ =	strace s2  }
0x95: {  	s2 =	sld [smem:$0x3FFD];
	_ =	sdelay $0x3  }
0x96: {  	_ =	strace s2  }
0x97: {  	_ =	strace $0x8FFFFFFF  }
0x98: {  	s18 =	sld [smem:$0x3FDB];
	_ =	sdelay $0x1  }
0x99: {  	s19 =	simm.s32 $_scs_section_size  }
0x9a: {  	s4 =	simm.s32 $_size__tile_overlayer_lowered;
	s5 =	simm.s32 $_tile_overlayer_lowered  }
0x9b: {  	s22 =	simm.s32 $0x1BFF;
	s21 =	sshll.u32 s5, $0x1;
	s2 =	sadd.s32 s19, s18  }
0x9c: {  	s6 =	simm.s32 $0x0;
	s20 =	sshll.u32 s4, $0x1;
	s4 =	sadd.s32 s21, s2  }
0x9d: {  	[timem:s6], [sflag:s22] =	dma.local [hbm:s4], s20  }
0x9e: {  	_ =	swait.ge [sflag:s22], s20  }
0x9f: {  	s3 =	ssub.s32 $0x0, s20;
	[sflag:s22] =	ssyncset.done $0x0  }
0xa0: {  	[sflag:s22] =	ssyncadd.s32 s3;
	_ =	sdelay $0x1  }
0xa1: {  	s23 =	simm.s32 $0x1B8B  }
0xa2: {  	_ =	swait.ge [sflag:s23], $0x1  }
0xa3: {  	[sflag:s23] =	ssyncset.done $0x0  }
0xa4: {  	s25 =	simm.s32 $0x1B8E;
	s24 =	sld [smem:$0x3FFE];
	[sflag:s23] =	ssyncadd.s32 $0xFFFFFFFF  }
0xa5: {  	s26 =	simm.s32 $execute0_lowered;
	[smem:$0x3FD2] =	sst s25  }
0xa6: {  	s4 =	sshll.u32 s26, $0x1;
	_ =	strace $0x80000052;
	[dreg:$0x1] =	wrdreg $0xFFFFFFFF  }
0xa7: {  	s28 =	simm.s32 $_size_execute0_lowered;
	s2 =	sadd.s32 s2, s4;
	[dreg:$0x0] =	wrdreg $0x0  }
0xa8: {  	s4 =	sshll.u32 s28, $0x1;
	[dreg:$0x2] =	wrdreg s2  }
0xa9: {  	[dreg:$0x3] =	wrdreg s4  }
0xaa: {  	[dreg:$0x4] =	wrdreg $0xC0  }
0xab: {  	_ =	task [dreg:s6], $0x5FFFF  }
0xac: {  	[dreg:$0x1] =	wrdreg $0xFFFFFFFF  }
0xad: {  	[dreg:$0x0] =	wrdreg $0x60  }
0xae: {  	[dreg:$0x2] =	wrdreg s24  }
0xaf: {  	[dreg:$0x3] =	wrdreg $0x51800  }
0xb0: {  	[dreg:$0x4] =	wrdreg $0x9  }
0xb1: {  	_ =	task.clear_ibuf [dreg:s6], $0x5FFFF;
	_ =	strace $0x90000052  }
0xb2: {  	s29 =	simm.s32 $0x9;
	_ =	strace $0x80000054  }
0xb3: {  	_ =	swait.ge [sflag:s29], $0x1  }
0xb4: {  	[sflag:s29] =	ssyncadd.s32 $0xFFFFFFFF  }
0xb5: {  	_ =	strace $0x90000054  }
0xb6: {  	_ =	sfence  }
0xb7: {  	s30 =	sld [smem:$0x0];
	_ =	sdelay $0x2  }
0xb8: {  	s31 =	sshll.u32 s1, $0xD;
	s1 =	sshrl.u32 s1, $0x2  }
0xb9: {  	s3 =	sand.u32 $0x4000, s31;
	s1 =	sadd.s32 s1, s30  }
0xba: {  	s0 =	sor.u32 s3, s0;
	s1 =	sshll.u32 s1, $0x11  }
0xbb: {  	s0 =	sor.u32 s1, s0  }
0xbc: {  	s0 =	sadd.s32 $0x8F2B, s0  }
0xbd: {  	[sflag:s0] =	ssyncadd.remote.s32 $0x1  }
0xbe: {  	_ =	sfence.sel $0xFFFF  }
0xbf: {  	[dreg:$0x0] =	wrdreg $0xFFFFFFFF;
	(pc) =	sbr.abs _section_cstart, $3  }
0xc0: {  	[dreg:$0x1] =	wrdreg $0xFFFFFFFF  }
0xc1: {  	_ =	task.clear_ibuf [dreg:s6], $0x2FFFF;
	_ =	strace $0x9FFFFFFF  }
0xc2: {  	(tm) =	ssettm $0x7FFFFFFF  }
0xc3: {  	_ =	shalt  }
tec
execute0_lowered:
.L_overlay_start_1:
0x0: {  	(tag) =	ssettag $0x1  }
0x1: {  	s0 =	rddreg [dreg:$0x0]  }
0x2: {  	s1 =	rddreg [dreg:$0x1];
	s2 =	simm.s32 $0x0  }
0x3: {  	s3 =	srdreg.scid;
	s19 =	stileid.u32;
	s29 =	simm.s32 $0x180  }
0x4: {  	s30 =	simm.s32 $0x3;
	s31 =	simm.s32 $0x100;
	s4 =	sadd.s32 $0x296C00, s0  }
0x5: {  	[smem:$0x7FF] =	sst s2;
	s5 =	sadd.s32 $0x82AE00, s0;
	s7 =	smul.u32 $0x14000, s19  }
0x6: {  	s3 =	sand.u32 $0x1, s3;
	s8 =	sadd.s32 $0x2F8E00, s0;
	s28 =	smul.u32 $0x2710, s19  }
0x7: {  	_ =	strace $0x80000053;
	s6 =	ssub.s32 $0x2, s3;
	s10 =	smul.u32 $0x140000, s3  }
0x8: {  	s9 =	sshrl.u32 s6, $0x1;
	s11 =	sor.u32 $0x2800, s7;
	s12 =	sadd.s32 $0x5000, s7  }
0x9: {  	s13 =	sadd.s32 $0x7800, s7;
	s23 =	sadd.s32 $0xA000, s7;
	s24 =	sadd.s32 $0xC800, s7  }
0xa: {  	s25 =	sadd.s32 $0xF000, s7;
	s6 =	ssub.s32 s6, s9;
	s9 =	smul.u32 $0x50000, s19  }
0xb: {  	s14 =	sadd.s32 s10, s7;
	s15 =	sadd.s32 s10, s11;
	s7 =	sadd.s32 $0x11800, s7  }
0xc: {  	s22 =	sadd.s32 s10, s12;
	s26 =	sadd.s32 s10, s13;
	s16 =	sadd.s32 s10, s23  }
0xd: {  	s18 =	sadd.s32 s10, s24;
	s20 =	sadd.s32 s10, s25;
	s23 =	sadd.s32 s23, s1  }
0xe: {  	s24 =	sadd.s32 s24, s1;
	s25 =	sadd.s32 s25, s1;
	s14 =	sshrl.u32 s14, $0x3  }
0xf: {  	s15 =	sshrl.u32 s15, $0x3;
	s16 =	sshrl.u32 s16, $0x3;
	s10 =	sadd.s32 s10, s7  }
0x10: {  	s14 =	sadd.s32 s8, s14;
	s21 =	sadd.s32 s8, s15;
	s15 =	sshrl.u32 s26, $0x3  }
0x11: {  	s17 =	sadd.s32 s8, s16;
	s10 =	sshrl.u32 s10, $0x3;
	s16 =	sadd.s32 $0x2EA000, s0  }
0x12: {  	s26 =	smax.u32 s6, $0x1;
	s6 =	simm.s32 $0x2980;
	[dreg:$0x3] =	wrdreg s14  }
0x13: {  	[dreg:$0x4] =	wrdreg s21;
	s14 =	sshrl.u32 s22, $0x3;
	s15 =	sadd.s32 s8, s15  }
0x14: {  	[dreg:$0x7] =	wrdreg s17;
	s22 =	sshrl.u32 s9, $0x2;
	s17 =	smul.u32 $0x27100, s3  }
0x15: {  	[dreg:$0xb] =	wrdreg s26;
	s26 =	sadd.s32 s7, s1;
	s3 =	simm.s32 $0x50  }
0x16: {  	s7 =	simm.s32 $0x1;
	s9 =	simm.s32 $0x0;
	s14 =	sadd.s32 s8, s14  }
0x17: {  	[dreg:$0x6] =	wrdreg s15;
	s15 =	sshrl.u32 s20, $0x3;
	s20 =	sadd.s32 s11, s1  }
0x18: {  	[dreg:$0x5] =	wrdreg s14;
	s14 =	sshrl.u32 s18, $0x3;
	s21 =	sadd.s32 s8, s15  }
0x19: {  	s15 =	sadd.s32 $0x2EF000, s0;
	s14 =	sadd.s32 s8, s14;
	[dreg:$0x9] =	wrdreg s21  }
0x1a: {  	s18 =	sadd.s32 s22, s1;
	s8 =	sadd.s32 s8, s10;
	[dreg:$0x8] =	wrdreg s14  }
0x1b: {  	s22 =	sadd.s32 s13, s1;
	s21 =	sadd.s32 s12, s1;
	[dreg:$0xa] =	wrdreg s8  }
0x1c: {  	v0 =	vimm.f32 $0.0e+00;
	s14 =	sadd.s32 $0xFC00, s0;
	s0 =	simm.s32 $0x80;
	s8 =	simm.s32 $0x2  }
.LBB2_1:
0x1d: {  	s10 =	simm.s32 $0x0;
	s11 =	simm.s32 $0x200  }
.LBB2_2:
0x1e: {  	p0 =	sne.s32 s11, $0x9E00;
	[tilespmem:s10+$0x1F0] =	vst v0  }
0x1f: {  	[tilespmem:s10+$0x180] =	vst v0  }
0x20: {  	[tilespmem:s10+$0x190] =	vst v0  }
.Ltmp0:
0x21: {  	[tilespmem:s10+$0x1A0] =	vst v0;
	(pc) =	sbr.rel @p0 .LBB2_2-.Ltmp0, $4  }
0x22: {  	[tilespmem:s10+$0x1B0] =	vst v0  }
0x23: {  	[tilespmem:s10+$0x1C0] =	vst v0  }
0x24: {  	[tilespmem:s10+$0x1D0] =	vst v0  }
0x25: {  	[tilespmem:s10+$0x1E0] =	vst v0;
	s10 =	sshra.s32 s11, $0x2;
	s11 =	sadd.s32 $0x200, s11  }
0x26: {  	[tilespmem:s10+$0x1F0] =	vst v0  }
0x27: {  	[tilespmem:s10+$0x180] =	vst v0  }
0x28: {  	[tilespmem:s10+$0x190] =	vst v0  }
0x29: {  	[tilespmem:s10+$0x1A0] =	vst v0  }
0x2a: {  	[tilespmem:s10+$0x1B0] =	vst v0  }
0x2b: {  	[tilespmem:s10+$0x1C0] =	vst v0  }
0x2c: {  	[tilespmem:s10+$0x1D0] =	vst v0  }
0x2d: {  	[tilespmem:s10+$0x1E0] =	vst v0  }
0x2e: {  	[spmem:s18] =	stream.linear.scatter [tilespmem:s29], [sflag:$0x3], $0x2800, $0x38;
	[tilespmem:$0x19180] =	vst v63  }
0x2f: {  	_ =	swait.ge [sflag:s30], $0x2800  }
0x30: {  	[sflag:s30] =	ssyncset.done $0x0  }
0x31: {  	[sflag:s30] =	ssyncadd.s32 $0xFFFFD800  }
0x32: {  	[spmem:s20] =	stream.linear.scatter [tilespmem:s29], [sflag:$0x3], $0x2800, $0x38;
	[tilespmem:$0x19180] =	vst v63  }
0x33: {  	_ =	swait.ge [sflag:s30], $0x2800  }
0x34: {  	[sflag:s30] =	ssyncset.done $0x0  }
0x35: {  	[sflag:s30] =	ssyncadd.s32 $0xFFFFD800  }
0x36: {  	[spmem:s21] =	stream.linear.scatter [tilespmem:s29], [sflag:$0x3], $0x2800, $0x38;
	[tilespmem:$0x19180] =	vst v63  }
0x37: {  	_ =	swait.ge [sflag:s30], $0x2800  }
0x38: {  	[sflag:s30] =	ssyncset.done $0x0  }
0x39: {  	[sflag:s30] =	ssyncadd.s32 $0xFFFFD800  }
0x3a: {  	[spmem:s22] =	stream.linear.scatter [tilespmem:s29], [sflag:$0x3], $0x2800, $0x38;
	[tilespmem:$0x19180] =	vst v63  }
0x3b: {  	_ =	swait.ge [sflag:s30], $0x2800  }
0x3c: {  	[sflag:s30] =	ssyncset.done $0x0  }
0x3d: {  	[sflag:s30] =	ssyncadd.s32 $0xFFFFD800  }
0x3e: {  	[spmem:s23] =	stream.linear.scatter [tilespmem:s29], [sflag:$0x3], $0x2800, $0x38;
	[tilespmem:$0x19180] =	vst v63  }
0x3f: {  	_ =	swait.ge [sflag:s30], $0x2800  }
0x40: {  	[sflag:s30] =	ssyncset.done $0x0  }
0x41: {  	[sflag:s30] =	ssyncadd.s32 $0xFFFFD800  }
0x42: {  	[spmem:s24] =	stream.linear.scatter [tilespmem:s29], [sflag:$0x3], $0x2800, $0x38;
	[tilespmem:$0x19180] =	vst v63  }
0x43: {  	_ =	swait.ge [sflag:s30], $0x2800  }
0x44: {  	[sflag:s30] =	ssyncset.done $0x0  }
0x45: {  	[sflag:s30] =	ssyncadd.s32 $0xFFFFD800  }
0x46: {  	[spmem:s25] =	stream.linear.scatter [tilespmem:s29], [sflag:$0x3], $0x2800, $0x38;
	[tilespmem:$0x19180] =	vst v63  }
0x47: {  	_ =	swait.ge [sflag:s30], $0x2800  }
0x48: {  	[sflag:s30] =	ssyncset.done $0x0  }
0x49: {  	[sflag:s30] =	ssyncadd.s32 $0xFFFFD800  }
0x4a: {  	[spmem:s26] =	stream.linear.scatter [tilespmem:s29], [sflag:$0x3], $0x2800, $0x38;
	[tilespmem:$0x19180] =	vst v63  }
0x4b: {  	_ =	swait.ge [sflag:s30], $0x2800  }
0x4c: {  	[sflag:s30] =	ssyncset.done $0x0  }
0x4d: {  	[sflag:s30] =	ssyncadd.s32 $0xFFFFD800  }
0x4e: {  	s10 =	simm.s32 $0x0;
	s11 =	simm.s32 $0x0;
	[bflag:$0x0] =	sbarrier.arrive $0xFFFF  }
.LBB2_4:
0x4f: {  	s12 =	smul.u32 $0x50, s11;
	_ =	sdelay $0x1  }
0x50: {  	s12 =	sadd.s32 s28, s12  }
0x51: {  	s13 =	sadd.s32 s17, s12  }
0x52: {  	s13 =	sshrl.u32 s13, $0x3  }
0x53: {  	s19 =	sadd.s32 s14, s13  }
0x54: {  	[tilespmem:s10], [sflag:$0x3] =	stream.linear.gather [hbm4b:s19+s10], $0x50, $0x38;
	[tilespmem:$0x19180] =	vst v63  }
0x55: {  	_ =	swait.ge [sflag:s30], $0x50  }
0x56: {  	s12 =	sshrl.u32 s12, $0x3;
	[sflag:s30] =	ssyncset.done $0x0  }
0x57: {  	s12 =	sadd.s32 s16, s12;
	[sflag:s30] =	ssyncadd.s32 $0xFFFFFFB0  }
0x58: {  	[tilespmem:s31], [sflag:$0x3] =	stream.linear.gather [hbm4b:s12+s10], $0x50, $0x38;
	[tilespmem:$0x19180] =	vst v63  }
0x59: {  	_ =	swait.ge [sflag:s30], $0x50  }
0x5a: {  	[sflag:s30] =	ssyncset.done $0x0  }
0x5b: {  	s19 =	sadd.s32 s15, s13;
	[sflag:s30] =	ssyncadd.s32 $0xFFFFFFB0  }
0x5c: {  	[tilespmem:s0], [sflag:$0x3] =	stream.linear.gather [hbm4b:s19+s10], $0x50, $0x38;
	[tilespmem:$0x19180] =	vst v63  }
0x5d: {  	_ =	swait.ge [sflag:s30], $0x50  }
0x5e: {  	[sflag:s30] =	ssyncset.done $0x0  }
0x5f: {  	[sflag:s30] =	ssyncadd.s32 $0xFFFFFFB0  }
0x60: {  	[tilespmem:s29], [sflag:$0x1] =	stream.indirect.gather [hbm4b:s4+s3], $0x80, s10, s3, $0xb8;
	[tilespmem:$0x19180] =	vst v63  }
0x61: {  	_ = 	snop  }
0x62: {  	[tilespmem:s6], [sflag:$0x2] =	stream.indirect.gather [hbm4b:s5+s3], $0x80, s0, s3, $0xb8;
	[tilespmem:$0x19180] =	vst v63  }
0x63: {  	_ =	swait.ge [sflag:s7], $0x2800  }
0x64: {  	[sflag:s7] =	ssyncset.done $0x0  }
0x65: {  	[sflag:s7] =	ssyncadd.s32 $0xFFFFD800  }
0x66: {  	_ =	swait.ge [sflag:s8], $0x2800  }
0x67: {  	[sflag:s8] =	ssyncset.done $0x0  }
0x68: {  	s12 =	simm.s32 $0x0;
	[sflag:s8] =	ssyncadd.s32 $0xFFFFD800  }
0x69: {  	v7 =	vld [tilespmem:s12+$0x2980]  }
0x6a: {  	v12 =	vld [tilespmem:s12+$0x2990]  }
0x6b: {  	v6 =	vld [tilespmem:s12+$0x29A0]  }
0x6c: {  	v5 =	vld [tilespmem:s12+$0x29B0]  }
0x6d: {  	v4 =	vld [tilespmem:s12+$0x29C0]  }
0x6e: {  	v3 =	vld [tilespmem:s12+$0x29D0]  }
0x6f: {  	v2 =	vld [tilespmem:s12+$0x29E0]  }
0x70: {  	v1 =	vld [tilespmem:s12+$0x29F0]  }
0x71: {  	v13 =	vld [tilespmem:s12+$0x180]  }
0x72: {  	v14 =	vld [tilespmem:s12+$0x190]  }
0x73: {  	v11 =	vld [tilespmem:s12+$0x1A0]  }
0x74: {  	v10 =	vld [tilespmem:s12+$0x1B0]  }
0x75: {  	v9 =	vld [tilespmem:s12+$0x1C0]  }
0x76: {  	v8 =	vld [tilespmem:s12+$0x1D0];
	v13 =	vadd.f32 v7, v13  }
0x77: {  	s13 =	simm.s32 $0x200;
	v12 =	vadd.f32 v12, v14;
	v7 =	vld [tilespmem:s12+$0x1E0]  }
.LBB2_5:
0x78: {  	s19 =	sshra.s32 s13, $0x2;
	p0 =	sne.s32 s13, $0x9E00;
	v13 =	vmax.f32 v13, $0.0e+00;
	v6 =	vadd.f32 v6, v11;
	v11 =	vld [tilespmem:s12+$0x1F0]  }
0x79: {  	v14 =	vld [tilespmem:s19+$0x2980];
	[tilespmem:s12+$0x180] =	vst v13;
	v12 =	vmax.f32 v12, $0.0e+00;
	v5 =	vadd.f32 v5, v10  }
0x7a: {  	v15 =	vld [tilespmem:s19+$0x2990];
	[tilespmem:s12+$0x190] =	vst v12;
	v10 =	vmax.f32 v6, $0.0e+00;
	v4 =	vadd.f32 v4, v9  }
0x7b: {  	v6 =	vld [tilespmem:s19+$0x29A0];
	[tilespmem:s12+$0x1A0] =	vst v10;
	v9 =	vmax.f32 v5, $0.0e+00;
	v3 =	vadd.f32 v3, v8  }
0x7c: {  	v5 =	vld [tilespmem:s19+$0x29B0];
	[tilespmem:s12+$0x1B0] =	vst v9;
	v8 =	vmax.f32 v4, $0.0e+00;
	v2 =	vadd.f32 v2, v7  }
0x7d: {  	v4 =	vld [tilespmem:s19+$0x29C0];
	[tilespmem:s12+$0x1C0] =	vst v8;
	v7 =	vmax.f32 v3, $0.0e+00;
	v1 =	vadd.f32 v1, v11  }
0x7e: {  	v3 =	vld [tilespmem:s19+$0x29D0];
	[tilespmem:s12+$0x1D0] =	vst v7;
	v7 =	vmax.f32 v2, $0.0e+00  }
0x7f: {  	v2 =	vld [tilespmem:s19+$0x29E0];
	[tilespmem:s12+$0x1E0] =	vst v7;
	v7 =	vmax.f32 v1, $0.0e+00  }
0x80: {  	v1 =	vld [tilespmem:s19+$0x29F0];
	[tilespmem:s12+$0x1F0] =	vst v7;
	s12 =	smov.u32 s19  }
0x81: {  	v7 =	vld [tilespmem:s12+$0x180]  }
0x82: {  	v12 =	vld [tilespmem:s12+$0x190]  }
.Ltmp1:
0x83: {  	v11 =	vld [tilespmem:s12+$0x1A0];
	(pc) =	sbr.rel @p0 .LBB2_5-.Ltmp1, $4  }
0x84: {  	v10 =	vld [tilespmem:s12+$0x1B0]  }
0x85: {  	v9 =	vld [tilespmem:s12+$0x1C0]  }
0x86: {  	v13 =	vadd.f32 v14, v7;
	v8 =	vld [tilespmem:s12+$0x1D0]  }
0x87: {  	s13 =	sadd.s32 $0x200, s13;
	v12 =	vadd.f32 v15, v12;
	v7 =	vld [tilespmem:s12+$0x1E0]  }
0x88: {  	v13 =	vmax.f32 v13, $0.0e+00;
	v6 =	vadd.f32 v6, v11;
	v63 =	vld [tilespmem:s12+$0x1F0]  }
0x89: {  	[tilespmem:s12+$0x180] =	vst v13;
	v12 =	vmax.f32 v12, $0.0e+00;
	v5 =	vadd.f32 v5, v10  }
0x8a: {  	[tilespmem:s12+$0x190] =	vst v12;
	v6 =	vmax.f32 v6, $0.0e+00;
	v4 =	vadd.f32 v4, v9  }
0x8b: {  	[tilespmem:s12+$0x1A0] =	vst v6;
	v5 =	vmax.f32 v5, $0.0e+00;
	v3 =	vadd.f32 v3, v8  }
0x8c: {  	[tilespmem:s12+$0x1B0] =	vst v5;
	v4 =	vmax.f32 v4, $0.0e+00;
	v2 =	vadd.f32 v2, v7  }
0x8d: {  	[tilespmem:s12+$0x1C0] =	vst v4;
	v3 =	vmax.f32 v3, $0.0e+00;
	v1 =	vadd.f32 v1, v63  }
0x8e: {  	s11 =	sadd.s32 $0x1, s11;
	[tilespmem:s12+$0x1D0] =	vst v3;
	v2 =	vmax.f32 v2, $0.0e+00  }
0x8f: {  	p0 =	sne.s32 s11, $0x7D;
	[tilespmem:s12+$0x1E0] =	vst v2;
	v1 =	vmax.f32 v1, $0.0e+00  }
.Ltmp2:
0x90: {  	[tilespmem:s12+$0x1F0] =	vst v1;
	(pc) =	sbr.rel @p0 .LBB2_4-.Ltmp2, $4  }
0x91: {  	[spmem:s1] =	stream.indirect.scatter.add.f32 [tilespmem:s29], [sflag:$0x3], $0x80, s31, s3, $0xb8;
	[tilespmem:$0x19180] =	vst v63  }
0x92: {  	_ =	swait.ge [sflag:s30], $0x2800  }
0x93: {  	[sflag:s30] =	ssyncset.done $0x0  }
0x94: {  	[sflag:s30] =	ssyncadd.s32 $0xFFFFD800  }
0x95: {  	[bflag:$0x0] =	sbarrier.arrive $0xFFFF  }
0x96: {  	[tilespmem:s6], [sflag:$0x3] =	stream.linear.gather [spmem:s18], $0x2800, $0x38;
	[tilespmem:$0x19180] =	vst v63  }
0x97: {  	_ =	swait.ge [sflag:s30], $0x2800  }
0x98: {  	[sflag:s30] =	ssyncset.done $0x0  }
0x99: {  	s10 =	rddreg [dreg:$0x3];
	[sflag:s30] =	ssyncadd.s32 $0xFFFFD800  }
0x9a: {  	[hbm4b:s10+s2] =	stream.linear.scatter [tilespmem:s6], [sflag:$0x3], $0x2800, $0x38;
	[tilespmem:$0x19180] =	vst v63  }
0x9b: {  	_ =	swait.ge [sflag:s30], $0x2800  }
0x9c: {  	[sflag:s30] =	ssyncset.done $0x0  }
0x9d: {  	[sflag:s30] =	ssyncadd.s32 $0xFFFFD800  }
0x9e: {  	[tilespmem:s6], [sflag:$0x3] =	stream.linear.gather [spmem:s20], $0x2800, $0x38;
	[tilespmem:$0x19180] =	vst v63  }
0x9f: {  	_ =	swait.ge [sflag:s30], $0x2800  }
0xa0: {  	[sflag:s30] =	ssyncset.done $0x0  }
0xa1: {  	s11 =	rddreg [dreg:$0x4];
	[sflag:s30] =	ssyncadd.s32 $0xFFFFD800  }
0xa2: {  	[hbm4b:s11+s2] =	stream.linear.scatter [tilespmem:s6], [sflag:$0x3], $0x2800, $0x38;
	[tilespmem:$0x19180] =	vst v63  }
0xa3: {  	_ =	swait.ge [sflag:s30], $0x2800  }
0xa4: {  	[sflag:s30] =	ssyncset.done $0x0  }
0xa5: {  	[sflag:s30] =	ssyncadd.s32 $0xFFFFD800  }
0xa6: {  	[tilespmem:s6], [sflag:$0x3] =	stream.linear.gather [spmem:s21], $0x2800, $0x38;
	[tilespmem:$0x19180] =	vst v63  }
0xa7: {  	_ =	swait.ge [sflag:s30], $0x2800  }
0xa8: {  	[sflag:s30] =	ssyncset.done $0x0  }
0xa9: {  	s12 =	rddreg [dreg:$0x5];
	[sflag:s30] =	ssyncadd.s32 $0xFFFFD800  }
0xaa: {  	[hbm4b:s12+s2] =	stream.linear.scatter [tilespmem:s6], [sflag:$0x3], $0x2800, $0x38;
	[tilespmem:$0x19180] =	vst v63  }
0xab: {  	_ =	swait.ge [sflag:s30], $0x2800  }
0xac: {  	[sflag:s30] =	ssyncset.done $0x0  }
0xad: {  	[sflag:s30] =	ssyncadd.s32 $0xFFFFD800  }
0xae: {  	[tilespmem:s6], [sflag:$0x3] =	stream.linear.gather [spmem:s22], $0x2800, $0x38;
	[tilespmem:$0x19180] =	vst v63  }
0xaf: {  	_ =	swait.ge [sflag:s30], $0x2800  }
0xb0: {  	[sflag:s30] =	ssyncset.done $0x0  }
0xb1: {  	s13 =	rddreg [dreg:$0x6];
	[sflag:s30] =	ssyncadd.s32 $0xFFFFD800  }
0xb2: {  	[hbm4b:s13+s2] =	stream.linear.scatter [tilespmem:s6], [sflag:$0x3], $0x2800, $0x38;
	[tilespmem:$0x19180] =	vst v63  }
0xb3: {  	_ =	swait.ge [sflag:s30], $0x2800  }
0xb4: {  	[sflag:s30] =	ssyncset.done $0x0  }
0xb5: {  	[sflag:s30] =	ssyncadd.s32 $0xFFFFD800  }
0xb6: {  	[tilespmem:s6], [sflag:$0x3] =	stream.linear.gather [spmem:s23], $0x2800, $0x38;
	[tilespmem:$0x19180] =	vst v63  }
0xb7: {  	_ =	swait.ge [sflag:s30], $0x2800  }
0xb8: {  	[sflag:s30] =	ssyncset.done $0x0  }
0xb9: {  	s19 =	rddreg [dreg:$0x7];
	[sflag:s30] =	ssyncadd.s32 $0xFFFFD800  }
0xba: {  	[hbm4b:s19+s2] =	stream.linear.scatter [tilespmem:s6], [sflag:$0x3], $0x2800, $0x38;
	[tilespmem:$0x19180] =	vst v63  }
0xbb: {  	_ =	swait.ge [sflag:s30], $0x2800  }
0xbc: {  	[sflag:s30] =	ssyncset.done $0x0  }
0xbd: {  	[sflag:s30] =	ssyncadd.s32 $0xFFFFD800  }
0xbe: {  	[tilespmem:s6], [sflag:$0x3] =	stream.linear.gather [spmem:s24], $0x2800, $0x38;
	[tilespmem:$0x19180] =	vst v63  }
0xbf: {  	_ =	swait.ge [sflag:s30], $0x2800  }
0xc0: {  	[sflag:s30] =	ssyncset.done $0x0  }
0xc1: {  	s11 =	rddreg [dreg:$0x8];
	[sflag:s30] =	ssyncadd.s32 $0xFFFFD800  }
0xc2: {  	[hbm4b:s11+s2] =	stream.linear.scatter [tilespmem:s6], [sflag:$0x3], $0x2800, $0x38;
	[tilespmem:$0x19180] =	vst v63  }
0xc3: {  	_ =	swait.ge [sflag:s30], $0x2800  }
0xc4: {  	[sflag:s30] =	ssyncset.done $0x0  }
0xc5: {  	[sflag:s30] =	ssyncadd.s32 $0xFFFFD800  }
0xc6: {  	[tilespmem:s6], [sflag:$0x3] =	stream.linear.gather [spmem:s25], $0x2800, $0x38;
	[tilespmem:$0x19180] =	vst v63  }
0xc7: {  	_ =	swait.ge [sflag:s30], $0x2800  }
0xc8: {  	[sflag:s30] =	ssyncset.done $0x0  }
0xc9: {  	s12 =	rddreg [dreg:$0x9];
	[sflag:s30] =	ssyncadd.s32 $0xFFFFD800  }
0xca: {  	[hbm4b:s12+s2] =	stream.linear.scatter [tilespmem:s6], [sflag:$0x3], $0x2800, $0x38;
	[tilespmem:$0x19180] =	vst v63  }
0xcb: {  	_ =	swait.ge [sflag:s30], $0x2800  }
0xcc: {  	[sflag:s30] =	ssyncset.done $0x0  }
0xcd: {  	[sflag:s30] =	ssyncadd.s32 $0xFFFFD800  }
0xce: {  	[tilespmem:s6], [sflag:$0x3] =	stream.linear.gather [spmem:s26], $0x2800, $0x38;
	[tilespmem:$0x19180] =	vst v63  }
0xcf: {  	_ =	swait.ge [sflag:s30], $0x2800  }
0xd0: {  	[sflag:s30] =	ssyncset.done $0x0  }
0xd1: {  	s13 =	rddreg [dreg:$0xa];
	[sflag:s30] =	ssyncadd.s32 $0xFFFFD800  }
0xd2: {  	[hbm4b:s13+s2] =	stream.linear.scatter [tilespmem:s6], [sflag:$0x3], $0x2800, $0x38;
	[tilespmem:$0x19180] =	vst v63  }
0xd3: {  	_ =	swait.ge [sflag:s30], $0x2800  }
0xd4: {  	s9 =	sadd.s32 $0x1, s9;
	s19 =	rddreg [dreg:$0xb]  }
0xd5: {  	p0 =	sne.s32 s9, s19  }
.Ltmp3:
0xd6: {  	_ = 	snop;
	(pc) =	sbr.rel @p0 .LBB2_1-.Ltmp3, $3  }
0xd7: {  	_ =	sdelay $0x1  }
0xd8: {  	[sflag:s30] =	ssyncset.done $0x0  }
0xd9: {  	[sflag:s30] =	ssyncadd.s32 $0xFFFFD800  }
0xda: {  	_ =	sfence.sel $0x180000  }
0xdb: {  	[bflag:$0x0] =	sbarrier.arrive $0xFFFF  }
0xdc: {  	_ =	strace $0x90000053  }
0xdd: {  	s0 =	stileid.u32;
	[bflag:$0x2] =	sbarrier.arrive $0xFFFF  }
0xde: {  	p0 =	sne.s32 s0, $0x0;
	s0 =	rddreg [dreg:$0x2]  }
0xdf: {  	s0 =	sadd.s32 @!p0 $0x100000, s0  }
0xe0: {  	[sflag:s0] =	ssyncadd.tile.s32 @!p0 $0x1;
	_ =	shalt  }
.Lfunc_end2:
_tile_overlayer_lowered:
.L_overlay_start_2:
0xe1: {  	(tag) =	ssettag $0x2  }
0xe2: {  	s0 =	rddreg [dreg:$0x0];
	s2 =	stileid.u32  }
0xe3: {  	s1 =	rddreg [dreg:$0x1];
	p0 =	sne.s32 s2, $0x0  }
0xe4: {  	s3 =	rddreg [dreg:$0x2];
	[bflag:$0x3] =	sbarrier.arrive $0xFFFF;
	s2 =	simm.s32 @!p0 $0x1C03  }
0xe5: {  	[timem:s3], [sflag:s2] =	dma.local @!p0 [hbm:s0], s1  }
0xe6: {  	s0 =	simm.s32 @!p0 $0x3  }
0xe7: {  	_ =	swait.ge @!p0 [sflag:s0], s1  }
0xe8: {  	s1 =	ssub.s32 @!p0 $0x0, s1;
	[sflag:s0] =	ssyncset.done @!p0 $0x0  }
0xe9: {  	[sflag:s0] =	ssyncadd.s32 @!p0 s1  }
0xea: {  	[bflag:$0x3] =	sbarrier.arrive $0xFFFF  }
0xeb: {  	_ =	shalt  }

// kernel: kernel.29.cloned.1.call-start
scs
__scs_entry_jumppad:
0x0: {  	(pc) =	sbr.rel $0x88, $3  }
0x1: {  	(tag) =	ssettag $0x0;
	lr =	simm.s32 $0x1  }
0x2: {  	[smem:$0x3F8D] =	sst lr;
	_ =	strace $0xD0000000  }
0x3: {  	_ = 	snop  }
0x4: {  	_ = 	snop  }
0x5: {  	_ = 	snop  }
0x6: {  	_ = 	snop  }
0x7: {  	_ = 	snop  }
__scs_overlays_trampoline_lowered:
0x8: {  	[smem:$0x3F9C] =	sst s0  }
0x9: {  	[smem:$0x3F9D] =	sst s1  }
0xa: {  	[smem:$0x3F9E] =	sst s2  }
0xb: {  	[smem:$0x3F9F] =	sst s3  }
0xc: {  	[smem:$0x3FA0] =	sst s4  }
0xd: {  	[smem:$0x3FA1] =	sst s5  }
0xe: {  	[smem:$0x3FA2] =	sst s6  }
0xf: {  	[smem:$0x3FA3] =	sst s7  }
0x10: {  	[smem:$0x3FA4] =	sst s8  }
0x11: {  	[smem:$0x3FA5] =	sst s9;
	s0 =	simm.s32 @!p0 $0x0  }
0x12: {  	s1 =	sld [smem:$0x3F8B];
	s0 =	simm.s32 @p0 $0x1  }
0x13: {  	[smem:$0x3FA6] =	sst s0;
	s0 =	simm.s32 @!p1 $0x0  }
0x14: {  	s2 =	sld [smem:$0x3F8A];
	s0 =	simm.s32 @p1 $0x1  }
0x15: {  	[smem:$0x3FA7] =	sst s0;
	s0 =	simm.s32 @!p2 $0x0  }
0x16: {  	s3 =	sld [smem:$0x3FDB];
	s0 =	simm.s32 @p2 $0x1  }
0x17: {  	s4 =	simm.s32 $0x1BF5;
	[smem:$0x3FA9] =	sst s0  }
0x18: {  	s0 =	sld [smem:$0x3F8C];
	_ =	swait.ge [sflag:s4], $0x0  }
0x19: {  	s7 =	sld [smem:$0x3F8D]  }
0x1a: {  	s8 =	sadd.s32 $0xFFFFE003, lr  }
0x1b: {  	s9 =	sadd.s32 $0xFFFFFEF7, lr;
	s5 =	simm.s32 $0xFFFFFFFF;
	p2 =	slt.u32 s8, $0xFFFFF086  }
0x1c: {  	p1 =	slt.u32 s9, $0xF7A;
	s5 =	simm.s32 @!p2 $0x0  }
0x1d: {  	s5 =	simm.s32 @p1 $0x1;
	p0 =	seq.s32 s7, s2  }
0x1e: {  	s7 =	smul.u32 @!p0 $0xF7A, s2;
	p2 =	seq.s32 @!p0 s5, $0x0  }
0x1f: {  	s9 =	smul.u32 $0xF7A, s1;
	s8 =	simm.s32 @!p0 $0x1BF5;
	p2 =	por !p2, p0  }
0x20: {  	[sflag:s8] =	ssyncset.s32 @!p0 $0xFFFFF086;
	s6 =	sadd.s32 @!p0 s3, s7;
	s7 =	simm.s32 @!p0 $0x108  }
0x21: {  	s3 =	sadd.s32 s3, s9;
	s6 =	sadd.s32 @!p0 $0x88, s6;
	s7 =	simm.s32 @p2 $0x1082  }
0x22: {  	[simem:s7], [sflag:s8] =	dma.local @!p0 [hbm:s6], $0xF7A  }
0x23: {  	s9 =	sor.u32 $0xD0000000, s2;
	s6 =	simm.s32 $0x108;
	_ =	swait.ge @!p0 [sflag:s8], $0x0  }
0x24: {  	s3 =	sadd.s32 $0x88, s3;
	s6 =	simm.s32 @!p1 $0x1082;
	[sflag:s4] =	ssyncset.s32 $0xFFFFF086  }
0x25: {  	[simem:s6], [sflag:s4] =	dma.local [hbm:s3], $0xF7A  }
0x26: {  	[smem:$0x3F8D] =	sst s1;
	(tag) =	ssettag s2;
	_ =	strace s9  }
0x27: {  	s1 =	sld [smem:$0x3F9D]  }
0x28: {  	s2 =	sld [smem:$0x3F9E]  }
0x29: {  	s4 =	sld [smem:$0x3FA0]  }
0x2a: {  	p0 =	seq.s32 s5, $0x0;
	s5 =	sld [smem:$0x3FA1]  }
0x2b: {  	s6 =	sld [smem:$0x3FA2]  }
0x2c: {  	s7 =	sld [smem:$0x3FA3]  }
0x2d: {  	s3 =	simm.s32 $0x108;
	s8 =	sld [smem:$0x3FA4]  }
0x2e: {  	s3 =	simm.s32 @!p0 $0x1082;
	s9 =	sld [smem:$0x3FA5]  }
0x2f: {  	lr =	sadd.s32 s0, s3;
	s0 =	sld [smem:$0x3F9C]  }
0x30: {  	s3 =	sld [smem:$0x3F9F]  }
0x31: {  	[smem:$0x3FA8] =	sst s10  }
0x32: {  	s10 =	sld [smem:$0x3FA6];
	_ =	sdelay $0x3  }
0x33: {  	p0 =	seq.s32 s10, $0x1;
	s10 =	sld [smem:$0x3FA8];
	_ =	sdelay $0x3  }
0x34: {  	[smem:$0x3FA8] =	sst s10  }
0x35: {  	s10 =	sld [smem:$0x3FA7];
	_ =	sdelay $0x3  }
0x36: {  	p1 =	seq.s32 s10, $0x1;
	s10 =	sld [smem:$0x3FA8];
	_ =	sdelay $0x3  }
0x37: {  	[smem:$0x3FA8] =	sst s10  }
0x38: {  	s10 =	sld [smem:$0x3FA9]  }
0x39: {  	_ = 	snop;
	(pc) =	sbr.ind lr, $3  }
0x3a: {  	_ = 	snop  }
0x3b: {  	_ = 	snop  }
0x3c: {  	p2 =	seq.s32 s10, $0x1;
	s10 =	sld [smem:$0x3FA8]  }
0x3d: {  	_ =	shalt  }
0x3e: {  	_ =	shalt  }
0x3f: {  	_ =	shalt  }
0x40: {  	_ =	shalt  }
0x41: {  	_ =	shalt  }
0x42: {  	_ =	shalt  }
0x43: {  	_ =	shalt  }
0x44: {  	_ =	shalt  }
0x45: {  	_ =	shalt  }
0x46: {  	_ =	shalt  }
0x47: {  	_ =	shalt  }
0x48: {  	_ =	shalt  }
0x49: {  	_ =	shalt  }
0x4a: {  	_ =	shalt  }
0x4b: {  	_ =	shalt  }
0x4c: {  	_ =	shalt  }
0x4d: {  	_ =	shalt  }
0x4e: {  	_ =	shalt  }
0x4f: {  	_ =	shalt  }
0x50: {  	_ =	shalt  }
0x51: {  	_ =	shalt  }
0x52: {  	_ =	shalt  }
0x53: {  	_ =	shalt  }
0x54: {  	_ =	shalt  }
0x55: {  	_ =	shalt  }
0x56: {  	_ =	shalt  }
0x57: {  	_ =	shalt  }
0x58: {  	_ =	shalt  }
0x59: {  	_ =	shalt  }
0x5a: {  	_ =	shalt  }
0x5b: {  	_ =	shalt  }
0x5c: {  	_ =	shalt  }
0x5d: {  	_ =	shalt  }
0x5e: {  	_ =	shalt  }
0x5f: {  	_ =	shalt  }
0x60: {  	_ =	shalt  }
0x61: {  	_ =	shalt  }
0x62: {  	_ =	shalt  }
0x63: {  	_ =	shalt  }
0x64: {  	_ =	shalt  }
0x65: {  	_ =	shalt  }
0x66: {  	_ =	shalt  }
0x67: {  	_ =	shalt  }
0x68: {  	_ =	shalt  }
0x69: {  	_ =	shalt  }
0x6a: {  	_ =	shalt  }
0x6b: {  	_ =	shalt  }
0x6c: {  	_ =	shalt  }
0x6d: {  	_ =	shalt  }
0x6e: {  	_ =	shalt  }
0x6f: {  	_ =	shalt  }
0x70: {  	_ =	shalt  }
0x71: {  	_ =	shalt  }
0x72: {  	_ =	shalt  }
0x73: {  	_ =	shalt  }
0x74: {  	_ =	shalt  }
0x75: {  	_ =	shalt  }
0x76: {  	_ =	shalt  }
0x77: {  	_ =	shalt  }
0x78: {  	_ =	shalt  }
0x79: {  	_ =	shalt  }
0x7a: {  	_ =	shalt  }
0x7b: {  	_ =	shalt  }
0x7c: {  	_ =	shalt  }
0x7d: {  	_ =	shalt  }
0x7e: {  	_ =	shalt  }
0x7f: {  	_ =	shalt  }
0x80: {  	_ =	shalt  }
0x81: {  	_ =	shalt  }
0x82: {  	_ =	shalt  }
0x83: {  	_ =	shalt  }
0x84: {  	_ =	shalt  }
0x85: {  	_ =	shalt  }
0x86: {  	_ =	shalt  }
0x87: {  	_ =	shalt  }
.Lfunc_end0:
.L_simem_size_0:
called_computation.5_lowered:
.L_overlay_start_0:
0x88: {  	s2 =	sld [smem:$0x3FD9]  }
0x89: {  	s3 =	sld [smem:$0x3FFE];
	_ =	sdelay $0x1  }
0x8a: {  	s1 =	srdreg.scid  }
0x8b: {  	s0 =	sand.u32 $0x1, s1  }
0x8c: {  	s16 =	sshll.u32 s0, $0xA;
	s2 =	sadd.s32 s3, s2  }
0x8d: {  	s2 =	sadd.s32 s2, s16  }
0x8e: {  	[smem:$0x3FB4] =	sst s2  }
0x8f: {  	_ = 	snop  }
0x90: {  	(tm) =	ssettm $0x1  }
0x91: {  	s17 =	sld [smem:$0x3FFB];
	_ =	sdelay $0x3  }
0x92: {  	_ =	strace s17  }
0x93: {  	s2 =	sld [smem:$0x3FFC];
	_ =	sdelay $0x3  }
0x94: {  	_ =	strace s2  }
0x95: {  	s2 =	sld [smem:$0x3FFD];
	_ =	sdelay $0x3  }
0x96: {  	_ =	strace s2  }
0x97: {  	_ =	strace $0x8FFFFFFF  }
0x98: {  	s18 =	sld [smem:$0x3FDB];
	_ =	sdelay $0x1  }
0x99: {  	s19 =	simm.s32 $_scs_section_size  }
0x9a: {  	s4 =	simm.s32 $_size__tile_overlayer_lowered;
	s5 =	simm.s32 $_tile_overlayer_lowered  }
0x9b: {  	s22 =	simm.s32 $0x1BFF;
	s21 =	sshll.u32 s5, $0x1;
	s2 =	sadd.s32 s19, s18  }
0x9c: {  	s6 =	simm.s32 $0x0;
	s20 =	sshll.u32 s4, $0x1;
	s4 =	sadd.s32 s21, s2  }
0x9d: {  	[timem:s6], [sflag:s22] =	dma.local [hbm:s4], s20  }
0x9e: {  	_ =	swait.ge [sflag:s22], s20  }
0x9f: {  	s3 =	ssub.s32 $0x0, s20;
	[sflag:s22] =	ssyncset.done $0x0  }
0xa0: {  	[sflag:s22] =	ssyncadd.s32 s3;
	_ =	sdelay $0x1  }
0xa1: {  	s23 =	simm.s32 $0x1B8B  }
0xa2: {  	_ =	swait.ge [sflag:s23], $0x1  }
0xa3: {  	[sflag:s23] =	ssyncset.done $0x0  }
0xa4: {  	s25 =	simm.s32 $0x1B8E;
	s24 =	sld [smem:$0x3FFE];
	[sflag:s23] =	ssyncadd.s32 $0xFFFFFFFF  }
0xa5: {  	s26 =	simm.s32 $execute0_lowered;
	[smem:$0x3FD2] =	sst s25  }
0xa6: {  	s4 =	sshll.u32 s26, $0x1;
	_ =	strace $0x80000055;
	[dreg:$0x1] =	wrdreg $0xFFFFFFFF  }
0xa7: {  	s28 =	simm.s32 $_size_execute0_lowered;
	s2 =	sadd.s32 s2, s4;
	[dreg:$0x0] =	wrdreg $0x0  }
0xa8: {  	s4 =	sshll.u32 s28, $0x1;
	[dreg:$0x2] =	wrdreg s2  }
0xa9: {  	[dreg:$0x3] =	wrdreg s4  }
0xaa: {  	[dreg:$0x4] =	wrdreg $0xC0  }
0xab: {  	_ =	task [dreg:s6], $0x5FFFF  }
0xac: {  	[dreg:$0x1] =	wrdreg $0xFFFFFFFF  }
0xad: {  	[dreg:$0x0] =	wrdreg $0x60  }
0xae: {  	[dreg:$0x2] =	wrdreg s24  }
0xaf: {  	[dreg:$0x3] =	wrdreg $0x51800  }
0xb0: {  	[dreg:$0x4] =	wrdreg $0x9  }
0xb1: {  	_ =	task.clear_ibuf [dreg:s6], $0x5FFFF;
	_ =	strace $0x90000055  }
0xb2: {  	s29 =	simm.s32 $0x9;
	_ =	strace $0x80000057  }
0xb3: {  	_ =	swait.ge [sflag:s29], $0x1  }
0xb4: {  	[sflag:s29] =	ssyncadd.s32 $0xFFFFFFFF  }
0xb5: {  	_ =	strace $0x90000057  }
0xb6: {  	_ =	sfence  }
0xb7: {  	s30 =	sld [smem:$0x0];
	_ =	sdelay $0x2  }
0xb8: {  	s31 =	sshll.u32 s1, $0xD;
	s1 =	sshrl.u32 s1, $0x2  }
0xb9: {  	s3 =	sand.u32 $0x4000, s31;
	s1 =	sadd.s32 s1, s30  }
0xba: {  	s0 =	sor.u32 s3, s0;
	s1 =	sshll.u32 s1, $0x11  }
0xbb: {  	s0 =	sor.u32 s1, s0  }
0xbc: {  	s0 =	sadd.s32 $0x8F2B, s0  }
0xbd: {  	[sflag:s0] =	ssyncadd.remote.s32 $0x1  }
0xbe: {  	_ =	sfence.sel $0xFFFF  }
0xbf: {  	[dreg:$0x0] =	wrdreg $0xFFFFFFFF;
	(pc) =	sbr.abs _section_cstart, $3  }
0xc0: {  	[dreg:$0x1] =	wrdreg $0xFFFFFFFF  }
0xc1: {  	_ =	task.clear_ibuf [dreg:s6], $0x2FFFF;
	_ =	strace $0x9FFFFFFF  }
0xc2: {  	(tm) =	ssettm $0x7FFFFFFF  }
0xc3: {  	_ =	shalt  }
tec
execute0_lowered:
.L_overlay_start_1:
0x0: {  	(tag) =	ssettag $0x1  }
0x1: {  	s0 =	rddreg [dreg:$0x0]  }
0x2: {  	s1 =	rddreg [dreg:$0x1];
	s2 =	simm.s32 $0x0  }
0x3: {  	s3 =	srdreg.scid;
	s19 =	stileid.u32;
	s29 =	simm.s32 $0x180  }
0x4: {  	s30 =	simm.s32 $0x3;
	s31 =	simm.s32 $0x100;
	[smem:$0x7FF] =	sst s2  }
0x5: {  	s4 =	sadd.s32 $0x291600, s0;
	s3 =	sand.u32 $0x1, s3;
	s7 =	smul.u32 $0x14000, s19  }
0x6: {  	s5 =	sadd.s32 $0xD0CE00, s0;
	s8 =	sadd.s32 $0x19A00, s0;
	s28 =	smul.u32 $0x2710, s19  }
0x7: {  	_ =	strace $0x80000056;
	s6 =	ssub.s32 $0x2, s3;
	s10 =	smul.u32 $0x140000, s3  }
0x8: {  	s9 =	sshrl.u32 s6, $0x1;
	s11 =	sor.u32 $0x2800, s7;
	s12 =	sadd.s32 $0x5000, s7  }
0x9: {  	s13 =	sadd.s32 $0x7800, s7;
	s23 =	sadd.s32 $0xA000, s7;
	s24 =	sadd.s32 $0xC800, s7  }
0xa: {  	s25 =	sadd.s32 $0xF000, s7;
	s6 =	ssub.s32 s6, s9;
	s9 =	smul.u32 $0x50000, s19  }
0xb: {  	s14 =	sadd.s32 s10, s7;
	s15 =	sadd.s32 s10, s11;
	s7 =	sadd.s32 $0x11800, s7  }
0xc: {  	s22 =	sadd.s32 s10, s12;
	s26 =	sadd.s32 s10, s13;
	s16 =	sadd.s32 s10, s23  }
0xd: {  	s18 =	sadd.s32 s10, s24;
	s20 =	sadd.s32 s10, s25;
	s23 =	sadd.s32 s23, s1  }
0xe: {  	s24 =	sadd.s32 s24, s1;
	s25 =	sadd.s32 s25, s1;
	s14 =	sshrl.u32 s14, $0x3  }
0xf: {  	s15 =	sshrl.u32 s15, $0x3;
	s16 =	sshrl.u32 s16, $0x3;
	s10 =	sadd.s32 s10, s7  }
0x10: {  	s14 =	sadd.s32 s8, s14;
	s21 =	sadd.s32 s8, s15;
	s15 =	sshrl.u32 s26, $0x3  }
0x11: {  	s17 =	sadd.s32 s8, s16;
	s10 =	sshrl.u32 s10, $0x3;
	s16 =	sadd.s32 $0x2EA000, s0  }
0x12: {  	s26 =	smax.u32 s6, $0x1;
	s6 =	simm.s32 $0x2980;
	[dreg:$0x3] =	wrdreg s14  }
0x13: {  	[dreg:$0x4] =	wrdreg s21;
	s14 =	sshrl.u32 s22, $0x3;
	s15 =	sadd.s32 s8, s15  }
0x14: {  	[dreg:$0x7] =	wrdreg s17;
	s22 =	sshrl.u32 s9, $0x2;
	s17 =	smul.u32 $0x27100, s3  }
0x15: {  	[dreg:$0xb] =	wrdreg s26;
	s26 =	sadd.s32 s7, s1;
	s3 =	simm.s32 $0x50  }
0x16: {  	s7 =	simm.s32 $0x1;
	s9 =	simm.s32 $0x0;
	s14 =	sadd.s32 s8, s14  }
0x17: {  	[dreg:$0x6] =	wrdreg s15;
	s15 =	sshrl.u32 s20, $0x3;
	s20 =	sadd.s32 s11, s1  }
0x18: {  	[dreg:$0x5] =	wrdreg s14;
	s14 =	sshrl.u32 s18, $0x3;
	s21 =	sadd.s32 s8, s15  }
0x19: {  	s15 =	sadd.s32 $0x2EF000, s0;
	s14 =	sadd.s32 s8, s14;
	[dreg:$0x9] =	wrdreg s21  }
0x1a: {  	s18 =	sadd.s32 s22, s1;
	s8 =	sadd.s32 s8, s10;
	[dreg:$0x8] =	wrdreg s14  }
0x1b: {  	s22 =	sadd.s32 s13, s1;
	s21 =	sadd.s32 s12, s1;
	[dreg:$0xa] =	wrdreg s8  }
0x1c: {  	v0 =	vimm.f32 $0.0e+00;
	s14 =	sadd.s32 $0xFC00, s0;
	s0 =	simm.s32 $0x80;
	s8 =	simm.s32 $0x2  }
.LBB2_1:
0x1d: {  	s10 =	simm.s32 $0x0;
	s11 =	simm.s32 $0x200  }
.LBB2_2:
0x1e: {  	p0 =	sne.s32 s11, $0x9E00;
	[tilespmem:s10+$0x1F0] =	vst v0  }
0x1f: {  	[tilespmem:s10+$0x180] =	vst v0  }
0x20: {  	[tilespmem:s10+$0x190] =	vst v0  }
.Ltmp0:
0x21: {  	[tilespmem:s10+$0x1A0] =	vst v0;
	(pc) =	sbr.rel @p0 .LBB2_2-.Ltmp0, $4  }
0x22: {  	[tilespmem:s10+$0x1B0] =	vst v0  }
0x23: {  	[tilespmem:s10+$0x1C0] =	vst v0  }
0x24: {  	[tilespmem:s10+$0x1D0] =	vst v0  }
0x25: {  	[tilespmem:s10+$0x1E0] =	vst v0;
	s10 =	sshra.s32 s11, $0x2;
	s11 =	sadd.s32 $0x200, s11  }
0x26: {  	[tilespmem:s10+$0x1F0] =	vst v0  }
0x27: {  	[tilespmem:s10+$0x180] =	vst v0  }
0x28: {  	[tilespmem:s10+$0x190] =	vst v0  }
0x29: {  	[tilespmem:s10+$0x1A0] =	vst v0  }
0x2a: {  	[tilespmem:s10+$0x1B0] =	vst v0  }
0x2b: {  	[tilespmem:s10+$0x1C0] =	vst v0  }
0x2c: {  	[tilespmem:s10+$0x1D0] =	vst v0  }
0x2d: {  	[tilespmem:s10+$0x1E0] =	vst v0  }
0x2e: {  	[spmem:s18] =	stream.linear.scatter [tilespmem:s29], [sflag:$0x3], $0x2800, $0x38;
	[tilespmem:$0x19180] =	vst v63  }
0x2f: {  	_ =	swait.ge [sflag:s30], $0x2800  }
0x30: {  	[sflag:s30] =	ssyncset.done $0x0  }
0x31: {  	[sflag:s30] =	ssyncadd.s32 $0xFFFFD800  }
0x32: {  	[spmem:s20] =	stream.linear.scatter [tilespmem:s29], [sflag:$0x3], $0x2800, $0x38;
	[tilespmem:$0x19180] =	vst v63  }
0x33: {  	_ =	swait.ge [sflag:s30], $0x2800  }
0x34: {  	[sflag:s30] =	ssyncset.done $0x0  }
0x35: {  	[sflag:s30] =	ssyncadd.s32 $0xFFFFD800  }
0x36: {  	[spmem:s21] =	stream.linear.scatter [tilespmem:s29], [sflag:$0x3], $0x2800, $0x38;
	[tilespmem:$0x19180] =	vst v63  }
0x37: {  	_ =	swait.ge [sflag:s30], $0x2800  }
0x38: {  	[sflag:s30] =	ssyncset.done $0x0  }
0x39: {  	[sflag:s30] =	ssyncadd.s32 $0xFFFFD800  }
0x3a: {  	[spmem:s22] =	stream.linear.scatter [tilespmem:s29], [sflag:$0x3], $0x2800, $0x38;
	[tilespmem:$0x19180] =	vst v63  }
0x3b: {  	_ =	swait.ge [sflag:s30], $0x2800  }
0x3c: {  	[sflag:s30] =	ssyncset.done $0x0  }
0x3d: {  	[sflag:s30] =	ssyncadd.s32 $0xFFFFD800  }
0x3e: {  	[spmem:s23] =	stream.linear.scatter [tilespmem:s29], [sflag:$0x3], $0x2800, $0x38;
	[tilespmem:$0x19180] =	vst v63  }
0x3f: {  	_ =	swait.ge [sflag:s30], $0x2800  }
0x40: {  	[sflag:s30] =	ssyncset.done $0x0  }
0x41: {  	[sflag:s30] =	ssyncadd.s32 $0xFFFFD800  }
0x42: {  	[spmem:s24] =	stream.linear.scatter [tilespmem:s29], [sflag:$0x3], $0x2800, $0x38;
	[tilespmem:$0x19180] =	vst v63  }
0x43: {  	_ =	swait.ge [sflag:s30], $0x2800  }
0x44: {  	[sflag:s30] =	ssyncset.done $0x0  }
0x45: {  	[sflag:s30] =	ssyncadd.s32 $0xFFFFD800  }
0x46: {  	[spmem:s25] =	stream.linear.scatter [tilespmem:s29], [sflag:$0x3], $0x2800, $0x38;
	[tilespmem:$0x19180] =	vst v63  }
0x47: {  	_ =	swait.ge [sflag:s30], $0x2800  }
0x48: {  	[sflag:s30] =	ssyncset.done $0x0  }
0x49: {  	[sflag:s30] =	ssyncadd.s32 $0xFFFFD800  }
0x4a: {  	[spmem:s26] =	stream.linear.scatter [tilespmem:s29], [sflag:$0x3], $0x2800, $0x38;
	[tilespmem:$0x19180] =	vst v63  }
0x4b: {  	_ =	swait.ge [sflag:s30], $0x2800  }
0x4c: {  	[sflag:s30] =	ssyncset.done $0x0  }
0x4d: {  	[sflag:s30] =	ssyncadd.s32 $0xFFFFD800  }
0x4e: {  	s10 =	simm.s32 $0x0;
	s11 =	simm.s32 $0x0;
	[bflag:$0x0] =	sbarrier.arrive $0xFFFF  }
.LBB2_4:
0x4f: {  	s12 =	smul.u32 $0x50, s11;
	_ =	sdelay $0x1  }
0x50: {  	s12 =	sadd.s32 s28, s12  }
0x51: {  	s13 =	sadd.s32 s17, s12  }
0x52: {  	s13 =	sshrl.u32 s13, $0x3  }
0x53: {  	s19 =	sadd.s32 s14, s13  }
0x54: {  	[tilespmem:s10], [sflag:$0x3] =	stream.linear.gather [hbm4b:s19+s10], $0x50, $0x38;
	[tilespmem:$0x19180] =	vst v63  }
0x55: {  	_ =	swait.ge [sflag:s30], $0x50  }
0x56: {  	s12 =	sshrl.u32 s12, $0x3;
	[sflag:s30] =	ssyncset.done $0x0  }
0x57: {  	s12 =	sadd.s32 s16, s12;
	[sflag:s30] =	ssyncadd.s32 $0xFFFFFFB0  }
0x58: {  	[tilespmem:s31], [sflag:$0x3] =	stream.linear.gather [hbm4b:s12+s10], $0x50, $0x38;
	[tilespmem:$0x19180] =	vst v63  }
0x59: {  	_ =	swait.ge [sflag:s30], $0x50  }
0x5a: {  	[sflag:s30] =	ssyncset.done $0x0  }
0x5b: {  	s19 =	sadd.s32 s15, s13;
	[sflag:s30] =	ssyncadd.s32 $0xFFFFFFB0  }
0x5c: {  	[tilespmem:s0], [sflag:$0x3] =	stream.linear.gather [hbm4b:s19+s10], $0x50, $0x38;
	[tilespmem:$0x19180] =	vst v63  }
0x5d: {  	_ =	swait.ge [sflag:s30], $0x50  }
0x5e: {  	[sflag:s30] =	ssyncset.done $0x0  }
0x5f: {  	[sflag:s30] =	ssyncadd.s32 $0xFFFFFFB0  }
0x60: {  	[tilespmem:s29], [sflag:$0x1] =	stream.indirect.gather [hbm4b:s4+s3], $0x80, s10, s3, $0xb8;
	[tilespmem:$0x19180] =	vst v63  }
0x61: {  	_ = 	snop  }
0x62: {  	[tilespmem:s6], [sflag:$0x2] =	stream.indirect.gather [hbm4b:s5+s3], $0x80, s0, s3, $0xb8;
	[tilespmem:$0x19180] =	vst v63  }
0x63: {  	_ =	swait.ge [sflag:s7], $0x2800  }
0x64: {  	[sflag:s7] =	ssyncset.done $0x0  }
0x65: {  	[sflag:s7] =	ssyncadd.s32 $0xFFFFD800  }
0x66: {  	_ =	swait.ge [sflag:s8], $0x2800  }
0x67: {  	[sflag:s8] =	ssyncset.done $0x0  }
0x68: {  	s12 =	simm.s32 $0x0;
	[sflag:s8] =	ssyncadd.s32 $0xFFFFD800  }
0x69: {  	v7 =	vld [tilespmem:s12+$0x2980]  }
0x6a: {  	v12 =	vld [tilespmem:s12+$0x2990]  }
0x6b: {  	v6 =	vld [tilespmem:s12+$0x29A0]  }
0x6c: {  	v5 =	vld [tilespmem:s12+$0x29B0]  }
0x6d: {  	v4 =	vld [tilespmem:s12+$0x29C0]  }
0x6e: {  	v3 =	vld [tilespmem:s12+$0x29D0]  }
0x6f: {  	v2 =	vld [tilespmem:s12+$0x29E0]  }
0x70: {  	v1 =	vld [tilespmem:s12+$0x29F0]  }
0x71: {  	v13 =	vld [tilespmem:s12+$0x180]  }
0x72: {  	v14 =	vld [tilespmem:s12+$0x190]  }
0x73: {  	v11 =	vld [tilespmem:s12+$0x1A0]  }
0x74: {  	v10 =	vld [tilespmem:s12+$0x1B0]  }
0x75: {  	v9 =	vld [tilespmem:s12+$0x1C0]  }
0x76: {  	v8 =	vld [tilespmem:s12+$0x1D0];
	v13 =	vadd.f32 v7, v13  }
0x77: {  	s13 =	simm.s32 $0x200;
	v12 =	vadd.f32 v12, v14;
	v7 =	vld [tilespmem:s12+$0x1E0]  }
.LBB2_5:
0x78: {  	s19 =	sshra.s32 s13, $0x2;
	p0 =	sne.s32 s13, $0x9E00;
	v13 =	vmax.f32 v13, $0.0e+00;
	v6 =	vadd.f32 v6, v11;
	v11 =	vld [tilespmem:s12+$0x1F0]  }
0x79: {  	v14 =	vld [tilespmem:s19+$0x2980];
	[tilespmem:s12+$0x180] =	vst v13;
	v12 =	vmax.f32 v12, $0.0e+00;
	v5 =	vadd.f32 v5, v10  }
0x7a: {  	v15 =	vld [tilespmem:s19+$0x2990];
	[tilespmem:s12+$0x190] =	vst v12;
	v10 =	vmax.f32 v6, $0.0e+00;
	v4 =	vadd.f32 v4, v9  }
0x7b: {  	v6 =	vld [tilespmem:s19+$0x29A0];
	[tilespmem:s12+$0x1A0] =	vst v10;
	v9 =	vmax.f32 v5, $0.0e+00;
	v3 =	vadd.f32 v3, v8  }
0x7c: {  	v5 =	vld [tilespmem:s19+$0x29B0];
	[tilespmem:s12+$0x1B0] =	vst v9;
	v8 =	vmax.f32 v4, $0.0e+00;
	v2 =	vadd.f32 v2, v7  }
0x7d: {  	v4 =	vld [tilespmem:s19+$0x29C0];
	[tilespmem:s12+$0x1C0] =	vst v8;
	v7 =	vmax.f32 v3, $0.0e+00;
	v1 =	vadd.f32 v1, v11  }
0x7e: {  	v3 =	vld [tilespmem:s19+$0x29D0];
	[tilespmem:s12+$0x1D0] =	vst v7;
	v7 =	vmax.f32 v2, $0.0e+00  }
0x7f: {  	v2 =	vld [tilespmem:s19+$0x29E0];
	[tilespmem:s12+$0x1E0] =	vst v7;
	v7 =	vmax.f32 v1, $0.0e+00  }
0x80: {  	v1 =	vld [tilespmem:s19+$0x29F0];
	[tilespmem:s12+$0x1F0] =	vst v7;
	s12 =	smov.u32 s19  }
0x81: {  	v7 =	vld [tilespmem:s12+$0x180]  }
0x82: {  	v12 =	vld [tilespmem:s12+$0x190]  }
.Ltmp1:
0x83: {  	v11 =	vld [tilespmem:s12+$0x1A0];
	(pc) =	sbr.rel @p0 .LBB2_5-.Ltmp1, $4  }
0x84: {  	v10 =	vld [tilespmem:s12+$0x1B0]  }
0x85: {  	v9 =	vld [tilespmem:s12+$0x1C0]  }
0x86: {  	v13 =	vadd.f32 v14, v7;
	v8 =	vld [tilespmem:s12+$0x1D0]  }
0x87: {  	s13 =	sadd.s32 $0x200, s13;
	v12 =	vadd.f32 v15, v12;
	v7 =	vld [tilespmem:s12+$0x1E0]  }
0x88: {  	v13 =	vmax.f32 v13, $0.0e+00;
	v6 =	vadd.f32 v6, v11;
	v63 =	vld [tilespmem:s12+$0x1F0]  }
0x89: {  	[tilespmem:s12+$0x180] =	vst v13;
	v12 =	vmax.f32 v12, $0.0e+00;
	v5 =	vadd.f32 v5, v10  }
0x8a: {  	[tilespmem:s12+$0x190] =	vst v12;
	v6 =	vmax.f32 v6, $0.0e+00;
	v4 =	vadd.f32 v4, v9  }
0x8b: {  	[tilespmem:s12+$0x1A0] =	vst v6;
	v5 =	vmax.f32 v5, $0.0e+00;
	v3 =	vadd.f32 v3, v8  }
0x8c: {  	[tilespmem:s12+$0x1B0] =	vst v5;
	v4 =	vmax.f32 v4, $0.0e+00;
	v2 =	vadd.f32 v2, v7  }
0x8d: {  	[tilespmem:s12+$0x1C0] =	vst v4;
	v3 =	vmax.f32 v3, $0.0e+00;
	v1 =	vadd.f32 v1, v63  }
0x8e: {  	s11 =	sadd.s32 $0x1, s11;
	[tilespmem:s12+$0x1D0] =	vst v3;
	v2 =	vmax.f32 v2, $0.0e+00  }
0x8f: {  	p0 =	sne.s32 s11, $0x7D;
	[tilespmem:s12+$0x1E0] =	vst v2;
	v1 =	vmax.f32 v1, $0.0e+00  }
.Ltmp2:
0x90: {  	[tilespmem:s12+$0x1F0] =	vst v1;
	(pc) =	sbr.rel @p0 .LBB2_4-.Ltmp2, $4  }
0x91: {  	[spmem:s1] =	stream.indirect.scatter.add.f32 [tilespmem:s29], [sflag:$0x3], $0x80, s31, s3, $0xb8;
	[tilespmem:$0x19180] =	vst v63  }
0x92: {  	_ =	swait.ge [sflag:s30], $0x2800  }
0x93: {  	[sflag:s30] =	ssyncset.done $0x0  }
0x94: {  	[sflag:s30] =	ssyncadd.s32 $0xFFFFD800  }
0x95: {  	[bflag:$0x0] =	sbarrier.arrive $0xFFFF  }
0x96: {  	[tilespmem:s6], [sflag:$0x3] =	stream.linear.gather [spmem:s18], $0x2800, $0x38;
	[tilespmem:$0x19180] =	vst v63  }
0x97: {  	_ =	swait.ge [sflag:s30], $0x2800  }
0x98: {  	[sflag:s30] =	ssyncset.done $0x0  }
0x99: {  	s10 =	rddreg [dreg:$0x3];
	[sflag:s30] =	ssyncadd.s32 $0xFFFFD800  }
0x9a: {  	[hbm4b:s10+s2] =	stream.linear.scatter [tilespmem:s6], [sflag:$0x3], $0x2800, $0x38;
	[tilespmem:$0x19180] =	vst v63  }
0x9b: {  	_ =	swait.ge [sflag:s30], $0x2800  }
0x9c: {  	[sflag:s30] =	ssyncset.done $0x0  }
0x9d: {  	[sflag:s30] =	ssyncadd.s32 $0xFFFFD800  }
0x9e: {  	[tilespmem:s6], [sflag:$0x3] =	stream.linear.gather [spmem:s20], $0x2800, $0x38;
	[tilespmem:$0x19180] =	vst v63  }
0x9f: {  	_ =	swait.ge [sflag:s30], $0x2800  }
0xa0: {  	[sflag:s30] =	ssyncset.done $0x0  }
0xa1: {  	s11 =	rddreg [dreg:$0x4];
	[sflag:s30] =	ssyncadd.s32 $0xFFFFD800  }
0xa2: {  	[hbm4b:s11+s2] =	stream.linear.scatter [tilespmem:s6], [sflag:$0x3], $0x2800, $0x38;
	[tilespmem:$0x19180] =	vst v63  }
0xa3: {  	_ =	swait.ge [sflag:s30], $0x2800  }
0xa4: {  	[sflag:s30] =	ssyncset.done $0x0  }
0xa5: {  	[sflag:s30] =	ssyncadd.s32 $0xFFFFD800  }
0xa6: {  	[tilespmem:s6], [sflag:$0x3] =	stream.linear.gather [spmem:s21], $0x2800, $0x38;
	[tilespmem:$0x19180] =	vst v63  }
0xa7: {  	_ =	swait.ge [sflag:s30], $0x2800  }
0xa8: {  	[sflag:s30] =	ssyncset.done $0x0  }
0xa9: {  	s12 =	rddreg [dreg:$0x5];
	[sflag:s30] =	ssyncadd.s32 $0xFFFFD800  }
0xaa: {  	[hbm4b:s12+s2] =	stream.linear.scatter [tilespmem:s6], [sflag:$0x3], $0x2800, $0x38;
	[tilespmem:$0x19180] =	vst v63  }
0xab: {  	_ =	swait.ge [sflag:s30], $0x2800  }
0xac: {  	[sflag:s30] =	ssyncset.done $0x0  }
0xad: {  	[sflag:s30] =	ssyncadd.s32 $0xFFFFD800  }
0xae: {  	[tilespmem:s6], [sflag:$0x3] =	stream.linear.gather [spmem:s22], $0x2800, $0x38;
	[tilespmem:$0x19180] =	vst v63  }
0xaf: {  	_ =	swait.ge [sflag:s30], $0x2800  }
0xb0: {  	[sflag:s30] =	ssyncset.done $0x0  }
0xb1: {  	s13 =	rddreg [dreg:$0x6];
	[sflag:s30] =	ssyncadd.s32 $0xFFFFD800  }
0xb2: {  	[hbm4b:s13+s2] =	stream.linear.scatter [tilespmem:s6], [sflag:$0x3], $0x2800, $0x38;
	[tilespmem:$0x19180] =	vst v63  }
0xb3: {  	_ =	swait.ge [sflag:s30], $0x2800  }
0xb4: {  	[sflag:s30] =	ssyncset.done $0x0  }
0xb5: {  	[sflag:s30] =	ssyncadd.s32 $0xFFFFD800  }
0xb6: {  	[tilespmem:s6], [sflag:$0x3] =	stream.linear.gather [spmem:s23], $0x2800, $0x38;
	[tilespmem:$0x19180] =	vst v63  }
0xb7: {  	_ =	swait.ge [sflag:s30], $0x2800  }
0xb8: {  	[sflag:s30] =	ssyncset.done $0x0  }
0xb9: {  	s19 =	rddreg [dreg:$0x7];
	[sflag:s30] =	ssyncadd.s32 $0xFFFFD800  }
0xba: {  	[hbm4b:s19+s2] =	stream.linear.scatter [tilespmem:s6], [sflag:$0x3], $0x2800, $0x38;
	[tilespmem:$0x19180] =	vst v63  }
0xbb: {  	_ =	swait.ge [sflag:s30], $0x2800  }
0xbc: {  	[sflag:s30] =	ssyncset.done $0x0  }
0xbd: {  	[sflag:s30] =	ssyncadd.s32 $0xFFFFD800  }
0xbe: {  	[tilespmem:s6], [sflag:$0x3] =	stream.linear.gather [spmem:s24], $0x2800, $0x38;
	[tilespmem:$0x19180] =	vst v63  }
0xbf: {  	_ =	swait.ge [sflag:s30], $0x2800  }
0xc0: {  	[sflag:s30] =	ssyncset.done $0x0  }
0xc1: {  	s11 =	rddreg [dreg:$0x8];
	[sflag:s30] =	ssyncadd.s32 $0xFFFFD800  }
0xc2: {  	[hbm4b:s11+s2] =	stream.linear.scatter [tilespmem:s6], [sflag:$0x3], $0x2800, $0x38;
	[tilespmem:$0x19180] =	vst v63  }
0xc3: {  	_ =	swait.ge [sflag:s30], $0x2800  }
0xc4: {  	[sflag:s30] =	ssyncset.done $0x0  }
0xc5: {  	[sflag:s30] =	ssyncadd.s32 $0xFFFFD800  }
0xc6: {  	[tilespmem:s6], [sflag:$0x3] =	stream.linear.gather [spmem:s25], $0x2800, $0x38;
	[tilespmem:$0x19180] =	vst v63  }
0xc7: {  	_ =	swait.ge [sflag:s30], $0x2800  }
0xc8: {  	[sflag:s30] =	ssyncset.done $0x0  }
0xc9: {  	s12 =	rddreg [dreg:$0x9];
	[sflag:s30] =	ssyncadd.s32 $0xFFFFD800  }
0xca: {  	[hbm4b:s12+s2] =	stream.linear.scatter [tilespmem:s6], [sflag:$0x3], $0x2800, $0x38;
	[tilespmem:$0x19180] =	vst v63  }
0xcb: {  	_ =	swait.ge [sflag:s30], $0x2800  }
0xcc: {  	[sflag:s30] =	ssyncset.done $0x0  }
0xcd: {  	[sflag:s30] =	ssyncadd.s32 $0xFFFFD800  }
0xce: {  	[tilespmem:s6], [sflag:$0x3] =	stream.linear.gather [spmem:s26], $0x2800, $0x38;
	[tilespmem:$0x19180] =	vst v63  }
0xcf: {  	_ =	swait.ge [sflag:s30], $0x2800  }
0xd0: {  	[sflag:s30] =	ssyncset.done $0x0  }
0xd1: {  	s13 =	rddreg [dreg:$0xa];
	[sflag:s30] =	ssyncadd.s32 $0xFFFFD800  }
0xd2: {  	[hbm4b:s13+s2] =	stream.linear.scatter [tilespmem:s6], [sflag:$0x3], $0x2800, $0x38;
	[tilespmem:$0x19180] =	vst v63  }
0xd3: {  	_ =	swait.ge [sflag:s30], $0x2800  }
0xd4: {  	s9 =	sadd.s32 $0x1, s9;
	s19 =	rddreg [dreg:$0xb]  }
0xd5: {  	p0 =	sne.s32 s9, s19  }
.Ltmp3:
0xd6: {  	_ = 	snop;
	(pc) =	sbr.rel @p0 .LBB2_1-.Ltmp3, $3  }
0xd7: {  	_ =	sdelay $0x1  }
0xd8: {  	[sflag:s30] =	ssyncset.done $0x0  }
0xd9: {  	[sflag:s30] =	ssyncadd.s32 $0xFFFFD800  }
0xda: {  	_ =	sfence.sel $0x180000  }
0xdb: {  	[bflag:$0x0] =	sbarrier.arrive $0xFFFF  }
0xdc: {  	_ =	strace $0x90000056  }
0xdd: {  	s0 =	stileid.u32;
	[bflag:$0x2] =	sbarrier.arrive $0xFFFF  }
0xde: {  	p0 =	sne.s32 s0, $0x0;
	s0 =	rddreg [dreg:$0x2]  }
0xdf: {  	s0 =	sadd.s32 @!p0 $0x100000, s0  }
0xe0: {  	[sflag:s0] =	ssyncadd.tile.s32 @!p0 $0x1;
	_ =	shalt  }
.Lfunc_end2:
_tile_overlayer_lowered:
.L_overlay_start_2:
0xe1: {  	(tag) =	ssettag $0x2  }
0xe2: {  	s0 =	rddreg [dreg:$0x0];
	s2 =	stileid.u32  }
0xe3: {  	s1 =	rddreg [dreg:$0x1];
	p0 =	sne.s32 s2, $0x0  }
0xe4: {  	s3 =	rddreg [dreg:$0x2];
	[bflag:$0x3] =	sbarrier.arrive $0xFFFF;
	s2 =	simm.s32 @!p0 $0x1C03  }
0xe5: {  	[timem:s3], [sflag:s2] =	dma.local @!p0 [hbm:s0], s1  }
0xe6: {  	s0 =	simm.s32 @!p0 $0x3  }
0xe7: {  	_ =	swait.ge @!p0 [sflag:s0], s1  }
0xe8: {  	s1 =	ssub.s32 @!p0 $0x0, s1;
	[sflag:s0] =	ssyncset.done @!p0 $0x0  }
0xe9: {  	[sflag:s0] =	ssyncadd.s32 @!p0 s1  }
0xea: {  	[bflag:$0x3] =	sbarrier.arrive $0xFFFF  }
0xeb: {  	_ =	shalt  }

</sc_bundles>
